<compile_context>
chip_gen: v7x
topology: tpu7x:2x2x1
jax: 0.10.2.dev20260603
libtpu: 0.0.44.dev20260713+nightly
codegen_flags: <defaults>
</compile_context>

<pallas_src>
import jax
import jax.numpy as jnp
from jax import lax
from jax.experimental import pallas as pl
from jax.experimental.pallas import tpu as pltpu
from jax.experimental.pallas import tpu_sc as plsc

N_NODES = 10000
D = 128
DEG = 32
STEPS = 2
NCH = D // 16
RPT = 4
NT = 16


def _vsum(v):
    s = v[0]
    for i in range(1, 16):
        s = s + v[i]
    return s


def _leaky(v):
    return jnp.where(v >= 0.0, v, 0.2 * v)


def _body(emb_hbm, w_hbm, b_hbm, neigh2d_hbm, node_hbm,
          out_hbm,
          nd_v, bf_v, nrow_v, noderow_v, rows_v, w_v, lgv_v, lgs_v,
          pacc_v, pall_v, out_v, lg_sh, psum_sh, sem, semn):
    tid = lax.axis_index("s")
    s_t = tid // 8
    q = tid % 8

    cp_nd = pltpu.async_copy(node_hbm, nd_v.at[pl.ds(0, 1)], sem)
    cp_b = pltpu.async_copy(b_hbm, bf_v.at[pl.ds(0, 1)], semn)
    cp_w = pltpu.async_copy(w_hbm, w_v, semn)
    cp_nd.wait()
    nd = nd_v[pl.ds(0, 16)][0]

    cp_node = pltpu.async_copy(emb_hbm.at[pl.ds(nd, 1)], noderow_v, semn)
    pltpu.async_copy(
        neigh2d_hbm.at[pl.ds(nd + s_t * N_NODES, 1)], nrow_v, sem).wait()

    for qq in range(8):
        @pl.when(q == qq)
        def _():
            va = nrow_v[0, pl.ds((qq // 4) * 16, 16)]
            base = (qq % 4) * 4
            cps = [pltpu.async_copy(
                emb_hbm.at[pl.ds(va[base + i], 1)],
                rows_v.at[pl.ds(i, 1)], sem) for i in range(RPT)]
            for cp in cps:
                cp.wait()

    cp_w.wait()
    cp_b.wait()
    cp_node.wait()

    lane = lax.iota(jnp.int32, 16)
    w1c = [w_v[0, pl.ds(k * 16, 16)] for k in range(NCH)]
    w2c = [w_v[1, pl.ds(k * 16, 16)] for k in range(NCH)]
    nodec = [noderow_v[0, pl.ds(k * 16, 16)] for k in range(NCH)]

    acc = nodec[0] * w2c[0]
    for k in range(1, NCH):
        acc = acc + nodec[k] * w2c[k]
    c = _vsum(acc) + bf_v[pl.ds(0, 16)][0]

    own = jnp.zeros((16,), jnp.float32)
    for i in range(RPT):
        a = rows_v[i, pl.ds(0, 16)] * w1c[0]
        for k in range(1, NCH):
            a = a + rows_v[i, pl.ds(k * 16, 16)] * w1c[k]
        own = jnp.where(lane == i, _vsum(a), own)

    lgv_v[0, pl.ds(0, 16)] = own
    pltpu.sync_copy(lgv_v, lg_sh.at[pl.ds(tid, 1)])
    plsc.subcore_barrier()
    pltpu.sync_copy(lg_sh.at[pl.ds(s_t * 8, 8)], lgs_v)

    v0 = jnp.zeros((16,), jnp.float32)
    v1 = jnp.zeros((16,), jnp.float32)
    for rr in range(4):
        row_lo = lgs_v[rr, pl.ds(0, 16)]
        row_hi = lgs_v[rr + 4, pl.ds(0, 16)]
        for i in range(RPT):
            v0 = jnp.where(lane == rr * 4 + i, row_lo[i], v0)
            v1 = jnp.where(lane == rr * 4 + i, row_hi[i], v1)
    e0 = jnp.exp(_leaky(v0 + c))
    e1 = jnp.exp(_leaky(v1 + c))
    tot = _vsum(e0) + _vsum(e1)

    av = jnp.exp(_leaky(own + c)) / tot
    pacc = [jnp.zeros((16,), jnp.float32) for _ in range(NCH)]
    for i in range(RPT):
        a = av[i]
        for k in range(NCH):
            pacc[k] = pacc[k] + rows_v[i, pl.ds(k * 16, 16)] * a
    for k in range(NCH):
        pacc_v[0, pl.ds(k * 16, 16)] = pacc[k]
    pltpu.sync_copy(pacc_v, psum_sh.at[pl.ds(tid, 1)])
    plsc.subcore_barrier()

    @pl.when(tid == 0)
    def _():
        pltpu.sync_copy(psum_sh, pall_v)
        scale = jnp.float32(STEPS * DEG)
        for k in range(NCH):
            o = pall_v[0, pl.ds(k * 16, 16)]
            for t in range(1, NT):
                o = o + pall_v[t, pl.ds(k * 16, 16)]
            out_v[pl.ds(k * 16, 16)] = o + scale * nodec[k]
        pltpu.sync_copy(out_v, out_hbm)


def kernel(embeddings, W, b, neighbors, node):
    neigh2d = neighbors.reshape(STEPS * N_NODES, DEG)
    w2d = W.reshape(STEPS, D)
    node1 = jnp.asarray(node, jnp.int32).reshape(1)

    mesh = plsc.VectorSubcoreMesh(
        core_axis_name="c", subcore_axis_name="s", num_cores=1)
    f = pl.kernel(
        _body,
        out_type=jax.ShapeDtypeStruct((D,), jnp.float32),
        mesh=mesh,
        compiler_params=pltpu.CompilerParams(
            needs_layout_passes=False, use_tc_tiling_on_sc=False,
            skip_device_barrier=True),
        scratch_types=[
            pltpu.VMEM((16,), jnp.int32),
            pltpu.VMEM((16,), jnp.float32),
            pltpu.VMEM((1, DEG), jnp.int32),
            pltpu.VMEM((1, D), jnp.float32),
            pltpu.VMEM((RPT, D), jnp.float32),
            pltpu.VMEM((STEPS, D), jnp.float32),
            pltpu.VMEM((1, 16), jnp.float32),
            pltpu.VMEM((8, 16), jnp.float32),
            pltpu.VMEM((1, D), jnp.float32),
            pltpu.VMEM((NT, D), jnp.float32),
            pltpu.VMEM((D,), jnp.float32),
            pltpu.VMEM_SHARED((NT, 16), jnp.float32),
            pltpu.VMEM_SHARED((NT, D), jnp.float32),
            pltpu.SemaphoreType.DMA,
            pltpu.SemaphoreType.DMA,
        ],
    )
    return f(embeddings, w2d, b, neigh2d, node1)

# --- scband reference (transcript-rebuilt; emitter-appended) ---
"""Pipeline reference for scband-attention-79216376807935 (READ-ONLY COPY).

The authoritative reference and input builder live on the scoring server;
editing this copy changes nothing except your own understanding.
"""

import jax, jax.numpy as jnp
import numpy as np

N_NODES = 10000
D = 128
DEG = 32
STEPS = 2


def setup_inputs(seed: int = 0) -> dict:
    key = jax.random.key(seed)
    k1, k2, k3, k4 = jax.random.split(key, 4)
    # learned node embeddings (init arg `embeddings`)
    embeddings = jax.random.normal(k1, (N_NODES, D), dtype=jnp.float32)
    # precomputed k-hop neighbor lists: stand-in for get_steps_neighbor(A, steps),
    # fixed degree per node per step (padded/sampled neighbor lists)
    neighbors = jax.random.randint(k2, (STEPS, N_NODES, DEG), 0, N_NODES, dtype=jnp.int32)
    # nn.Linear(2*d, 1) parameters
    bound = 1.0 / np.sqrt(2 * D)
    W = jax.random.uniform(k3, (2 * D, 1), dtype=jnp.float32, minval=-bound, maxval=bound)
    b = jax.random.uniform(k4, (1,), dtype=jnp.float32, minval=-bound, maxval=bound)
    node = 4321
    return {"embeddings": embeddings, "W": W, "b": b, "neighbors": neighbors, "node": node}


def reference(embeddings, W, b, neighbors, node):
    node_embedding = embeddings[node]  # [D]
    nodes_embedding_step = []
    for step in range(STEPS):
        node_neighbors = neighbors[step, node]  # [DEG]
        node_neighbors_embeddings = jnp.take(embeddings, node_neighbors, axis=0)  # [DEG, D]
        node_embedding_repeat = jnp.broadcast_to(node_embedding[None, :], (DEG, D))
        cat = jnp.concatenate([node_neighbors_embeddings, node_embedding_repeat], axis=1)  # [DEG, 2D]
        attentions = (cat @ W + b).squeeze(-1)  # [DEG]
        attentions = jnp.where(attentions >= 0.0, attentions, 0.2 * attentions)  # LeakyReLU(0.2)
        attentions = jax.nn.softmax(attentions, axis=0)
        attentions = attentions.reshape(-1, 1)
        nodes_embedding_step.append(
            jnp.sum(node_neighbors_embeddings * attentions + node_embedding[None, :], axis=0)
        )
    stacked = jnp.stack(nodes_embedding_step, axis=0)  # [STEPS, D]
    return jnp.sum(stacked, axis=0)

if __name__ == "__main__":
    import jax
    _d = setup_inputs()
    print(jax.jit(kernel)(*tuple(_d.values())))

</pallas_src>

<mosaic_0001>
#map = affine_map<(d0, d1) -> (0, 0)>
#map1 = affine_map<(d0, d1) -> (0)>
module attributes {stable_mosaic.version = 14 : i64} {
  func.func @_body(%arg0: i32, %arg1: i32, %arg2: memref<10000x128xf32, #tpu.memory_space<hbm>>, %arg3: memref<2x128xf32, #tpu.memory_space<hbm>>, %arg4: memref<1xf32, #tpu.memory_space<hbm>>, %arg5: memref<20000x32xi32, #tpu.memory_space<hbm>>, %arg6: memref<1xi32, #tpu.memory_space<hbm>>, %arg7: memref<128xf32, #tpu.memory_space<hbm>>, %arg8: memref<16xi32, #tpu.memory_space<vmem>>, %arg9: memref<16xf32, #tpu.memory_space<vmem>>, %arg10: memref<1x32xi32, #tpu.memory_space<vmem>>, %arg11: memref<1x128xf32, #tpu.memory_space<vmem>>, %arg12: memref<4x128xf32, #tpu.memory_space<vmem>>, %arg13: memref<2x128xf32, #tpu.memory_space<vmem>>, %arg14: memref<1x16xf32, #tpu.memory_space<vmem>>, %arg15: memref<8x16xf32, #tpu.memory_space<vmem>>, %arg16: memref<1x128xf32, #tpu.memory_space<vmem>>, %arg17: memref<16x128xf32, #tpu.memory_space<vmem>>, %arg18: memref<128xf32, #tpu.memory_space<vmem>>, %arg19: memref<16x16xf32, #tpu.memory_space<vmem_shared>>, %arg20: memref<16x128xf32, #tpu.memory_space<vmem_shared>>, %arg21: memref<!tpu.dma_semaphore, #tpu.memory_space<semaphore_mem>>, %arg22: memref<!tpu.dma_semaphore, #tpu.memory_space<semaphore_mem>>) attributes {dimension_semantics = [#tpu.dimension_semantics<core_parallel>, #tpu.dimension_semantics<subcore_parallel>], iteration_bounds = array<i64: 1, 16>, scalar_prefetch = 0 : i64, scratch_operands = 15 : i64, tpu.core_type = #tpu.core_type<sc_vector_subcore>, window_params = [{transform_indices = #map}, {transform_indices = #map}, {transform_indices = #map1}, {transform_indices = #map}, {transform_indices = #map1}, {transform_indices = #map1}]} {
    %jit3A = arith.constant 8 : i32
    %div3A = arith.divsi %arg1, %jit3A : i32
    %sign3A = arith.constant 0 : i32
    %sign3A_0 = arith.cmpi sgt, %arg1, %sign3A : i32
    %sign3A_1 = arith.extui %sign3A_0 : i1 to i32
    %sign3A_2 = arith.constant 0 : i32
    %sign3A_3 = arith.cmpi slt, %arg1, %sign3A_2 : i32
    %sign3A_4 = arith.extui %sign3A_3 : i1 to i32
    %sign3A_5 = arith.subi %sign3A_1, %sign3A_4 : i32
    %sign3A_6 = arith.constant 0 : i32
    %sign3A_7 = arith.cmpi sgt, %jit3A, %sign3A_6 : i32
    %sign3A_8 = arith.extui %sign3A_7 : i1 to i32
    %sign3A_9 = arith.constant 0 : i32
    %sign3A_10 = arith.cmpi slt, %jit3A, %sign3A_9 : i32
    %sign3A_11 = arith.extui %sign3A_10 : i1 to i32
    %sign3A_12 = arith.subi %sign3A_8, %sign3A_11 : i32
    %ne3A = arith.cmpi ne, %sign3A_5, %sign3A_12 : i32
    %rem3A = arith.remsi %arg1, %jit3A : i32
    %ne3A_13 = arith.constant 0 : i32
    %ne3A_14 = arith.cmpi ne, %rem3A, %ne3A_13 : i32
    %and3A = arith.andi %ne3A, %ne3A_14 : i1
    %sub3A = arith.constant 1 : i32
    %sub3A_15 = arith.subi %div3A, %sub3A : i32
    %select_n3A = arith.select %and3A, %sub3A_15, %div3A : i32
    %jit3A_16 = arith.constant 8 : i32
    %eq3A = arith.constant 0 : i32
    %eq3A_17 = arith.cmpi eq, %jit3A_16, %eq3A : i32
    %jit3A_18 = arith.constant 1 : i32
    %select_n3A_19 = arith.select %eq3A_17, %jit3A_18, %jit3A_16 : i32
    %rem3A_20 = arith.remsi %arg1, %select_n3A_19 : i32
    %ne3A_21 = arith.constant 0 : i32
    %ne3A_22 = arith.cmpi ne, %rem3A_20, %ne3A_21 : i32
    %lt3A = arith.constant 0 : i32
    %lt3A_23 = arith.cmpi slt, %rem3A_20, %lt3A : i32
    %lt3A_24 = arith.constant 0 : i32
    %lt3A_25 = arith.cmpi slt, %select_n3A_19, %lt3A_24 : i32
    %ne3A_26 = arith.xori %lt3A_23, %lt3A_25 : i1
    %and3A_27 = arith.andi %ne3A_26, %ne3A_22 : i1
    %add3A = arith.addi %rem3A_20, %select_n3A_19 : i32
    %select_n3A_28 = arith.select %and3A_27, %add3A, %rem3A_20 : i32
    %dma_start3A = arith.constant 0 : i32
    %dma_start3A_29 = tpu.memref_slice %arg8[%dma_start3A] : memref<16xi32, #tpu.memory_space<vmem>> -> memref<1xi32, #tpu.memory_space<vmem>>
    %dma_start3A_30 = arith.constant 0 : i32
    %dma_start3A_31 = tpu.memref_slice %arg8[%dma_start3A_30] : memref<16xi32, #tpu.memory_space<vmem>> -> memref<1xi32, #tpu.memory_space<vmem>>
    tpu.enqueue_dma source(%arg6 : memref<1xi32, #tpu.memory_space<hbm>>) target(%dma_start3A_31 : memref<1xi32, #tpu.memory_space<vmem>>) target_semaphore(%arg21 : memref<!tpu.dma_semaphore, #tpu.memory_space<semaphore_mem>>)
    %dma_start3A_32 = arith.constant 0 : i32
    %dma_start3A_33 = tpu.memref_slice %arg9[%dma_start3A_32] : memref<16xf32, #tpu.memory_space<vmem>> -> memref<1xf32, #tpu.memory_space<vmem>>
    %dma_start3A_34 = arith.constant 0 : i32
    %dma_start3A_35 = tpu.memref_slice %arg9[%dma_start3A_34] : memref<16xf32, #tpu.memory_space<vmem>> -> memref<1xf32, #tpu.memory_space<vmem>>
    tpu.enqueue_dma source(%arg4 : memref<1xf32, #tpu.memory_space<hbm>>) target(%dma_start3A_35 : memref<1xf32, #tpu.memory_space<vmem>>) target_semaphore(%arg22 : memref<!tpu.dma_semaphore, #tpu.memory_space<semaphore_mem>>)
    tpu.enqueue_dma source(%arg3 : memref<2x128xf32, #tpu.memory_space<hbm>>) target(%arg13 : memref<2x128xf32, #tpu.memory_space<vmem>>) target_semaphore(%arg22 : memref<!tpu.dma_semaphore, #tpu.memory_space<semaphore_mem>>)
    %dma_wait3A = arith.constant 0 : i32
    %dma_wait3A_36 = tpu.memref_slice %arg8[%dma_wait3A] : memref<16xi32, #tpu.memory_space<vmem>> -> memref<1xi32, #tpu.memory_space<vmem>>
    %dma_wait3A_37 = arith.constant 0 : i32
    %dma_wait3A_38 = tpu.memref_slice %arg8[%dma_wait3A_37] : memref<16xi32, #tpu.memory_space<vmem>> -> memref<1xi32, #tpu.memory_space<vmem>>
    tpu.wait_dma2 semaphore(%arg21 : memref<!tpu.dma_semaphore, #tpu.memory_space<semaphore_mem>>) src(%arg6 : memref<1xi32, #tpu.memory_space<hbm>>) dst(%dma_wait3A_38 : memref<1xi32, #tpu.memory_space<vmem>>)
    %get3A = arith.constant 0 : index
    %get3A_39 = tpu.vector_load %arg8[%get3A] {strides = array<i32>} : memref<16xi32, #tpu.memory_space<vmem>>, vector<16xi32>,
    %slice3A = vector.extract_strided_slice %get3A_39 {offsets = [0], sizes = [1], strides = [1]} : vector<16xi32> to vector<1xi32>
    %squeeze3A = vector.extract %slice3A[0] : i32 from vector<1xi32>
    %dma_start3A_40 = arith.constant 0 : i32
    %dma_start3A_41 = tpu.memref_slice %arg2[%squeeze3A, %dma_start3A_40] : memref<10000x128xf32, #tpu.memory_space<hbm>> -> memref<1x128xf32, #tpu.memory_space<hbm>>
    %dma_start3A_42 = arith.constant 0 : i32
    %dma_start3A_43 = tpu.memref_slice %arg2[%squeeze3A, %dma_start3A_42] : memref<10000x128xf32, #tpu.memory_space<hbm>> -> memref<1x128xf32, #tpu.memory_space<hbm>>
    tpu.enqueue_dma source(%dma_start3A_43 : memref<1x128xf32, #tpu.memory_space<hbm>>) target(%arg11 : memref<1x128xf32, #tpu.memory_space<vmem>>) target_semaphore(%arg22 : memref<!tpu.dma_semaphore, #tpu.memory_space<semaphore_mem>>)
    %mul3A = arith.constant 10000 : i32
    %mul3A_44 = arith.muli %select_n3A, %mul3A : i32
    %add3A_45 = arith.addi %squeeze3A, %mul3A_44 : i32
    %dma_start3A_46 = arith.constant 0 : i32
    %dma_start3A_47 = tpu.memref_slice %arg5[%add3A_45, %dma_start3A_46] : memref<20000x32xi32, #tpu.memory_space<hbm>> -> memref<1x32xi32, #tpu.memory_space<hbm>>
    %dma_start3A_48 = arith.constant 0 : i32
    %dma_start3A_49 = tpu.memref_slice %arg5[%add3A_45, %dma_start3A_48] : memref<20000x32xi32, #tpu.memory_space<hbm>> -> memref<1x32xi32, #tpu.memory_space<hbm>>
    tpu.enqueue_dma source(%dma_start3A_49 : memref<1x32xi32, #tpu.memory_space<hbm>>) target(%arg10 : memref<1x32xi32, #tpu.memory_space<vmem>>) target_semaphore(%arg21 : memref<!tpu.dma_semaphore, #tpu.memory_space<semaphore_mem>>)
    %dma_wait3A_50 = arith.constant 0 : i32
    %dma_wait3A_51 = tpu.memref_slice %arg5[%add3A_45, %dma_wait3A_50] : memref<20000x32xi32, #tpu.memory_space<hbm>> -> memref<1x32xi32, #tpu.memory_space<hbm>>
    %dma_wait3A_52 = arith.constant 0 : i32
    %dma_wait3A_53 = tpu.memref_slice %arg5[%add3A_45, %dma_wait3A_52] : memref<20000x32xi32, #tpu.memory_space<hbm>> -> memref<1x32xi32, #tpu.memory_space<hbm>>
    tpu.wait_dma2 semaphore(%arg21 : memref<!tpu.dma_semaphore, #tpu.memory_space<semaphore_mem>>) src(%dma_wait3A_53 : memref<1x32xi32, #tpu.memory_space<hbm>>) dst(%arg10 : memref<1x32xi32, #tpu.memory_space<vmem>>)
    %eq3A_54 = arith.constant 0 : i32
    %eq3A_55 = arith.cmpi eq, %select_n3A_28, %eq3A_54 : i32
    %convert_element_type3A = arith.extui %eq3A_55 : i1 to i32
    %cond3A = arith.constant 0 : i32
    %cond3A_56 = arith.cmpi ne, %convert_element_type3A, %cond3A : i32
    scf.if %cond3A_56 {
      %get3A_1336 = arith.constant 0 : i32
      %get3A_1337 = arith.index_cast %get3A_1336 : i32 to index
      %get3A_1338 = arith.constant 0 : index
      %get3A_1339 = tpu.vector_load %arg10[%get3A_1337, %get3A_1338] {strides = array<i32>} : memref<1x32xi32, #tpu.memory_space<vmem>>, vector<16xi32>,
      %slice3A_1340 = vector.extract_strided_slice %get3A_1339 {offsets = [0], sizes = [1], strides = [1]} : vector<16xi32> to vector<1xi32>
      %squeeze3A_1341 = vector.extract %slice3A_1340[0] : i32 from vector<1xi32>
      %dma_start3A_1342 = arith.constant 0 : i32
      %dma_start3A_1343 = arith.constant 0 : i32
      %dma_start3A_1344 = tpu.memref_slice %arg12[%dma_start3A_1342, %dma_start3A_1343] : memref<4x128xf32, #tpu.memory_space<vmem>> -> memref<1x128xf32, #tpu.memory_space<vmem>>
      %dma_start3A_1345 = arith.constant 0 : i32
      %dma_start3A_1346 = tpu.memref_slice %arg2[%squeeze3A_1341, %dma_start3A_1345] : memref<10000x128xf32, #tpu.memory_space<hbm>> -> memref<1x128xf32, #tpu.memory_space<hbm>>
      %dma_start3A_1347 = arith.constant 0 : i32
      %dma_start3A_1348 = arith.constant 0 : i32
      %dma_start3A_1349 = tpu.memref_slice %arg12[%dma_start3A_1347, %dma_start3A_1348] : memref<4x128xf32, #tpu.memory_space<vmem>> -> memref<1x128xf32, #tpu.memory_space<vmem>>
      %dma_start3A_1350 = arith.constant 0 : i32
      %dma_start3A_1351 = tpu.memref_slice %arg2[%squeeze3A_1341, %dma_start3A_1350] : memref<10000x128xf32, #tpu.memory_space<hbm>> -> memref<1x128xf32, #tpu.memory_space<hbm>>
      tpu.enqueue_dma source(%dma_start3A_1351 : memref<1x128xf32, #tpu.memory_space<hbm>>) target(%dma_start3A_1349 : memref<1x128xf32, #tpu.memory_space<vmem>>) target_semaphore(%arg21 : memref<!tpu.dma_semaphore, #tpu.memory_space<semaphore_mem>>)
      %slice3A_1352 = vector.extract_strided_slice %get3A_1339 {offsets = [1], sizes = [1], strides = [1]} : vector<16xi32> to vector<1xi32>
      %squeeze3A_1353 = vector.extract %slice3A_1352[0] : i32 from vector<1xi32>
      %dma_start3A_1354 = arith.constant 1 : i32
      %dma_start3A_1355 = arith.constant 0 : i32
      %dma_start3A_1356 = tpu.memref_slice %arg12[%dma_start3A_1354, %dma_start3A_1355] : memref<4x128xf32, #tpu.memory_space<vmem>> -> memref<1x128xf32, #tpu.memory_space<vmem>>
      %dma_start3A_1357 = arith.constant 0 : i32
      %dma_start3A_1358 = tpu.memref_slice %arg2[%squeeze3A_1353, %dma_start3A_1357] : memref<10000x128xf32, #tpu.memory_space<hbm>> -> memref<1x128xf32, #tpu.memory_space<hbm>>
      %dma_start3A_1359 = arith.constant 1 : i32
      %dma_start3A_1360 = arith.constant 0 : i32
      %dma_start3A_1361 = tpu.memref_slice %arg12[%dma_start3A_1359, %dma_start3A_1360] : memref<4x128xf32, #tpu.memory_space<vmem>> -> memref<1x128xf32, #tpu.memory_space<vmem>>
      %dma_start3A_1362 = arith.constant 0 : i32
      %dma_start3A_1363 = tpu.memref_slice %arg2[%squeeze3A_1353, %dma_start3A_1362] : memref<10000x128xf32, #tpu.memory_space<hbm>> -> memref<1x128xf32, #tpu.memory_space<hbm>>
      tpu.enqueue_dma source(%dma_start3A_1363 : memref<1x128xf32, #tpu.memory_space<hbm>>) target(%dma_start3A_1361 : memref<1x128xf32, #tpu.memory_space<vmem>>) target_semaphore(%arg21 : memref<!tpu.dma_semaphore, #tpu.memory_space<semaphore_mem>>)
      %slice3A_1364 = vector.extract_strided_slice %get3A_1339 {offsets = [2], sizes = [1], strides = [1]} : vector<16xi32> to vector<1xi32>
      %squeeze3A_1365 = vector.extract %slice3A_1364[0] : i32 from vector<1xi32>
      %dma_start3A_1366 = arith.constant 2 : i32
      %dma_start3A_1367 = arith.constant 0 : i32
      %dma_start3A_1368 = tpu.memref_slice %arg12[%dma_start3A_1366, %dma_start3A_1367] : memref<4x128xf32, #tpu.memory_space<vmem>> -> memref<1x128xf32, #tpu.memory_space<vmem>>
      %dma_start3A_1369 = arith.constant 0 : i32
      %dma_start3A_1370 = tpu.memref_slice %arg2[%squeeze3A_1365, %dma_start3A_1369] : memref<10000x128xf32, #tpu.memory_space<hbm>> -> memref<1x128xf32, #tpu.memory_space<hbm>>
      %dma_start3A_1371 = arith.constant 2 : i32
      %dma_start3A_1372 = arith.constant 0 : i32
      %dma_start3A_1373 = tpu.memref_slice %arg12[%dma_start3A_1371, %dma_start3A_1372] : memref<4x128xf32, #tpu.memory_space<vmem>> -> memref<1x128xf32, #tpu.memory_space<vmem>>
      %dma_start3A_1374 = arith.constant 0 : i32
      %dma_start3A_1375 = tpu.memref_slice %arg2[%squeeze3A_1365, %dma_start3A_1374] : memref<10000x128xf32, #tpu.memory_space<hbm>> -> memref<1x128xf32, #tpu.memory_space<hbm>>
      tpu.enqueue_dma source(%dma_start3A_1375 : memref<1x128xf32, #tpu.memory_space<hbm>>) target(%dma_start3A_1373 : memref<1x128xf32, #tpu.memory_space<vmem>>) target_semaphore(%arg21 : memref<!tpu.dma_semaphore, #tpu.memory_space<semaphore_mem>>)
      %slice3A_1376 = vector.extract_strided_slice %get3A_1339 {offsets = [3], sizes = [1], strides = [1]} : vector<16xi32> to vector<1xi32>
      %squeeze3A_1377 = vector.extract %slice3A_1376[0] : i32 from vector<1xi32>
      %dma_start3A_1378 = arith.constant 3 : i32
      %dma_start3A_1379 = arith.constant 0 : i32
      %dma_start3A_1380 = tpu.memref_slice %arg12[%dma_start3A_1378, %dma_start3A_1379] : memref<4x128xf32, #tpu.memory_space<vmem>> -> memref<1x128xf32, #tpu.memory_space<vmem>>
      %dma_start3A_1381 = arith.constant 0 : i32
      %dma_start3A_1382 = tpu.memref_slice %arg2[%squeeze3A_1377, %dma_start3A_1381] : memref<10000x128xf32, #tpu.memory_space<hbm>> -> memref<1x128xf32, #tpu.memory_space<hbm>>
      %dma_start3A_1383 = arith.constant 3 : i32
      %dma_start3A_1384 = arith.constant 0 : i32
      %dma_start3A_1385 = tpu.memref_slice %arg12[%dma_start3A_1383, %dma_start3A_1384] : memref<4x128xf32, #tpu.memory_space<vmem>> -> memref<1x128xf32, #tpu.memory_space<vmem>>
      %dma_start3A_1386 = arith.constant 0 : i32
      %dma_start3A_1387 = tpu.memref_slice %arg2[%squeeze3A_1377, %dma_start3A_1386] : memref<10000x128xf32, #tpu.memory_space<hbm>> -> memref<1x128xf32, #tpu.memory_space<hbm>>
      tpu.enqueue_dma source(%dma_start3A_1387 : memref<1x128xf32, #tpu.memory_space<hbm>>) target(%dma_start3A_1385 : memref<1x128xf32, #tpu.memory_space<vmem>>) target_semaphore(%arg21 : memref<!tpu.dma_semaphore, #tpu.memory_space<semaphore_mem>>)
      %dma_wait3A_1388 = arith.constant 0 : i32
      %dma_wait3A_1389 = arith.constant 0 : i32
      %dma_wait3A_1390 = tpu.memref_slice %arg12[%dma_wait3A_1388, %dma_wait3A_1389] : memref<4x128xf32, #tpu.memory_space<vmem>> -> memref<1x128xf32, #tpu.memory_space<vmem>>
      %dma_wait3A_1391 = arith.constant 0 : i32
      %dma_wait3A_1392 = tpu.memref_slice %arg2[%squeeze3A_1341, %dma_wait3A_1391] : memref<10000x128xf32, #tpu.memory_space<hbm>> -> memref<1x128xf32, #tpu.memory_space<hbm>>
      %dma_wait3A_1393 = arith.constant 0 : i32
      %dma_wait3A_1394 = arith.constant 0 : i32
      %dma_wait3A_1395 = tpu.memref_slice %arg12[%dma_wait3A_1393, %dma_wait3A_1394] : memref<4x128xf32, #tpu.memory_space<vmem>> -> memref<1x128xf32, #tpu.memory_space<vmem>>
      %dma_wait3A_1396 = arith.constant 0 : i32
      %dma_wait3A_1397 = tpu.memref_slice %arg2[%squeeze3A_1341, %dma_wait3A_1396] : memref<10000x128xf32, #tpu.memory_space<hbm>> -> memref<1x128xf32, #tpu.memory_space<hbm>>
      tpu.wait_dma2 semaphore(%arg21 : memref<!tpu.dma_semaphore, #tpu.memory_space<semaphore_mem>>) src(%dma_wait3A_1397 : memref<1x128xf32, #tpu.memory_space<hbm>>) dst(%dma_wait3A_1395 : memref<1x128xf32, #tpu.memory_space<vmem>>)
      %dma_wait3A_1398 = arith.constant 1 : i32
      %dma_wait3A_1399 = arith.constant 0 : i32
      %dma_wait3A_1400 = tpu.memref_slice %arg12[%dma_wait3A_1398, %dma_wait3A_1399] : memref<4x128xf32, #tpu.memory_space<vmem>> -> memref<1x128xf32, #tpu.memory_space<vmem>>
      %dma_wait3A_1401 = arith.constant 0 : i32
      %dma_wait3A_1402 = tpu.memref_slice %arg2[%squeeze3A_1353, %dma_wait3A_1401] : memref<10000x128xf32, #tpu.memory_space<hbm>> -> memref<1x128xf32, #tpu.memory_space<hbm>>
      %dma_wait3A_1403 = arith.constant 1 : i32
      %dma_wait3A_1404 = arith.constant 0 : i32
      %dma_wait3A_1405 = tpu.memref_slice %arg12[%dma_wait3A_1403, %dma_wait3A_1404] : memref<4x128xf32, #tpu.memory_space<vmem>> -> memref<1x128xf32, #tpu.memory_space<vmem>>
      %dma_wait3A_1406 = arith.constant 0 : i32
      %dma_wait3A_1407 = tpu.memref_slice %arg2[%squeeze3A_1353, %dma_wait3A_1406] : memref<10000x128xf32, #tpu.memory_space<hbm>> -> memref<1x128xf32, #tpu.memory_space<hbm>>
      tpu.wait_dma2 semaphore(%arg21 : memref<!tpu.dma_semaphore, #tpu.memory_space<semaphore_mem>>) src(%dma_wait3A_1407 : memref<1x128xf32, #tpu.memory_space<hbm>>) dst(%dma_wait3A_1405 : memref<1x128xf32, #tpu.memory_space<vmem>>)
      %dma_wait3A_1408 = arith.constant 2 : i32
      %dma_wait3A_1409 = arith.constant 0 : i32
      %dma_wait3A_1410 = tpu.memref_slice %arg12[%dma_wait3A_1408, %dma_wait3A_1409] : memref<4x128xf32, #tpu.memory_space<vmem>> -> memref<1x128xf32, #tpu.memory_space<vmem>>
      %dma_wait3A_1411 = arith.constant 0 : i32
      %dma_wait3A_1412 = tpu.memref_slice %arg2[%squeeze3A_1365, %dma_wait3A_1411] : memref<10000x128xf32, #tpu.memory_space<hbm>> -> memref<1x128xf32, #tpu.memory_space<hbm>>
      %dma_wait3A_1413 = arith.constant 2 : i32
      %dma_wait3A_1414 = arith.constant 0 : i32
      %dma_wait3A_1415 = tpu.memref_slice %arg12[%dma_wait3A_1413, %dma_wait3A_1414] : memref<4x128xf32, #tpu.memory_space<vmem>> -> memref<1x128xf32, #tpu.memory_space<vmem>>
      %dma_wait3A_1416 = arith.constant 0 : i32
      %dma_wait3A_1417 = tpu.memref_slice %arg2[%squeeze3A_1365, %dma_wait3A_1416] : memref<10000x128xf32, #tpu.memory_space<hbm>> -> memref<1x128xf32, #tpu.memory_space<hbm>>
      tpu.wait_dma2 semaphore(%arg21 : memref<!tpu.dma_semaphore, #tpu.memory_space<semaphore_mem>>) src(%dma_wait3A_1417 : memref<1x128xf32, #tpu.memory_space<hbm>>) dst(%dma_wait3A_1415 : memref<1x128xf32, #tpu.memory_space<vmem>>)
      %dma_wait3A_1418 = arith.constant 3 : i32
      %dma_wait3A_1419 = arith.constant 0 : i32
      %dma_wait3A_1420 = tpu.memref_slice %arg12[%dma_wait3A_1418, %dma_wait3A_1419] : memref<4x128xf32, #tpu.memory_space<vmem>> -> memref<1x128xf32, #tpu.memory_space<vmem>>
      %dma_wait3A_1421 = arith.constant 0 : i32
      %dma_wait3A_1422 = tpu.memref_slice %arg2[%squeeze3A_1377, %dma_wait3A_1421] : memref<10000x128xf32, #tpu.memory_space<hbm>> -> memref<1x128xf32, #tpu.memory_space<hbm>>
      %dma_wait3A_1423 = arith.constant 3 : i32
      %dma_wait3A_1424 = arith.constant 0 : i32
      %dma_wait3A_1425 = tpu.memref_slice %arg12[%dma_wait3A_1423, %dma_wait3A_1424] : memref<4x128xf32, #tpu.memory_space<vmem>> -> memref<1x128xf32, #tpu.memory_space<vmem>>
      %dma_wait3A_1426 = arith.constant 0 : i32
      %dma_wait3A_1427 = tpu.memref_slice %arg2[%squeeze3A_1377, %dma_wait3A_1426] : memref<10000x128xf32, #tpu.memory_space<hbm>> -> memref<1x128xf32, #tpu.memory_space<hbm>>
      tpu.wait_dma2 semaphore(%arg21 : memref<!tpu.dma_semaphore, #tpu.memory_space<semaphore_mem>>) src(%dma_wait3A_1427 : memref<1x128xf32, #tpu.memory_space<hbm>>) dst(%dma_wait3A_1425 : memref<1x128xf32, #tpu.memory_space<vmem>>)
    } else {
    }
    %eq3A_57 = arith.constant 1 : i32
    %eq3A_58 = arith.cmpi eq, %select_n3A_28, %eq3A_57 : i32
    %convert_element_type3A_59 = arith.extui %eq3A_58 : i1 to i32
    %cond3A_60 = arith.constant 0 : i32
    %cond3A_61 = arith.cmpi ne, %convert_element_type3A_59, %cond3A_60 : i32
    scf.if %cond3A_61 {
      %get3A_1336 = arith.constant 0 : i32
      %get3A_1337 = arith.index_cast %get3A_1336 : i32 to index
      %get3A_1338 = arith.constant 0 : index
      %get3A_1339 = tpu.vector_load %arg10[%get3A_1337, %get3A_1338] {strides = array<i32>} : memref<1x32xi32, #tpu.memory_space<vmem>>, vector<16xi32>,
      %slice3A_1340 = vector.extract_strided_slice %get3A_1339 {offsets = [4], sizes = [1], strides = [1]} : vector<16xi32> to vector<1xi32>
      %squeeze3A_1341 = vector.extract %slice3A_1340[0] : i32 from vector<1xi32>
      %dma_start3A_1342 = arith.constant 0 : i32
      %dma_start3A_1343 = arith.constant 0 : i32
      %dma_start3A_1344 = tpu.memref_slice %arg12[%dma_start3A_1342, %dma_start3A_1343] : memref<4x128xf32, #tpu.memory_space<vmem>> -> memref<1x128xf32, #tpu.memory_space<vmem>>
      %dma_start3A_1345 = arith.constant 0 : i32
      %dma_start3A_1346 = tpu.memref_slice %arg2[%squeeze3A_1341, %dma_start3A_1345] : memref<10000x128xf32, #tpu.memory_space<hbm>> -> memref<1x128xf32, #tpu.memory_space<hbm>>
      %dma_start3A_1347 = arith.constant 0 : i32
      %dma_start3A_1348 = arith.constant 0 : i32
      %dma_start3A_1349 = tpu.memref_slice %arg12[%dma_start3A_1347, %dma_start3A_1348] : memref<4x128xf32, #tpu.memory_space<vmem>> -> memref<1x128xf32, #tpu.memory_space<vmem>>
      %dma_start3A_1350 = arith.constant 0 : i32
      %dma_start3A_1351 = tpu.memref_slice %arg2[%squeeze3A_1341, %dma_start3A_1350] : memref<10000x128xf32, #tpu.memory_space<hbm>> -> memref<1x128xf32, #tpu.memory_space<hbm>>
      tpu.enqueue_dma source(%dma_start3A_1351 : memref<1x128xf32, #tpu.memory_space<hbm>>) target(%dma_start3A_1349 : memref<1x128xf32, #tpu.memory_space<vmem>>) target_semaphore(%arg21 : memref<!tpu.dma_semaphore, #tpu.memory_space<semaphore_mem>>)
      %slice3A_1352 = vector.extract_strided_slice %get3A_1339 {offsets = [5], sizes = [1], strides = [1]} : vector<16xi32> to vector<1xi32>
      %squeeze3A_1353 = vector.extract %slice3A_1352[0] : i32 from vector<1xi32>
      %dma_start3A_1354 = arith.constant 1 : i32
      %dma_start3A_1355 = arith.constant 0 : i32
      %dma_start3A_1356 = tpu.memref_slice %arg12[%dma_start3A_1354, %dma_start3A_1355] : memref<4x128xf32, #tpu.memory_space<vmem>> -> memref<1x128xf32, #tpu.memory_space<vmem>>
      %dma_start3A_1357 = arith.constant 0 : i32
      %dma_start3A_1358 = tpu.memref_slice %arg2[%squeeze3A_1353, %dma_start3A_1357] : memref<10000x128xf32, #tpu.memory_space<hbm>> -> memref<1x128xf32, #tpu.memory_space<hbm>>
      %dma_start3A_1359 = arith.constant 1 : i32
      %dma_start3A_1360 = arith.constant 0 : i32
      %dma_start3A_1361 = tpu.memref_slice %arg12[%dma_start3A_1359, %dma_start3A_1360] : memref<4x128xf32, #tpu.memory_space<vmem>> -> memref<1x128xf32, #tpu.memory_space<vmem>>
      %dma_start3A_1362 = arith.constant 0 : i32
      %dma_start3A_1363 = tpu.memref_slice %arg2[%squeeze3A_1353, %dma_start3A_1362] : memref<10000x128xf32, #tpu.memory_space<hbm>> -> memref<1x128xf32, #tpu.memory_space<hbm>>
      tpu.enqueue_dma source(%dma_start3A_1363 : memref<1x128xf32, #tpu.memory_space<hbm>>) target(%dma_start3A_1361 : memref<1x128xf32, #tpu.memory_space<vmem>>) target_semaphore(%arg21 : memref<!tpu.dma_semaphore, #tpu.memory_space<semaphore_mem>>)
      %slice3A_1364 = vector.extract_strided_slice %get3A_1339 {offsets = [6], sizes = [1], strides = [1]} : vector<16xi32> to vector<1xi32>
      %squeeze3A_1365 = vector.extract %slice3A_1364[0] : i32 from vector<1xi32>
      %dma_start3A_1366 = arith.constant 2 : i32
      %dma_start3A_1367 = arith.constant 0 : i32
      %dma_start3A_1368 = tpu.memref_slice %arg12[%dma_start3A_1366, %dma_start3A_1367] : memref<4x128xf32, #tpu.memory_space<vmem>> -> memref<1x128xf32, #tpu.memory_space<vmem>>
      %dma_start3A_1369 = arith.constant 0 : i32
      %dma_start3A_1370 = tpu.memref_slice %arg2[%squeeze3A_1365, %dma_start3A_1369] : memref<10000x128xf32, #tpu.memory_space<hbm>> -> memref<1x128xf32, #tpu.memory_space<hbm>>
      %dma_start3A_1371 = arith.constant 2 : i32
      %dma_start3A_1372 = arith.constant 0 : i32
      %dma_start3A_1373 = tpu.memref_slice %arg12[%dma_start3A_1371, %dma_start3A_1372] : memref<4x128xf32, #tpu.memory_space<vmem>> -> memref<1x128xf32, #tpu.memory_space<vmem>>
      %dma_start3A_1374 = arith.constant 0 : i32
      %dma_start3A_1375 = tpu.memref_slice %arg2[%squeeze3A_1365, %dma_start3A_1374] : memref<10000x128xf32, #tpu.memory_space<hbm>> -> memref<1x128xf32, #tpu.memory_space<hbm>>
      tpu.enqueue_dma source(%dma_start3A_1375 : memref<1x128xf32, #tpu.memory_space<hbm>>) target(%dma_start3A_1373 : memref<1x128xf32, #tpu.memory_space<vmem>>) target_semaphore(%arg21 : memref<!tpu.dma_semaphore, #tpu.memory_space<semaphore_mem>>)
      %slice3A_1376 = vector.extract_strided_slice %get3A_1339 {offsets = [7], sizes = [1], strides = [1]} : vector<16xi32> to vector<1xi32>
      %squeeze3A_1377 = vector.extract %slice3A_1376[0] : i32 from vector<1xi32>
      %dma_start3A_1378 = arith.constant 3 : i32
      %dma_start3A_1379 = arith.constant 0 : i32
      %dma_start3A_1380 = tpu.memref_slice %arg12[%dma_start3A_1378, %dma_start3A_1379] : memref<4x128xf32, #tpu.memory_space<vmem>> -> memref<1x128xf32, #tpu.memory_space<vmem>>
      %dma_start3A_1381 = arith.constant 0 : i32
      %dma_start3A_1382 = tpu.memref_slice %arg2[%squeeze3A_1377, %dma_start3A_1381] : memref<10000x128xf32, #tpu.memory_space<hbm>> -> memref<1x128xf32, #tpu.memory_space<hbm>>
      %dma_start3A_1383 = arith.constant 3 : i32
      %dma_start3A_1384 = arith.constant 0 : i32
      %dma_start3A_1385 = tpu.memref_slice %arg12[%dma_start3A_1383, %dma_start3A_1384] : memref<4x128xf32, #tpu.memory_space<vmem>> -> memref<1x128xf32, #tpu.memory_space<vmem>>
      %dma_start3A_1386 = arith.constant 0 : i32
      %dma_start3A_1387 = tpu.memref_slice %arg2[%squeeze3A_1377, %dma_start3A_1386] : memref<10000x128xf32, #tpu.memory_space<hbm>> -> memref<1x128xf32, #tpu.memory_space<hbm>>
      tpu.enqueue_dma source(%dma_start3A_1387 : memref<1x128xf32, #tpu.memory_space<hbm>>) target(%dma_start3A_1385 : memref<1x128xf32, #tpu.memory_space<vmem>>) target_semaphore(%arg21 : memref<!tpu.dma_semaphore, #tpu.memory_space<semaphore_mem>>)
      %dma_wait3A_1388 = arith.constant 0 : i32
      %dma_wait3A_1389 = arith.constant 0 : i32
      %dma_wait3A_1390 = tpu.memref_slice %arg12[%dma_wait3A_1388, %dma_wait3A_1389] : memref<4x128xf32, #tpu.memory_space<vmem>> -> memref<1x128xf32, #tpu.memory_space<vmem>>
      %dma_wait3A_1391 = arith.constant 0 : i32
      %dma_wait3A_1392 = tpu.memref_slice %arg2[%squeeze3A_1341, %dma_wait3A_1391] : memref<10000x128xf32, #tpu.memory_space<hbm>> -> memref<1x128xf32, #tpu.memory_space<hbm>>
      %dma_wait3A_1393 = arith.constant 0 : i32
      %dma_wait3A_1394 = arith.constant 0 : i32
      %dma_wait3A_1395 = tpu.memref_slice %arg12[%dma_wait3A_1393, %dma_wait3A_1394] : memref<4x128xf32, #tpu.memory_space<vmem>> -> memref<1x128xf32, #tpu.memory_space<vmem>>
      %dma_wait3A_1396 = arith.constant 0 : i32
      %dma_wait3A_1397 = tpu.memref_slice %arg2[%squeeze3A_1341, %dma_wait3A_1396] : memref<10000x128xf32, #tpu.memory_space<hbm>> -> memref<1x128xf32, #tpu.memory_space<hbm>>
      tpu.wait_dma2 semaphore(%arg21 : memref<!tpu.dma_semaphore, #tpu.memory_space<semaphore_mem>>) src(%dma_wait3A_1397 : memref<1x128xf32, #tpu.memory_space<hbm>>) dst(%dma_wait3A_1395 : memref<1x128xf32, #tpu.memory_space<vmem>>)
      %dma_wait3A_1398 = arith.constant 1 : i32
      %dma_wait3A_1399 = arith.constant 0 : i32
      %dma_wait3A_1400 = tpu.memref_slice %arg12[%dma_wait3A_1398, %dma_wait3A_1399] : memref<4x128xf32, #tpu.memory_space<vmem>> -> memref<1x128xf32, #tpu.memory_space<vmem>>
      %dma_wait3A_1401 = arith.constant 0 : i32
      %dma_wait3A_1402 = tpu.memref_slice %arg2[%squeeze3A_1353, %dma_wait3A_1401] : memref<10000x128xf32, #tpu.memory_space<hbm>> -> memref<1x128xf32, #tpu.memory_space<hbm>>
      %dma_wait3A_1403 = arith.constant 1 : i32
      %dma_wait3A_1404 = arith.constant 0 : i32
      %dma_wait3A_1405 = tpu.memref_slice %arg12[%dma_wait3A_1403, %dma_wait3A_1404] : memref<4x128xf32, #tpu.memory_space<vmem>> -> memref<1x128xf32, #tpu.memory_space<vmem>>
      %dma_wait3A_1406 = arith.constant 0 : i32
      %dma_wait3A_1407 = tpu.memref_slice %arg2[%squeeze3A_1353, %dma_wait3A_1406] : memref<10000x128xf32, #tpu.memory_space<hbm>> -> memref<1x128xf32, #tpu.memory_space<hbm>>
      tpu.wait_dma2 semaphore(%arg21 : memref<!tpu.dma_semaphore, #tpu.memory_space<semaphore_mem>>) src(%dma_wait3A_1407 : memref<1x128xf32, #tpu.memory_space<hbm>>) dst(%dma_wait3A_1405 : memref<1x128xf32, #tpu.memory_space<vmem>>)
      %dma_wait3A_1408 = arith.constant 2 : i32
      %dma_wait3A_1409 = arith.constant 0 : i32
      %dma_wait3A_1410 = tpu.memref_slice %arg12[%dma_wait3A_1408, %dma_wait3A_1409] : memref<4x128xf32, #tpu.memory_space<vmem>> -> memref<1x128xf32, #tpu.memory_space<vmem>>
      %dma_wait3A_1411 = arith.constant 0 : i32
      %dma_wait3A_1412 = tpu.memref_slice %arg2[%squeeze3A_1365, %dma_wait3A_1411] : memref<10000x128xf32, #tpu.memory_space<hbm>> -> memref<1x128xf32, #tpu.memory_space<hbm>>
      %dma_wait3A_1413 = arith.constant 2 : i32
      %dma_wait3A_1414 = arith.constant 0 : i32
      %dma_wait3A_1415 = tpu.memref_slice %arg12[%dma_wait3A_1413, %dma_wait3A_1414] : memref<4x128xf32, #tpu.memory_space<vmem>> -> memref<1x128xf32, #tpu.memory_space<vmem>>
      %dma_wait3A_1416 = arith.constant 0 : i32
      %dma_wait3A_1417 = tpu.memref_slice %arg2[%squeeze3A_1365, %dma_wait3A_1416] : memref<10000x128xf32, #tpu.memory_space<hbm>> -> memref<1x128xf32, #tpu.memory_space<hbm>>
      tpu.wait_dma2 semaphore(%arg21 : memref<!tpu.dma_semaphore, #tpu.memory_space<semaphore_mem>>) src(%dma_wait3A_1417 : memref<1x128xf32, #tpu.memory_space<hbm>>) dst(%dma_wait3A_1415 : memref<1x128xf32, #tpu.memory_space<vmem>>)
      %dma_wait3A_1418 = arith.constant 3 : i32
      %dma_wait3A_1419 = arith.constant 0 : i32
      %dma_wait3A_1420 = tpu.memref_slice %arg12[%dma_wait3A_1418, %dma_wait3A_1419] : memref<4x128xf32, #tpu.memory_space<vmem>> -> memref<1x128xf32, #tpu.memory_space<vmem>>
      %dma_wait3A_1421 = arith.constant 0 : i32
      %dma_wait3A_1422 = tpu.memref_slice %arg2[%squeeze3A_1377, %dma_wait3A_1421] : memref<10000x128xf32, #tpu.memory_space<hbm>> -> memref<1x128xf32, #tpu.memory_space<hbm>>
      %dma_wait3A_1423 = arith.constant 3 : i32
      %dma_wait3A_1424 = arith.constant 0 : i32
      %dma_wait3A_1425 = tpu.memref_slice %arg12[%dma_wait3A_1423, %dma_wait3A_1424] : memref<4x128xf32, #tpu.memory_space<vmem>> -> memref<1x128xf32, #tpu.memory_space<vmem>>
      %dma_wait3A_1426 = arith.constant 0 : i32
      %dma_wait3A_1427 = tpu.memref_slice %arg2[%squeeze3A_1377, %dma_wait3A_1426] : memref<10000x128xf32, #tpu.memory_space<hbm>> -> memref<1x128xf32, #tpu.memory_space<hbm>>
      tpu.wait_dma2 semaphore(%arg21 : memref<!tpu.dma_semaphore, #tpu.memory_space<semaphore_mem>>) src(%dma_wait3A_1427 : memref<1x128xf32, #tpu.memory_space<hbm>>) dst(%dma_wait3A_1425 : memref<1x128xf32, #tpu.memory_space<vmem>>)
    } else {
    }
    %eq3A_62 = arith.constant 2 : i32
    %eq3A_63 = arith.cmpi eq, %select_n3A_28, %eq3A_62 : i32
    %convert_element_type3A_64 = arith.extui %eq3A_63 : i1 to i32
    %cond3A_65 = arith.constant 0 : i32
    %cond3A_66 = arith.cmpi ne, %convert_element_type3A_64, %cond3A_65 : i32
    scf.if %cond3A_66 {
      %get3A_1336 = arith.constant 0 : i32
      %get3A_1337 = arith.index_cast %get3A_1336 : i32 to index
      %get3A_1338 = arith.constant 0 : index
      %get3A_1339 = tpu.vector_load %arg10[%get3A_1337, %get3A_1338] {strides = array<i32>} : memref<1x32xi32, #tpu.memory_space<vmem>>, vector<16xi32>,
      %slice3A_1340 = vector.extract_strided_slice %get3A_1339 {offsets = [8], sizes = [1], strides = [1]} : vector<16xi32> to vector<1xi32>
      %squeeze3A_1341 = vector.extract %slice3A_1340[0] : i32 from vector<1xi32>
      %dma_start3A_1342 = arith.constant 0 : i32
      %dma_start3A_1343 = arith.constant 0 : i32
      %dma_start3A_1344 = tpu.memref_slice %arg12[%dma_start3A_1342, %dma_start3A_1343] : memref<4x128xf32, #tpu.memory_space<vmem>> -> memref<1x128xf32, #tpu.memory_space<vmem>>
      %dma_start3A_1345 = arith.constant 0 : i32
      %dma_start3A_1346 = tpu.memref_slice %arg2[%squeeze3A_1341, %dma_start3A_1345] : memref<10000x128xf32, #tpu.memory_space<hbm>> -> memref<1x128xf32, #tpu.memory_space<hbm>>
      %dma_start3A_1347 = arith.constant 0 : i32
      %dma_start3A_1348 = arith.constant 0 : i32
      %dma_start3A_1349 = tpu.memref_slice %arg12[%dma_start3A_1347, %dma_start3A_1348] : memref<4x128xf32, #tpu.memory_space<vmem>> -> memref<1x128xf32, #tpu.memory_space<vmem>>
      %dma_start3A_1350 = arith.constant 0 : i32
      %dma_start3A_1351 = tpu.memref_slice %arg2[%squeeze3A_1341, %dma_start3A_1350] : memref<10000x128xf32, #tpu.memory_space<hbm>> -> memref<1x128xf32, #tpu.memory_space<hbm>>
      tpu.enqueue_dma source(%dma_start3A_1351 : memref<1x128xf32, #tpu.memory_space<hbm>>) target(%dma_start3A_1349 : memref<1x128xf32, #tpu.memory_space<vmem>>) target_semaphore(%arg21 : memref<!tpu.dma_semaphore, #tpu.memory_space<semaphore_mem>>)
      %slice3A_1352 = vector.extract_strided_slice %get3A_1339 {offsets = [9], sizes = [1], strides = [1]} : vector<16xi32> to vector<1xi32>
      %squeeze3A_1353 = vector.extract %slice3A_1352[0] : i32 from vector<1xi32>
      %dma_start3A_1354 = arith.constant 1 : i32
      %dma_start3A_1355 = arith.constant 0 : i32
      %dma_start3A_1356 = tpu.memref_slice %arg12[%dma_start3A_1354, %dma_start3A_1355] : memref<4x128xf32, #tpu.memory_space<vmem>> -> memref<1x128xf32, #tpu.memory_space<vmem>>
      %dma_start3A_1357 = arith.constant 0 : i32
      %dma_start3A_1358 = tpu.memref_slice %arg2[%squeeze3A_1353, %dma_start3A_1357] : memref<10000x128xf32, #tpu.memory_space<hbm>> -> memref<1x128xf32, #tpu.memory_space<hbm>>
      %dma_start3A_1359 = arith.constant 1 : i32
      %dma_start3A_1360 = arith.constant 0 : i32
      %dma_start3A_1361 = tpu.memref_slice %arg12[%dma_start3A_1359, %dma_start3A_1360] : memref<4x128xf32, #tpu.memory_space<vmem>> -> memref<1x128xf32, #tpu.memory_space<vmem>>
      %dma_start3A_1362 = arith.constant 0 : i32
      %dma_start3A_1363 = tpu.memref_slice %arg2[%squeeze3A_1353, %dma_start3A_1362] : memref<10000x128xf32, #tpu.memory_space<hbm>> -> memref<1x128xf32, #tpu.memory_space<hbm>>
      tpu.enqueue_dma source(%dma_start3A_1363 : memref<1x128xf32, #tpu.memory_space<hbm>>) target(%dma_start3A_1361 : memref<1x128xf32, #tpu.memory_space<vmem>>) target_semaphore(%arg21 : memref<!tpu.dma_semaphore, #tpu.memory_space<semaphore_mem>>)
      %slice3A_1364 = vector.extract_strided_slice %get3A_1339 {offsets = [10], sizes = [1], strides = [1]} : vector<16xi32> to vector<1xi32>
      %squeeze3A_1365 = vector.extract %slice3A_1364[0] : i32 from vector<1xi32>
      %dma_start3A_1366 = arith.constant 2 : i32
      %dma_start3A_1367 = arith.constant 0 : i32
      %dma_start3A_1368 = tpu.memref_slice %arg12[%dma_start3A_1366, %dma_start3A_1367] : memref<4x128xf32, #tpu.memory_space<vmem>> -> memref<1x128xf32, #tpu.memory_space<vmem>>
      %dma_start3A_1369 = arith.constant 0 : i32
      %dma_start3A_1370 = tpu.memref_slice %arg2[%squeeze3A_1365, %dma_start3A_1369] : memref<10000x128xf32, #tpu.memory_space<hbm>> -> memref<1x128xf32, #tpu.memory_space<hbm>>
      %dma_start3A_1371 = arith.constant 2 : i32
      %dma_start3A_1372 = arith.constant 0 : i32
      %dma_start3A_1373 = tpu.memref_slice %arg12[%dma_start3A_1371, %dma_start3A_1372] : memref<4x128xf32, #tpu.memory_space<vmem>> -> memref<1x128xf32, #tpu.memory_space<vmem>>
      %dma_start3A_1374 = arith.constant 0 : i32
      %dma_start3A_1375 = tpu.memref_slice %arg2[%squeeze3A_1365, %dma_start3A_1374] : memref<10000x128xf32, #tpu.memory_space<hbm>> -> memref<1x128xf32, #tpu.memory_space<hbm>>
      tpu.enqueue_dma source(%dma_start3A_1375 : memref<1x128xf32, #tpu.memory_space<hbm>>) target(%dma_start3A_1373 : memref<1x128xf32, #tpu.memory_space<vmem>>) target_semaphore(%arg21 : memref<!tpu.dma_semaphore, #tpu.memory_space<semaphore_mem>>)
      %slice3A_1376 = vector.extract_strided_slice %get3A_1339 {offsets = [11], sizes = [1], strides = [1]} : vector<16xi32> to vector<1xi32>
      %squeeze3A_1377 = vector.extract %slice3A_1376[0] : i32 from vector<1xi32>
      %dma_start3A_1378 = arith.constant 3 : i32
      %dma_start3A_1379 = arith.constant 0 : i32
      %dma_start3A_1380 = tpu.memref_slice %arg12[%dma_start3A_1378, %dma_start3A_1379] : memref<4x128xf32, #tpu.memory_space<vmem>> -> memref<1x128xf32, #tpu.memory_space<vmem>>
      %dma_start3A_1381 = arith.constant 0 : i32
      %dma_start3A_1382 = tpu.memref_slice %arg2[%squeeze3A_1377, %dma_start3A_1381] : memref<10000x128xf32, #tpu.memory_space<hbm>> -> memref<1x128xf32, #tpu.memory_space<hbm>>
      %dma_start3A_1383 = arith.constant 3 : i32
      %dma_start3A_1384 = arith.constant 0 : i32
      %dma_start3A_1385 = tpu.memref_slice %arg12[%dma_start3A_1383, %dma_start3A_1384] : memref<4x128xf32, #tpu.memory_space<vmem>> -> memref<1x128xf32, #tpu.memory_space<vmem>>
      %dma_start3A_1386 = arith.constant 0 : i32
      %dma_start3A_1387 = tpu.memref_slice %arg2[%squeeze3A_1377, %dma_start3A_1386] : memref<10000x128xf32, #tpu.memory_space<hbm>> -> memref<1x128xf32, #tpu.memory_space<hbm>>
      tpu.enqueue_dma source(%dma_start3A_1387 : memref<1x128xf32, #tpu.memory_space<hbm>>) target(%dma_start3A_1385 : memref<1x128xf32, #tpu.memory_space<vmem>>) target_semaphore(%arg21 : memref<!tpu.dma_semaphore, #tpu.memory_space<semaphore_mem>>)
      %dma_wait3A_1388 = arith.constant 0 : i32
      %dma_wait3A_1389 = arith.constant 0 : i32
      %dma_wait3A_1390 = tpu.memref_slice %arg12[%dma_wait3A_1388, %dma_wait3A_1389] : memref<4x128xf32, #tpu.memory_space<vmem>> -> memref<1x128xf32, #tpu.memory_space<vmem>>
      %dma_wait3A_1391 = arith.constant 0 : i32
      %dma_wait3A_1392 = tpu.memref_slice %arg2[%squeeze3A_1341, %dma_wait3A_1391] : memref<10000x128xf32, #tpu.memory_space<hbm>> -> memref<1x128xf32, #tpu.memory_space<hbm>>
      %dma_wait3A_1393 = arith.constant 0 : i32
      %dma_wait3A_1394 = arith.constant 0 : i32
      %dma_wait3A_1395 = tpu.memref_slice %arg12[%dma_wait3A_1393, %dma_wait3A_1394] : memref<4x128xf32, #tpu.memory_space<vmem>> -> memref<1x128xf32, #tpu.memory_space<vmem>>
      %dma_wait3A_1396 = arith.constant 0 : i32
      %dma_wait3A_1397 = tpu.memref_slice %arg2[%squeeze3A_1341, %dma_wait3A_1396] : memref<10000x128xf32, #tpu.memory_space<hbm>> -> memref<1x128xf32, #tpu.memory_space<hbm>>
      tpu.wait_dma2 semaphore(%arg21 : memref<!tpu.dma_semaphore, #tpu.memory_space<semaphore_mem>>) src(%dma_wait3A_1397 : memref<1x128xf32, #tpu.memory_space<hbm>>) dst(%dma_wait3A_1395 : memref<1x128xf32, #tpu.memory_space<vmem>>)
      %dma_wait3A_1398 = arith.constant 1 : i32
      %dma_wait3A_1399 = arith.constant 0 : i32
      %dma_wait3A_1400 = tpu.memref_slice %arg12[%dma_wait3A_1398, %dma_wait3A_1399] : memref<4x128xf32, #tpu.memory_space<vmem>> -> memref<1x128xf32, #tpu.memory_space<vmem>>
      %dma_wait3A_1401 = arith.constant 0 : i32
      %dma_wait3A_1402 = tpu.memref_slice %arg2[%squeeze3A_1353, %dma_wait3A_1401] : memref<10000x128xf32, #tpu.memory_space<hbm>> -> memref<1x128xf32, #tpu.memory_space<hbm>>
      %dma_wait3A_1403 = arith.constant 1 : i32
      %dma_wait3A_1404 = arith.constant 0 : i32
      %dma_wait3A_1405 = tpu.memref_slice %arg12[%dma_wait3A_1403, %dma_wait3A_1404] : memref<4x128xf32, #tpu.memory_space<vmem>> -> memref<1x128xf32, #tpu.memory_space<vmem>>
      %dma_wait3A_1406 = arith.constant 0 : i32
      %dma_wait3A_1407 = tpu.memref_slice %arg2[%squeeze3A_1353, %dma_wait3A_1406] : memref<10000x128xf32, #tpu.memory_space<hbm>> -> memref<1x128xf32, #tpu.memory_space<hbm>>
      tpu.wait_dma2 semaphore(%arg21 : memref<!tpu.dma_semaphore, #tpu.memory_space<semaphore_mem>>) src(%dma_wait3A_1407 : memref<1x128xf32, #tpu.memory_space<hbm>>) dst(%dma_wait3A_1405 : memref<1x128xf32, #tpu.memory_space<vmem>>)
      %dma_wait3A_1408 = arith.constant 2 : i32
      %dma_wait3A_1409 = arith.constant 0 : i32
      %dma_wait3A_1410 = tpu.memref_slice %arg12[%dma_wait3A_1408, %dma_wait3A_1409] : memref<4x128xf32, #tpu.memory_space<vmem>> -> memref<1x128xf32, #tpu.memory_space<vmem>>
      %dma_wait3A_1411 = arith.constant 0 : i32
      %dma_wait3A_1412 = tpu.memref_slice %arg2[%squeeze3A_1365, %dma_wait3A_1411] : memref<10000x128xf32, #tpu.memory_space<hbm>> -> memref<1x128xf32, #tpu.memory_space<hbm>>
      %dma_wait3A_1413 = arith.constant 2 : i32
      %dma_wait3A_1414 = arith.constant 0 : i32
      %dma_wait3A_1415 = tpu.memref_slice %arg12[%dma_wait3A_1413, %dma_wait3A_1414] : memref<4x128xf32, #tpu.memory_space<vmem>> -> memref<1x128xf32, #tpu.memory_space<vmem>>
      %dma_wait3A_1416 = arith.constant 0 : i32
      %dma_wait3A_1417 = tpu.memref_slice %arg2[%squeeze3A_1365, %dma_wait3A_1416] : memref<10000x128xf32, #tpu.memory_space<hbm>> -> memref<1x128xf32, #tpu.memory_space<hbm>>
      tpu.wait_dma2 semaphore(%arg21 : memref<!tpu.dma_semaphore, #tpu.memory_space<semaphore_mem>>) src(%dma_wait3A_1417 : memref<1x128xf32, #tpu.memory_space<hbm>>) dst(%dma_wait3A_1415 : memref<1x128xf32, #tpu.memory_space<vmem>>)
      %dma_wait3A_1418 = arith.constant 3 : i32
      %dma_wait3A_1419 = arith.constant 0 : i32
      %dma_wait3A_1420 = tpu.memref_slice %arg12[%dma_wait3A_1418, %dma_wait3A_1419] : memref<4x128xf32, #tpu.memory_space<vmem>> -> memref<1x128xf32, #tpu.memory_space<vmem>>
      %dma_wait3A_1421 = arith.constant 0 : i32
      %dma_wait3A_1422 = tpu.memref_slice %arg2[%squeeze3A_1377, %dma_wait3A_1421] : memref<10000x128xf32, #tpu.memory_space<hbm>> -> memref<1x128xf32, #tpu.memory_space<hbm>>
      %dma_wait3A_1423 = arith.constant 3 : i32
      %dma_wait3A_1424 = arith.constant 0 : i32
      %dma_wait3A_1425 = tpu.memref_slice %arg12[%dma_wait3A_1423, %dma_wait3A_1424] : memref<4x128xf32, #tpu.memory_space<vmem>> -> memref<1x128xf32, #tpu.memory_space<vmem>>
      %dma_wait3A_1426 = arith.constant 0 : i32
      %dma_wait3A_1427 = tpu.memref_slice %arg2[%squeeze3A_1377, %dma_wait3A_1426] : memref<10000x128xf32, #tpu.memory_space<hbm>> -> memref<1x128xf32, #tpu.memory_space<hbm>>
      tpu.wait_dma2 semaphore(%arg21 : memref<!tpu.dma_semaphore, #tpu.memory_space<semaphore_mem>>) src(%dma_wait3A_1427 : memref<1x128xf32, #tpu.memory_space<hbm>>) dst(%dma_wait3A_1425 : memref<1x128xf32, #tpu.memory_space<vmem>>)
    } else {
    }
    %eq3A_67 = arith.constant 3 : i32
    %eq3A_68 = arith.cmpi eq, %select_n3A_28, %eq3A_67 : i32
    %convert_element_type3A_69 = arith.extui %eq3A_68 : i1 to i32
    %cond3A_70 = arith.constant 0 : i32
    %cond3A_71 = arith.cmpi ne, %convert_element_type3A_69, %cond3A_70 : i32
    scf.if %cond3A_71 {
      %get3A_1336 = arith.constant 0 : i32
      %get3A_1337 = arith.index_cast %get3A_1336 : i32 to index
      %get3A_1338 = arith.constant 0 : index
      %get3A_1339 = tpu.vector_load %arg10[%get3A_1337, %get3A_1338] {strides = array<i32>} : memref<1x32xi32, #tpu.memory_space<vmem>>, vector<16xi32>,
      %slice3A_1340 = vector.extract_strided_slice %get3A_1339 {offsets = [12], sizes = [1], strides = [1]} : vector<16xi32> to vector<1xi32>
      %squeeze3A_1341 = vector.extract %slice3A_1340[0] : i32 from vector<1xi32>
      %dma_start3A_1342 = arith.constant 0 : i32
      %dma_start3A_1343 = arith.constant 0 : i32
      %dma_start3A_1344 = tpu.memref_slice %arg12[%dma_start3A_1342, %dma_start3A_1343] : memref<4x128xf32, #tpu.memory_space<vmem>> -> memref<1x128xf32, #tpu.memory_space<vmem>>
      %dma_start3A_1345 = arith.constant 0 : i32
      %dma_start3A_1346 = tpu.memref_slice %arg2[%squeeze3A_1341, %dma_start3A_1345] : memref<10000x128xf32, #tpu.memory_space<hbm>> -> memref<1x128xf32, #tpu.memory_space<hbm>>
      %dma_start3A_1347 = arith.constant 0 : i32
      %dma_start3A_1348 = arith.constant 0 : i32
      %dma_start3A_1349 = tpu.memref_slice %arg12[%dma_start3A_1347, %dma_start3A_1348] : memref<4x128xf32, #tpu.memory_space<vmem>> -> memref<1x128xf32, #tpu.memory_space<vmem>>
      %dma_start3A_1350 = arith.constant 0 : i32
      %dma_start3A_1351 = tpu.memref_slice %arg2[%squeeze3A_1341, %dma_start3A_1350] : memref<10000x128xf32, #tpu.memory_space<hbm>> -> memref<1x128xf32, #tpu.memory_space<hbm>>
      tpu.enqueue_dma source(%dma_start3A_1351 : memref<1x128xf32, #tpu.memory_space<hbm>>) target(%dma_start3A_1349 : memref<1x128xf32, #tpu.memory_space<vmem>>) target_semaphore(%arg21 : memref<!tpu.dma_semaphore, #tpu.memory_space<semaphore_mem>>)
      %slice3A_1352 = vector.extract_strided_slice %get3A_1339 {offsets = [13], sizes = [1], strides = [1]} : vector<16xi32> to vector<1xi32>
      %squeeze3A_1353 = vector.extract %slice3A_1352[0] : i32 from vector<1xi32>
      %dma_start3A_1354 = arith.constant 1 : i32
      %dma_start3A_1355 = arith.constant 0 : i32
      %dma_start3A_1356 = tpu.memref_slice %arg12[%dma_start3A_1354, %dma_start3A_1355] : memref<4x128xf32, #tpu.memory_space<vmem>> -> memref<1x128xf32, #tpu.memory_space<vmem>>
      %dma_start3A_1357 = arith.constant 0 : i32
      %dma_start3A_1358 = tpu.memref_slice %arg2[%squeeze3A_1353, %dma_start3A_1357] : memref<10000x128xf32, #tpu.memory_space<hbm>> -> memref<1x128xf32, #tpu.memory_space<hbm>>
      %dma_start3A_1359 = arith.constant 1 : i32
      %dma_start3A_1360 = arith.constant 0 : i32
      %dma_start3A_1361 = tpu.memref_slice %arg12[%dma_start3A_1359, %dma_start3A_1360] : memref<4x128xf32, #tpu.memory_space<vmem>> -> memref<1x128xf32, #tpu.memory_space<vmem>>
      %dma_start3A_1362 = arith.constant 0 : i32
      %dma_start3A_1363 = tpu.memref_slice %arg2[%squeeze3A_1353, %dma_start3A_1362] : memref<10000x128xf32, #tpu.memory_space<hbm>> -> memref<1x128xf32, #tpu.memory_space<hbm>>
      tpu.enqueue_dma source(%dma_start3A_1363 : memref<1x128xf32, #tpu.memory_space<hbm>>) target(%dma_start3A_1361 : memref<1x128xf32, #tpu.memory_space<vmem>>) target_semaphore(%arg21 : memref<!tpu.dma_semaphore, #tpu.memory_space<semaphore_mem>>)
      %slice3A_1364 = vector.extract_strided_slice %get3A_1339 {offsets = [14], sizes = [1], strides = [1]} : vector<16xi32> to vector<1xi32>
      %squeeze3A_1365 = vector.extract %slice3A_1364[0] : i32 from vector<1xi32>
      %dma_start3A_1366 = arith.constant 2 : i32
      %dma_start3A_1367 = arith.constant 0 : i32
      %dma_start3A_1368 = tpu.memref_slice %arg12[%dma_start3A_1366, %dma_start3A_1367] : memref<4x128xf32, #tpu.memory_space<vmem>> -> memref<1x128xf32, #tpu.memory_space<vmem>>
      %dma_start3A_1369 = arith.constant 0 : i32
      %dma_start3A_1370 = tpu.memref_slice %arg2[%squeeze3A_1365, %dma_start3A_1369] : memref<10000x128xf32, #tpu.memory_space<hbm>> -> memref<1x128xf32, #tpu.memory_space<hbm>>
      %dma_start3A_1371 = arith.constant 2 : i32
      %dma_start3A_1372 = arith.constant 0 : i32
      %dma_start3A_1373 = tpu.memref_slice %arg12[%dma_start3A_1371, %dma_start3A_1372] : memref<4x128xf32, #tpu.memory_space<vmem>> -> memref<1x128xf32, #tpu.memory_space<vmem>>
      %dma_start3A_1374 = arith.constant 0 : i32
      %dma_start3A_1375 = tpu.memref_slice %arg2[%squeeze3A_1365, %dma_start3A_1374] : memref<10000x128xf32, #tpu.memory_space<hbm>> -> memref<1x128xf32, #tpu.memory_space<hbm>>
      tpu.enqueue_dma source(%dma_start3A_1375 : memref<1x128xf32, #tpu.memory_space<hbm>>) target(%dma_start3A_1373 : memref<1x128xf32, #tpu.memory_space<vmem>>) target_semaphore(%arg21 : memref<!tpu.dma_semaphore, #tpu.memory_space<semaphore_mem>>)
      %slice3A_1376 = vector.extract_strided_slice %get3A_1339 {offsets = [15], sizes = [1], strides = [1]} : vector<16xi32> to vector<1xi32>
      %squeeze3A_1377 = vector.extract %slice3A_1376[0] : i32 from vector<1xi32>
      %dma_start3A_1378 = arith.constant 3 : i32
      %dma_start3A_1379 = arith.constant 0 : i32
      %dma_start3A_1380 = tpu.memref_slice %arg12[%dma_start3A_1378, %dma_start3A_1379] : memref<4x128xf32, #tpu.memory_space<vmem>> -> memref<1x128xf32, #tpu.memory_space<vmem>>
      %dma_start3A_1381 = arith.constant 0 : i32
      %dma_start3A_1382 = tpu.memref_slice %arg2[%squeeze3A_1377, %dma_start3A_1381] : memref<10000x128xf32, #tpu.memory_space<hbm>> -> memref<1x128xf32, #tpu.memory_space<hbm>>
      %dma_start3A_1383 = arith.constant 3 : i32
      %dma_start3A_1384 = arith.constant 0 : i32
      %dma_start3A_1385 = tpu.memref_slice %arg12[%dma_start3A_1383, %dma_start3A_1384] : memref<4x128xf32, #tpu.memory_space<vmem>> -> memref<1x128xf32, #tpu.memory_space<vmem>>
      %dma_start3A_1386 = arith.constant 0 : i32
      %dma_start3A_1387 = tpu.memref_slice %arg2[%squeeze3A_1377, %dma_start3A_1386] : memref<10000x128xf32, #tpu.memory_space<hbm>> -> memref<1x128xf32, #tpu.memory_space<hbm>>
      tpu.enqueue_dma source(%dma_start3A_1387 : memref<1x128xf32, #tpu.memory_space<hbm>>) target(%dma_start3A_1385 : memref<1x128xf32, #tpu.memory_space<vmem>>) target_semaphore(%arg21 : memref<!tpu.dma_semaphore, #tpu.memory_space<semaphore_mem>>)
      %dma_wait3A_1388 = arith.constant 0 : i32
      %dma_wait3A_1389 = arith.constant 0 : i32
      %dma_wait3A_1390 = tpu.memref_slice %arg12[%dma_wait3A_1388, %dma_wait3A_1389] : memref<4x128xf32, #tpu.memory_space<vmem>> -> memref<1x128xf32, #tpu.memory_space<vmem>>
      %dma_wait3A_1391 = arith.constant 0 : i32
      %dma_wait3A_1392 = tpu.memref_slice %arg2[%squeeze3A_1341, %dma_wait3A_1391] : memref<10000x128xf32, #tpu.memory_space<hbm>> -> memref<1x128xf32, #tpu.memory_space<hbm>>
      %dma_wait3A_1393 = arith.constant 0 : i32
      %dma_wait3A_1394 = arith.constant 0 : i32
      %dma_wait3A_1395 = tpu.memref_slice %arg12[%dma_wait3A_1393, %dma_wait3A_1394] : memref<4x128xf32, #tpu.memory_space<vmem>> -> memref<1x128xf32, #tpu.memory_space<vmem>>
      %dma_wait3A_1396 = arith.constant 0 : i32
      %dma_wait3A_1397 = tpu.memref_slice %arg2[%squeeze3A_1341, %dma_wait3A_1396] : memref<10000x128xf32, #tpu.memory_space<hbm>> -> memref<1x128xf32, #tpu.memory_space<hbm>>
      tpu.wait_dma2 semaphore(%arg21 : memref<!tpu.dma_semaphore, #tpu.memory_space<semaphore_mem>>) src(%dma_wait3A_1397 : memref<1x128xf32, #tpu.memory_space<hbm>>) dst(%dma_wait3A_1395 : memref<1x128xf32, #tpu.memory_space<vmem>>)
      %dma_wait3A_1398 = arith.constant 1 : i32
      %dma_wait3A_1399 = arith.constant 0 : i32
      %dma_wait3A_1400 = tpu.memref_slice %arg12[%dma_wait3A_1398, %dma_wait3A_1399] : memref<4x128xf32, #tpu.memory_space<vmem>> -> memref<1x128xf32, #tpu.memory_space<vmem>>
      %dma_wait3A_1401 = arith.constant 0 : i32
      %dma_wait3A_1402 = tpu.memref_slice %arg2[%squeeze3A_1353, %dma_wait3A_1401] : memref<10000x128xf32, #tpu.memory_space<hbm>> -> memref<1x128xf32, #tpu.memory_space<hbm>>
      %dma_wait3A_1403 = arith.constant 1 : i32
      %dma_wait3A_1404 = arith.constant 0 : i32
      %dma_wait3A_1405 = tpu.memref_slice %arg12[%dma_wait3A_1403, %dma_wait3A_1404] : memref<4x128xf32, #tpu.memory_space<vmem>> -> memref<1x128xf32, #tpu.memory_space<vmem>>
      %dma_wait3A_1406 = arith.constant 0 : i32
      %dma_wait3A_1407 = tpu.memref_slice %arg2[%squeeze3A_1353, %dma_wait3A_1406] : memref<10000x128xf32, #tpu.memory_space<hbm>> -> memref<1x128xf32, #tpu.memory_space<hbm>>
      tpu.wait_dma2 semaphore(%arg21 : memref<!tpu.dma_semaphore, #tpu.memory_space<semaphore_mem>>) src(%dma_wait3A_1407 : memref<1x128xf32, #tpu.memory_space<hbm>>) dst(%dma_wait3A_1405 : memref<1x128xf32, #tpu.memory_space<vmem>>)
      %dma_wait3A_1408 = arith.constant 2 : i32
      %dma_wait3A_1409 = arith.constant 0 : i32
      %dma_wait3A_1410 = tpu.memref_slice %arg12[%dma_wait3A_1408, %dma_wait3A_1409] : memref<4x128xf32, #tpu.memory_space<vmem>> -> memref<1x128xf32, #tpu.memory_space<vmem>>
      %dma_wait3A_1411 = arith.constant 0 : i32
      %dma_wait3A_1412 = tpu.memref_slice %arg2[%squeeze3A_1365, %dma_wait3A_1411] : memref<10000x128xf32, #tpu.memory_space<hbm>> -> memref<1x128xf32, #tpu.memory_space<hbm>>
      %dma_wait3A_1413 = arith.constant 2 : i32
      %dma_wait3A_1414 = arith.constant 0 : i32
      %dma_wait3A_1415 = tpu.memref_slice %arg12[%dma_wait3A_1413, %dma_wait3A_1414] : memref<4x128xf32, #tpu.memory_space<vmem>> -> memref<1x128xf32, #tpu.memory_space<vmem>>
      %dma_wait3A_1416 = arith.constant 0 : i32
      %dma_wait3A_1417 = tpu.memref_slice %arg2[%squeeze3A_1365, %dma_wait3A_1416] : memref<10000x128xf32, #tpu.memory_space<hbm>> -> memref<1x128xf32, #tpu.memory_space<hbm>>
      tpu.wait_dma2 semaphore(%arg21 : memref<!tpu.dma_semaphore, #tpu.memory_space<semaphore_mem>>) src(%dma_wait3A_1417 : memref<1x128xf32, #tpu.memory_space<hbm>>) dst(%dma_wait3A_1415 : memref<1x128xf32, #tpu.memory_space<vmem>>)
      %dma_wait3A_1418 = arith.constant 3 : i32
      %dma_wait3A_1419 = arith.constant 0 : i32
      %dma_wait3A_1420 = tpu.memref_slice %arg12[%dma_wait3A_1418, %dma_wait3A_1419] : memref<4x128xf32, #tpu.memory_space<vmem>> -> memref<1x128xf32, #tpu.memory_space<vmem>>
      %dma_wait3A_1421 = arith.constant 0 : i32
      %dma_wait3A_1422 = tpu.memref_slice %arg2[%squeeze3A_1377, %dma_wait3A_1421] : memref<10000x128xf32, #tpu.memory_space<hbm>> -> memref<1x128xf32, #tpu.memory_space<hbm>>
      %dma_wait3A_1423 = arith.constant 3 : i32
      %dma_wait3A_1424 = arith.constant 0 : i32
      %dma_wait3A_1425 = tpu.memref_slice %arg12[%dma_wait3A_1423, %dma_wait3A_1424] : memref<4x128xf32, #tpu.memory_space<vmem>> -> memref<1x128xf32, #tpu.memory_space<vmem>>
      %dma_wait3A_1426 = arith.constant 0 : i32
      %dma_wait3A_1427 = tpu.memref_slice %arg2[%squeeze3A_1377, %dma_wait3A_1426] : memref<10000x128xf32, #tpu.memory_space<hbm>> -> memref<1x128xf32, #tpu.memory_space<hbm>>
      tpu.wait_dma2 semaphore(%arg21 : memref<!tpu.dma_semaphore, #tpu.memory_space<semaphore_mem>>) src(%dma_wait3A_1427 : memref<1x128xf32, #tpu.memory_space<hbm>>) dst(%dma_wait3A_1425 : memref<1x128xf32, #tpu.memory_space<vmem>>)
    } else {
    }
    %eq3A_72 = arith.constant 4 : i32
    %eq3A_73 = arith.cmpi eq, %select_n3A_28, %eq3A_72 : i32
    %convert_element_type3A_74 = arith.extui %eq3A_73 : i1 to i32
    %cond3A_75 = arith.constant 0 : i32
    %cond3A_76 = arith.cmpi ne, %convert_element_type3A_74, %cond3A_75 : i32
    scf.if %cond3A_76 {
      %get3A_1336 = arith.constant 0 : i32
      %get3A_1337 = arith.index_cast %get3A_1336 : i32 to index
      %get3A_1338 = arith.constant 16 : index
      %get3A_1339 = tpu.vector_load %arg10[%get3A_1337, %get3A_1338] {strides = array<i32>} : memref<1x32xi32, #tpu.memory_space<vmem>>, vector<16xi32>,
      %slice3A_1340 = vector.extract_strided_slice %get3A_1339 {offsets = [0], sizes = [1], strides = [1]} : vector<16xi32> to vector<1xi32>
      %squeeze3A_1341 = vector.extract %slice3A_1340[0] : i32 from vector<1xi32>
      %dma_start3A_1342 = arith.constant 0 : i32
      %dma_start3A_1343 = arith.constant 0 : i32
      %dma_start3A_1344 = tpu.memref_slice %arg12[%dma_start3A_1342, %dma_start3A_1343] : memref<4x128xf32, #tpu.memory_space<vmem>> -> memref<1x128xf32, #tpu.memory_space<vmem>>
      %dma_start3A_1345 = arith.constant 0 : i32
      %dma_start3A_1346 = tpu.memref_slice %arg2[%squeeze3A_1341, %dma_start3A_1345] : memref<10000x128xf32, #tpu.memory_space<hbm>> -> memref<1x128xf32, #tpu.memory_space<hbm>>
      %dma_start3A_1347 = arith.constant 0 : i32
      %dma_start3A_1348 = arith.constant 0 : i32
      %dma_start3A_1349 = tpu.memref_slice %arg12[%dma_start3A_1347, %dma_start3A_1348] : memref<4x128xf32, #tpu.memory_space<vmem>> -> memref<1x128xf32, #tpu.memory_space<vmem>>
      %dma_start3A_1350 = arith.constant 0 : i32
      %dma_start3A_1351 = tpu.memref_slice %arg2[%squeeze3A_1341, %dma_start3A_1350] : memref<10000x128xf32, #tpu.memory_space<hbm>> -> memref<1x128xf32, #tpu.memory_space<hbm>>
      tpu.enqueue_dma source(%dma_start3A_1351 : memref<1x128xf32, #tpu.memory_space<hbm>>) target(%dma_start3A_1349 : memref<1x128xf32, #tpu.memory_space<vmem>>) target_semaphore(%arg21 : memref<!tpu.dma_semaphore, #tpu.memory_space<semaphore_mem>>)
      %slice3A_1352 = vector.extract_strided_slice %get3A_1339 {offsets = [1], sizes = [1], strides = [1]} : vector<16xi32> to vector<1xi32>
      %squeeze3A_1353 = vector.extract %slice3A_1352[0] : i32 from vector<1xi32>
      %dma_start3A_1354 = arith.constant 1 : i32
      %dma_start3A_1355 = arith.constant 0 : i32
      %dma_start3A_1356 = tpu.memref_slice %arg12[%dma_start3A_1354, %dma_start3A_1355] : memref<4x128xf32, #tpu.memory_space<vmem>> -> memref<1x128xf32, #tpu.memory_space<vmem>>
      %dma_start3A_1357 = arith.constant 0 : i32
      %dma_start3A_1358 = tpu.memref_slice %arg2[%squeeze3A_1353, %dma_start3A_1357] : memref<10000x128xf32, #tpu.memory_space<hbm>> -> memref<1x128xf32, #tpu.memory_space<hbm>>
      %dma_start3A_1359 = arith.constant 1 : i32
      %dma_start3A_1360 = arith.constant 0 : i32
      %dma_start3A_1361 = tpu.memref_slice %arg12[%dma_start3A_1359, %dma_start3A_1360] : memref<4x128xf32, #tpu.memory_space<vmem>> -> memref<1x128xf32, #tpu.memory_space<vmem>>
      %dma_start3A_1362 = arith.constant 0 : i32
      %dma_start3A_1363 = tpu.memref_slice %arg2[%squeeze3A_1353, %dma_start3A_1362] : memref<10000x128xf32, #tpu.memory_space<hbm>> -> memref<1x128xf32, #tpu.memory_space<hbm>>
      tpu.enqueue_dma source(%dma_start3A_1363 : memref<1x128xf32, #tpu.memory_space<hbm>>) target(%dma_start3A_1361 : memref<1x128xf32, #tpu.memory_space<vmem>>) target_semaphore(%arg21 : memref<!tpu.dma_semaphore, #tpu.memory_space<semaphore_mem>>)
      %slice3A_1364 = vector.extract_strided_slice %get3A_1339 {offsets = [2], sizes = [1], strides = [1]} : vector<16xi32> to vector<1xi32>
      %squeeze3A_1365 = vector.extract %slice3A_1364[0] : i32 from vector<1xi32>
      %dma_start3A_1366 = arith.constant 2 : i32
      %dma_start3A_1367 = arith.constant 0 : i32
      %dma_start3A_1368 = tpu.memref_slice %arg12[%dma_start3A_1366, %dma_start3A_1367] : memref<4x128xf32, #tpu.memory_space<vmem>> -> memref<1x128xf32, #tpu.memory_space<vmem>>
      %dma_start3A_1369 = arith.constant 0 : i32
      %dma_start3A_1370 = tpu.memref_slice %arg2[%squeeze3A_1365, %dma_start3A_1369] : memref<10000x128xf32, #tpu.memory_space<hbm>> -> memref<1x128xf32, #tpu.memory_space<hbm>>
      %dma_start3A_1371 = arith.constant 2 : i32
      %dma_start3A_1372 = arith.constant 0 : i32
      %dma_start3A_1373 = tpu.memref_slice %arg12[%dma_start3A_1371, %dma_start3A_1372] : memref<4x128xf32, #tpu.memory_space<vmem>> -> memref<1x128xf32, #tpu.memory_space<vmem>>
      %dma_start3A_1374 = arith.constant 0 : i32
      %dma_start3A_1375 = tpu.memref_slice %arg2[%squeeze3A_1365, %dma_start3A_1374] : memref<10000x128xf32, #tpu.memory_space<hbm>> -> memref<1x128xf32, #tpu.memory_space<hbm>>
      tpu.enqueue_dma source(%dma_start3A_1375 : memref<1x128xf32, #tpu.memory_space<hbm>>) target(%dma_start3A_1373 : memref<1x128xf32, #tpu.memory_space<vmem>>) target_semaphore(%arg21 : memref<!tpu.dma_semaphore, #tpu.memory_space<semaphore_mem>>)
      %slice3A_1376 = vector.extract_strided_slice %get3A_1339 {offsets = [3], sizes = [1], strides = [1]} : vector<16xi32> to vector<1xi32>
      %squeeze3A_1377 = vector.extract %slice3A_1376[0] : i32 from vector<1xi32>
      %dma_start3A_1378 = arith.constant 3 : i32
      %dma_start3A_1379 = arith.constant 0 : i32
      %dma_start3A_1380 = tpu.memref_slice %arg12[%dma_start3A_1378, %dma_start3A_1379] : memref<4x128xf32, #tpu.memory_space<vmem>> -> memref<1x128xf32, #tpu.memory_space<vmem>>
      %dma_start3A_1381 = arith.constant 0 : i32
      %dma_start3A_1382 = tpu.memref_slice %arg2[%squeeze3A_1377, %dma_start3A_1381] : memref<10000x128xf32, #tpu.memory_space<hbm>> -> memref<1x128xf32, #tpu.memory_space<hbm>>
      %dma_start3A_1383 = arith.constant 3 : i32
      %dma_start3A_1384 = arith.constant 0 : i32
      %dma_start3A_1385 = tpu.memref_slice %arg12[%dma_start3A_1383, %dma_start3A_1384] : memref<4x128xf32, #tpu.memory_space<vmem>> -> memref<1x128xf32, #tpu.memory_space<vmem>>
      %dma_start3A_1386 = arith.constant 0 : i32
      %dma_start3A_1387 = tpu.memref_slice %arg2[%squeeze3A_1377, %dma_start3A_1386] : memref<10000x128xf32, #tpu.memory_space<hbm>> -> memref<1x128xf32, #tpu.memory_space<hbm>>
      tpu.enqueue_dma source(%dma_start3A_1387 : memref<1x128xf32, #tpu.memory_space<hbm>>) target(%dma_start3A_1385 : memref<1x128xf32, #tpu.memory_space<vmem>>) target_semaphore(%arg21 : memref<!tpu.dma_semaphore, #tpu.memory_space<semaphore_mem>>)
      %dma_wait3A_1388 = arith.constant 0 : i32
      %dma_wait3A_1389 = arith.constant 0 : i32
      %dma_wait3A_1390 = tpu.memref_slice %arg12[%dma_wait3A_1388, %dma_wait3A_1389] : memref<4x128xf32, #tpu.memory_space<vmem>> -> memref<1x128xf32, #tpu.memory_space<vmem>>
      %dma_wait3A_1391 = arith.constant 0 : i32
      %dma_wait3A_1392 = tpu.memref_slice %arg2[%squeeze3A_1341, %dma_wait3A_1391] : memref<10000x128xf32, #tpu.memory_space<hbm>> -> memref<1x128xf32, #tpu.memory_space<hbm>>
      %dma_wait3A_1393 = arith.constant 0 : i32
      %dma_wait3A_1394 = arith.constant 0 : i32
      %dma_wait3A_1395 = tpu.memref_slice %arg12[%dma_wait3A_1393, %dma_wait3A_1394] : memref<4x128xf32, #tpu.memory_space<vmem>> -> memref<1x128xf32, #tpu.memory_space<vmem>>
      %dma_wait3A_1396 = arith.constant 0 : i32
      %dma_wait3A_1397 = tpu.memref_slice %arg2[%squeeze3A_1341, %dma_wait3A_1396] : memref<10000x128xf32, #tpu.memory_space<hbm>> -> memref<1x128xf32, #tpu.memory_space<hbm>>
      tpu.wait_dma2 semaphore(%arg21 : memref<!tpu.dma_semaphore, #tpu.memory_space<semaphore_mem>>) src(%dma_wait3A_1397 : memref<1x128xf32, #tpu.memory_space<hbm>>) dst(%dma_wait3A_1395 : memref<1x128xf32, #tpu.memory_space<vmem>>)
      %dma_wait3A_1398 = arith.constant 1 : i32
      %dma_wait3A_1399 = arith.constant 0 : i32
      %dma_wait3A_1400 = tpu.memref_slice %arg12[%dma_wait3A_1398, %dma_wait3A_1399] : memref<4x128xf32, #tpu.memory_space<vmem>> -> memref<1x128xf32, #tpu.memory_space<vmem>>
      %dma_wait3A_1401 = arith.constant 0 : i32
      %dma_wait3A_1402 = tpu.memref_slice %arg2[%squeeze3A_1353, %dma_wait3A_1401] : memref<10000x128xf32, #tpu.memory_space<hbm>> -> memref<1x128xf32, #tpu.memory_space<hbm>>
      %dma_wait3A_1403 = arith.constant 1 : i32
      %dma_wait3A_1404 = arith.constant 0 : i32
      %dma_wait3A_1405 = tpu.memref_slice %arg12[%dma_wait3A_1403, %dma_wait3A_1404] : memref<4x128xf32, #tpu.memory_space<vmem>> -> memref<1x128xf32, #tpu.memory_space<vmem>>
      %dma_wait3A_1406 = arith.constant 0 : i32
      %dma_wait3A_1407 = tpu.memref_slice %arg2[%squeeze3A_1353, %dma_wait3A_1406] : memref<10000x128xf32, #tpu.memory_space<hbm>> -> memref<1x128xf32, #tpu.memory_space<hbm>>
      tpu.wait_dma2 semaphore(%arg21 : memref<!tpu.dma_semaphore, #tpu.memory_space<semaphore_mem>>) src(%dma_wait3A_1407 : memref<1x128xf32, #tpu.memory_space<hbm>>) dst(%dma_wait3A_1405 : memref<1x128xf32, #tpu.memory_space<vmem>>)
      %dma_wait3A_1408 = arith.constant 2 : i32
      %dma_wait3A_1409 = arith.constant 0 : i32
      %dma_wait3A_1410 = tpu.memref_slice %arg12[%dma_wait3A_1408, %dma_wait3A_1409] : memref<4x128xf32, #tpu.memory_space<vmem>> -> memref<1x128xf32, #tpu.memory_space<vmem>>
      %dma_wait3A_1411 = arith.constant 0 : i32
      %dma_wait3A_1412 = tpu.memref_slice %arg2[%squeeze3A_1365, %dma_wait3A_1411] : memref<10000x128xf32, #tpu.memory_space<hbm>> -> memref<1x128xf32, #tpu.memory_space<hbm>>
      %dma_wait3A_1413 = arith.constant 2 : i32
      %dma_wait3A_1414 = arith.constant 0 : i32
      %dma_wait3A_1415 = tpu.memref_slice %arg12[%dma_wait3A_1413, %dma_wait3A_1414] : memref<4x128xf32, #tpu.memory_space<vmem>> -> memref<1x128xf32, #tpu.memory_space<vmem>>
      %dma_wait3A_1416 = arith.constant 0 : i32
      %dma_wait3A_1417 = tpu.memref_slice %arg2[%squeeze3A_1365, %dma_wait3A_1416] : memref<10000x128xf32, #tpu.memory_space<hbm>> -> memref<1x128xf32, #tpu.memory_space<hbm>>
      tpu.wait_dma2 semaphore(%arg21 : memref<!tpu.dma_semaphore, #tpu.memory_space<semaphore_mem>>) src(%dma_wait3A_1417 : memref<1x128xf32, #tpu.memory_space<hbm>>) dst(%dma_wait3A_1415 : memref<1x128xf32, #tpu.memory_space<vmem>>)
      %dma_wait3A_1418 = arith.constant 3 : i32
      %dma_wait3A_1419 = arith.constant 0 : i32
      %dma_wait3A_1420 = tpu.memref_slice %arg12[%dma_wait3A_1418, %dma_wait3A_1419] : memref<4x128xf32, #tpu.memory_space<vmem>> -> memref<1x128xf32, #tpu.memory_space<vmem>>
      %dma_wait3A_1421 = arith.constant 0 : i32
      %dma_wait3A_1422 = tpu.memref_slice %arg2[%squeeze3A_1377, %dma_wait3A_1421] : memref<10000x128xf32, #tpu.memory_space<hbm>> -> memref<1x128xf32, #tpu.memory_space<hbm>>
      %dma_wait3A_1423 = arith.constant 3 : i32
      %dma_wait3A_1424 = arith.constant 0 : i32
      %dma_wait3A_1425 = tpu.memref_slice %arg12[%dma_wait3A_1423, %dma_wait3A_1424] : memref<4x128xf32, #tpu.memory_space<vmem>> -> memref<1x128xf32, #tpu.memory_space<vmem>>
      %dma_wait3A_1426 = arith.constant 0 : i32
      %dma_wait3A_1427 = tpu.memref_slice %arg2[%squeeze3A_1377, %dma_wait3A_1426] : memref<10000x128xf32, #tpu.memory_space<hbm>> -> memref<1x128xf32, #tpu.memory_space<hbm>>
      tpu.wait_dma2 semaphore(%arg21 : memref<!tpu.dma_semaphore, #tpu.memory_space<semaphore_mem>>) src(%dma_wait3A_1427 : memref<1x128xf32, #tpu.memory_space<hbm>>) dst(%dma_wait3A_1425 : memref<1x128xf32, #tpu.memory_space<vmem>>)
    } else {
    }
    %eq3A_77 = arith.constant 5 : i32
    %eq3A_78 = arith.cmpi eq, %select_n3A_28, %eq3A_77 : i32
    %convert_element_type3A_79 = arith.extui %eq3A_78 : i1 to i32
    %cond3A_80 = arith.constant 0 : i32
    %cond3A_81 = arith.cmpi ne, %convert_element_type3A_79, %cond3A_80 : i32
    scf.if %cond3A_81 {
      %get3A_1336 = arith.constant 0 : i32
      %get3A_1337 = arith.index_cast %get3A_1336 : i32 to index
      %get3A_1338 = arith.constant 16 : index
      %get3A_1339 = tpu.vector_load %arg10[%get3A_1337, %get3A_1338] {strides = array<i32>} : memref<1x32xi32, #tpu.memory_space<vmem>>, vector<16xi32>,
      %slice3A_1340 = vector.extract_strided_slice %get3A_1339 {offsets = [4], sizes = [1], strides = [1]} : vector<16xi32> to vector<1xi32>
      %squeeze3A_1341 = vector.extract %slice3A_1340[0] : i32 from vector<1xi32>
      %dma_start3A_1342 = arith.constant 0 : i32
      %dma_start3A_1343 = arith.constant 0 : i32
      %dma_start3A_1344 = tpu.memref_slice %arg12[%dma_start3A_1342, %dma_start3A_1343] : memref<4x128xf32, #tpu.memory_space<vmem>> -> memref<1x128xf32, #tpu.memory_space<vmem>>
      %dma_start3A_1345 = arith.constant 0 : i32
      %dma_start3A_1346 = tpu.memref_slice %arg2[%squeeze3A_1341, %dma_start3A_1345] : memref<10000x128xf32, #tpu.memory_space<hbm>> -> memref<1x128xf32, #tpu.memory_space<hbm>>
      %dma_start3A_1347 = arith.constant 0 : i32
      %dma_start3A_1348 = arith.constant 0 : i32
      %dma_start3A_1349 = tpu.memref_slice %arg12[%dma_start3A_1347, %dma_start3A_1348] : memref<4x128xf32, #tpu.memory_space<vmem>> -> memref<1x128xf32, #tpu.memory_space<vmem>>
      %dma_start3A_1350 = arith.constant 0 : i32
      %dma_start3A_1351 = tpu.memref_slice %arg2[%squeeze3A_1341, %dma_start3A_1350] : memref<10000x128xf32, #tpu.memory_space<hbm>> -> memref<1x128xf32, #tpu.memory_space<hbm>>
      tpu.enqueue_dma source(%dma_start3A_1351 : memref<1x128xf32, #tpu.memory_space<hbm>>) target(%dma_start3A_1349 : memref<1x128xf32, #tpu.memory_space<vmem>>) target_semaphore(%arg21 : memref<!tpu.dma_semaphore, #tpu.memory_space<semaphore_mem>>)
      %slice3A_1352 = vector.extract_strided_slice %get3A_1339 {offsets = [5], sizes = [1], strides = [1]} : vector<16xi32> to vector<1xi32>
      %squeeze3A_1353 = vector.extract %slice3A_1352[0] : i32 from vector<1xi32>
      %dma_start3A_1354 = arith.constant 1 : i32
      %dma_start3A_1355 = arith.constant 0 : i32
      %dma_start3A_1356 = tpu.memref_slice %arg12[%dma_start3A_1354, %dma_start3A_1355] : memref<4x128xf32, #tpu.memory_space<vmem>> -> memref<1x128xf32, #tpu.memory_space<vmem>>
      %dma_start3A_1357 = arith.constant 0 : i32
      %dma_start3A_1358 = tpu.memref_slice %arg2[%squeeze3A_1353, %dma_start3A_1357] : memref<10000x128xf32, #tpu.memory_space<hbm>> -> memref<1x128xf32, #tpu.memory_space<hbm>>
      %dma_start3A_1359 = arith.constant 1 : i32
      %dma_start3A_1360 = arith.constant 0 : i32
      %dma_start3A_1361 = tpu.memref_slice %arg12[%dma_start3A_1359, %dma_start3A_1360] : memref<4x128xf32, #tpu.memory_space<vmem>> -> memref<1x128xf32, #tpu.memory_space<vmem>>
      %dma_start3A_1362 = arith.constant 0 : i32
      %dma_start3A_1363 = tpu.memref_slice %arg2[%squeeze3A_1353, %dma_start3A_1362] : memref<10000x128xf32, #tpu.memory_space<hbm>> -> memref<1x128xf32, #tpu.memory_space<hbm>>
      tpu.enqueue_dma source(%dma_start3A_1363 : memref<1x128xf32, #tpu.memory_space<hbm>>) target(%dma_start3A_1361 : memref<1x128xf32, #tpu.memory_space<vmem>>) target_semaphore(%arg21 : memref<!tpu.dma_semaphore, #tpu.memory_space<semaphore_mem>>)
      %slice3A_1364 = vector.extract_strided_slice %get3A_1339 {offsets = [6], sizes = [1], strides = [1]} : vector<16xi32> to vector<1xi32>
      %squeeze3A_1365 = vector.extract %slice3A_1364[0] : i32 from vector<1xi32>
      %dma_start3A_1366 = arith.constant 2 : i32
      %dma_start3A_1367 = arith.constant 0 : i32
      %dma_start3A_1368 = tpu.memref_slice %arg12[%dma_start3A_1366, %dma_start3A_1367] : memref<4x128xf32, #tpu.memory_space<vmem>> -> memref<1x128xf32, #tpu.memory_space<vmem>>
      %dma_start3A_1369 = arith.constant 0 : i32
      %dma_start3A_1370 = tpu.memref_slice %arg2[%squeeze3A_1365, %dma_start3A_1369] : memref<10000x128xf32, #tpu.memory_space<hbm>> -> memref<1x128xf32, #tpu.memory_space<hbm>>
      %dma_start3A_1371 = arith.constant 2 : i32
      %dma_start3A_1372 = arith.constant 0 : i32
      %dma_start3A_1373 = tpu.memref_slice %arg12[%dma_start3A_1371, %dma_start3A_1372] : memref<4x128xf32, #tpu.memory_space<vmem>> -> memref<1x128xf32, #tpu.memory_space<vmem>>
      %dma_start3A_1374 = arith.constant 0 : i32
      %dma_start3A_1375 = tpu.memref_slice %arg2[%squeeze3A_1365, %dma_start3A_1374] : memref<10000x128xf32, #tpu.memory_space<hbm>> -> memref<1x128xf32, #tpu.memory_space<hbm>>
      tpu.enqueue_dma source(%dma_start3A_1375 : memref<1x128xf32, #tpu.memory_space<hbm>>) target(%dma_start3A_1373 : memref<1x128xf32, #tpu.memory_space<vmem>>) target_semaphore(%arg21 : memref<!tpu.dma_semaphore, #tpu.memory_space<semaphore_mem>>)
      %slice3A_1376 = vector.extract_strided_slice %get3A_1339 {offsets = [7], sizes = [1], strides = [1]} : vector<16xi32> to vector<1xi32>
      %squeeze3A_1377 = vector.extract %slice3A_1376[0] : i32 from vector<1xi32>
      %dma_start3A_1378 = arith.constant 3 : i32
      %dma_start3A_1379 = arith.constant 0 : i32
      %dma_start3A_1380 = tpu.memref_slice %arg12[%dma_start3A_1378, %dma_start3A_1379] : memref<4x128xf32, #tpu.memory_space<vmem>> -> memref<1x128xf32, #tpu.memory_space<vmem>>
      %dma_start3A_1381 = arith.constant 0 : i32
      %dma_start3A_1382 = tpu.memref_slice %arg2[%squeeze3A_1377, %dma_start3A_1381] : memref<10000x128xf32, #tpu.memory_space<hbm>> -> memref<1x128xf32, #tpu.memory_space<hbm>>
      %dma_start3A_1383 = arith.constant 3 : i32
      %dma_start3A_1384 = arith.constant 0 : i32
      %dma_start3A_1385 = tpu.memref_slice %arg12[%dma_start3A_1383, %dma_start3A_1384] : memref<4x128xf32, #tpu.memory_space<vmem>> -> memref<1x128xf32, #tpu.memory_space<vmem>>
      %dma_start3A_1386 = arith.constant 0 : i32
      %dma_start3A_1387 = tpu.memref_slice %arg2[%squeeze3A_1377, %dma_start3A_1386] : memref<10000x128xf32, #tpu.memory_space<hbm>> -> memref<1x128xf32, #tpu.memory_space<hbm>>
      tpu.enqueue_dma source(%dma_start3A_1387 : memref<1x128xf32, #tpu.memory_space<hbm>>) target(%dma_start3A_1385 : memref<1x128xf32, #tpu.memory_space<vmem>>) target_semaphore(%arg21 : memref<!tpu.dma_semaphore, #tpu.memory_space<semaphore_mem>>)
      %dma_wait3A_1388 = arith.constant 0 : i32
      %dma_wait3A_1389 = arith.constant 0 : i32
      %dma_wait3A_1390 = tpu.memref_slice %arg12[%dma_wait3A_1388, %dma_wait3A_1389] : memref<4x128xf32, #tpu.memory_space<vmem>> -> memref<1x128xf32, #tpu.memory_space<vmem>>
      %dma_wait3A_1391 = arith.constant 0 : i32
      %dma_wait3A_1392 = tpu.memref_slice %arg2[%squeeze3A_1341, %dma_wait3A_1391] : memref<10000x128xf32, #tpu.memory_space<hbm>> -> memref<1x128xf32, #tpu.memory_space<hbm>>
      %dma_wait3A_1393 = arith.constant 0 : i32
      %dma_wait3A_1394 = arith.constant 0 : i32
      %dma_wait3A_1395 = tpu.memref_slice %arg12[%dma_wait3A_1393, %dma_wait3A_1394] : memref<4x128xf32, #tpu.memory_space<vmem>> -> memref<1x128xf32, #tpu.memory_space<vmem>>
      %dma_wait3A_1396 = arith.constant 0 : i32
      %dma_wait3A_1397 = tpu.memref_slice %arg2[%squeeze3A_1341, %dma_wait3A_1396] : memref<10000x128xf32, #tpu.memory_space<hbm>> -> memref<1x128xf32, #tpu.memory_space<hbm>>
      tpu.wait_dma2 semaphore(%arg21 : memref<!tpu.dma_semaphore, #tpu.memory_space<semaphore_mem>>) src(%dma_wait3A_1397 : memref<1x128xf32, #tpu.memory_space<hbm>>) dst(%dma_wait3A_1395 : memref<1x128xf32, #tpu.memory_space<vmem>>)
      %dma_wait3A_1398 = arith.constant 1 : i32
      %dma_wait3A_1399 = arith.constant 0 : i32
      %dma_wait3A_1400 = tpu.memref_slice %arg12[%dma_wait3A_1398, %dma_wait3A_1399] : memref<4x128xf32, #tpu.memory_space<vmem>> -> memref<1x128xf32, #tpu.memory_space<vmem>>
      %dma_wait3A_1401 = arith.constant 0 : i32
      %dma_wait3A_1402 = tpu.memref_slice %arg2[%squeeze3A_1353, %dma_wait3A_1401] : memref<10000x128xf32, #tpu.memory_space<hbm>> -> memref<1x128xf32, #tpu.memory_space<hbm>>
      %dma_wait3A_1403 = arith.constant 1 : i32
      %dma_wait3A_1404 = arith.constant 0 : i32
      %dma_wait3A_1405 = tpu.memref_slice %arg12[%dma_wait3A_1403, %dma_wait3A_1404] : memref<4x128xf32, #tpu.memory_space<vmem>> -> memref<1x128xf32, #tpu.memory_space<vmem>>
      %dma_wait3A_1406 = arith.constant 0 : i32
      %dma_wait3A_1407 = tpu.memref_slice %arg2[%squeeze3A_1353, %dma_wait3A_1406] : memref<10000x128xf32, #tpu.memory_space<hbm>> -> memref<1x128xf32, #tpu.memory_space<hbm>>
      tpu.wait_dma2 semaphore(%arg21 : memref<!tpu.dma_semaphore, #tpu.memory_space<semaphore_mem>>) src(%dma_wait3A_1407 : memref<1x128xf32, #tpu.memory_space<hbm>>) dst(%dma_wait3A_1405 : memref<1x128xf32, #tpu.memory_space<vmem>>)
      %dma_wait3A_1408 = arith.constant 2 : i32
      %dma_wait3A_1409 = arith.constant 0 : i32
      %dma_wait3A_1410 = tpu.memref_slice %arg12[%dma_wait3A_1408, %dma_wait3A_1409] : memref<4x128xf32, #tpu.memory_space<vmem>> -> memref<1x128xf32, #tpu.memory_space<vmem>>
      %dma_wait3A_1411 = arith.constant 0 : i32
      %dma_wait3A_1412 = tpu.memref_slice %arg2[%squeeze3A_1365, %dma_wait3A_1411] : memref<10000x128xf32, #tpu.memory_space<hbm>> -> memref<1x128xf32, #tpu.memory_space<hbm>>
      %dma_wait3A_1413 = arith.constant 2 : i32
      %dma_wait3A_1414 = arith.constant 0 : i32
      %dma_wait3A_1415 = tpu.memref_slice %arg12[%dma_wait3A_1413, %dma_wait3A_1414] : memref<4x128xf32, #tpu.memory_space<vmem>> -> memref<1x128xf32, #tpu.memory_space<vmem>>
      %dma_wait3A_1416 = arith.constant 0 : i32
      %dma_wait3A_1417 = tpu.memref_slice %arg2[%squeeze3A_1365, %dma_wait3A_1416] : memref<10000x128xf32, #tpu.memory_space<hbm>> -> memref<1x128xf32, #tpu.memory_space<hbm>>
      tpu.wait_dma2 semaphore(%arg21 : memref<!tpu.dma_semaphore, #tpu.memory_space<semaphore_mem>>) src(%dma_wait3A_1417 : memref<1x128xf32, #tpu.memory_space<hbm>>) dst(%dma_wait3A_1415 : memref<1x128xf32, #tpu.memory_space<vmem>>)
      %dma_wait3A_1418 = arith.constant 3 : i32
      %dma_wait3A_1419 = arith.constant 0 : i32
      %dma_wait3A_1420 = tpu.memref_slice %arg12[%dma_wait3A_1418, %dma_wait3A_1419] : memref<4x128xf32, #tpu.memory_space<vmem>> -> memref<1x128xf32, #tpu.memory_space<vmem>>
      %dma_wait3A_1421 = arith.constant 0 : i32
      %dma_wait3A_1422 = tpu.memref_slice %arg2[%squeeze3A_1377, %dma_wait3A_1421] : memref<10000x128xf32, #tpu.memory_space<hbm>> -> memref<1x128xf32, #tpu.memory_space<hbm>>
      %dma_wait3A_1423 = arith.constant 3 : i32
      %dma_wait3A_1424 = arith.constant 0 : i32
      %dma_wait3A_1425 = tpu.memref_slice %arg12[%dma_wait3A_1423, %dma_wait3A_1424] : memref<4x128xf32, #tpu.memory_space<vmem>> -> memref<1x128xf32, #tpu.memory_space<vmem>>
      %dma_wait3A_1426 = arith.constant 0 : i32
      %dma_wait3A_1427 = tpu.memref_slice %arg2[%squeeze3A_1377, %dma_wait3A_1426] : memref<10000x128xf32, #tpu.memory_space<hbm>> -> memref<1x128xf32, #tpu.memory_space<hbm>>
      tpu.wait_dma2 semaphore(%arg21 : memref<!tpu.dma_semaphore, #tpu.memory_space<semaphore_mem>>) src(%dma_wait3A_1427 : memref<1x128xf32, #tpu.memory_space<hbm>>) dst(%dma_wait3A_1425 : memref<1x128xf32, #tpu.memory_space<vmem>>)
    } else {
    }
    %eq3A_82 = arith.constant 6 : i32
    %eq3A_83 = arith.cmpi eq, %select_n3A_28, %eq3A_82 : i32
    %convert_element_type3A_84 = arith.extui %eq3A_83 : i1 to i32
    %cond3A_85 = arith.constant 0 : i32
    %cond3A_86 = arith.cmpi ne, %convert_element_type3A_84, %cond3A_85 : i32
    scf.if %cond3A_86 {
      %get3A_1336 = arith.constant 0 : i32
      %get3A_1337 = arith.index_cast %get3A_1336 : i32 to index
      %get3A_1338 = arith.constant 16 : index
      %get3A_1339 = tpu.vector_load %arg10[%get3A_1337, %get3A_1338] {strides = array<i32>} : memref<1x32xi32, #tpu.memory_space<vmem>>, vector<16xi32>,
      %slice3A_1340 = vector.extract_strided_slice %get3A_1339 {offsets = [8], sizes = [1], strides = [1]} : vector<16xi32> to vector<1xi32>
      %squeeze3A_1341 = vector.extract %slice3A_1340[0] : i32 from vector<1xi32>
      %dma_start3A_1342 = arith.constant 0 : i32
      %dma_start3A_1343 = arith.constant 0 : i32
      %dma_start3A_1344 = tpu.memref_slice %arg12[%dma_start3A_1342, %dma_start3A_1343] : memref<4x128xf32, #tpu.memory_space<vmem>> -> memref<1x128xf32, #tpu.memory_space<vmem>>
      %dma_start3A_1345 = arith.constant 0 : i32
      %dma_start3A_1346 = tpu.memref_slice %arg2[%squeeze3A_1341, %dma_start3A_1345] : memref<10000x128xf32, #tpu.memory_space<hbm>> -> memref<1x128xf32, #tpu.memory_space<hbm>>
      %dma_start3A_1347 = arith.constant 0 : i32
      %dma_start3A_1348 = arith.constant 0 : i32
      %dma_start3A_1349 = tpu.memref_slice %arg12[%dma_start3A_1347, %dma_start3A_1348] : memref<4x128xf32, #tpu.memory_space<vmem>> -> memref<1x128xf32, #tpu.memory_space<vmem>>
      %dma_start3A_1350 = arith.constant 0 : i32
      %dma_start3A_1351 = tpu.memref_slice %arg2[%squeeze3A_1341, %dma_start3A_1350] : memref<10000x128xf32, #tpu.memory_space<hbm>> -> memref<1x128xf32, #tpu.memory_space<hbm>>
      tpu.enqueue_dma source(%dma_start3A_1351 : memref<1x128xf32, #tpu.memory_space<hbm>>) target(%dma_start3A_1349 : memref<1x128xf32, #tpu.memory_space<vmem>>) target_semaphore(%arg21 : memref<!tpu.dma_semaphore, #tpu.memory_space<semaphore_mem>>)
      %slice3A_1352 = vector.extract_strided_slice %get3A_1339 {offsets = [9], sizes = [1], strides = [1]} : vector<16xi32> to vector<1xi32>
      %squeeze3A_1353 = vector.extract %slice3A_1352[0] : i32 from vector<1xi32>
      %dma_start3A_1354 = arith.constant 1 : i32
      %dma_start3A_1355 = arith.constant 0 : i32
      %dma_start3A_1356 = tpu.memref_slice %arg12[%dma_start3A_1354, %dma_start3A_1355] : memref<4x128xf32, #tpu.memory_space<vmem>> -> memref<1x128xf32, #tpu.memory_space<vmem>>
      %dma_start3A_1357 = arith.constant 0 : i32
      %dma_start3A_1358 = tpu.memref_slice %arg2[%squeeze3A_1353, %dma_start3A_1357] : memref<10000x128xf32, #tpu.memory_space<hbm>> -> memref<1x128xf32, #tpu.memory_space<hbm>>
      %dma_start3A_1359 = arith.constant 1 : i32
      %dma_start3A_1360 = arith.constant 0 : i32
      %dma_start3A_1361 = tpu.memref_slice %arg12[%dma_start3A_1359, %dma_start3A_1360] : memref<4x128xf32, #tpu.memory_space<vmem>> -> memref<1x128xf32, #tpu.memory_space<vmem>>
      %dma_start3A_1362 = arith.constant 0 : i32
      %dma_start3A_1363 = tpu.memref_slice %arg2[%squeeze3A_1353, %dma_start3A_1362] : memref<10000x128xf32, #tpu.memory_space<hbm>> -> memref<1x128xf32, #tpu.memory_space<hbm>>
      tpu.enqueue_dma source(%dma_start3A_1363 : memref<1x128xf32, #tpu.memory_space<hbm>>) target(%dma_start3A_1361 : memref<1x128xf32, #tpu.memory_space<vmem>>) target_semaphore(%arg21 : memref<!tpu.dma_semaphore, #tpu.memory_space<semaphore_mem>>)
      %slice3A_1364 = vector.extract_strided_slice %get3A_1339 {offsets = [10], sizes = [1], strides = [1]} : vector<16xi32> to vector<1xi32>
      %squeeze3A_1365 = vector.extract %slice3A_1364[0] : i32 from vector<1xi32>
      %dma_start3A_1366 = arith.constant 2 : i32
      %dma_start3A_1367 = arith.constant 0 : i32
      %dma_start3A_1368 = tpu.memref_slice %arg12[%dma_start3A_1366, %dma_start3A_1367] : memref<4x128xf32, #tpu.memory_space<vmem>> -> memref<1x128xf32, #tpu.memory_space<vmem>>
      %dma_start3A_1369 = arith.constant 0 : i32
      %dma_start3A_1370 = tpu.memref_slice %arg2[%squeeze3A_1365, %dma_start3A_1369] : memref<10000x128xf32, #tpu.memory_space<hbm>> -> memref<1x128xf32, #tpu.memory_space<hbm>>
      %dma_start3A_1371 = arith.constant 2 : i32
      %dma_start3A_1372 = arith.constant 0 : i32
      %dma_start3A_1373 = tpu.memref_slice %arg12[%dma_start3A_1371, %dma_start3A_1372] : memref<4x128xf32, #tpu.memory_space<vmem>> -> memref<1x128xf32, #tpu.memory_space<vmem>>
      %dma_start3A_1374 = arith.constant 0 : i32
      %dma_start3A_1375 = tpu.memref_slice %arg2[%squeeze3A_1365, %dma_start3A_1374] : memref<10000x128xf32, #tpu.memory_space<hbm>> -> memref<1x128xf32, #tpu.memory_space<hbm>>
      tpu.enqueue_dma source(%dma_start3A_1375 : memref<1x128xf32, #tpu.memory_space<hbm>>) target(%dma_start3A_1373 : memref<1x128xf32, #tpu.memory_space<vmem>>) target_semaphore(%arg21 : memref<!tpu.dma_semaphore, #tpu.memory_space<semaphore_mem>>)
      %slice3A_1376 = vector.extract_strided_slice %get3A_1339 {offsets = [11], sizes = [1], strides = [1]} : vector<16xi32> to vector<1xi32>
      %squeeze3A_1377 = vector.extract %slice3A_1376[0] : i32 from vector<1xi32>
      %dma_start3A_1378 = arith.constant 3 : i32
      %dma_start3A_1379 = arith.constant 0 : i32
      %dma_start3A_1380 = tpu.memref_slice %arg12[%dma_start3A_1378, %dma_start3A_1379] : memref<4x128xf32, #tpu.memory_space<vmem>> -> memref<1x128xf32, #tpu.memory_space<vmem>>
      %dma_start3A_1381 = arith.constant 0 : i32
      %dma_start3A_1382 = tpu.memref_slice %arg2[%squeeze3A_1377, %dma_start3A_1381] : memref<10000x128xf32, #tpu.memory_space<hbm>> -> memref<1x128xf32, #tpu.memory_space<hbm>>
      %dma_start3A_1383 = arith.constant 3 : i32
      %dma_start3A_1384 = arith.constant 0 : i32
      %dma_start3A_1385 = tpu.memref_slice %arg12[%dma_start3A_1383, %dma_start3A_1384] : memref<4x128xf32, #tpu.memory_space<vmem>> -> memref<1x128xf32, #tpu.memory_space<vmem>>
      %dma_start3A_1386 = arith.constant 0 : i32
      %dma_start3A_1387 = tpu.memref_slice %arg2[%squeeze3A_1377, %dma_start3A_1386] : memref<10000x128xf32, #tpu.memory_space<hbm>> -> memref<1x128xf32, #tpu.memory_space<hbm>>
      tpu.enqueue_dma source(%dma_start3A_1387 : memref<1x128xf32, #tpu.memory_space<hbm>>) target(%dma_start3A_1385 : memref<1x128xf32, #tpu.memory_space<vmem>>) target_semaphore(%arg21 : memref<!tpu.dma_semaphore, #tpu.memory_space<semaphore_mem>>)
      %dma_wait3A_1388 = arith.constant 0 : i32
      %dma_wait3A_1389 = arith.constant 0 : i32
      %dma_wait3A_1390 = tpu.memref_slice %arg12[%dma_wait3A_1388, %dma_wait3A_1389] : memref<4x128xf32, #tpu.memory_space<vmem>> -> memref<1x128xf32, #tpu.memory_space<vmem>>
      %dma_wait3A_1391 = arith.constant 0 : i32
      %dma_wait3A_1392 = tpu.memref_slice %arg2[%squeeze3A_1341, %dma_wait3A_1391] : memref<10000x128xf32, #tpu.memory_space<hbm>> -> memref<1x128xf32, #tpu.memory_space<hbm>>
      %dma_wait3A_1393 = arith.constant 0 : i32
      %dma_wait3A_1394 = arith.constant 0 : i32
      %dma_wait3A_1395 = tpu.memref_slice %arg12[%dma_wait3A_1393, %dma_wait3A_1394] : memref<4x128xf32, #tpu.memory_space<vmem>> -> memref<1x128xf32, #tpu.memory_space<vmem>>
      %dma_wait3A_1396 = arith.constant 0 : i32
      %dma_wait3A_1397 = tpu.memref_slice %arg2[%squeeze3A_1341, %dma_wait3A_1396] : memref<10000x128xf32, #tpu.memory_space<hbm>> -> memref<1x128xf32, #tpu.memory_space<hbm>>
      tpu.wait_dma2 semaphore(%arg21 : memref<!tpu.dma_semaphore, #tpu.memory_space<semaphore_mem>>) src(%dma_wait3A_1397 : memref<1x128xf32, #tpu.memory_space<hbm>>) dst(%dma_wait3A_1395 : memref<1x128xf32, #tpu.memory_space<vmem>>)
      %dma_wait3A_1398 = arith.constant 1 : i32
      %dma_wait3A_1399 = arith.constant 0 : i32
      %dma_wait3A_1400 = tpu.memref_slice %arg12[%dma_wait3A_1398, %dma_wait3A_1399] : memref<4x128xf32, #tpu.memory_space<vmem>> -> memref<1x128xf32, #tpu.memory_space<vmem>>
      %dma_wait3A_1401 = arith.constant 0 : i32
      %dma_wait3A_1402 = tpu.memref_slice %arg2[%squeeze3A_1353, %dma_wait3A_1401] : memref<10000x128xf32, #tpu.memory_space<hbm>> -> memref<1x128xf32, #tpu.memory_space<hbm>>
      %dma_wait3A_1403 = arith.constant 1 : i32
      %dma_wait3A_1404 = arith.constant 0 : i32
      %dma_wait3A_1405 = tpu.memref_slice %arg12[%dma_wait3A_1403, %dma_wait3A_1404] : memref<4x128xf32, #tpu.memory_space<vmem>> -> memref<1x128xf32, #tpu.memory_space<vmem>>
      %dma_wait3A_1406 = arith.constant 0 : i32
      %dma_wait3A_1407 = tpu.memref_slice %arg2[%squeeze3A_1353, %dma_wait3A_1406] : memref<10000x128xf32, #tpu.memory_space<hbm>> -> memref<1x128xf32, #tpu.memory_space<hbm>>
      tpu.wait_dma2 semaphore(%arg21 : memref<!tpu.dma_semaphore, #tpu.memory_space<semaphore_mem>>) src(%dma_wait3A_1407 : memref<1x128xf32, #tpu.memory_space<hbm>>) dst(%dma_wait3A_1405 : memref<1x128xf32, #tpu.memory_space<vmem>>)
      %dma_wait3A_1408 = arith.constant 2 : i32
      %dma_wait3A_1409 = arith.constant 0 : i32
      %dma_wait3A_1410 = tpu.memref_slice %arg12[%dma_wait3A_1408, %dma_wait3A_1409] : memref<4x128xf32, #tpu.memory_space<vmem>> -> memref<1x128xf32, #tpu.memory_space<vmem>>
      %dma_wait3A_1411 = arith.constant 0 : i32
      %dma_wait3A_1412 = tpu.memref_slice %arg2[%squeeze3A_1365, %dma_wait3A_1411] : memref<10000x128xf32, #tpu.memory_space<hbm>> -> memref<1x128xf32, #tpu.memory_space<hbm>>
      %dma_wait3A_1413 = arith.constant 2 : i32
      %dma_wait3A_1414 = arith.constant 0 : i32
      %dma_wait3A_1415 = tpu.memref_slice %arg12[%dma_wait3A_1413, %dma_wait3A_1414] : memref<4x128xf32, #tpu.memory_space<vmem>> -> memref<1x128xf32, #tpu.memory_space<vmem>>
      %dma_wait3A_1416 = arith.constant 0 : i32
      %dma_wait3A_1417 = tpu.memref_slice %arg2[%squeeze3A_1365, %dma_wait3A_1416] : memref<10000x128xf32, #tpu.memory_space<hbm>> -> memref<1x128xf32, #tpu.memory_space<hbm>>
      tpu.wait_dma2 semaphore(%arg21 : memref<!tpu.dma_semaphore, #tpu.memory_space<semaphore_mem>>) src(%dma_wait3A_1417 : memref<1x128xf32, #tpu.memory_space<hbm>>) dst(%dma_wait3A_1415 : memref<1x128xf32, #tpu.memory_space<vmem>>)
      %dma_wait3A_1418 = arith.constant 3 : i32
      %dma_wait3A_1419 = arith.constant 0 : i32
      %dma_wait3A_1420 = tpu.memref_slice %arg12[%dma_wait3A_1418, %dma_wait3A_1419] : memref<4x128xf32, #tpu.memory_space<vmem>> -> memref<1x128xf32, #tpu.memory_space<vmem>>
      %dma_wait3A_1421 = arith.constant 0 : i32
      %dma_wait3A_1422 = tpu.memref_slice %arg2[%squeeze3A_1377, %dma_wait3A_1421] : memref<10000x128xf32, #tpu.memory_space<hbm>> -> memref<1x128xf32, #tpu.memory_space<hbm>>
      %dma_wait3A_1423 = arith.constant 3 : i32
      %dma_wait3A_1424 = arith.constant 0 : i32
      %dma_wait3A_1425 = tpu.memref_slice %arg12[%dma_wait3A_1423, %dma_wait3A_1424] : memref<4x128xf32, #tpu.memory_space<vmem>> -> memref<1x128xf32, #tpu.memory_space<vmem>>
      %dma_wait3A_1426 = arith.constant 0 : i32
      %dma_wait3A_1427 = tpu.memref_slice %arg2[%squeeze3A_1377, %dma_wait3A_1426] : memref<10000x128xf32, #tpu.memory_space<hbm>> -> memref<1x128xf32, #tpu.memory_space<hbm>>
      tpu.wait_dma2 semaphore(%arg21 : memref<!tpu.dma_semaphore, #tpu.memory_space<semaphore_mem>>) src(%dma_wait3A_1427 : memref<1x128xf32, #tpu.memory_space<hbm>>) dst(%dma_wait3A_1425 : memref<1x128xf32, #tpu.memory_space<vmem>>)
    } else {
    }
    %eq3A_87 = arith.constant 7 : i32
    %eq3A_88 = arith.cmpi eq, %select_n3A_28, %eq3A_87 : i32
    %convert_element_type3A_89 = arith.extui %eq3A_88 : i1 to i32
    %cond3A_90 = arith.constant 0 : i32
    %cond3A_91 = arith.cmpi ne, %convert_element_type3A_89, %cond3A_90 : i32
    scf.if %cond3A_91 {
      %get3A_1336 = arith.constant 0 : i32
      %get3A_1337 = arith.index_cast %get3A_1336 : i32 to index
      %get3A_1338 = arith.constant 16 : index
      %get3A_1339 = tpu.vector_load %arg10[%get3A_1337, %get3A_1338] {strides = array<i32>} : memref<1x32xi32, #tpu.memory_space<vmem>>, vector<16xi32>,
      %slice3A_1340 = vector.extract_strided_slice %get3A_1339 {offsets = [12], sizes = [1], strides = [1]} : vector<16xi32> to vector<1xi32>
      %squeeze3A_1341 = vector.extract %slice3A_1340[0] : i32 from vector<1xi32>
      %dma_start3A_1342 = arith.constant 0 : i32
      %dma_start3A_1343 = arith.constant 0 : i32
      %dma_start3A_1344 = tpu.memref_slice %arg12[%dma_start3A_1342, %dma_start3A_1343] : memref<4x128xf32, #tpu.memory_space<vmem>> -> memref<1x128xf32, #tpu.memory_space<vmem>>
      %dma_start3A_1345 = arith.constant 0 : i32
      %dma_start3A_1346 = tpu.memref_slice %arg2[%squeeze3A_1341, %dma_start3A_1345] : memref<10000x128xf32, #tpu.memory_space<hbm>> -> memref<1x128xf32, #tpu.memory_space<hbm>>
      %dma_start3A_1347 = arith.constant 0 : i32
      %dma_start3A_1348 = arith.constant 0 : i32
      %dma_start3A_1349 = tpu.memref_slice %arg12[%dma_start3A_1347, %dma_start3A_1348] : memref<4x128xf32, #tpu.memory_space<vmem>> -> memref<1x128xf32, #tpu.memory_space<vmem>>
      %dma_start3A_1350 = arith.constant 0 : i32
      %dma_start3A_1351 = tpu.memref_slice %arg2[%squeeze3A_1341, %dma_start3A_1350] : memref<10000x128xf32, #tpu.memory_space<hbm>> -> memref<1x128xf32, #tpu.memory_space<hbm>>
      tpu.enqueue_dma source(%dma_start3A_1351 : memref<1x128xf32, #tpu.memory_space<hbm>>) target(%dma_start3A_1349 : memref<1x128xf32, #tpu.memory_space<vmem>>) target_semaphore(%arg21 : memref<!tpu.dma_semaphore, #tpu.memory_space<semaphore_mem>>)
      %slice3A_1352 = vector.extract_strided_slice %get3A_1339 {offsets = [13], sizes = [1], strides = [1]} : vector<16xi32> to vector<1xi32>
      %squeeze3A_1353 = vector.extract %slice3A_1352[0] : i32 from vector<1xi32>
      %dma_start3A_1354 = arith.constant 1 : i32
      %dma_start3A_1355 = arith.constant 0 : i32
      %dma_start3A_1356 = tpu.memref_slice %arg12[%dma_start3A_1354, %dma_start3A_1355] : memref<4x128xf32, #tpu.memory_space<vmem>> -> memref<1x128xf32, #tpu.memory_space<vmem>>
      %dma_start3A_1357 = arith.constant 0 : i32
      %dma_start3A_1358 = tpu.memref_slice %arg2[%squeeze3A_1353, %dma_start3A_1357] : memref<10000x128xf32, #tpu.memory_space<hbm>> -> memref<1x128xf32, #tpu.memory_space<hbm>>
      %dma_start3A_1359 = arith.constant 1 : i32
      %dma_start3A_1360 = arith.constant 0 : i32
      %dma_start3A_1361 = tpu.memref_slice %arg12[%dma_start3A_1359, %dma_start3A_1360] : memref<4x128xf32, #tpu.memory_space<vmem>> -> memref<1x128xf32, #tpu.memory_space<vmem>>
      %dma_start3A_1362 = arith.constant 0 : i32
      %dma_start3A_1363 = tpu.memref_slice %arg2[%squeeze3A_1353, %dma_start3A_1362] : memref<10000x128xf32, #tpu.memory_space<hbm>> -> memref<1x128xf32, #tpu.memory_space<hbm>>
      tpu.enqueue_dma source(%dma_start3A_1363 : memref<1x128xf32, #tpu.memory_space<hbm>>) target(%dma_start3A_1361 : memref<1x128xf32, #tpu.memory_space<vmem>>) target_semaphore(%arg21 : memref<!tpu.dma_semaphore, #tpu.memory_space<semaphore_mem>>)
      %slice3A_1364 = vector.extract_strided_slice %get3A_1339 {offsets = [14], sizes = [1], strides = [1]} : vector<16xi32> to vector<1xi32>
      %squeeze3A_1365 = vector.extract %slice3A_1364[0] : i32 from vector<1xi32>
      %dma_start3A_1366 = arith.constant 2 : i32
      %dma_start3A_1367 = arith.constant 0 : i32
      %dma_start3A_1368 = tpu.memref_slice %arg12[%dma_start3A_1366, %dma_start3A_1367] : memref<4x128xf32, #tpu.memory_space<vmem>> -> memref<1x128xf32, #tpu.memory_space<vmem>>
      %dma_start3A_1369 = arith.constant 0 : i32
      %dma_start3A_1370 = tpu.memref_slice %arg2[%squeeze3A_1365, %dma_start3A_1369] : memref<10000x128xf32, #tpu.memory_space<hbm>> -> memref<1x128xf32, #tpu.memory_space<hbm>>
      %dma_start3A_1371 = arith.constant 2 : i32
      %dma_start3A_1372 = arith.constant 0 : i32
      %dma_start3A_1373 = tpu.memref_slice %arg12[%dma_start3A_1371, %dma_start3A_1372] : memref<4x128xf32, #tpu.memory_space<vmem>> -> memref<1x128xf32, #tpu.memory_space<vmem>>
      %dma_start3A_1374 = arith.constant 0 : i32
      %dma_start3A_1375 = tpu.memref_slice %arg2[%squeeze3A_1365, %dma_start3A_1374] : memref<10000x128xf32, #tpu.memory_space<hbm>> -> memref<1x128xf32, #tpu.memory_space<hbm>>
      tpu.enqueue_dma source(%dma_start3A_1375 : memref<1x128xf32, #tpu.memory_space<hbm>>) target(%dma_start3A_1373 : memref<1x128xf32, #tpu.memory_space<vmem>>) target_semaphore(%arg21 : memref<!tpu.dma_semaphore, #tpu.memory_space<semaphore_mem>>)
      %slice3A_1376 = vector.extract_strided_slice %get3A_1339 {offsets = [15], sizes = [1], strides = [1]} : vector<16xi32> to vector<1xi32>
      %squeeze3A_1377 = vector.extract %slice3A_1376[0] : i32 from vector<1xi32>
      %dma_start3A_1378 = arith.constant 3 : i32
      %dma_start3A_1379 = arith.constant 0 : i32
      %dma_start3A_1380 = tpu.memref_slice %arg12[%dma_start3A_1378, %dma_start3A_1379] : memref<4x128xf32, #tpu.memory_space<vmem>> -> memref<1x128xf32, #tpu.memory_space<vmem>>
      %dma_start3A_1381 = arith.constant 0 : i32
      %dma_start3A_1382 = tpu.memref_slice %arg2[%squeeze3A_1377, %dma_start3A_1381] : memref<10000x128xf32, #tpu.memory_space<hbm>> -> memref<1x128xf32, #tpu.memory_space<hbm>>
      %dma_start3A_1383 = arith.constant 3 : i32
      %dma_start3A_1384 = arith.constant 0 : i32
      %dma_start3A_1385 = tpu.memref_slice %arg12[%dma_start3A_1383, %dma_start3A_1384] : memref<4x128xf32, #tpu.memory_space<vmem>> -> memref<1x128xf32, #tpu.memory_space<vmem>>
      %dma_start3A_1386 = arith.constant 0 : i32
      %dma_start3A_1387 = tpu.memref_slice %arg2[%squeeze3A_1377, %dma_start3A_1386] : memref<10000x128xf32, #tpu.memory_space<hbm>> -> memref<1x128xf32, #tpu.memory_space<hbm>>
      tpu.enqueue_dma source(%dma_start3A_1387 : memref<1x128xf32, #tpu.memory_space<hbm>>) target(%dma_start3A_1385 : memref<1x128xf32, #tpu.memory_space<vmem>>) target_semaphore(%arg21 : memref<!tpu.dma_semaphore, #tpu.memory_space<semaphore_mem>>)
      %dma_wait3A_1388 = arith.constant 0 : i32
      %dma_wait3A_1389 = arith.constant 0 : i32
      %dma_wait3A_1390 = tpu.memref_slice %arg12[%dma_wait3A_1388, %dma_wait3A_1389] : memref<4x128xf32, #tpu.memory_space<vmem>> -> memref<1x128xf32, #tpu.memory_space<vmem>>
      %dma_wait3A_1391 = arith.constant 0 : i32
      %dma_wait3A_1392 = tpu.memref_slice %arg2[%squeeze3A_1341, %dma_wait3A_1391] : memref<10000x128xf32, #tpu.memory_space<hbm>> -> memref<1x128xf32, #tpu.memory_space<hbm>>
      %dma_wait3A_1393 = arith.constant 0 : i32
      %dma_wait3A_1394 = arith.constant 0 : i32
      %dma_wait3A_1395 = tpu.memref_slice %arg12[%dma_wait3A_1393, %dma_wait3A_1394] : memref<4x128xf32, #tpu.memory_space<vmem>> -> memref<1x128xf32, #tpu.memory_space<vmem>>
      %dma_wait3A_1396 = arith.constant 0 : i32
      %dma_wait3A_1397 = tpu.memref_slice %arg2[%squeeze3A_1341, %dma_wait3A_1396] : memref<10000x128xf32, #tpu.memory_space<hbm>> -> memref<1x128xf32, #tpu.memory_space<hbm>>
      tpu.wait_dma2 semaphore(%arg21 : memref<!tpu.dma_semaphore, #tpu.memory_space<semaphore_mem>>) src(%dma_wait3A_1397 : memref<1x128xf32, #tpu.memory_space<hbm>>) dst(%dma_wait3A_1395 : memref<1x128xf32, #tpu.memory_space<vmem>>)
      %dma_wait3A_1398 = arith.constant 1 : i32
      %dma_wait3A_1399 = arith.constant 0 : i32
      %dma_wait3A_1400 = tpu.memref_slice %arg12[%dma_wait3A_1398, %dma_wait3A_1399] : memref<4x128xf32, #tpu.memory_space<vmem>> -> memref<1x128xf32, #tpu.memory_space<vmem>>
      %dma_wait3A_1401 = arith.constant 0 : i32
      %dma_wait3A_1402 = tpu.memref_slice %arg2[%squeeze3A_1353, %dma_wait3A_1401] : memref<10000x128xf32, #tpu.memory_space<hbm>> -> memref<1x128xf32, #tpu.memory_space<hbm>>
      %dma_wait3A_1403 = arith.constant 1 : i32
      %dma_wait3A_1404 = arith.constant 0 : i32
      %dma_wait3A_1405 = tpu.memref_slice %arg12[%dma_wait3A_1403, %dma_wait3A_1404] : memref<4x128xf32, #tpu.memory_space<vmem>> -> memref<1x128xf32, #tpu.memory_space<vmem>>
      %dma_wait3A_1406 = arith.constant 0 : i32
      %dma_wait3A_1407 = tpu.memref_slice %arg2[%squeeze3A_1353, %dma_wait3A_1406] : memref<10000x128xf32, #tpu.memory_space<hbm>> -> memref<1x128xf32, #tpu.memory_space<hbm>>
      tpu.wait_dma2 semaphore(%arg21 : memref<!tpu.dma_semaphore, #tpu.memory_space<semaphore_mem>>) src(%dma_wait3A_1407 : memref<1x128xf32, #tpu.memory_space<hbm>>) dst(%dma_wait3A_1405 : memref<1x128xf32, #tpu.memory_space<vmem>>)
      %dma_wait3A_1408 = arith.constant 2 : i32
      %dma_wait3A_1409 = arith.constant 0 : i32
      %dma_wait3A_1410 = tpu.memref_slice %arg12[%dma_wait3A_1408, %dma_wait3A_1409] : memref<4x128xf32, #tpu.memory_space<vmem>> -> memref<1x128xf32, #tpu.memory_space<vmem>>
      %dma_wait3A_1411 = arith.constant 0 : i32
      %dma_wait3A_1412 = tpu.memref_slice %arg2[%squeeze3A_1365, %dma_wait3A_1411] : memref<10000x128xf32, #tpu.memory_space<hbm>> -> memref<1x128xf32, #tpu.memory_space<hbm>>
      %dma_wait3A_1413 = arith.constant 2 : i32
      %dma_wait3A_1414 = arith.constant 0 : i32
      %dma_wait3A_1415 = tpu.memref_slice %arg12[%dma_wait3A_1413, %dma_wait3A_1414] : memref<4x128xf32, #tpu.memory_space<vmem>> -> memref<1x128xf32, #tpu.memory_space<vmem>>
      %dma_wait3A_1416 = arith.constant 0 : i32
      %dma_wait3A_1417 = tpu.memref_slice %arg2[%squeeze3A_1365, %dma_wait3A_1416] : memref<10000x128xf32, #tpu.memory_space<hbm>> -> memref<1x128xf32, #tpu.memory_space<hbm>>
      tpu.wait_dma2 semaphore(%arg21 : memref<!tpu.dma_semaphore, #tpu.memory_space<semaphore_mem>>) src(%dma_wait3A_1417 : memref<1x128xf32, #tpu.memory_space<hbm>>) dst(%dma_wait3A_1415 : memref<1x128xf32, #tpu.memory_space<vmem>>)
      %dma_wait3A_1418 = arith.constant 3 : i32
      %dma_wait3A_1419 = arith.constant 0 : i32
      %dma_wait3A_1420 = tpu.memref_slice %arg12[%dma_wait3A_1418, %dma_wait3A_1419] : memref<4x128xf32, #tpu.memory_space<vmem>> -> memref<1x128xf32, #tpu.memory_space<vmem>>
      %dma_wait3A_1421 = arith.constant 0 : i32
      %dma_wait3A_1422 = tpu.memref_slice %arg2[%squeeze3A_1377, %dma_wait3A_1421] : memref<10000x128xf32, #tpu.memory_space<hbm>> -> memref<1x128xf32, #tpu.memory_space<hbm>>
      %dma_wait3A_1423 = arith.constant 3 : i32
      %dma_wait3A_1424 = arith.constant 0 : i32
      %dma_wait3A_1425 = tpu.memref_slice %arg12[%dma_wait3A_1423, %dma_wait3A_1424] : memref<4x128xf32, #tpu.memory_space<vmem>> -> memref<1x128xf32, #tpu.memory_space<vmem>>
      %dma_wait3A_1426 = arith.constant 0 : i32
      %dma_wait3A_1427 = tpu.memref_slice %arg2[%squeeze3A_1377, %dma_wait3A_1426] : memref<10000x128xf32, #tpu.memory_space<hbm>> -> memref<1x128xf32, #tpu.memory_space<hbm>>
      tpu.wait_dma2 semaphore(%arg21 : memref<!tpu.dma_semaphore, #tpu.memory_space<semaphore_mem>>) src(%dma_wait3A_1427 : memref<1x128xf32, #tpu.memory_space<hbm>>) dst(%dma_wait3A_1425 : memref<1x128xf32, #tpu.memory_space<vmem>>)
    } else {
    }
    tpu.wait_dma2 semaphore(%arg22 : memref<!tpu.dma_semaphore, #tpu.memory_space<semaphore_mem>>) src(%arg3 : memref<2x128xf32, #tpu.memory_space<hbm>>) dst(%arg13 : memref<2x128xf32, #tpu.memory_space<vmem>>)
    %dma_wait3A_92 = arith.constant 0 : i32
    %dma_wait3A_93 = tpu.memref_slice %arg9[%dma_wait3A_92] : memref<16xf32, #tpu.memory_space<vmem>> -> memref<1xf32, #tpu.memory_space<vmem>>
    %dma_wait3A_94 = arith.constant 0 : i32
    %dma_wait3A_95 = tpu.memref_slice %arg9[%dma_wait3A_94] : memref<16xf32, #tpu.memory_space<vmem>> -> memref<1xf32, #tpu.memory_space<vmem>>
    tpu.wait_dma2 semaphore(%arg22 : memref<!tpu.dma_semaphore, #tpu.memory_space<semaphore_mem>>) src(%arg4 : memref<1xf32, #tpu.memory_space<hbm>>) dst(%dma_wait3A_95 : memref<1xf32, #tpu.memory_space<vmem>>)
    %dma_wait3A_96 = arith.constant 0 : i32
    %dma_wait3A_97 = tpu.memref_slice %arg2[%squeeze3A, %dma_wait3A_96] : memref<10000x128xf32, #tpu.memory_space<hbm>> -> memref<1x128xf32, #tpu.memory_space<hbm>>
    %dma_wait3A_98 = arith.constant 0 : i32
    %dma_wait3A_99 = tpu.memref_slice %arg2[%squeeze3A, %dma_wait3A_98] : memref<10000x128xf32, #tpu.memory_space<hbm>> -> memref<1x128xf32, #tpu.memory_space<hbm>>
    tpu.wait_dma2 semaphore(%arg22 : memref<!tpu.dma_semaphore, #tpu.memory_space<semaphore_mem>>) src(%dma_wait3A_99 : memref<1x128xf32, #tpu.memory_space<hbm>>) dst(%arg11 : memref<1x128xf32, #tpu.memory_space<vmem>>)
    %iota3A = tpu.iota {dimensions = array<i32: 0>} : vector<16xi32>
    %get3A_100 = arith.constant 0 : i32
    %get3A_101 = arith.index_cast %get3A_100 : i32 to index
    %get3A_102 = arith.constant 0 : index
    %get3A_103 = tpu.vector_load %arg13[%get3A_101, %get3A_102] {strides = array<i32>} : memref<2x128xf32, #tpu.memory_space<vmem>>, vector<16xf32>,
    %get3A_104 = arith.constant 0 : i32
    %get3A_105 = arith.index_cast %get3A_104 : i32 to index
    %get3A_106 = arith.constant 16 : index
    %get3A_107 = tpu.vector_load %arg13[%get3A_105, %get3A_106] {strides = array<i32>} : memref<2x128xf32, #tpu.memory_space<vmem>>, vector<16xf32>,
    %get3A_108 = arith.constant 0 : i32
    %get3A_109 = arith.index_cast %get3A_108 : i32 to index
    %get3A_110 = arith.constant 32 : index
    %get3A_111 = tpu.vector_load %arg13[%get3A_109, %get3A_110] {strides = array<i32>} : memref<2x128xf32, #tpu.memory_space<vmem>>, vector<16xf32>,
    %get3A_112 = arith.constant 0 : i32
    %get3A_113 = arith.index_cast %get3A_112 : i32 to index
    %get3A_114 = arith.constant 48 : index
    %get3A_115 = tpu.vector_load %arg13[%get3A_113, %get3A_114] {strides = array<i32>} : memref<2x128xf32, #tpu.memory_space<vmem>>, vector<16xf32>,
    %get3A_116 = arith.constant 0 : i32
    %get3A_117 = arith.index_cast %get3A_116 : i32 to index
    %get3A_118 = arith.constant 64 : index
    %get3A_119 = tpu.vector_load %arg13[%get3A_117, %get3A_118] {strides = array<i32>} : memref<2x128xf32, #tpu.memory_space<vmem>>, vector<16xf32>,
    %get3A_120 = arith.constant 0 : i32
    %get3A_121 = arith.index_cast %get3A_120 : i32 to index
    %get3A_122 = arith.constant 80 : index
    %get3A_123 = tpu.vector_load %arg13[%get3A_121, %get3A_122] {strides = array<i32>} : memref<2x128xf32, #tpu.memory_space<vmem>>, vector<16xf32>,
    %get3A_124 = arith.constant 0 : i32
    %get3A_125 = arith.index_cast %get3A_124 : i32 to index
    %get3A_126 = arith.constant 96 : index
    %get3A_127 = tpu.vector_load %arg13[%get3A_125, %get3A_126] {strides = array<i32>} : memref<2x128xf32, #tpu.memory_space<vmem>>, vector<16xf32>,
    %get3A_128 = arith.constant 0 : i32
    %get3A_129 = arith.index_cast %get3A_128 : i32 to index
    %get3A_130 = arith.constant 112 : index
    %get3A_131 = tpu.vector_load %arg13[%get3A_129, %get3A_130] {strides = array<i32>} : memref<2x128xf32, #tpu.memory_space<vmem>>, vector<16xf32>,
    %get3A_132 = arith.constant 1 : i32
    %get3A_133 = arith.index_cast %get3A_132 : i32 to index
    %get3A_134 = arith.constant 0 : index
    %get3A_135 = tpu.vector_load %arg13[%get3A_133, %get3A_134] {strides = array<i32>} : memref<2x128xf32, #tpu.memory_space<vmem>>, vector<16xf32>,
    %get3A_136 = arith.constant 1 : i32
    %get3A_137 = arith.index_cast %get3A_136 : i32 to index
    %get3A_138 = arith.constant 16 : index
    %get3A_139 = tpu.vector_load %arg13[%get3A_137, %get3A_138] {strides = array<i32>} : memref<2x128xf32, #tpu.memory_space<vmem>>, vector<16xf32>,
    %get3A_140 = arith.constant 1 : i32
    %get3A_141 = arith.index_cast %get3A_140 : i32 to index
    %get3A_142 = arith.constant 32 : index
    %get3A_143 = tpu.vector_load %arg13[%get3A_141, %get3A_142] {strides = array<i32>} : memref<2x128xf32, #tpu.memory_space<vmem>>, vector<16xf32>,
    %get3A_144 = arith.constant 1 : i32
    %get3A_145 = arith.index_cast %get3A_144 : i32 to index
    %get3A_146 = arith.constant 48 : index
    %get3A_147 = tpu.vector_load %arg13[%get3A_145, %get3A_146] {strides = array<i32>} : memref<2x128xf32, #tpu.memory_space<vmem>>, vector<16xf32>,
    %get3A_148 = arith.constant 1 : i32
    %get3A_149 = arith.index_cast %get3A_148 : i32 to index
    %get3A_150 = arith.constant 64 : index
    %get3A_151 = tpu.vector_load %arg13[%get3A_149, %get3A_150] {strides = array<i32>} : memref<2x128xf32, #tpu.memory_space<vmem>>, vector<16xf32>,
    %get3A_152 = arith.constant 1 : i32
    %get3A_153 = arith.index_cast %get3A_152 : i32 to index
    %get3A_154 = arith.constant 80 : index
    %get3A_155 = tpu.vector_load %arg13[%get3A_153, %get3A_154] {strides = array<i32>} : memref<2x128xf32, #tpu.memory_space<vmem>>, vector<16xf32>,
    %get3A_156 = arith.constant 1 : i32
    %get3A_157 = arith.index_cast %get3A_156 : i32 to index
    %get3A_158 = arith.constant 96 : index
    %get3A_159 = tpu.vector_load %arg13[%get3A_157, %get3A_158] {strides = array<i32>} : memref<2x128xf32, #tpu.memory_space<vmem>>, vector<16xf32>,
    %get3A_160 = arith.constant 1 : i32
    %get3A_161 = arith.index_cast %get3A_160 : i32 to index
    %get3A_162 = arith.constant 112 : index
    %get3A_163 = tpu.vector_load %arg13[%get3A_161, %get3A_162] {strides = array<i32>} : memref<2x128xf32, #tpu.memory_space<vmem>>, vector<16xf32>,
    %get3A_164 = arith.constant 0 : i32
    %get3A_165 = arith.index_cast %get3A_164 : i32 to index
    %get3A_166 = arith.constant 0 : index
    %get3A_167 = tpu.vector_load %arg11[%get3A_165, %get3A_166] {strides = array<i32>} : memref<1x128xf32, #tpu.memory_space<vmem>>, vector<16xf32>,
    %get3A_168 = arith.constant 0 : i32
    %get3A_169 = arith.index_cast %get3A_168 : i32 to index
    %get3A_170 = arith.constant 16 : index
    %get3A_171 = tpu.vector_load %arg11[%get3A_169, %get3A_170] {strides = array<i32>} : memref<1x128xf32, #tpu.memory_space<vmem>>, vector<16xf32>,
    %get3A_172 = arith.constant 0 : i32
    %get3A_173 = arith.index_cast %get3A_172 : i32 to index
    %get3A_174 = arith.constant 32 : index
    %get3A_175 = tpu.vector_load %arg11[%get3A_173, %get3A_174] {strides = array<i32>} : memref<1x128xf32, #tpu.memory_space<vmem>>, vector<16xf32>,
    %get3A_176 = arith.constant 0 : i32
    %get3A_177 = arith.index_cast %get3A_176 : i32 to index
    %get3A_178 = arith.constant 48 : index
    %get3A_179 = tpu.vector_load %arg11[%get3A_177, %get3A_178] {strides = array<i32>} : memref<1x128xf32, #tpu.memory_space<vmem>>, vector<16xf32>,
    %get3A_180 = arith.constant 0 : i32
    %get3A_181 = arith.index_cast %get3A_180 : i32 to index
    %get3A_182 = arith.constant 64 : index
    %get3A_183 = tpu.vector_load %arg11[%get3A_181, %get3A_182] {strides = array<i32>} : memref<1x128xf32, #tpu.memory_space<vmem>>, vector<16xf32>,
    %get3A_184 = arith.constant 0 : i32
    %get3A_185 = arith.index_cast %get3A_184 : i32 to index
    %get3A_186 = arith.constant 80 : index
    %get3A_187 = tpu.vector_load %arg11[%get3A_185, %get3A_186] {strides = array<i32>} : memref<1x128xf32, #tpu.memory_space<vmem>>, vector<16xf32>,
    %get3A_188 = arith.constant 0 : i32
    %get3A_189 = arith.index_cast %get3A_188 : i32 to index
    %get3A_190 = arith.constant 96 : index
    %get3A_191 = tpu.vector_load %arg11[%get3A_189, %get3A_190] {strides = array<i32>} : memref<1x128xf32, #tpu.memory_space<vmem>>, vector<16xf32>,
    %get3A_192 = arith.constant 0 : i32
    %get3A_193 = arith.index_cast %get3A_192 : i32 to index
    %get3A_194 = arith.constant 112 : index
    %get3A_195 = tpu.vector_load %arg11[%get3A_193, %get3A_194] {strides = array<i32>} : memref<1x128xf32, #tpu.memory_space<vmem>>, vector<16xf32>,
    %mul3A_196 = arith.mulf %get3A_167, %get3A_135 : vector<16xf32>
    %mul3A_197 = arith.mulf %get3A_171, %get3A_139 : vector<16xf32>
    %add3A_198 = arith.addf %mul3A_196, %mul3A_197 : vector<16xf32>
    %mul3A_199 = arith.mulf %get3A_175, %get3A_143 : vector<16xf32>
    %add3A_200 = arith.addf %add3A_198, %mul3A_199 : vector<16xf32>
    %mul3A_201 = arith.mulf %get3A_179, %get3A_147 : vector<16xf32>
    %add3A_202 = arith.addf %add3A_200, %mul3A_201 : vector<16xf32>
    %mul3A_203 = arith.mulf %get3A_183, %get3A_151 : vector<16xf32>
    %add3A_204 = arith.addf %add3A_202, %mul3A_203 : vector<16xf32>
    %mul3A_205 = arith.mulf %get3A_187, %get3A_155 : vector<16xf32>
    %add3A_206 = arith.addf %add3A_204, %mul3A_205 : vector<16xf32>
    %mul3A_207 = arith.mulf %get3A_191, %get3A_159 : vector<16xf32>
    %add3A_208 = arith.addf %add3A_206, %mul3A_207 : vector<16xf32>
    %mul3A_209 = arith.mulf %get3A_195, %get3A_163 : vector<16xf32>
    %add3A_210 = arith.addf %add3A_208, %mul3A_209 : vector<16xf32>
    %slice3A_211 = vector.extract_strided_slice %add3A_210 {offsets = [0], sizes = [1], strides = [1]} : vector<16xf32> to vector<1xf32>
    %squeeze3A_212 = vector.extract %slice3A_211[0] : f32 from vector<1xf32>
    %slice3A_213 = vector.extract_strided_slice %add3A_210 {offsets = [1], sizes = [1], strides = [1]} : vector<16xf32> to vector<1xf32>
    %squeeze3A_214 = vector.extract %slice3A_213[0] : f32 from vector<1xf32>
    %add3A_215 = arith.addf %squeeze3A_212, %squeeze3A_214 : f32
    %slice3A_216 = vector.extract_strided_slice %add3A_210 {offsets = [2], sizes = [1], strides = [1]} : vector<16xf32> to vector<1xf32>
    %squeeze3A_217 = vector.extract %slice3A_216[0] : f32 from vector<1xf32>
    %add3A_218 = arith.addf %add3A_215, %squeeze3A_217 : f32
    %slice3A_219 = vector.extract_strided_slice %add3A_210 {offsets = [3], sizes = [1], strides = [1]} : vector<16xf32> to vector<1xf32>
    %squeeze3A_220 = vector.extract %slice3A_219[0] : f32 from vector<1xf32>
    %add3A_221 = arith.addf %add3A_218, %squeeze3A_220 : f32
    %slice3A_222 = vector.extract_strided_slice %add3A_210 {offsets = [4], sizes = [1], strides = [1]} : vector<16xf32> to vector<1xf32>
    %squeeze3A_223 = vector.extract %slice3A_222[0] : f32 from vector<1xf32>
    %add3A_224 = arith.addf %add3A_221, %squeeze3A_223 : f32
    %slice3A_225 = vector.extract_strided_slice %add3A_210 {offsets = [5], sizes = [1], strides = [1]} : vector<16xf32> to vector<1xf32>
    %squeeze3A_226 = vector.extract %slice3A_225[0] : f32 from vector<1xf32>
    %add3A_227 = arith.addf %add3A_224, %squeeze3A_226 : f32
    %slice3A_228 = vector.extract_strided_slice %add3A_210 {offsets = [6], sizes = [1], strides = [1]} : vector<16xf32> to vector<1xf32>
    %squeeze3A_229 = vector.extract %slice3A_228[0] : f32 from vector<1xf32>
    %add3A_230 = arith.addf %add3A_227, %squeeze3A_229 : f32
    %slice3A_231 = vector.extract_strided_slice %add3A_210 {offsets = [7], sizes = [1], strides = [1]} : vector<16xf32> to vector<1xf32>
    %squeeze3A_232 = vector.extract %slice3A_231[0] : f32 from vector<1xf32>
    %add3A_233 = arith.addf %add3A_230, %squeeze3A_232 : f32
    %slice3A_234 = vector.extract_strided_slice %add3A_210 {offsets = [8], sizes = [1], strides = [1]} : vector<16xf32> to vector<1xf32>
    %squeeze3A_235 = vector.extract %slice3A_234[0] : f32 from vector<1xf32>
    %add3A_236 = arith.addf %add3A_233, %squeeze3A_235 : f32
    %slice3A_237 = vector.extract_strided_slice %add3A_210 {offsets = [9], sizes = [1], strides = [1]} : vector<16xf32> to vector<1xf32>
    %squeeze3A_238 = vector.extract %slice3A_237[0] : f32 from vector<1xf32>
    %add3A_239 = arith.addf %add3A_236, %squeeze3A_238 : f32
    %slice3A_240 = vector.extract_strided_slice %add3A_210 {offsets = [10], sizes = [1], strides = [1]} : vector<16xf32> to vector<1xf32>
    %squeeze3A_241 = vector.extract %slice3A_240[0] : f32 from vector<1xf32>
    %add3A_242 = arith.addf %add3A_239, %squeeze3A_241 : f32
    %slice3A_243 = vector.extract_strided_slice %add3A_210 {offsets = [11], sizes = [1], strides = [1]} : vector<16xf32> to vector<1xf32>
    %squeeze3A_244 = vector.extract %slice3A_243[0] : f32 from vector<1xf32>
    %add3A_245 = arith.addf %add3A_242, %squeeze3A_244 : f32
    %slice3A_246 = vector.extract_strided_slice %add3A_210 {offsets = [12], sizes = [1], strides = [1]} : vector<16xf32> to vector<1xf32>
    %squeeze3A_247 = vector.extract %slice3A_246[0] : f32 from vector<1xf32>
    %add3A_248 = arith.addf %add3A_245, %squeeze3A_247 : f32
    %slice3A_249 = vector.extract_strided_slice %add3A_210 {offsets = [13], sizes = [1], strides = [1]} : vector<16xf32> to vector<1xf32>
    %squeeze3A_250 = vector.extract %slice3A_249[0] : f32 from vector<1xf32>
    %add3A_251 = arith.addf %add3A_248, %squeeze3A_250 : f32
    %slice3A_252 = vector.extract_strided_slice %add3A_210 {offsets = [14], sizes = [1], strides = [1]} : vector<16xf32> to vector<1xf32>
    %squeeze3A_253 = vector.extract %slice3A_252[0] : f32 from vector<1xf32>
    %add3A_254 = arith.addf %add3A_251, %squeeze3A_253 : f32
    %slice3A_255 = vector.extract_strided_slice %add3A_210 {offsets = [15], sizes = [1], strides = [1]} : vector<16xf32> to vector<1xf32>
    %squeeze3A_256 = vector.extract %slice3A_255[0] : f32 from vector<1xf32>
    %add3A_257 = arith.addf %add3A_254, %squeeze3A_256 : f32
    %get3A_258 = arith.constant 0 : index
    %get3A_259 = tpu.vector_load %arg9[%get3A_258] {strides = array<i32>} : memref<16xf32, #tpu.memory_space<vmem>>, vector<16xf32>,
    %slice3A_260 = vector.extract_strided_slice %get3A_259 {offsets = [0], sizes = [1], strides = [1]} : vector<16xf32> to vector<1xf32>
    %squeeze3A_261 = vector.extract %slice3A_260[0] : f32 from vector<1xf32>
    %add3A_262 = arith.addf %add3A_257, %squeeze3A_261 : f32
    %broadcast_in_dim3A = arith.constant 0.000000e+00 : f32
    %broadcast_in_dim3A_263 = vector.broadcast %broadcast_in_dim3A : f32 to vector<16xf32>
    %get3A_264 = arith.constant 0 : i32
    %get3A_265 = arith.index_cast %get3A_264 : i32 to index
    %get3A_266 = arith.constant 0 : index
    %get3A_267 = tpu.vector_load %arg12[%get3A_265, %get3A_266] {strides = array<i32>} : memref<4x128xf32, #tpu.memory_space<vmem>>, vector<16xf32>,
    %mul3A_268 = arith.mulf %get3A_267, %get3A_103 : vector<16xf32>
    %get3A_269 = arith.constant 0 : i32
    %get3A_270 = arith.index_cast %get3A_269 : i32 to index
    %get3A_271 = arith.constant 16 : index
    %get3A_272 = tpu.vector_load %arg12[%get3A_270, %get3A_271] {strides = array<i32>} : memref<4x128xf32, #tpu.memory_space<vmem>>, vector<16xf32>,
    %mul3A_273 = arith.mulf %get3A_272, %get3A_107 : vector<16xf32>
    %add3A_274 = arith.addf %mul3A_268, %mul3A_273 : vector<16xf32>
    %get3A_275 = arith.constant 0 : i32
    %get3A_276 = arith.index_cast %get3A_275 : i32 to index
    %get3A_277 = arith.constant 32 : index
    %get3A_278 = tpu.vector_load %arg12[%get3A_276, %get3A_277] {strides = array<i32>} : memref<4x128xf32, #tpu.memory_space<vmem>>, vector<16xf32>,
    %mul3A_279 = arith.mulf %get3A_278, %get3A_111 : vector<16xf32>
    %add3A_280 = arith.addf %add3A_274, %mul3A_279 : vector<16xf32>
    %get3A_281 = arith.constant 0 : i32
    %get3A_282 = arith.index_cast %get3A_281 : i32 to index
    %get3A_283 = arith.constant 48 : index
    %get3A_284 = tpu.vector_load %arg12[%get3A_282, %get3A_283] {strides = array<i32>} : memref<4x128xf32, #tpu.memory_space<vmem>>, vector<16xf32>,
    %mul3A_285 = arith.mulf %get3A_284, %get3A_115 : vector<16xf32>
    %add3A_286 = arith.addf %add3A_280, %mul3A_285 : vector<16xf32>
    %get3A_287 = arith.constant 0 : i32
    %get3A_288 = arith.index_cast %get3A_287 : i32 to index
    %get3A_289 = arith.constant 64 : index
    %get3A_290 = tpu.vector_load %arg12[%get3A_288, %get3A_289] {strides = array<i32>} : memref<4x128xf32, #tpu.memory_space<vmem>>, vector<16xf32>,
    %mul3A_291 = arith.mulf %get3A_290, %get3A_119 : vector<16xf32>
    %add3A_292 = arith.addf %add3A_286, %mul3A_291 : vector<16xf32>
    %get3A_293 = arith.constant 0 : i32
    %get3A_294 = arith.index_cast %get3A_293 : i32 to index
    %get3A_295 = arith.constant 80 : index
    %get3A_296 = tpu.vector_load %arg12[%get3A_294, %get3A_295] {strides = array<i32>} : memref<4x128xf32, #tpu.memory_space<vmem>>, vector<16xf32>,
    %mul3A_297 = arith.mulf %get3A_296, %get3A_123 : vector<16xf32>
    %add3A_298 = arith.addf %add3A_292, %mul3A_297 : vector<16xf32>
    %get3A_299 = arith.constant 0 : i32
    %get3A_300 = arith.index_cast %get3A_299 : i32 to index
    %get3A_301 = arith.constant 96 : index
    %get3A_302 = tpu.vector_load %arg12[%get3A_300, %get3A_301] {strides = array<i32>} : memref<4x128xf32, #tpu.memory_space<vmem>>, vector<16xf32>,
    %mul3A_303 = arith.mulf %get3A_302, %get3A_127 : vector<16xf32>
    %add3A_304 = arith.addf %add3A_298, %mul3A_303 : vector<16xf32>
    %get3A_305 = arith.constant 0 : i32
    %get3A_306 = arith.index_cast %get3A_305 : i32 to index
    %get3A_307 = arith.constant 112 : index
    %get3A_308 = tpu.vector_load %arg12[%get3A_306, %get3A_307] {strides = array<i32>} : memref<4x128xf32, #tpu.memory_space<vmem>>, vector<16xf32>,
    %mul3A_309 = arith.mulf %get3A_308, %get3A_131 : vector<16xf32>
    %add3A_310 = arith.addf %add3A_304, %mul3A_309 : vector<16xf32>
    %eq3A_311 = arith.constant 0 : i32
    %eq3A_312 = vector.broadcast %eq3A_311 : i32 to vector<16xi32>
    %eq3A_313 = arith.cmpi eq, %iota3A, %eq3A_312 : vector<16xi32>
    %slice3A_314 = vector.extract_strided_slice %add3A_310 {offsets = [0], sizes = [1], strides = [1]} : vector<16xf32> to vector<1xf32>
    %squeeze3A_315 = vector.extract %slice3A_314[0] : f32 from vector<1xf32>
    %slice3A_316 = vector.extract_strided_slice %add3A_310 {offsets = [1], sizes = [1], strides = [1]} : vector<16xf32> to vector<1xf32>
    %squeeze3A_317 = vector.extract %slice3A_316[0] : f32 from vector<1xf32>
    %add3A_318 = arith.addf %squeeze3A_315, %squeeze3A_317 : f32
    %slice3A_319 = vector.extract_strided_slice %add3A_310 {offsets = [2], sizes = [1], strides = [1]} : vector<16xf32> to vector<1xf32>
    %squeeze3A_320 = vector.extract %slice3A_319[0] : f32 from vector<1xf32>
    %add3A_321 = arith.addf %add3A_318, %squeeze3A_320 : f32
    %slice3A_322 = vector.extract_strided_slice %add3A_310 {offsets = [3], sizes = [1], strides = [1]} : vector<16xf32> to vector<1xf32>
    %squeeze3A_323 = vector.extract %slice3A_322[0] : f32 from vector<1xf32>
    %add3A_324 = arith.addf %add3A_321, %squeeze3A_323 : f32
    %slice3A_325 = vector.extract_strided_slice %add3A_310 {offsets = [4], sizes = [1], strides = [1]} : vector<16xf32> to vector<1xf32>
    %squeeze3A_326 = vector.extract %slice3A_325[0] : f32 from vector<1xf32>
    %add3A_327 = arith.addf %add3A_324, %squeeze3A_326 : f32
    %slice3A_328 = vector.extract_strided_slice %add3A_310 {offsets = [5], sizes = [1], strides = [1]} : vector<16xf32> to vector<1xf32>
    %squeeze3A_329 = vector.extract %slice3A_328[0] : f32 from vector<1xf32>
    %add3A_330 = arith.addf %add3A_327, %squeeze3A_329 : f32
    %slice3A_331 = vector.extract_strided_slice %add3A_310 {offsets = [6], sizes = [1], strides = [1]} : vector<16xf32> to vector<1xf32>
    %squeeze3A_332 = vector.extract %slice3A_331[0] : f32 from vector<1xf32>
    %add3A_333 = arith.addf %add3A_330, %squeeze3A_332 : f32
    %slice3A_334 = vector.extract_strided_slice %add3A_310 {offsets = [7], sizes = [1], strides = [1]} : vector<16xf32> to vector<1xf32>
    %squeeze3A_335 = vector.extract %slice3A_334[0] : f32 from vector<1xf32>
    %add3A_336 = arith.addf %add3A_333, %squeeze3A_335 : f32
    %slice3A_337 = vector.extract_strided_slice %add3A_310 {offsets = [8], sizes = [1], strides = [1]} : vector<16xf32> to vector<1xf32>
    %squeeze3A_338 = vector.extract %slice3A_337[0] : f32 from vector<1xf32>
    %add3A_339 = arith.addf %add3A_336, %squeeze3A_338 : f32
    %slice3A_340 = vector.extract_strided_slice %add3A_310 {offsets = [9], sizes = [1], strides = [1]} : vector<16xf32> to vector<1xf32>
    %squeeze3A_341 = vector.extract %slice3A_340[0] : f32 from vector<1xf32>
    %add3A_342 = arith.addf %add3A_339, %squeeze3A_341 : f32
    %slice3A_343 = vector.extract_strided_slice %add3A_310 {offsets = [10], sizes = [1], strides = [1]} : vector<16xf32> to vector<1xf32>
    %squeeze3A_344 = vector.extract %slice3A_343[0] : f32 from vector<1xf32>
    %add3A_345 = arith.addf %add3A_342, %squeeze3A_344 : f32
    %slice3A_346 = vector.extract_strided_slice %add3A_310 {offsets = [11], sizes = [1], strides = [1]} : vector<16xf32> to vector<1xf32>
    %squeeze3A_347 = vector.extract %slice3A_346[0] : f32 from vector<1xf32>
    %add3A_348 = arith.addf %add3A_345, %squeeze3A_347 : f32
    %slice3A_349 = vector.extract_strided_slice %add3A_310 {offsets = [12], sizes = [1], strides = [1]} : vector<16xf32> to vector<1xf32>
    %squeeze3A_350 = vector.extract %slice3A_349[0] : f32 from vector<1xf32>
    %add3A_351 = arith.addf %add3A_348, %squeeze3A_350 : f32
    %slice3A_352 = vector.extract_strided_slice %add3A_310 {offsets = [13], sizes = [1], strides = [1]} : vector<16xf32> to vector<1xf32>
    %squeeze3A_353 = vector.extract %slice3A_352[0] : f32 from vector<1xf32>
    %add3A_354 = arith.addf %add3A_351, %squeeze3A_353 : f32
    %slice3A_355 = vector.extract_strided_slice %add3A_310 {offsets = [14], sizes = [1], strides = [1]} : vector<16xf32> to vector<1xf32>
    %squeeze3A_356 = vector.extract %slice3A_355[0] : f32 from vector<1xf32>
    %add3A_357 = arith.addf %add3A_354, %squeeze3A_356 : f32
    %slice3A_358 = vector.extract_strided_slice %add3A_310 {offsets = [15], sizes = [1], strides = [1]} : vector<16xf32> to vector<1xf32>
    %squeeze3A_359 = vector.extract %slice3A_358[0] : f32 from vector<1xf32>
    %add3A_360 = arith.addf %add3A_357, %squeeze3A_359 : f32
    %broadcast_in_dim3A_361 = vector.broadcast %add3A_360 : f32 to vector<16xf32>
    %select_n3A_362 = arith.select %eq3A_313, %broadcast_in_dim3A_361, %broadcast_in_dim3A_263 : vector<16xi1>, vector<16xf32>
    %get3A_363 = arith.constant 1 : i32
    %get3A_364 = arith.index_cast %get3A_363 : i32 to index
    %get3A_365 = arith.constant 0 : index
    %get3A_366 = tpu.vector_load %arg12[%get3A_364, %get3A_365] {strides = array<i32>} : memref<4x128xf32, #tpu.memory_space<vmem>>, vector<16xf32>,
    %mul3A_367 = arith.mulf %get3A_366, %get3A_103 : vector<16xf32>
    %get3A_368 = arith.constant 1 : i32
    %get3A_369 = arith.index_cast %get3A_368 : i32 to index
    %get3A_370 = arith.constant 16 : index
    %get3A_371 = tpu.vector_load %arg12[%get3A_369, %get3A_370] {strides = array<i32>} : memref<4x128xf32, #tpu.memory_space<vmem>>, vector<16xf32>,
    %mul3A_372 = arith.mulf %get3A_371, %get3A_107 : vector<16xf32>
    %add3A_373 = arith.addf %mul3A_367, %mul3A_372 : vector<16xf32>
    %get3A_374 = arith.constant 1 : i32
    %get3A_375 = arith.index_cast %get3A_374 : i32 to index
    %get3A_376 = arith.constant 32 : index
    %get3A_377 = tpu.vector_load %arg12[%get3A_375, %get3A_376] {strides = array<i32>} : memref<4x128xf32, #tpu.memory_space<vmem>>, vector<16xf32>,
    %mul3A_378 = arith.mulf %get3A_377, %get3A_111 : vector<16xf32>
    %add3A_379 = arith.addf %add3A_373, %mul3A_378 : vector<16xf32>
    %get3A_380 = arith.constant 1 : i32
    %get3A_381 = arith.index_cast %get3A_380 : i32 to index
    %get3A_382 = arith.constant 48 : index
    %get3A_383 = tpu.vector_load %arg12[%get3A_381, %get3A_382] {strides = array<i32>} : memref<4x128xf32, #tpu.memory_space<vmem>>, vector<16xf32>,
    %mul3A_384 = arith.mulf %get3A_383, %get3A_115 : vector<16xf32>
    %add3A_385 = arith.addf %add3A_379, %mul3A_384 : vector<16xf32>
    %get3A_386 = arith.constant 1 : i32
    %get3A_387 = arith.index_cast %get3A_386 : i32 to index
    %get3A_388 = arith.constant 64 : index
    %get3A_389 = tpu.vector_load %arg12[%get3A_387, %get3A_388] {strides = array<i32>} : memref<4x128xf32, #tpu.memory_space<vmem>>, vector<16xf32>,
    %mul3A_390 = arith.mulf %get3A_389, %get3A_119 : vector<16xf32>
    %add3A_391 = arith.addf %add3A_385, %mul3A_390 : vector<16xf32>
    %get3A_392 = arith.constant 1 : i32
    %get3A_393 = arith.index_cast %get3A_392 : i32 to index
    %get3A_394 = arith.constant 80 : index
    %get3A_395 = tpu.vector_load %arg12[%get3A_393, %get3A_394] {strides = array<i32>} : memref<4x128xf32, #tpu.memory_space<vmem>>, vector<16xf32>,
    %mul3A_396 = arith.mulf %get3A_395, %get3A_123 : vector<16xf32>
    %add3A_397 = arith.addf %add3A_391, %mul3A_396 : vector<16xf32>
    %get3A_398 = arith.constant 1 : i32
    %get3A_399 = arith.index_cast %get3A_398 : i32 to index
    %get3A_400 = arith.constant 96 : index
    %get3A_401 = tpu.vector_load %arg12[%get3A_399, %get3A_400] {strides = array<i32>} : memref<4x128xf32, #tpu.memory_space<vmem>>, vector<16xf32>,
    %mul3A_402 = arith.mulf %get3A_401, %get3A_127 : vector<16xf32>
    %add3A_403 = arith.addf %add3A_397, %mul3A_402 : vector<16xf32>
    %get3A_404 = arith.constant 1 : i32
    %get3A_405 = arith.index_cast %get3A_404 : i32 to index
    %get3A_406 = arith.constant 112 : index
    %get3A_407 = tpu.vector_load %arg12[%get3A_405, %get3A_406] {strides = array<i32>} : memref<4x128xf32, #tpu.memory_space<vmem>>, vector<16xf32>,
    %mul3A_408 = arith.mulf %get3A_407, %get3A_131 : vector<16xf32>
    %add3A_409 = arith.addf %add3A_403, %mul3A_408 : vector<16xf32>
    %eq3A_410 = arith.constant 1 : i32
    %eq3A_411 = vector.broadcast %eq3A_410 : i32 to vector<16xi32>
    %eq3A_412 = arith.cmpi eq, %iota3A, %eq3A_411 : vector<16xi32>
    %slice3A_413 = vector.extract_strided_slice %add3A_409 {offsets = [0], sizes = [1], strides = [1]} : vector<16xf32> to vector<1xf32>
    %squeeze3A_414 = vector.extract %slice3A_413[0] : f32 from vector<1xf32>
    %slice3A_415 = vector.extract_strided_slice %add3A_409 {offsets = [1], sizes = [1], strides = [1]} : vector<16xf32> to vector<1xf32>
    %squeeze3A_416 = vector.extract %slice3A_415[0] : f32 from vector<1xf32>
    %add3A_417 = arith.addf %squeeze3A_414, %squeeze3A_416 : f32
    %slice3A_418 = vector.extract_strided_slice %add3A_409 {offsets = [2], sizes = [1], strides = [1]} : vector<16xf32> to vector<1xf32>
    %squeeze3A_419 = vector.extract %slice3A_418[0] : f32 from vector<1xf32>
    %add3A_420 = arith.addf %add3A_417, %squeeze3A_419 : f32
    %slice3A_421 = vector.extract_strided_slice %add3A_409 {offsets = [3], sizes = [1], strides = [1]} : vector<16xf32> to vector<1xf32>
    %squeeze3A_422 = vector.extract %slice3A_421[0] : f32 from vector<1xf32>
    %add3A_423 = arith.addf %add3A_420, %squeeze3A_422 : f32
    %slice3A_424 = vector.extract_strided_slice %add3A_409 {offsets = [4], sizes = [1], strides = [1]} : vector<16xf32> to vector<1xf32>
    %squeeze3A_425 = vector.extract %slice3A_424[0] : f32 from vector<1xf32>
    %add3A_426 = arith.addf %add3A_423, %squeeze3A_425 : f32
    %slice3A_427 = vector.extract_strided_slice %add3A_409 {offsets = [5], sizes = [1], strides = [1]} : vector<16xf32> to vector<1xf32>
    %squeeze3A_428 = vector.extract %slice3A_427[0] : f32 from vector<1xf32>
    %add3A_429 = arith.addf %add3A_426, %squeeze3A_428 : f32
    %slice3A_430 = vector.extract_strided_slice %add3A_409 {offsets = [6], sizes = [1], strides = [1]} : vector<16xf32> to vector<1xf32>
    %squeeze3A_431 = vector.extract %slice3A_430[0] : f32 from vector<1xf32>
    %add3A_432 = arith.addf %add3A_429, %squeeze3A_431 : f32
    %slice3A_433 = vector.extract_strided_slice %add3A_409 {offsets = [7], sizes = [1], strides = [1]} : vector<16xf32> to vector<1xf32>
    %squeeze3A_434 = vector.extract %slice3A_433[0] : f32 from vector<1xf32>
    %add3A_435 = arith.addf %add3A_432, %squeeze3A_434 : f32
    %slice3A_436 = vector.extract_strided_slice %add3A_409 {offsets = [8], sizes = [1], strides = [1]} : vector<16xf32> to vector<1xf32>
    %squeeze3A_437 = vector.extract %slice3A_436[0] : f32 from vector<1xf32>
    %add3A_438 = arith.addf %add3A_435, %squeeze3A_437 : f32
    %slice3A_439 = vector.extract_strided_slice %add3A_409 {offsets = [9], sizes = [1], strides = [1]} : vector<16xf32> to vector<1xf32>
    %squeeze3A_440 = vector.extract %slice3A_439[0] : f32 from vector<1xf32>
    %add3A_441 = arith.addf %add3A_438, %squeeze3A_440 : f32
    %slice3A_442 = vector.extract_strided_slice %add3A_409 {offsets = [10], sizes = [1], strides = [1]} : vector<16xf32> to vector<1xf32>
    %squeeze3A_443 = vector.extract %slice3A_442[0] : f32 from vector<1xf32>
    %add3A_444 = arith.addf %add3A_441, %squeeze3A_443 : f32
    %slice3A_445 = vector.extract_strided_slice %add3A_409 {offsets = [11], sizes = [1], strides = [1]} : vector<16xf32> to vector<1xf32>
    %squeeze3A_446 = vector.extract %slice3A_445[0] : f32 from vector<1xf32>
    %add3A_447 = arith.addf %add3A_444, %squeeze3A_446 : f32
    %slice3A_448 = vector.extract_strided_slice %add3A_409 {offsets = [12], sizes = [1], strides = [1]} : vector<16xf32> to vector<1xf32>
    %squeeze3A_449 = vector.extract %slice3A_448[0] : f32 from vector<1xf32>
    %add3A_450 = arith.addf %add3A_447, %squeeze3A_449 : f32
    %slice3A_451 = vector.extract_strided_slice %add3A_409 {offsets = [13], sizes = [1], strides = [1]} : vector<16xf32> to vector<1xf32>
    %squeeze3A_452 = vector.extract %slice3A_451[0] : f32 from vector<1xf32>
    %add3A_453 = arith.addf %add3A_450, %squeeze3A_452 : f32
    %slice3A_454 = vector.extract_strided_slice %add3A_409 {offsets = [14], sizes = [1], strides = [1]} : vector<16xf32> to vector<1xf32>
    %squeeze3A_455 = vector.extract %slice3A_454[0] : f32 from vector<1xf32>
    %add3A_456 = arith.addf %add3A_453, %squeeze3A_455 : f32
    %slice3A_457 = vector.extract_strided_slice %add3A_409 {offsets = [15], sizes = [1], strides = [1]} : vector<16xf32> to vector<1xf32>
    %squeeze3A_458 = vector.extract %slice3A_457[0] : f32 from vector<1xf32>
    %add3A_459 = arith.addf %add3A_456, %squeeze3A_458 : f32
    %broadcast_in_dim3A_460 = vector.broadcast %add3A_459 : f32 to vector<16xf32>
    %select_n3A_461 = arith.select %eq3A_412, %broadcast_in_dim3A_460, %select_n3A_362 : vector<16xi1>, vector<16xf32>
    %get3A_462 = arith.constant 2 : i32
    %get3A_463 = arith.index_cast %get3A_462 : i32 to index
    %get3A_464 = arith.constant 0 : index
    %get3A_465 = tpu.vector_load %arg12[%get3A_463, %get3A_464] {strides = array<i32>} : memref<4x128xf32, #tpu.memory_space<vmem>>, vector<16xf32>,
    %mul3A_466 = arith.mulf %get3A_465, %get3A_103 : vector<16xf32>
    %get3A_467 = arith.constant 2 : i32
    %get3A_468 = arith.index_cast %get3A_467 : i32 to index
    %get3A_469 = arith.constant 16 : index
    %get3A_470 = tpu.vector_load %arg12[%get3A_468, %get3A_469] {strides = array<i32>} : memref<4x128xf32, #tpu.memory_space<vmem>>, vector<16xf32>,
    %mul3A_471 = arith.mulf %get3A_470, %get3A_107 : vector<16xf32>
    %add3A_472 = arith.addf %mul3A_466, %mul3A_471 : vector<16xf32>
    %get3A_473 = arith.constant 2 : i32
    %get3A_474 = arith.index_cast %get3A_473 : i32 to index
    %get3A_475 = arith.constant 32 : index
    %get3A_476 = tpu.vector_load %arg12[%get3A_474, %get3A_475] {strides = array<i32>} : memref<4x128xf32, #tpu.memory_space<vmem>>, vector<16xf32>,
    %mul3A_477 = arith.mulf %get3A_476, %get3A_111 : vector<16xf32>
    %add3A_478 = arith.addf %add3A_472, %mul3A_477 : vector<16xf32>
    %get3A_479 = arith.constant 2 : i32
    %get3A_480 = arith.index_cast %get3A_479 : i32 to index
    %get3A_481 = arith.constant 48 : index
    %get3A_482 = tpu.vector_load %arg12[%get3A_480, %get3A_481] {strides = array<i32>} : memref<4x128xf32, #tpu.memory_space<vmem>>, vector<16xf32>,
    %mul3A_483 = arith.mulf %get3A_482, %get3A_115 : vector<16xf32>
    %add3A_484 = arith.addf %add3A_478, %mul3A_483 : vector<16xf32>
    %get3A_485 = arith.constant 2 : i32
    %get3A_486 = arith.index_cast %get3A_485 : i32 to index
    %get3A_487 = arith.constant 64 : index
    %get3A_488 = tpu.vector_load %arg12[%get3A_486, %get3A_487] {strides = array<i32>} : memref<4x128xf32, #tpu.memory_space<vmem>>, vector<16xf32>,
    %mul3A_489 = arith.mulf %get3A_488, %get3A_119 : vector<16xf32>
    %add3A_490 = arith.addf %add3A_484, %mul3A_489 : vector<16xf32>
    %get3A_491 = arith.constant 2 : i32
    %get3A_492 = arith.index_cast %get3A_491 : i32 to index
    %get3A_493 = arith.constant 80 : index
    %get3A_494 = tpu.vector_load %arg12[%get3A_492, %get3A_493] {strides = array<i32>} : memref<4x128xf32, #tpu.memory_space<vmem>>, vector<16xf32>,
    %mul3A_495 = arith.mulf %get3A_494, %get3A_123 : vector<16xf32>
    %add3A_496 = arith.addf %add3A_490, %mul3A_495 : vector<16xf32>
    %get3A_497 = arith.constant 2 : i32
    %get3A_498 = arith.index_cast %get3A_497 : i32 to index
    %get3A_499 = arith.constant 96 : index
    %get3A_500 = tpu.vector_load %arg12[%get3A_498, %get3A_499] {strides = array<i32>} : memref<4x128xf32, #tpu.memory_space<vmem>>, vector<16xf32>,
    %mul3A_501 = arith.mulf %get3A_500, %get3A_127 : vector<16xf32>
    %add3A_502 = arith.addf %add3A_496, %mul3A_501 : vector<16xf32>
    %get3A_503 = arith.constant 2 : i32
    %get3A_504 = arith.index_cast %get3A_503 : i32 to index
    %get3A_505 = arith.constant 112 : index
    %get3A_506 = tpu.vector_load %arg12[%get3A_504, %get3A_505] {strides = array<i32>} : memref<4x128xf32, #tpu.memory_space<vmem>>, vector<16xf32>,
    %mul3A_507 = arith.mulf %get3A_506, %get3A_131 : vector<16xf32>
    %add3A_508 = arith.addf %add3A_502, %mul3A_507 : vector<16xf32>
    %eq3A_509 = arith.constant 2 : i32
    %eq3A_510 = vector.broadcast %eq3A_509 : i32 to vector<16xi32>
    %eq3A_511 = arith.cmpi eq, %iota3A, %eq3A_510 : vector<16xi32>
    %slice3A_512 = vector.extract_strided_slice %add3A_508 {offsets = [0], sizes = [1], strides = [1]} : vector<16xf32> to vector<1xf32>
    %squeeze3A_513 = vector.extract %slice3A_512[0] : f32 from vector<1xf32>
    %slice3A_514 = vector.extract_strided_slice %add3A_508 {offsets = [1], sizes = [1], strides = [1]} : vector<16xf32> to vector<1xf32>
    %squeeze3A_515 = vector.extract %slice3A_514[0] : f32 from vector<1xf32>
    %add3A_516 = arith.addf %squeeze3A_513, %squeeze3A_515 : f32
    %slice3A_517 = vector.extract_strided_slice %add3A_508 {offsets = [2], sizes = [1], strides = [1]} : vector<16xf32> to vector<1xf32>
    %squeeze3A_518 = vector.extract %slice3A_517[0] : f32 from vector<1xf32>
    %add3A_519 = arith.addf %add3A_516, %squeeze3A_518 : f32
    %slice3A_520 = vector.extract_strided_slice %add3A_508 {offsets = [3], sizes = [1], strides = [1]} : vector<16xf32> to vector<1xf32>
    %squeeze3A_521 = vector.extract %slice3A_520[0] : f32 from vector<1xf32>
    %add3A_522 = arith.addf %add3A_519, %squeeze3A_521 : f32
    %slice3A_523 = vector.extract_strided_slice %add3A_508 {offsets = [4], sizes = [1], strides = [1]} : vector<16xf32> to vector<1xf32>
    %squeeze3A_524 = vector.extract %slice3A_523[0] : f32 from vector<1xf32>
    %add3A_525 = arith.addf %add3A_522, %squeeze3A_524 : f32
    %slice3A_526 = vector.extract_strided_slice %add3A_508 {offsets = [5], sizes = [1], strides = [1]} : vector<16xf32> to vector<1xf32>
    %squeeze3A_527 = vector.extract %slice3A_526[0] : f32 from vector<1xf32>
    %add3A_528 = arith.addf %add3A_525, %squeeze3A_527 : f32
    %slice3A_529 = vector.extract_strided_slice %add3A_508 {offsets = [6], sizes = [1], strides = [1]} : vector<16xf32> to vector<1xf32>
    %squeeze3A_530 = vector.extract %slice3A_529[0] : f32 from vector<1xf32>
    %add3A_531 = arith.addf %add3A_528, %squeeze3A_530 : f32
    %slice3A_532 = vector.extract_strided_slice %add3A_508 {offsets = [7], sizes = [1], strides = [1]} : vector<16xf32> to vector<1xf32>
    %squeeze3A_533 = vector.extract %slice3A_532[0] : f32 from vector<1xf32>
    %add3A_534 = arith.addf %add3A_531, %squeeze3A_533 : f32
    %slice3A_535 = vector.extract_strided_slice %add3A_508 {offsets = [8], sizes = [1], strides = [1]} : vector<16xf32> to vector<1xf32>
    %squeeze3A_536 = vector.extract %slice3A_535[0] : f32 from vector<1xf32>
    %add3A_537 = arith.addf %add3A_534, %squeeze3A_536 : f32
    %slice3A_538 = vector.extract_strided_slice %add3A_508 {offsets = [9], sizes = [1], strides = [1]} : vector<16xf32> to vector<1xf32>
    %squeeze3A_539 = vector.extract %slice3A_538[0] : f32 from vector<1xf32>
    %add3A_540 = arith.addf %add3A_537, %squeeze3A_539 : f32
    %slice3A_541 = vector.extract_strided_slice %add3A_508 {offsets = [10], sizes = [1], strides = [1]} : vector<16xf32> to vector<1xf32>
    %squeeze3A_542 = vector.extract %slice3A_541[0] : f32 from vector<1xf32>
    %add3A_543 = arith.addf %add3A_540, %squeeze3A_542 : f32
    %slice3A_544 = vector.extract_strided_slice %add3A_508 {offsets = [11], sizes = [1], strides = [1]} : vector<16xf32> to vector<1xf32>
    %squeeze3A_545 = vector.extract %slice3A_544[0] : f32 from vector<1xf32>
    %add3A_546 = arith.addf %add3A_543, %squeeze3A_545 : f32
    %slice3A_547 = vector.extract_strided_slice %add3A_508 {offsets = [12], sizes = [1], strides = [1]} : vector<16xf32> to vector<1xf32>
    %squeeze3A_548 = vector.extract %slice3A_547[0] : f32 from vector<1xf32>
    %add3A_549 = arith.addf %add3A_546, %squeeze3A_548 : f32
    %slice3A_550 = vector.extract_strided_slice %add3A_508 {offsets = [13], sizes = [1], strides = [1]} : vector<16xf32> to vector<1xf32>
    %squeeze3A_551 = vector.extract %slice3A_550[0] : f32 from vector<1xf32>
    %add3A_552 = arith.addf %add3A_549, %squeeze3A_551 : f32
    %slice3A_553 = vector.extract_strided_slice %add3A_508 {offsets = [14], sizes = [1], strides = [1]} : vector<16xf32> to vector<1xf32>
    %squeeze3A_554 = vector.extract %slice3A_553[0] : f32 from vector<1xf32>
    %add3A_555 = arith.addf %add3A_552, %squeeze3A_554 : f32
    %slice3A_556 = vector.extract_strided_slice %add3A_508 {offsets = [15], sizes = [1], strides = [1]} : vector<16xf32> to vector<1xf32>
    %squeeze3A_557 = vector.extract %slice3A_556[0] : f32 from vector<1xf32>
    %add3A_558 = arith.addf %add3A_555, %squeeze3A_557 : f32
    %broadcast_in_dim3A_559 = vector.broadcast %add3A_558 : f32 to vector<16xf32>
    %select_n3A_560 = arith.select %eq3A_511, %broadcast_in_dim3A_559, %select_n3A_461 : vector<16xi1>, vector<16xf32>
    %get3A_561 = arith.constant 3 : i32
    %get3A_562 = arith.index_cast %get3A_561 : i32 to index
    %get3A_563 = arith.constant 0 : index
    %get3A_564 = tpu.vector_load %arg12[%get3A_562, %get3A_563] {strides = array<i32>} : memref<4x128xf32, #tpu.memory_space<vmem>>, vector<16xf32>,
    %mul3A_565 = arith.mulf %get3A_564, %get3A_103 : vector<16xf32>
    %get3A_566 = arith.constant 3 : i32
    %get3A_567 = arith.index_cast %get3A_566 : i32 to index
    %get3A_568 = arith.constant 16 : index
    %get3A_569 = tpu.vector_load %arg12[%get3A_567, %get3A_568] {strides = array<i32>} : memref<4x128xf32, #tpu.memory_space<vmem>>, vector<16xf32>,
    %mul3A_570 = arith.mulf %get3A_569, %get3A_107 : vector<16xf32>
    %add3A_571 = arith.addf %mul3A_565, %mul3A_570 : vector<16xf32>
    %get3A_572 = arith.constant 3 : i32
    %get3A_573 = arith.index_cast %get3A_572 : i32 to index
    %get3A_574 = arith.constant 32 : index
    %get3A_575 = tpu.vector_load %arg12[%get3A_573, %get3A_574] {strides = array<i32>} : memref<4x128xf32, #tpu.memory_space<vmem>>, vector<16xf32>,
    %mul3A_576 = arith.mulf %get3A_575, %get3A_111 : vector<16xf32>
    %add3A_577 = arith.addf %add3A_571, %mul3A_576 : vector<16xf32>
    %get3A_578 = arith.constant 3 : i32
    %get3A_579 = arith.index_cast %get3A_578 : i32 to index
    %get3A_580 = arith.constant 48 : index
    %get3A_581 = tpu.vector_load %arg12[%get3A_579, %get3A_580] {strides = array<i32>} : memref<4x128xf32, #tpu.memory_space<vmem>>, vector<16xf32>,
    %mul3A_582 = arith.mulf %get3A_581, %get3A_115 : vector<16xf32>
    %add3A_583 = arith.addf %add3A_577, %mul3A_582 : vector<16xf32>
    %get3A_584 = arith.constant 3 : i32
    %get3A_585 = arith.index_cast %get3A_584 : i32 to index
    %get3A_586 = arith.constant 64 : index
    %get3A_587 = tpu.vector_load %arg12[%get3A_585, %get3A_586] {strides = array<i32>} : memref<4x128xf32, #tpu.memory_space<vmem>>, vector<16xf32>,
    %mul3A_588 = arith.mulf %get3A_587, %get3A_119 : vector<16xf32>
    %add3A_589 = arith.addf %add3A_583, %mul3A_588 : vector<16xf32>
    %get3A_590 = arith.constant 3 : i32
    %get3A_591 = arith.index_cast %get3A_590 : i32 to index
    %get3A_592 = arith.constant 80 : index
    %get3A_593 = tpu.vector_load %arg12[%get3A_591, %get3A_592] {strides = array<i32>} : memref<4x128xf32, #tpu.memory_space<vmem>>, vector<16xf32>,
    %mul3A_594 = arith.mulf %get3A_593, %get3A_123 : vector<16xf32>
    %add3A_595 = arith.addf %add3A_589, %mul3A_594 : vector<16xf32>
    %get3A_596 = arith.constant 3 : i32
    %get3A_597 = arith.index_cast %get3A_596 : i32 to index
    %get3A_598 = arith.constant 96 : index
    %get3A_599 = tpu.vector_load %arg12[%get3A_597, %get3A_598] {strides = array<i32>} : memref<4x128xf32, #tpu.memory_space<vmem>>, vector<16xf32>,
    %mul3A_600 = arith.mulf %get3A_599, %get3A_127 : vector<16xf32>
    %add3A_601 = arith.addf %add3A_595, %mul3A_600 : vector<16xf32>
    %get3A_602 = arith.constant 3 : i32
    %get3A_603 = arith.index_cast %get3A_602 : i32 to index
    %get3A_604 = arith.constant 112 : index
    %get3A_605 = tpu.vector_load %arg12[%get3A_603, %get3A_604] {strides = array<i32>} : memref<4x128xf32, #tpu.memory_space<vmem>>, vector<16xf32>,
    %mul3A_606 = arith.mulf %get3A_605, %get3A_131 : vector<16xf32>
    %add3A_607 = arith.addf %add3A_601, %mul3A_606 : vector<16xf32>
    %eq3A_608 = arith.constant 3 : i32
    %eq3A_609 = vector.broadcast %eq3A_608 : i32 to vector<16xi32>
    %eq3A_610 = arith.cmpi eq, %iota3A, %eq3A_609 : vector<16xi32>
    %slice3A_611 = vector.extract_strided_slice %add3A_607 {offsets = [0], sizes = [1], strides = [1]} : vector<16xf32> to vector<1xf32>
    %squeeze3A_612 = vector.extract %slice3A_611[0] : f32 from vector<1xf32>
    %slice3A_613 = vector.extract_strided_slice %add3A_607 {offsets = [1], sizes = [1], strides = [1]} : vector<16xf32> to vector<1xf32>
    %squeeze3A_614 = vector.extract %slice3A_613[0] : f32 from vector<1xf32>
    %add3A_615 = arith.addf %squeeze3A_612, %squeeze3A_614 : f32
    %slice3A_616 = vector.extract_strided_slice %add3A_607 {offsets = [2], sizes = [1], strides = [1]} : vector<16xf32> to vector<1xf32>
    %squeeze3A_617 = vector.extract %slice3A_616[0] : f32 from vector<1xf32>
    %add3A_618 = arith.addf %add3A_615, %squeeze3A_617 : f32
    %slice3A_619 = vector.extract_strided_slice %add3A_607 {offsets = [3], sizes = [1], strides = [1]} : vector<16xf32> to vector<1xf32>
    %squeeze3A_620 = vector.extract %slice3A_619[0] : f32 from vector<1xf32>
    %add3A_621 = arith.addf %add3A_618, %squeeze3A_620 : f32
    %slice3A_622 = vector.extract_strided_slice %add3A_607 {offsets = [4], sizes = [1], strides = [1]} : vector<16xf32> to vector<1xf32>
    %squeeze3A_623 = vector.extract %slice3A_622[0] : f32 from vector<1xf32>
    %add3A_624 = arith.addf %add3A_621, %squeeze3A_623 : f32
    %slice3A_625 = vector.extract_strided_slice %add3A_607 {offsets = [5], sizes = [1], strides = [1]} : vector<16xf32> to vector<1xf32>
    %squeeze3A_626 = vector.extract %slice3A_625[0] : f32 from vector<1xf32>
    %add3A_627 = arith.addf %add3A_624, %squeeze3A_626 : f32
    %slice3A_628 = vector.extract_strided_slice %add3A_607 {offsets = [6], sizes = [1], strides = [1]} : vector<16xf32> to vector<1xf32>
    %squeeze3A_629 = vector.extract %slice3A_628[0] : f32 from vector<1xf32>
    %add3A_630 = arith.addf %add3A_627, %squeeze3A_629 : f32
    %slice3A_631 = vector.extract_strided_slice %add3A_607 {offsets = [7], sizes = [1], strides = [1]} : vector<16xf32> to vector<1xf32>
    %squeeze3A_632 = vector.extract %slice3A_631[0] : f32 from vector<1xf32>
    %add3A_633 = arith.addf %add3A_630, %squeeze3A_632 : f32
    %slice3A_634 = vector.extract_strided_slice %add3A_607 {offsets = [8], sizes = [1], strides = [1]} : vector<16xf32> to vector<1xf32>
    %squeeze3A_635 = vector.extract %slice3A_634[0] : f32 from vector<1xf32>
    %add3A_636 = arith.addf %add3A_633, %squeeze3A_635 : f32
    %slice3A_637 = vector.extract_strided_slice %add3A_607 {offsets = [9], sizes = [1], strides = [1]} : vector<16xf32> to vector<1xf32>
    %squeeze3A_638 = vector.extract %slice3A_637[0] : f32 from vector<1xf32>
    %add3A_639 = arith.addf %add3A_636, %squeeze3A_638 : f32
    %slice3A_640 = vector.extract_strided_slice %add3A_607 {offsets = [10], sizes = [1], strides = [1]} : vector<16xf32> to vector<1xf32>
    %squeeze3A_641 = vector.extract %slice3A_640[0] : f32 from vector<1xf32>
    %add3A_642 = arith.addf %add3A_639, %squeeze3A_641 : f32
    %slice3A_643 = vector.extract_strided_slice %add3A_607 {offsets = [11], sizes = [1], strides = [1]} : vector<16xf32> to vector<1xf32>
    %squeeze3A_644 = vector.extract %slice3A_643[0] : f32 from vector<1xf32>
    %add3A_645 = arith.addf %add3A_642, %squeeze3A_644 : f32
    %slice3A_646 = vector.extract_strided_slice %add3A_607 {offsets = [12], sizes = [1], strides = [1]} : vector<16xf32> to vector<1xf32>
    %squeeze3A_647 = vector.extract %slice3A_646[0] : f32 from vector<1xf32>
    %add3A_648 = arith.addf %add3A_645, %squeeze3A_647 : f32
    %slice3A_649 = vector.extract_strided_slice %add3A_607 {offsets = [13], sizes = [1], strides = [1]} : vector<16xf32> to vector<1xf32>
    %squeeze3A_650 = vector.extract %slice3A_649[0] : f32 from vector<1xf32>
    %add3A_651 = arith.addf %add3A_648, %squeeze3A_650 : f32
    %slice3A_652 = vector.extract_strided_slice %add3A_607 {offsets = [14], sizes = [1], strides = [1]} : vector<16xf32> to vector<1xf32>
    %squeeze3A_653 = vector.extract %slice3A_652[0] : f32 from vector<1xf32>
    %add3A_654 = arith.addf %add3A_651, %squeeze3A_653 : f32
    %slice3A_655 = vector.extract_strided_slice %add3A_607 {offsets = [15], sizes = [1], strides = [1]} : vector<16xf32> to vector<1xf32>
    %squeeze3A_656 = vector.extract %slice3A_655[0] : f32 from vector<1xf32>
    %add3A_657 = arith.addf %add3A_654, %squeeze3A_656 : f32
    %broadcast_in_dim3A_658 = vector.broadcast %add3A_657 : f32 to vector<16xf32>
    %select_n3A_659 = arith.select %eq3A_610, %broadcast_in_dim3A_658, %select_n3A_560 : vector<16xi1>, vector<16xf32>
    %swap3A = arith.constant 0 : i32
    %swap3A_660 = arith.index_cast %swap3A : i32 to index
    %swap3A_661 = arith.constant 0 : index
    %swap3A_662 = tpu.vector_load %arg14[%swap3A_660, %swap3A_661] {strides = array<i32>} : memref<1x16xf32, #tpu.memory_space<vmem>>, vector<16xf32>,
    tpu.vector_store %arg14[%swap3A_660, %swap3A_661], %select_n3A_659 {strides = array<i32>} : memref<1x16xf32, #tpu.memory_space<vmem>>, vector<16xf32>,
    "tpu.region"() ({
      %run_scoped3A = tpu.sem_alloc : memref<!tpu.dma_semaphore, #tpu.memory_space<semaphore_mem>>
      %dma_start3A_1336 = arith.constant 0 : i32
      %dma_start3A_1337 = tpu.memref_slice %arg19[%arg1, %dma_start3A_1336] : memref<16x16xf32, #tpu.memory_space<vmem_shared>> -> memref<1x16xf32, #tpu.memory_space<vmem_shared>>
      %dma_start3A_1338 = arith.constant 0 : i32
      %dma_start3A_1339 = tpu.memref_slice %arg19[%arg1, %dma_start3A_1338] : memref<16x16xf32, #tpu.memory_space<vmem_shared>> -> memref<1x16xf32, #tpu.memory_space<vmem_shared>>
      tpu.enqueue_dma source(%arg14 : memref<1x16xf32, #tpu.memory_space<vmem>>) target(%dma_start3A_1339 : memref<1x16xf32, #tpu.memory_space<vmem_shared>>) target_semaphore(%run_scoped3A : memref<!tpu.dma_semaphore, #tpu.memory_space<semaphore_mem>>)
      %dma_wait3A_1340 = arith.constant 0 : i32
      %dma_wait3A_1341 = tpu.memref_slice %arg19[%arg1, %dma_wait3A_1340] : memref<16x16xf32, #tpu.memory_space<vmem_shared>> -> memref<1x16xf32, #tpu.memory_space<vmem_shared>>
      %dma_wait3A_1342 = arith.constant 0 : i32
      %dma_wait3A_1343 = tpu.memref_slice %arg19[%arg1, %dma_wait3A_1342] : memref<16x16xf32, #tpu.memory_space<vmem_shared>> -> memref<1x16xf32, #tpu.memory_space<vmem_shared>>
      tpu.wait_dma2 semaphore(%run_scoped3A : memref<!tpu.dma_semaphore, #tpu.memory_space<semaphore_mem>>) src(%arg14 : memref<1x16xf32, #tpu.memory_space<vmem>>) dst(%dma_wait3A_1343 : memref<1x16xf32, #tpu.memory_space<vmem_shared>>)
      tpu.yield
    }) : () -> ()
    %barrier3A = arith.constant 0 : index
    tpu.barrier barrier_id(%barrier3A)
    %mul3A_663 = arith.constant 8 : i32
    %mul3A_664 = arith.muli %select_n3A, %mul3A_663 : i32
    "tpu.region"() ({
      %run_scoped3A = tpu.sem_alloc : memref<!tpu.dma_semaphore, #tpu.memory_space<semaphore_mem>>
      %dma_start3A_1336 = arith.constant 0 : i32
      %dma_start3A_1337 = tpu.memref_slice %arg19[%mul3A_664, %dma_start3A_1336] : memref<16x16xf32, #tpu.memory_space<vmem_shared>> -> memref<8x16xf32, #tpu.memory_space<vmem_shared>>
      %dma_start3A_1338 = arith.constant 0 : i32
      %dma_start3A_1339 = tpu.memref_slice %arg19[%mul3A_664, %dma_start3A_1338] : memref<16x16xf32, #tpu.memory_space<vmem_shared>> -> memref<8x16xf32, #tpu.memory_space<vmem_shared>>
      tpu.enqueue_dma source(%dma_start3A_1339 : memref<8x16xf32, #tpu.memory_space<vmem_shared>>) target(%arg15 : memref<8x16xf32, #tpu.memory_space<vmem>>) target_semaphore(%run_scoped3A : memref<!tpu.dma_semaphore, #tpu.memory_space<semaphore_mem>>)
      %dma_wait3A_1340 = arith.constant 0 : i32
      %dma_wait3A_1341 = tpu.memref_slice %arg19[%mul3A_664, %dma_wait3A_1340] : memref<16x16xf32, #tpu.memory_space<vmem_shared>> -> memref<8x16xf32, #tpu.memory_space<vmem_shared>>
      %dma_wait3A_1342 = arith.constant 0 : i32
      %dma_wait3A_1343 = tpu.memref_slice %arg19[%mul3A_664, %dma_wait3A_1342] : memref<16x16xf32, #tpu.memory_space<vmem_shared>> -> memref<8x16xf32, #tpu.memory_space<vmem_shared>>
      tpu.wait_dma2 semaphore(%run_scoped3A : memref<!tpu.dma_semaphore, #tpu.memory_space<semaphore_mem>>) src(%dma_wait3A_1343 : memref<8x16xf32, #tpu.memory_space<vmem_shared>>) dst(%arg15 : memref<8x16xf32, #tpu.memory_space<vmem>>)
      tpu.yield
    }) : () -> ()
    %broadcast_in_dim3A_665 = arith.constant 0.000000e+00 : f32
    %broadcast_in_dim3A_666 = vector.broadcast %broadcast_in_dim3A_665 : f32 to vector<16xf32>
    %broadcast_in_dim3A_667 = arith.constant 0.000000e+00 : f32
    %broadcast_in_dim3A_668 = vector.broadcast %broadcast_in_dim3A_667 : f32 to vector<16xf32>
    %get3A_669 = arith.constant 0 : i32
    %get3A_670 = arith.index_cast %get3A_669 : i32 to index
    %get3A_671 = arith.constant 0 : index
    %get3A_672 = tpu.vector_load %arg15[%get3A_670, %get3A_671] {strides = array<i32>} : memref<8x16xf32, #tpu.memory_space<vmem>>, vector<16xf32>,
    %get3A_673 = arith.constant 4 : i32
    %get3A_674 = arith.index_cast %get3A_673 : i32 to index
    %get3A_675 = arith.constant 0 : index
    %get3A_676 = tpu.vector_load %arg15[%get3A_674, %get3A_675] {strides = array<i32>} : memref<8x16xf32, #tpu.memory_space<vmem>>, vector<16xf32>,
    %eq3A_677 = arith.constant 0 : i32
    %eq3A_678 = vector.broadcast %eq3A_677 : i32 to vector<16xi32>
    %eq3A_679 = arith.cmpi eq, %iota3A, %eq3A_678 : vector<16xi32>
    %slice3A_680 = vector.extract_strided_slice %get3A_672 {offsets = [0], sizes = [1], strides = [1]} : vector<16xf32> to vector<1xf32>
    %squeeze3A_681 = vector.extract %slice3A_680[0] : f32 from vector<1xf32>
    %broadcast_in_dim3A_682 = vector.broadcast %squeeze3A_681 : f32 to vector<16xf32>
    %select_n3A_683 = arith.select %eq3A_679, %broadcast_in_dim3A_682, %broadcast_in_dim3A_666 : vector<16xi1>, vector<16xf32>
    %eq3A_684 = arith.constant 0 : i32
    %eq3A_685 = vector.broadcast %eq3A_684 : i32 to vector<16xi32>
    %eq3A_686 = arith.cmpi eq, %iota3A, %eq3A_685 : vector<16xi32>
    %slice3A_687 = vector.extract_strided_slice %get3A_676 {offsets = [0], sizes = [1], strides = [1]} : vector<16xf32> to vector<1xf32>
    %squeeze3A_688 = vector.extract %slice3A_687[0] : f32 from vector<1xf32>
    %broadcast_in_dim3A_689 = vector.broadcast %squeeze3A_688 : f32 to vector<16xf32>
    %select_n3A_690 = arith.select %eq3A_686, %broadcast_in_dim3A_689, %broadcast_in_dim3A_668 : vector<16xi1>, vector<16xf32>
    %eq3A_691 = arith.constant 1 : i32
    %eq3A_692 = vector.broadcast %eq3A_691 : i32 to vector<16xi32>
    %eq3A_693 = arith.cmpi eq, %iota3A, %eq3A_692 : vector<16xi32>
    %slice3A_694 = vector.extract_strided_slice %get3A_672 {offsets = [1], sizes = [1], strides = [1]} : vector<16xf32> to vector<1xf32>
    %squeeze3A_695 = vector.extract %slice3A_694[0] : f32 from vector<1xf32>
    %broadcast_in_dim3A_696 = vector.broadcast %squeeze3A_695 : f32 to vector<16xf32>
    %select_n3A_697 = arith.select %eq3A_693, %broadcast_in_dim3A_696, %select_n3A_683 : vector<16xi1>, vector<16xf32>
    %eq3A_698 = arith.constant 1 : i32
    %eq3A_699 = vector.broadcast %eq3A_698 : i32 to vector<16xi32>
    %eq3A_700 = arith.cmpi eq, %iota3A, %eq3A_699 : vector<16xi32>
    %slice3A_701 = vector.extract_strided_slice %get3A_676 {offsets = [1], sizes = [1], strides = [1]} : vector<16xf32> to vector<1xf32>
    %squeeze3A_702 = vector.extract %slice3A_701[0] : f32 from vector<1xf32>
    %broadcast_in_dim3A_703 = vector.broadcast %squeeze3A_702 : f32 to vector<16xf32>
    %select_n3A_704 = arith.select %eq3A_700, %broadcast_in_dim3A_703, %select_n3A_690 : vector<16xi1>, vector<16xf32>
    %eq3A_705 = arith.constant 2 : i32
    %eq3A_706 = vector.broadcast %eq3A_705 : i32 to vector<16xi32>
    %eq3A_707 = arith.cmpi eq, %iota3A, %eq3A_706 : vector<16xi32>
    %slice3A_708 = vector.extract_strided_slice %get3A_672 {offsets = [2], sizes = [1], strides = [1]} : vector<16xf32> to vector<1xf32>
    %squeeze3A_709 = vector.extract %slice3A_708[0] : f32 from vector<1xf32>
    %broadcast_in_dim3A_710 = vector.broadcast %squeeze3A_709 : f32 to vector<16xf32>
    %select_n3A_711 = arith.select %eq3A_707, %broadcast_in_dim3A_710, %select_n3A_697 : vector<16xi1>, vector<16xf32>
    %eq3A_712 = arith.constant 2 : i32
    %eq3A_713 = vector.broadcast %eq3A_712 : i32 to vector<16xi32>
    %eq3A_714 = arith.cmpi eq, %iota3A, %eq3A_713 : vector<16xi32>
    %slice3A_715 = vector.extract_strided_slice %get3A_676 {offsets = [2], sizes = [1], strides = [1]} : vector<16xf32> to vector<1xf32>
    %squeeze3A_716 = vector.extract %slice3A_715[0] : f32 from vector<1xf32>
    %broadcast_in_dim3A_717 = vector.broadcast %squeeze3A_716 : f32 to vector<16xf32>
    %select_n3A_718 = arith.select %eq3A_714, %broadcast_in_dim3A_717, %select_n3A_704 : vector<16xi1>, vector<16xf32>
    %eq3A_719 = arith.constant 3 : i32
    %eq3A_720 = vector.broadcast %eq3A_719 : i32 to vector<16xi32>
    %eq3A_721 = arith.cmpi eq, %iota3A, %eq3A_720 : vector<16xi32>
    %slice3A_722 = vector.extract_strided_slice %get3A_672 {offsets = [3], sizes = [1], strides = [1]} : vector<16xf32> to vector<1xf32>
    %squeeze3A_723 = vector.extract %slice3A_722[0] : f32 from vector<1xf32>
    %broadcast_in_dim3A_724 = vector.broadcast %squeeze3A_723 : f32 to vector<16xf32>
    %select_n3A_725 = arith.select %eq3A_721, %broadcast_in_dim3A_724, %select_n3A_711 : vector<16xi1>, vector<16xf32>
    %eq3A_726 = arith.constant 3 : i32
    %eq3A_727 = vector.broadcast %eq3A_726 : i32 to vector<16xi32>
    %eq3A_728 = arith.cmpi eq, %iota3A, %eq3A_727 : vector<16xi32>
    %slice3A_729 = vector.extract_strided_slice %get3A_676 {offsets = [3], sizes = [1], strides = [1]} : vector<16xf32> to vector<1xf32>
    %squeeze3A_730 = vector.extract %slice3A_729[0] : f32 from vector<1xf32>
    %broadcast_in_dim3A_731 = vector.broadcast %squeeze3A_730 : f32 to vector<16xf32>
    %select_n3A_732 = arith.select %eq3A_728, %broadcast_in_dim3A_731, %select_n3A_718 : vector<16xi1>, vector<16xf32>
    %get3A_733 = arith.constant 1 : i32
    %get3A_734 = arith.index_cast %get3A_733 : i32 to index
    %get3A_735 = arith.constant 0 : index
    %get3A_736 = tpu.vector_load %arg15[%get3A_734, %get3A_735] {strides = array<i32>} : memref<8x16xf32, #tpu.memory_space<vmem>>, vector<16xf32>,
    %get3A_737 = arith.constant 5 : i32
    %get3A_738 = arith.index_cast %get3A_737 : i32 to index
    %get3A_739 = arith.constant 0 : index
    %get3A_740 = tpu.vector_load %arg15[%get3A_738, %get3A_739] {strides = array<i32>} : memref<8x16xf32, #tpu.memory_space<vmem>>, vector<16xf32>,
    %eq3A_741 = arith.constant 4 : i32
    %eq3A_742 = vector.broadcast %eq3A_741 : i32 to vector<16xi32>
    %eq3A_743 = arith.cmpi eq, %iota3A, %eq3A_742 : vector<16xi32>
    %slice3A_744 = vector.extract_strided_slice %get3A_736 {offsets = [0], sizes = [1], strides = [1]} : vector<16xf32> to vector<1xf32>
    %squeeze3A_745 = vector.extract %slice3A_744[0] : f32 from vector<1xf32>
    %broadcast_in_dim3A_746 = vector.broadcast %squeeze3A_745 : f32 to vector<16xf32>
    %select_n3A_747 = arith.select %eq3A_743, %broadcast_in_dim3A_746, %select_n3A_725 : vector<16xi1>, vector<16xf32>
    %eq3A_748 = arith.constant 4 : i32
    %eq3A_749 = vector.broadcast %eq3A_748 : i32 to vector<16xi32>
    %eq3A_750 = arith.cmpi eq, %iota3A, %eq3A_749 : vector<16xi32>
    %slice3A_751 = vector.extract_strided_slice %get3A_740 {offsets = [0], sizes = [1], strides = [1]} : vector<16xf32> to vector<1xf32>
    %squeeze3A_752 = vector.extract %slice3A_751[0] : f32 from vector<1xf32>
    %broadcast_in_dim3A_753 = vector.broadcast %squeeze3A_752 : f32 to vector<16xf32>
    %select_n3A_754 = arith.select %eq3A_750, %broadcast_in_dim3A_753, %select_n3A_732 : vector<16xi1>, vector<16xf32>
    %eq3A_755 = arith.constant 5 : i32
    %eq3A_756 = vector.broadcast %eq3A_755 : i32 to vector<16xi32>
    %eq3A_757 = arith.cmpi eq, %iota3A, %eq3A_756 : vector<16xi32>
    %slice3A_758 = vector.extract_strided_slice %get3A_736 {offsets = [1], sizes = [1], strides = [1]} : vector<16xf32> to vector<1xf32>
    %squeeze3A_759 = vector.extract %slice3A_758[0] : f32 from vector<1xf32>
    %broadcast_in_dim3A_760 = vector.broadcast %squeeze3A_759 : f32 to vector<16xf32>
    %select_n3A_761 = arith.select %eq3A_757, %broadcast_in_dim3A_760, %select_n3A_747 : vector<16xi1>, vector<16xf32>
    %eq3A_762 = arith.constant 5 : i32
    %eq3A_763 = vector.broadcast %eq3A_762 : i32 to vector<16xi32>
    %eq3A_764 = arith.cmpi eq, %iota3A, %eq3A_763 : vector<16xi32>
    %slice3A_765 = vector.extract_strided_slice %get3A_740 {offsets = [1], sizes = [1], strides = [1]} : vector<16xf32> to vector<1xf32>
    %squeeze3A_766 = vector.extract %slice3A_765[0] : f32 from vector<1xf32>
    %broadcast_in_dim3A_767 = vector.broadcast %squeeze3A_766 : f32 to vector<16xf32>
    %select_n3A_768 = arith.select %eq3A_764, %broadcast_in_dim3A_767, %select_n3A_754 : vector<16xi1>, vector<16xf32>
    %eq3A_769 = arith.constant 6 : i32
    %eq3A_770 = vector.broadcast %eq3A_769 : i32 to vector<16xi32>
    %eq3A_771 = arith.cmpi eq, %iota3A, %eq3A_770 : vector<16xi32>
    %slice3A_772 = vector.extract_strided_slice %get3A_736 {offsets = [2], sizes = [1], strides = [1]} : vector<16xf32> to vector<1xf32>
    %squeeze3A_773 = vector.extract %slice3A_772[0] : f32 from vector<1xf32>
    %broadcast_in_dim3A_774 = vector.broadcast %squeeze3A_773 : f32 to vector<16xf32>
    %select_n3A_775 = arith.select %eq3A_771, %broadcast_in_dim3A_774, %select_n3A_761 : vector<16xi1>, vector<16xf32>
    %eq3A_776 = arith.constant 6 : i32
    %eq3A_777 = vector.broadcast %eq3A_776 : i32 to vector<16xi32>
    %eq3A_778 = arith.cmpi eq, %iota3A, %eq3A_777 : vector<16xi32>
    %slice3A_779 = vector.extract_strided_slice %get3A_740 {offsets = [2], sizes = [1], strides = [1]} : vector<16xf32> to vector<1xf32>
    %squeeze3A_780 = vector.extract %slice3A_779[0] : f32 from vector<1xf32>
    %broadcast_in_dim3A_781 = vector.broadcast %squeeze3A_780 : f32 to vector<16xf32>
    %select_n3A_782 = arith.select %eq3A_778, %broadcast_in_dim3A_781, %select_n3A_768 : vector<16xi1>, vector<16xf32>
    %eq3A_783 = arith.constant 7 : i32
    %eq3A_784 = vector.broadcast %eq3A_783 : i32 to vector<16xi32>
    %eq3A_785 = arith.cmpi eq, %iota3A, %eq3A_784 : vector<16xi32>
    %slice3A_786 = vector.extract_strided_slice %get3A_736 {offsets = [3], sizes = [1], strides = [1]} : vector<16xf32> to vector<1xf32>
    %squeeze3A_787 = vector.extract %slice3A_786[0] : f32 from vector<1xf32>
    %broadcast_in_dim3A_788 = vector.broadcast %squeeze3A_787 : f32 to vector<16xf32>
    %select_n3A_789 = arith.select %eq3A_785, %broadcast_in_dim3A_788, %select_n3A_775 : vector<16xi1>, vector<16xf32>
    %eq3A_790 = arith.constant 7 : i32
    %eq3A_791 = vector.broadcast %eq3A_790 : i32 to vector<16xi32>
    %eq3A_792 = arith.cmpi eq, %iota3A, %eq3A_791 : vector<16xi32>
    %slice3A_793 = vector.extract_strided_slice %get3A_740 {offsets = [3], sizes = [1], strides = [1]} : vector<16xf32> to vector<1xf32>
    %squeeze3A_794 = vector.extract %slice3A_793[0] : f32 from vector<1xf32>
    %broadcast_in_dim3A_795 = vector.broadcast %squeeze3A_794 : f32 to vector<16xf32>
    %select_n3A_796 = arith.select %eq3A_792, %broadcast_in_dim3A_795, %select_n3A_782 : vector<16xi1>, vector<16xf32>
    %get3A_797 = arith.constant 2 : i32
    %get3A_798 = arith.index_cast %get3A_797 : i32 to index
    %get3A_799 = arith.constant 0 : index
    %get3A_800 = tpu.vector_load %arg15[%get3A_798, %get3A_799] {strides = array<i32>} : memref<8x16xf32, #tpu.memory_space<vmem>>, vector<16xf32>,
    %get3A_801 = arith.constant 6 : i32
    %get3A_802 = arith.index_cast %get3A_801 : i32 to index
    %get3A_803 = arith.constant 0 : index
    %get3A_804 = tpu.vector_load %arg15[%get3A_802, %get3A_803] {strides = array<i32>} : memref<8x16xf32, #tpu.memory_space<vmem>>, vector<16xf32>,
    %eq3A_805 = arith.constant 8 : i32
    %eq3A_806 = vector.broadcast %eq3A_805 : i32 to vector<16xi32>
    %eq3A_807 = arith.cmpi eq, %iota3A, %eq3A_806 : vector<16xi32>
    %slice3A_808 = vector.extract_strided_slice %get3A_800 {offsets = [0], sizes = [1], strides = [1]} : vector<16xf32> to vector<1xf32>
    %squeeze3A_809 = vector.extract %slice3A_808[0] : f32 from vector<1xf32>
    %broadcast_in_dim3A_810 = vector.broadcast %squeeze3A_809 : f32 to vector<16xf32>
    %select_n3A_811 = arith.select %eq3A_807, %broadcast_in_dim3A_810, %select_n3A_789 : vector<16xi1>, vector<16xf32>
    %eq3A_812 = arith.constant 8 : i32
    %eq3A_813 = vector.broadcast %eq3A_812 : i32 to vector<16xi32>
    %eq3A_814 = arith.cmpi eq, %iota3A, %eq3A_813 : vector<16xi32>
    %slice3A_815 = vector.extract_strided_slice %get3A_804 {offsets = [0], sizes = [1], strides = [1]} : vector<16xf32> to vector<1xf32>
    %squeeze3A_816 = vector.extract %slice3A_815[0] : f32 from vector<1xf32>
    %broadcast_in_dim3A_817 = vector.broadcast %squeeze3A_816 : f32 to vector<16xf32>
    %select_n3A_818 = arith.select %eq3A_814, %broadcast_in_dim3A_817, %select_n3A_796 : vector<16xi1>, vector<16xf32>
    %eq3A_819 = arith.constant 9 : i32
    %eq3A_820 = vector.broadcast %eq3A_819 : i32 to vector<16xi32>
    %eq3A_821 = arith.cmpi eq, %iota3A, %eq3A_820 : vector<16xi32>
    %slice3A_822 = vector.extract_strided_slice %get3A_800 {offsets = [1], sizes = [1], strides = [1]} : vector<16xf32> to vector<1xf32>
    %squeeze3A_823 = vector.extract %slice3A_822[0] : f32 from vector<1xf32>
    %broadcast_in_dim3A_824 = vector.broadcast %squeeze3A_823 : f32 to vector<16xf32>
    %select_n3A_825 = arith.select %eq3A_821, %broadcast_in_dim3A_824, %select_n3A_811 : vector<16xi1>, vector<16xf32>
    %eq3A_826 = arith.constant 9 : i32
    %eq3A_827 = vector.broadcast %eq3A_826 : i32 to vector<16xi32>
    %eq3A_828 = arith.cmpi eq, %iota3A, %eq3A_827 : vector<16xi32>
    %slice3A_829 = vector.extract_strided_slice %get3A_804 {offsets = [1], sizes = [1], strides = [1]} : vector<16xf32> to vector<1xf32>
    %squeeze3A_830 = vector.extract %slice3A_829[0] : f32 from vector<1xf32>
    %broadcast_in_dim3A_831 = vector.broadcast %squeeze3A_830 : f32 to vector<16xf32>
    %select_n3A_832 = arith.select %eq3A_828, %broadcast_in_dim3A_831, %select_n3A_818 : vector<16xi1>, vector<16xf32>
    %eq3A_833 = arith.constant 10 : i32
    %eq3A_834 = vector.broadcast %eq3A_833 : i32 to vector<16xi32>
    %eq3A_835 = arith.cmpi eq, %iota3A, %eq3A_834 : vector<16xi32>
    %slice3A_836 = vector.extract_strided_slice %get3A_800 {offsets = [2], sizes = [1], strides = [1]} : vector<16xf32> to vector<1xf32>
    %squeeze3A_837 = vector.extract %slice3A_836[0] : f32 from vector<1xf32>
    %broadcast_in_dim3A_838 = vector.broadcast %squeeze3A_837 : f32 to vector<16xf32>
    %select_n3A_839 = arith.select %eq3A_835, %broadcast_in_dim3A_838, %select_n3A_825 : vector<16xi1>, vector<16xf32>
    %eq3A_840 = arith.constant 10 : i32
    %eq3A_841 = vector.broadcast %eq3A_840 : i32 to vector<16xi32>
    %eq3A_842 = arith.cmpi eq, %iota3A, %eq3A_841 : vector<16xi32>
    %slice3A_843 = vector.extract_strided_slice %get3A_804 {offsets = [2], sizes = [1], strides = [1]} : vector<16xf32> to vector<1xf32>
    %squeeze3A_844 = vector.extract %slice3A_843[0] : f32 from vector<1xf32>
    %broadcast_in_dim3A_845 = vector.broadcast %squeeze3A_844 : f32 to vector<16xf32>
    %select_n3A_846 = arith.select %eq3A_842, %broadcast_in_dim3A_845, %select_n3A_832 : vector<16xi1>, vector<16xf32>
    %eq3A_847 = arith.constant 11 : i32
    %eq3A_848 = vector.broadcast %eq3A_847 : i32 to vector<16xi32>
    %eq3A_849 = arith.cmpi eq, %iota3A, %eq3A_848 : vector<16xi32>
    %slice3A_850 = vector.extract_strided_slice %get3A_800 {offsets = [3], sizes = [1], strides = [1]} : vector<16xf32> to vector<1xf32>
    %squeeze3A_851 = vector.extract %slice3A_850[0] : f32 from vector<1xf32>
    %broadcast_in_dim3A_852 = vector.broadcast %squeeze3A_851 : f32 to vector<16xf32>
    %select_n3A_853 = arith.select %eq3A_849, %broadcast_in_dim3A_852, %select_n3A_839 : vector<16xi1>, vector<16xf32>
    %eq3A_854 = arith.constant 11 : i32
    %eq3A_855 = vector.broadcast %eq3A_854 : i32 to vector<16xi32>
    %eq3A_856 = arith.cmpi eq, %iota3A, %eq3A_855 : vector<16xi32>
    %slice3A_857 = vector.extract_strided_slice %get3A_804 {offsets = [3], sizes = [1], strides = [1]} : vector<16xf32> to vector<1xf32>
    %squeeze3A_858 = vector.extract %slice3A_857[0] : f32 from vector<1xf32>
    %broadcast_in_dim3A_859 = vector.broadcast %squeeze3A_858 : f32 to vector<16xf32>
    %select_n3A_860 = arith.select %eq3A_856, %broadcast_in_dim3A_859, %select_n3A_846 : vector<16xi1>, vector<16xf32>
    %get3A_861 = arith.constant 3 : i32
    %get3A_862 = arith.index_cast %get3A_861 : i32 to index
    %get3A_863 = arith.constant 0 : index
    %get3A_864 = tpu.vector_load %arg15[%get3A_862, %get3A_863] {strides = array<i32>} : memref<8x16xf32, #tpu.memory_space<vmem>>, vector<16xf32>,
    %get3A_865 = arith.constant 7 : i32
    %get3A_866 = arith.index_cast %get3A_865 : i32 to index
    %get3A_867 = arith.constant 0 : index
    %get3A_868 = tpu.vector_load %arg15[%get3A_866, %get3A_867] {strides = array<i32>} : memref<8x16xf32, #tpu.memory_space<vmem>>, vector<16xf32>,
    %eq3A_869 = arith.constant 12 : i32
    %eq3A_870 = vector.broadcast %eq3A_869 : i32 to vector<16xi32>
    %eq3A_871 = arith.cmpi eq, %iota3A, %eq3A_870 : vector<16xi32>
    %slice3A_872 = vector.extract_strided_slice %get3A_864 {offsets = [0], sizes = [1], strides = [1]} : vector<16xf32> to vector<1xf32>
    %squeeze3A_873 = vector.extract %slice3A_872[0] : f32 from vector<1xf32>
    %broadcast_in_dim3A_874 = vector.broadcast %squeeze3A_873 : f32 to vector<16xf32>
    %select_n3A_875 = arith.select %eq3A_871, %broadcast_in_dim3A_874, %select_n3A_853 : vector<16xi1>, vector<16xf32>
    %eq3A_876 = arith.constant 12 : i32
    %eq3A_877 = vector.broadcast %eq3A_876 : i32 to vector<16xi32>
    %eq3A_878 = arith.cmpi eq, %iota3A, %eq3A_877 : vector<16xi32>
    %slice3A_879 = vector.extract_strided_slice %get3A_868 {offsets = [0], sizes = [1], strides = [1]} : vector<16xf32> to vector<1xf32>
    %squeeze3A_880 = vector.extract %slice3A_879[0] : f32 from vector<1xf32>
    %broadcast_in_dim3A_881 = vector.broadcast %squeeze3A_880 : f32 to vector<16xf32>
    %select_n3A_882 = arith.select %eq3A_878, %broadcast_in_dim3A_881, %select_n3A_860 : vector<16xi1>, vector<16xf32>
    %eq3A_883 = arith.constant 13 : i32
    %eq3A_884 = vector.broadcast %eq3A_883 : i32 to vector<16xi32>
    %eq3A_885 = arith.cmpi eq, %iota3A, %eq3A_884 : vector<16xi32>
    %slice3A_886 = vector.extract_strided_slice %get3A_864 {offsets = [1], sizes = [1], strides = [1]} : vector<16xf32> to vector<1xf32>
    %squeeze3A_887 = vector.extract %slice3A_886[0] : f32 from vector<1xf32>
    %broadcast_in_dim3A_888 = vector.broadcast %squeeze3A_887 : f32 to vector<16xf32>
    %select_n3A_889 = arith.select %eq3A_885, %broadcast_in_dim3A_888, %select_n3A_875 : vector<16xi1>, vector<16xf32>
    %eq3A_890 = arith.constant 13 : i32
    %eq3A_891 = vector.broadcast %eq3A_890 : i32 to vector<16xi32>
    %eq3A_892 = arith.cmpi eq, %iota3A, %eq3A_891 : vector<16xi32>
    %slice3A_893 = vector.extract_strided_slice %get3A_868 {offsets = [1], sizes = [1], strides = [1]} : vector<16xf32> to vector<1xf32>
    %squeeze3A_894 = vector.extract %slice3A_893[0] : f32 from vector<1xf32>
    %broadcast_in_dim3A_895 = vector.broadcast %squeeze3A_894 : f32 to vector<16xf32>
    %select_n3A_896 = arith.select %eq3A_892, %broadcast_in_dim3A_895, %select_n3A_882 : vector<16xi1>, vector<16xf32>
    %eq3A_897 = arith.constant 14 : i32
    %eq3A_898 = vector.broadcast %eq3A_897 : i32 to vector<16xi32>
    %eq3A_899 = arith.cmpi eq, %iota3A, %eq3A_898 : vector<16xi32>
    %slice3A_900 = vector.extract_strided_slice %get3A_864 {offsets = [2], sizes = [1], strides = [1]} : vector<16xf32> to vector<1xf32>
    %squeeze3A_901 = vector.extract %slice3A_900[0] : f32 from vector<1xf32>
    %broadcast_in_dim3A_902 = vector.broadcast %squeeze3A_901 : f32 to vector<16xf32>
    %select_n3A_903 = arith.select %eq3A_899, %broadcast_in_dim3A_902, %select_n3A_889 : vector<16xi1>, vector<16xf32>
    %eq3A_904 = arith.constant 14 : i32
    %eq3A_905 = vector.broadcast %eq3A_904 : i32 to vector<16xi32>
    %eq3A_906 = arith.cmpi eq, %iota3A, %eq3A_905 : vector<16xi32>
    %slice3A_907 = vector.extract_strided_slice %get3A_868 {offsets = [2], sizes = [1], strides = [1]} : vector<16xf32> to vector<1xf32>
    %squeeze3A_908 = vector.extract %slice3A_907[0] : f32 from vector<1xf32>
    %broadcast_in_dim3A_909 = vector.broadcast %squeeze3A_908 : f32 to vector<16xf32>
    %select_n3A_910 = arith.select %eq3A_906, %broadcast_in_dim3A_909, %select_n3A_896 : vector<16xi1>, vector<16xf32>
    %eq3A_911 = arith.constant 15 : i32
    %eq3A_912 = vector.broadcast %eq3A_911 : i32 to vector<16xi32>
    %eq3A_913 = arith.cmpi eq, %iota3A, %eq3A_912 : vector<16xi32>
    %slice3A_914 = vector.extract_strided_slice %get3A_864 {offsets = [3], sizes = [1], strides = [1]} : vector<16xf32> to vector<1xf32>
    %squeeze3A_915 = vector.extract %slice3A_914[0] : f32 from vector<1xf32>
    %broadcast_in_dim3A_916 = vector.broadcast %squeeze3A_915 : f32 to vector<16xf32>
    %select_n3A_917 = arith.select %eq3A_913, %broadcast_in_dim3A_916, %select_n3A_903 : vector<16xi1>, vector<16xf32>
    %eq3A_918 = arith.constant 15 : i32
    %eq3A_919 = vector.broadcast %eq3A_918 : i32 to vector<16xi32>
    %eq3A_920 = arith.cmpi eq, %iota3A, %eq3A_919 : vector<16xi32>
    %slice3A_921 = vector.extract_strided_slice %get3A_868 {offsets = [3], sizes = [1], strides = [1]} : vector<16xf32> to vector<1xf32>
    %squeeze3A_922 = vector.extract %slice3A_921[0] : f32 from vector<1xf32>
    %broadcast_in_dim3A_923 = vector.broadcast %squeeze3A_922 : f32 to vector<16xf32>
    %select_n3A_924 = arith.select %eq3A_920, %broadcast_in_dim3A_923, %select_n3A_910 : vector<16xi1>, vector<16xf32>
    %add3A_925 = vector.broadcast %add3A_262 : f32 to vector<16xf32>
    %add3A_926 = arith.addf %select_n3A_917, %add3A_925 : vector<16xf32>
    %ge3A = arith.constant 0.000000e+00 : f32
    %ge3A_927 = vector.broadcast %ge3A : f32 to vector<16xf32>
    %ge3A_928 = arith.cmpf oge, %add3A_926, %ge3A_927 : vector<16xf32>
    %mul3A_929 = arith.constant 2.000000e-01 : f32
    %mul3A_930 = vector.broadcast %mul3A_929 : f32 to vector<16xf32>
    %mul3A_931 = arith.mulf %mul3A_930, %add3A_926 : vector<16xf32>
    %select_n3A_932 = arith.select %ge3A_928, %add3A_926, %mul3A_931 : vector<16xi1>, vector<16xf32>
    %exp3A = math.exp %select_n3A_932 : vector<16xf32>
    %add3A_933 = vector.broadcast %add3A_262 : f32 to vector<16xf32>
    %add3A_934 = arith.addf %select_n3A_924, %add3A_933 : vector<16xf32>
    %ge3A_935 = arith.constant 0.000000e+00 : f32
    %ge3A_936 = vector.broadcast %ge3A_935 : f32 to vector<16xf32>
    %ge3A_937 = arith.cmpf oge, %add3A_934, %ge3A_936 : vector<16xf32>
    %mul3A_938 = arith.constant 2.000000e-01 : f32
    %mul3A_939 = vector.broadcast %mul3A_938 : f32 to vector<16xf32>
    %mul3A_940 = arith.mulf %mul3A_939, %add3A_934 : vector<16xf32>
    %select_n3A_941 = arith.select %ge3A_937, %add3A_934, %mul3A_940 : vector<16xi1>, vector<16xf32>
    %exp3A_942 = math.exp %select_n3A_941 : vector<16xf32>
    %slice3A_943 = vector.extract_strided_slice %exp3A {offsets = [0], sizes = [1], strides = [1]} : vector<16xf32> to vector<1xf32>
    %squeeze3A_944 = vector.extract %slice3A_943[0] : f32 from vector<1xf32>
    %slice3A_945 = vector.extract_strided_slice %exp3A {offsets = [1], sizes = [1], strides = [1]} : vector<16xf32> to vector<1xf32>
    %squeeze3A_946 = vector.extract %slice3A_945[0] : f32 from vector<1xf32>
    %add3A_947 = arith.addf %squeeze3A_944, %squeeze3A_946 : f32
    %slice3A_948 = vector.extract_strided_slice %exp3A {offsets = [2], sizes = [1], strides = [1]} : vector<16xf32> to vector<1xf32>
    %squeeze3A_949 = vector.extract %slice3A_948[0] : f32 from vector<1xf32>
    %add3A_950 = arith.addf %add3A_947, %squeeze3A_949 : f32
    %slice3A_951 = vector.extract_strided_slice %exp3A {offsets = [3], sizes = [1], strides = [1]} : vector<16xf32> to vector<1xf32>
    %squeeze3A_952 = vector.extract %slice3A_951[0] : f32 from vector<1xf32>
    %add3A_953 = arith.addf %add3A_950, %squeeze3A_952 : f32
    %slice3A_954 = vector.extract_strided_slice %exp3A {offsets = [4], sizes = [1], strides = [1]} : vector<16xf32> to vector<1xf32>
    %squeeze3A_955 = vector.extract %slice3A_954[0] : f32 from vector<1xf32>
    %add3A_956 = arith.addf %add3A_953, %squeeze3A_955 : f32
    %slice3A_957 = vector.extract_strided_slice %exp3A {offsets = [5], sizes = [1], strides = [1]} : vector<16xf32> to vector<1xf32>
    %squeeze3A_958 = vector.extract %slice3A_957[0] : f32 from vector<1xf32>
    %add3A_959 = arith.addf %add3A_956, %squeeze3A_958 : f32
    %slice3A_960 = vector.extract_strided_slice %exp3A {offsets = [6], sizes = [1], strides = [1]} : vector<16xf32> to vector<1xf32>
    %squeeze3A_961 = vector.extract %slice3A_960[0] : f32 from vector<1xf32>
    %add3A_962 = arith.addf %add3A_959, %squeeze3A_961 : f32
    %slice3A_963 = vector.extract_strided_slice %exp3A {offsets = [7], sizes = [1], strides = [1]} : vector<16xf32> to vector<1xf32>
    %squeeze3A_964 = vector.extract %slice3A_963[0] : f32 from vector<1xf32>
    %add3A_965 = arith.addf %add3A_962, %squeeze3A_964 : f32
    %slice3A_966 = vector.extract_strided_slice %exp3A {offsets = [8], sizes = [1], strides = [1]} : vector<16xf32> to vector<1xf32>
    %squeeze3A_967 = vector.extract %slice3A_966[0] : f32 from vector<1xf32>
    %add3A_968 = arith.addf %add3A_965, %squeeze3A_967 : f32
    %slice3A_969 = vector.extract_strided_slice %exp3A {offsets = [9], sizes = [1], strides = [1]} : vector<16xf32> to vector<1xf32>
    %squeeze3A_970 = vector.extract %slice3A_969[0] : f32 from vector<1xf32>
    %add3A_971 = arith.addf %add3A_968, %squeeze3A_970 : f32
    %slice3A_972 = vector.extract_strided_slice %exp3A {offsets = [10], sizes = [1], strides = [1]} : vector<16xf32> to vector<1xf32>
    %squeeze3A_973 = vector.extract %slice3A_972[0] : f32 from vector<1xf32>
    %add3A_974 = arith.addf %add3A_971, %squeeze3A_973 : f32
    %slice3A_975 = vector.extract_strided_slice %exp3A {offsets = [11], sizes = [1], strides = [1]} : vector<16xf32> to vector<1xf32>
    %squeeze3A_976 = vector.extract %slice3A_975[0] : f32 from vector<1xf32>
    %add3A_977 = arith.addf %add3A_974, %squeeze3A_976 : f32
    %slice3A_978 = vector.extract_strided_slice %exp3A {offsets = [12], sizes = [1], strides = [1]} : vector<16xf32> to vector<1xf32>
    %squeeze3A_979 = vector.extract %slice3A_978[0] : f32 from vector<1xf32>
    %add3A_980 = arith.addf %add3A_977, %squeeze3A_979 : f32
    %slice3A_981 = vector.extract_strided_slice %exp3A {offsets = [13], sizes = [1], strides = [1]} : vector<16xf32> to vector<1xf32>
    %squeeze3A_982 = vector.extract %slice3A_981[0] : f32 from vector<1xf32>
    %add3A_983 = arith.addf %add3A_980, %squeeze3A_982 : f32
    %slice3A_984 = vector.extract_strided_slice %exp3A {offsets = [14], sizes = [1], strides = [1]} : vector<16xf32> to vector<1xf32>
    %squeeze3A_985 = vector.extract %slice3A_984[0] : f32 from vector<1xf32>
    %add3A_986 = arith.addf %add3A_983, %squeeze3A_985 : f32
    %slice3A_987 = vector.extract_strided_slice %exp3A {offsets = [15], sizes = [1], strides = [1]} : vector<16xf32> to vector<1xf32>
    %squeeze3A_988 = vector.extract %slice3A_987[0] : f32 from vector<1xf32>
    %add3A_989 = arith.addf %add3A_986, %squeeze3A_988 : f32
    %slice3A_990 = vector.extract_strided_slice %exp3A_942 {offsets = [0], sizes = [1], strides = [1]} : vector<16xf32> to vector<1xf32>
    %squeeze3A_991 = vector.extract %slice3A_990[0] : f32 from vector<1xf32>
    %slice3A_992 = vector.extract_strided_slice %exp3A_942 {offsets = [1], sizes = [1], strides = [1]} : vector<16xf32> to vector<1xf32>
    %squeeze3A_993 = vector.extract %slice3A_992[0] : f32 from vector<1xf32>
    %add3A_994 = arith.addf %squeeze3A_991, %squeeze3A_993 : f32
    %slice3A_995 = vector.extract_strided_slice %exp3A_942 {offsets = [2], sizes = [1], strides = [1]} : vector<16xf32> to vector<1xf32>
    %squeeze3A_996 = vector.extract %slice3A_995[0] : f32 from vector<1xf32>
    %add3A_997 = arith.addf %add3A_994, %squeeze3A_996 : f32
    %slice3A_998 = vector.extract_strided_slice %exp3A_942 {offsets = [3], sizes = [1], strides = [1]} : vector<16xf32> to vector<1xf32>
    %squeeze3A_999 = vector.extract %slice3A_998[0] : f32 from vector<1xf32>
    %add3A_1000 = arith.addf %add3A_997, %squeeze3A_999 : f32
    %slice3A_1001 = vector.extract_strided_slice %exp3A_942 {offsets = [4], sizes = [1], strides = [1]} : vector<16xf32> to vector<1xf32>
    %squeeze3A_1002 = vector.extract %slice3A_1001[0] : f32 from vector<1xf32>
    %add3A_1003 = arith.addf %add3A_1000, %squeeze3A_1002 : f32
    %slice3A_1004 = vector.extract_strided_slice %exp3A_942 {offsets = [5], sizes = [1], strides = [1]} : vector<16xf32> to vector<1xf32>
    %squeeze3A_1005 = vector.extract %slice3A_1004[0] : f32 from vector<1xf32>
    %add3A_1006 = arith.addf %add3A_1003, %squeeze3A_1005 : f32
    %slice3A_1007 = vector.extract_strided_slice %exp3A_942 {offsets = [6], sizes = [1], strides = [1]} : vector<16xf32> to vector<1xf32>
    %squeeze3A_1008 = vector.extract %slice3A_1007[0] : f32 from vector<1xf32>
    %add3A_1009 = arith.addf %add3A_1006, %squeeze3A_1008 : f32
    %slice3A_1010 = vector.extract_strided_slice %exp3A_942 {offsets = [7], sizes = [1], strides = [1]} : vector<16xf32> to vector<1xf32>
    %squeeze3A_1011 = vector.extract %slice3A_1010[0] : f32 from vector<1xf32>
    %add3A_1012 = arith.addf %add3A_1009, %squeeze3A_1011 : f32
    %slice3A_1013 = vector.extract_strided_slice %exp3A_942 {offsets = [8], sizes = [1], strides = [1]} : vector<16xf32> to vector<1xf32>
    %squeeze3A_1014 = vector.extract %slice3A_1013[0] : f32 from vector<1xf32>
    %add3A_1015 = arith.addf %add3A_1012, %squeeze3A_1014 : f32
    %slice3A_1016 = vector.extract_strided_slice %exp3A_942 {offsets = [9], sizes = [1], strides = [1]} : vector<16xf32> to vector<1xf32>
    %squeeze3A_1017 = vector.extract %slice3A_1016[0] : f32 from vector<1xf32>
    %add3A_1018 = arith.addf %add3A_1015, %squeeze3A_1017 : f32
    %slice3A_1019 = vector.extract_strided_slice %exp3A_942 {offsets = [10], sizes = [1], strides = [1]} : vector<16xf32> to vector<1xf32>
    %squeeze3A_1020 = vector.extract %slice3A_1019[0] : f32 from vector<1xf32>
    %add3A_1021 = arith.addf %add3A_1018, %squeeze3A_1020 : f32
    %slice3A_1022 = vector.extract_strided_slice %exp3A_942 {offsets = [11], sizes = [1], strides = [1]} : vector<16xf32> to vector<1xf32>
    %squeeze3A_1023 = vector.extract %slice3A_1022[0] : f32 from vector<1xf32>
    %add3A_1024 = arith.addf %add3A_1021, %squeeze3A_1023 : f32
    %slice3A_1025 = vector.extract_strided_slice %exp3A_942 {offsets = [12], sizes = [1], strides = [1]} : vector<16xf32> to vector<1xf32>
    %squeeze3A_1026 = vector.extract %slice3A_1025[0] : f32 from vector<1xf32>
    %add3A_1027 = arith.addf %add3A_1024, %squeeze3A_1026 : f32
    %slice3A_1028 = vector.extract_strided_slice %exp3A_942 {offsets = [13], sizes = [1], strides = [1]} : vector<16xf32> to vector<1xf32>
    %squeeze3A_1029 = vector.extract %slice3A_1028[0] : f32 from vector<1xf32>
    %add3A_1030 = arith.addf %add3A_1027, %squeeze3A_1029 : f32
    %slice3A_1031 = vector.extract_strided_slice %exp3A_942 {offsets = [14], sizes = [1], strides = [1]} : vector<16xf32> to vector<1xf32>
    %squeeze3A_1032 = vector.extract %slice3A_1031[0] : f32 from vector<1xf32>
    %add3A_1033 = arith.addf %add3A_1030, %squeeze3A_1032 : f32
    %slice3A_1034 = vector.extract_strided_slice %exp3A_942 {offsets = [15], sizes = [1], strides = [1]} : vector<16xf32> to vector<1xf32>
    %squeeze3A_1035 = vector.extract %slice3A_1034[0] : f32 from vector<1xf32>
    %add3A_1036 = arith.addf %add3A_1033, %squeeze3A_1035 : f32
    %add3A_1037 = arith.addf %add3A_989, %add3A_1036 : f32
    %add3A_1038 = vector.broadcast %add3A_262 : f32 to vector<16xf32>
    %add3A_1039 = arith.addf %select_n3A_659, %add3A_1038 : vector<16xf32>
    %ge3A_1040 = arith.constant 0.000000e+00 : f32
    %ge3A_1041 = vector.broadcast %ge3A_1040 : f32 to vector<16xf32>
    %ge3A_1042 = arith.cmpf oge, %add3A_1039, %ge3A_1041 : vector<16xf32>
    %mul3A_1043 = arith.constant 2.000000e-01 : f32
    %mul3A_1044 = vector.broadcast %mul3A_1043 : f32 to vector<16xf32>
    %mul3A_1045 = arith.mulf %mul3A_1044, %add3A_1039 : vector<16xf32>
    %select_n3A_1046 = arith.select %ge3A_1042, %add3A_1039, %mul3A_1045 : vector<16xi1>, vector<16xf32>
    %exp3A_1047 = math.exp %select_n3A_1046 : vector<16xf32>
    %div3A_1048 = vector.broadcast %add3A_1037 : f32 to vector<16xf32>
    %div3A_1049 = arith.divf %exp3A_1047, %div3A_1048 : vector<16xf32>
    %broadcast_in_dim3A_1050 = arith.constant 0.000000e+00 : f32
    %broadcast_in_dim3A_1051 = vector.broadcast %broadcast_in_dim3A_1050 : f32 to vector<16xf32>
    %broadcast_in_dim3A_1052 = arith.constant 0.000000e+00 : f32
    %broadcast_in_dim3A_1053 = vector.broadcast %broadcast_in_dim3A_1052 : f32 to vector<16xf32>
    %broadcast_in_dim3A_1054 = arith.constant 0.000000e+00 : f32
    %broadcast_in_dim3A_1055 = vector.broadcast %broadcast_in_dim3A_1054 : f32 to vector<16xf32>
    %broadcast_in_dim3A_1056 = arith.constant 0.000000e+00 : f32
    %broadcast_in_dim3A_1057 = vector.broadcast %broadcast_in_dim3A_1056 : f32 to vector<16xf32>
    %broadcast_in_dim3A_1058 = arith.constant 0.000000e+00 : f32
    %broadcast_in_dim3A_1059 = vector.broadcast %broadcast_in_dim3A_1058 : f32 to vector<16xf32>
    %broadcast_in_dim3A_1060 = arith.constant 0.000000e+00 : f32
    %broadcast_in_dim3A_1061 = vector.broadcast %broadcast_in_dim3A_1060 : f32 to vector<16xf32>
    %broadcast_in_dim3A_1062 = arith.constant 0.000000e+00 : f32
    %broadcast_in_dim3A_1063 = vector.broadcast %broadcast_in_dim3A_1062 : f32 to vector<16xf32>
    %broadcast_in_dim3A_1064 = arith.constant 0.000000e+00 : f32
    %broadcast_in_dim3A_1065 = vector.broadcast %broadcast_in_dim3A_1064 : f32 to vector<16xf32>
    %slice3A_1066 = vector.extract_strided_slice %div3A_1049 {offsets = [0], sizes = [1], strides = [1]} : vector<16xf32> to vector<1xf32>
    %squeeze3A_1067 = vector.extract %slice3A_1066[0] : f32 from vector<1xf32>
    %get3A_1068 = arith.constant 0 : i32
    %get3A_1069 = arith.index_cast %get3A_1068 : i32 to index
    %get3A_1070 = arith.constant 0 : index
    %get3A_1071 = tpu.vector_load %arg12[%get3A_1069, %get3A_1070] {strides = array<i32>} : memref<4x128xf32, #tpu.memory_space<vmem>>, vector<16xf32>,
    %mul3A_1072 = vector.broadcast %squeeze3A_1067 : f32 to vector<16xf32>
    %mul3A_1073 = arith.mulf %get3A_1071, %mul3A_1072 : vector<16xf32>
    %add3A_1074 = arith.addf %broadcast_in_dim3A_1051, %mul3A_1073 : vector<16xf32>
    %get3A_1075 = arith.constant 0 : i32
    %get3A_1076 = arith.index_cast %get3A_1075 : i32 to index
    %get3A_1077 = arith.constant 16 : index
    %get3A_1078 = tpu.vector_load %arg12[%get3A_1076, %get3A_1077] {strides = array<i32>} : memref<4x128xf32, #tpu.memory_space<vmem>>, vector<16xf32>,
    %mul3A_1079 = vector.broadcast %squeeze3A_1067 : f32 to vector<16xf32>
    %mul3A_1080 = arith.mulf %get3A_1078, %mul3A_1079 : vector<16xf32>
    %add3A_1081 = arith.addf %broadcast_in_dim3A_1053, %mul3A_1080 : vector<16xf32>
    %get3A_1082 = arith.constant 0 : i32
    %get3A_1083 = arith.index_cast %get3A_1082 : i32 to index
    %get3A_1084 = arith.constant 32 : index
    %get3A_1085 = tpu.vector_load %arg12[%get3A_1083, %get3A_1084] {strides = array<i32>} : memref<4x128xf32, #tpu.memory_space<vmem>>, vector<16xf32>,
    %mul3A_1086 = vector.broadcast %squeeze3A_1067 : f32 to vector<16xf32>
    %mul3A_1087 = arith.mulf %get3A_1085, %mul3A_1086 : vector<16xf32>
    %add3A_1088 = arith.addf %broadcast_in_dim3A_1055, %mul3A_1087 : vector<16xf32>
    %get3A_1089 = arith.constant 0 : i32
    %get3A_1090 = arith.index_cast %get3A_1089 : i32 to index
    %get3A_1091 = arith.constant 48 : index
    %get3A_1092 = tpu.vector_load %arg12[%get3A_1090, %get3A_1091] {strides = array<i32>} : memref<4x128xf32, #tpu.memory_space<vmem>>, vector<16xf32>,
    %mul3A_1093 = vector.broadcast %squeeze3A_1067 : f32 to vector<16xf32>
    %mul3A_1094 = arith.mulf %get3A_1092, %mul3A_1093 : vector<16xf32>
    %add3A_1095 = arith.addf %broadcast_in_dim3A_1057, %mul3A_1094 : vector<16xf32>
    %get3A_1096 = arith.constant 0 : i32
    %get3A_1097 = arith.index_cast %get3A_1096 : i32 to index
    %get3A_1098 = arith.constant 64 : index
    %get3A_1099 = tpu.vector_load %arg12[%get3A_1097, %get3A_1098] {strides = array<i32>} : memref<4x128xf32, #tpu.memory_space<vmem>>, vector<16xf32>,
    %mul3A_1100 = vector.broadcast %squeeze3A_1067 : f32 to vector<16xf32>
    %mul3A_1101 = arith.mulf %get3A_1099, %mul3A_1100 : vector<16xf32>
    %add3A_1102 = arith.addf %broadcast_in_dim3A_1059, %mul3A_1101 : vector<16xf32>
    %get3A_1103 = arith.constant 0 : i32
    %get3A_1104 = arith.index_cast %get3A_1103 : i32 to index
    %get3A_1105 = arith.constant 80 : index
    %get3A_1106 = tpu.vector_load %arg12[%get3A_1104, %get3A_1105] {strides = array<i32>} : memref<4x128xf32, #tpu.memory_space<vmem>>, vector<16xf32>,
    %mul3A_1107 = vector.broadcast %squeeze3A_1067 : f32 to vector<16xf32>
    %mul3A_1108 = arith.mulf %get3A_1106, %mul3A_1107 : vector<16xf32>
    %add3A_1109 = arith.addf %broadcast_in_dim3A_1061, %mul3A_1108 : vector<16xf32>
    %get3A_1110 = arith.constant 0 : i32
    %get3A_1111 = arith.index_cast %get3A_1110 : i32 to index
    %get3A_1112 = arith.constant 96 : index
    %get3A_1113 = tpu.vector_load %arg12[%get3A_1111, %get3A_1112] {strides = array<i32>} : memref<4x128xf32, #tpu.memory_space<vmem>>, vector<16xf32>,
    %mul3A_1114 = vector.broadcast %squeeze3A_1067 : f32 to vector<16xf32>
    %mul3A_1115 = arith.mulf %get3A_1113, %mul3A_1114 : vector<16xf32>
    %add3A_1116 = arith.addf %broadcast_in_dim3A_1063, %mul3A_1115 : vector<16xf32>
    %get3A_1117 = arith.constant 0 : i32
    %get3A_1118 = arith.index_cast %get3A_1117 : i32 to index
    %get3A_1119 = arith.constant 112 : index
    %get3A_1120 = tpu.vector_load %arg12[%get3A_1118, %get3A_1119] {strides = array<i32>} : memref<4x128xf32, #tpu.memory_space<vmem>>, vector<16xf32>,
    %mul3A_1121 = vector.broadcast %squeeze3A_1067 : f32 to vector<16xf32>
    %mul3A_1122 = arith.mulf %get3A_1120, %mul3A_1121 : vector<16xf32>
    %add3A_1123 = arith.addf %broadcast_in_dim3A_1065, %mul3A_1122 : vector<16xf32>
    %slice3A_1124 = vector.extract_strided_slice %div3A_1049 {offsets = [1], sizes = [1], strides = [1]} : vector<16xf32> to vector<1xf32>
    %squeeze3A_1125 = vector.extract %slice3A_1124[0] : f32 from vector<1xf32>
    %get3A_1126 = arith.constant 1 : i32
    %get3A_1127 = arith.index_cast %get3A_1126 : i32 to index
    %get3A_1128 = arith.constant 0 : index
    %get3A_1129 = tpu.vector_load %arg12[%get3A_1127, %get3A_1128] {strides = array<i32>} : memref<4x128xf32, #tpu.memory_space<vmem>>, vector<16xf32>,
    %mul3A_1130 = vector.broadcast %squeeze3A_1125 : f32 to vector<16xf32>
    %mul3A_1131 = arith.mulf %get3A_1129, %mul3A_1130 : vector<16xf32>
    %add3A_1132 = arith.addf %add3A_1074, %mul3A_1131 : vector<16xf32>
    %get3A_1133 = arith.constant 1 : i32
    %get3A_1134 = arith.index_cast %get3A_1133 : i32 to index
    %get3A_1135 = arith.constant 16 : index
    %get3A_1136 = tpu.vector_load %arg12[%get3A_1134, %get3A_1135] {strides = array<i32>} : memref<4x128xf32, #tpu.memory_space<vmem>>, vector<16xf32>,
    %mul3A_1137 = vector.broadcast %squeeze3A_1125 : f32 to vector<16xf32>
    %mul3A_1138 = arith.mulf %get3A_1136, %mul3A_1137 : vector<16xf32>
    %add3A_1139 = arith.addf %add3A_1081, %mul3A_1138 : vector<16xf32>
    %get3A_1140 = arith.constant 1 : i32
    %get3A_1141 = arith.index_cast %get3A_1140 : i32 to index
    %get3A_1142 = arith.constant 32 : index
    %get3A_1143 = tpu.vector_load %arg12[%get3A_1141, %get3A_1142] {strides = array<i32>} : memref<4x128xf32, #tpu.memory_space<vmem>>, vector<16xf32>,
    %mul3A_1144 = vector.broadcast %squeeze3A_1125 : f32 to vector<16xf32>
    %mul3A_1145 = arith.mulf %get3A_1143, %mul3A_1144 : vector<16xf32>
    %add3A_1146 = arith.addf %add3A_1088, %mul3A_1145 : vector<16xf32>
    %get3A_1147 = arith.constant 1 : i32
    %get3A_1148 = arith.index_cast %get3A_1147 : i32 to index
    %get3A_1149 = arith.constant 48 : index
    %get3A_1150 = tpu.vector_load %arg12[%get3A_1148, %get3A_1149] {strides = array<i32>} : memref<4x128xf32, #tpu.memory_space<vmem>>, vector<16xf32>,
    %mul3A_1151 = vector.broadcast %squeeze3A_1125 : f32 to vector<16xf32>
    %mul3A_1152 = arith.mulf %get3A_1150, %mul3A_1151 : vector<16xf32>
    %add3A_1153 = arith.addf %add3A_1095, %mul3A_1152 : vector<16xf32>
    %get3A_1154 = arith.constant 1 : i32
    %get3A_1155 = arith.index_cast %get3A_1154 : i32 to index
    %get3A_1156 = arith.constant 64 : index
    %get3A_1157 = tpu.vector_load %arg12[%get3A_1155, %get3A_1156] {strides = array<i32>} : memref<4x128xf32, #tpu.memory_space<vmem>>, vector<16xf32>,
    %mul3A_1158 = vector.broadcast %squeeze3A_1125 : f32 to vector<16xf32>
    %mul3A_1159 = arith.mulf %get3A_1157, %mul3A_1158 : vector<16xf32>
    %add3A_1160 = arith.addf %add3A_1102, %mul3A_1159 : vector<16xf32>
    %get3A_1161 = arith.constant 1 : i32
    %get3A_1162 = arith.index_cast %get3A_1161 : i32 to index
    %get3A_1163 = arith.constant 80 : index
    %get3A_1164 = tpu.vector_load %arg12[%get3A_1162, %get3A_1163] {strides = array<i32>} : memref<4x128xf32, #tpu.memory_space<vmem>>, vector<16xf32>,
    %mul3A_1165 = vector.broadcast %squeeze3A_1125 : f32 to vector<16xf32>
    %mul3A_1166 = arith.mulf %get3A_1164, %mul3A_1165 : vector<16xf32>
    %add3A_1167 = arith.addf %add3A_1109, %mul3A_1166 : vector<16xf32>
    %get3A_1168 = arith.constant 1 : i32
    %get3A_1169 = arith.index_cast %get3A_1168 : i32 to index
    %get3A_1170 = arith.constant 96 : index
    %get3A_1171 = tpu.vector_load %arg12[%get3A_1169, %get3A_1170] {strides = array<i32>} : memref<4x128xf32, #tpu.memory_space<vmem>>, vector<16xf32>,
    %mul3A_1172 = vector.broadcast %squeeze3A_1125 : f32 to vector<16xf32>
    %mul3A_1173 = arith.mulf %get3A_1171, %mul3A_1172 : vector<16xf32>
    %add3A_1174 = arith.addf %add3A_1116, %mul3A_1173 : vector<16xf32>
    %get3A_1175 = arith.constant 1 : i32
    %get3A_1176 = arith.index_cast %get3A_1175 : i32 to index
    %get3A_1177 = arith.constant 112 : index
    %get3A_1178 = tpu.vector_load %arg12[%get3A_1176, %get3A_1177] {strides = array<i32>} : memref<4x128xf32, #tpu.memory_space<vmem>>, vector<16xf32>,
    %mul3A_1179 = vector.broadcast %squeeze3A_1125 : f32 to vector<16xf32>
    %mul3A_1180 = arith.mulf %get3A_1178, %mul3A_1179 : vector<16xf32>
    %add3A_1181 = arith.addf %add3A_1123, %mul3A_1180 : vector<16xf32>
    %slice3A_1182 = vector.extract_strided_slice %div3A_1049 {offsets = [2], sizes = [1], strides = [1]} : vector<16xf32> to vector<1xf32>
    %squeeze3A_1183 = vector.extract %slice3A_1182[0] : f32 from vector<1xf32>
    %get3A_1184 = arith.constant 2 : i32
    %get3A_1185 = arith.index_cast %get3A_1184 : i32 to index
    %get3A_1186 = arith.constant 0 : index
    %get3A_1187 = tpu.vector_load %arg12[%get3A_1185, %get3A_1186] {strides = array<i32>} : memref<4x128xf32, #tpu.memory_space<vmem>>, vector<16xf32>,
    %mul3A_1188 = vector.broadcast %squeeze3A_1183 : f32 to vector<16xf32>
    %mul3A_1189 = arith.mulf %get3A_1187, %mul3A_1188 : vector<16xf32>
    %add3A_1190 = arith.addf %add3A_1132, %mul3A_1189 : vector<16xf32>
    %get3A_1191 = arith.constant 2 : i32
    %get3A_1192 = arith.index_cast %get3A_1191 : i32 to index
    %get3A_1193 = arith.constant 16 : index
    %get3A_1194 = tpu.vector_load %arg12[%get3A_1192, %get3A_1193] {strides = array<i32>} : memref<4x128xf32, #tpu.memory_space<vmem>>, vector<16xf32>,
    %mul3A_1195 = vector.broadcast %squeeze3A_1183 : f32 to vector<16xf32>
    %mul3A_1196 = arith.mulf %get3A_1194, %mul3A_1195 : vector<16xf32>
    %add3A_1197 = arith.addf %add3A_1139, %mul3A_1196 : vector<16xf32>
    %get3A_1198 = arith.constant 2 : i32
    %get3A_1199 = arith.index_cast %get3A_1198 : i32 to index
    %get3A_1200 = arith.constant 32 : index
    %get3A_1201 = tpu.vector_load %arg12[%get3A_1199, %get3A_1200] {strides = array<i32>} : memref<4x128xf32, #tpu.memory_space<vmem>>, vector<16xf32>,
    %mul3A_1202 = vector.broadcast %squeeze3A_1183 : f32 to vector<16xf32>
    %mul3A_1203 = arith.mulf %get3A_1201, %mul3A_1202 : vector<16xf32>
    %add3A_1204 = arith.addf %add3A_1146, %mul3A_1203 : vector<16xf32>
    %get3A_1205 = arith.constant 2 : i32
    %get3A_1206 = arith.index_cast %get3A_1205 : i32 to index
    %get3A_1207 = arith.constant 48 : index
    %get3A_1208 = tpu.vector_load %arg12[%get3A_1206, %get3A_1207] {strides = array<i32>} : memref<4x128xf32, #tpu.memory_space<vmem>>, vector<16xf32>,
    %mul3A_1209 = vector.broadcast %squeeze3A_1183 : f32 to vector<16xf32>
    %mul3A_1210 = arith.mulf %get3A_1208, %mul3A_1209 : vector<16xf32>
    %add3A_1211 = arith.addf %add3A_1153, %mul3A_1210 : vector<16xf32>
    %get3A_1212 = arith.constant 2 : i32
    %get3A_1213 = arith.index_cast %get3A_1212 : i32 to index
    %get3A_1214 = arith.constant 64 : index
    %get3A_1215 = tpu.vector_load %arg12[%get3A_1213, %get3A_1214] {strides = array<i32>} : memref<4x128xf32, #tpu.memory_space<vmem>>, vector<16xf32>,
    %mul3A_1216 = vector.broadcast %squeeze3A_1183 : f32 to vector<16xf32>
    %mul3A_1217 = arith.mulf %get3A_1215, %mul3A_1216 : vector<16xf32>
    %add3A_1218 = arith.addf %add3A_1160, %mul3A_1217 : vector<16xf32>
    %get3A_1219 = arith.constant 2 : i32
    %get3A_1220 = arith.index_cast %get3A_1219 : i32 to index
    %get3A_1221 = arith.constant 80 : index
    %get3A_1222 = tpu.vector_load %arg12[%get3A_1220, %get3A_1221] {strides = array<i32>} : memref<4x128xf32, #tpu.memory_space<vmem>>, vector<16xf32>,
    %mul3A_1223 = vector.broadcast %squeeze3A_1183 : f32 to vector<16xf32>
    %mul3A_1224 = arith.mulf %get3A_1222, %mul3A_1223 : vector<16xf32>
    %add3A_1225 = arith.addf %add3A_1167, %mul3A_1224 : vector<16xf32>
    %get3A_1226 = arith.constant 2 : i32
    %get3A_1227 = arith.index_cast %get3A_1226 : i32 to index
    %get3A_1228 = arith.constant 96 : index
    %get3A_1229 = tpu.vector_load %arg12[%get3A_1227, %get3A_1228] {strides = array<i32>} : memref<4x128xf32, #tpu.memory_space<vmem>>, vector<16xf32>,
    %mul3A_1230 = vector.broadcast %squeeze3A_1183 : f32 to vector<16xf32>
    %mul3A_1231 = arith.mulf %get3A_1229, %mul3A_1230 : vector<16xf32>
    %add3A_1232 = arith.addf %add3A_1174, %mul3A_1231 : vector<16xf32>
    %get3A_1233 = arith.constant 2 : i32
    %get3A_1234 = arith.index_cast %get3A_1233 : i32 to index
    %get3A_1235 = arith.constant 112 : index
    %get3A_1236 = tpu.vector_load %arg12[%get3A_1234, %get3A_1235] {strides = array<i32>} : memref<4x128xf32, #tpu.memory_space<vmem>>, vector<16xf32>,
    %mul3A_1237 = vector.broadcast %squeeze3A_1183 : f32 to vector<16xf32>
    %mul3A_1238 = arith.mulf %get3A_1236, %mul3A_1237 : vector<16xf32>
    %add3A_1239 = arith.addf %add3A_1181, %mul3A_1238 : vector<16xf32>
    %slice3A_1240 = vector.extract_strided_slice %div3A_1049 {offsets = [3], sizes = [1], strides = [1]} : vector<16xf32> to vector<1xf32>
    %squeeze3A_1241 = vector.extract %slice3A_1240[0] : f32 from vector<1xf32>
    %get3A_1242 = arith.constant 3 : i32
    %get3A_1243 = arith.index_cast %get3A_1242 : i32 to index
    %get3A_1244 = arith.constant 0 : index
    %get3A_1245 = tpu.vector_load %arg12[%get3A_1243, %get3A_1244] {strides = array<i32>} : memref<4x128xf32, #tpu.memory_space<vmem>>, vector<16xf32>,
    %mul3A_1246 = vector.broadcast %squeeze3A_1241 : f32 to vector<16xf32>
    %mul3A_1247 = arith.mulf %get3A_1245, %mul3A_1246 : vector<16xf32>
    %add3A_1248 = arith.addf %add3A_1190, %mul3A_1247 : vector<16xf32>
    %get3A_1249 = arith.constant 3 : i32
    %get3A_1250 = arith.index_cast %get3A_1249 : i32 to index
    %get3A_1251 = arith.constant 16 : index
    %get3A_1252 = tpu.vector_load %arg12[%get3A_1250, %get3A_1251] {strides = array<i32>} : memref<4x128xf32, #tpu.memory_space<vmem>>, vector<16xf32>,
    %mul3A_1253 = vector.broadcast %squeeze3A_1241 : f32 to vector<16xf32>
    %mul3A_1254 = arith.mulf %get3A_1252, %mul3A_1253 : vector<16xf32>
    %add3A_1255 = arith.addf %add3A_1197, %mul3A_1254 : vector<16xf32>
    %get3A_1256 = arith.constant 3 : i32
    %get3A_1257 = arith.index_cast %get3A_1256 : i32 to index
    %get3A_1258 = arith.constant 32 : index
    %get3A_1259 = tpu.vector_load %arg12[%get3A_1257, %get3A_1258] {strides = array<i32>} : memref<4x128xf32, #tpu.memory_space<vmem>>, vector<16xf32>,
    %mul3A_1260 = vector.broadcast %squeeze3A_1241 : f32 to vector<16xf32>
    %mul3A_1261 = arith.mulf %get3A_1259, %mul3A_1260 : vector<16xf32>
    %add3A_1262 = arith.addf %add3A_1204, %mul3A_1261 : vector<16xf32>
    %get3A_1263 = arith.constant 3 : i32
    %get3A_1264 = arith.index_cast %get3A_1263 : i32 to index
    %get3A_1265 = arith.constant 48 : index
    %get3A_1266 = tpu.vector_load %arg12[%get3A_1264, %get3A_1265] {strides = array<i32>} : memref<4x128xf32, #tpu.memory_space<vmem>>, vector<16xf32>,
    %mul3A_1267 = vector.broadcast %squeeze3A_1241 : f32 to vector<16xf32>
    %mul3A_1268 = arith.mulf %get3A_1266, %mul3A_1267 : vector<16xf32>
    %add3A_1269 = arith.addf %add3A_1211, %mul3A_1268 : vector<16xf32>
    %get3A_1270 = arith.constant 3 : i32
    %get3A_1271 = arith.index_cast %get3A_1270 : i32 to index
    %get3A_1272 = arith.constant 64 : index
    %get3A_1273 = tpu.vector_load %arg12[%get3A_1271, %get3A_1272] {strides = array<i32>} : memref<4x128xf32, #tpu.memory_space<vmem>>, vector<16xf32>,
    %mul3A_1274 = vector.broadcast %squeeze3A_1241 : f32 to vector<16xf32>
    %mul3A_1275 = arith.mulf %get3A_1273, %mul3A_1274 : vector<16xf32>
    %add3A_1276 = arith.addf %add3A_1218, %mul3A_1275 : vector<16xf32>
    %get3A_1277 = arith.constant 3 : i32
    %get3A_1278 = arith.index_cast %get3A_1277 : i32 to index
    %get3A_1279 = arith.constant 80 : index
    %get3A_1280 = tpu.vector_load %arg12[%get3A_1278, %get3A_1279] {strides = array<i32>} : memref<4x128xf32, #tpu.memory_space<vmem>>, vector<16xf32>,
    %mul3A_1281 = vector.broadcast %squeeze3A_1241 : f32 to vector<16xf32>
    %mul3A_1282 = arith.mulf %get3A_1280, %mul3A_1281 : vector<16xf32>
    %add3A_1283 = arith.addf %add3A_1225, %mul3A_1282 : vector<16xf32>
    %get3A_1284 = arith.constant 3 : i32
    %get3A_1285 = arith.index_cast %get3A_1284 : i32 to index
    %get3A_1286 = arith.constant 96 : index
    %get3A_1287 = tpu.vector_load %arg12[%get3A_1285, %get3A_1286] {strides = array<i32>} : memref<4x128xf32, #tpu.memory_space<vmem>>, vector<16xf32>,
    %mul3A_1288 = vector.broadcast %squeeze3A_1241 : f32 to vector<16xf32>
    %mul3A_1289 = arith.mulf %get3A_1287, %mul3A_1288 : vector<16xf32>
    %add3A_1290 = arith.addf %add3A_1232, %mul3A_1289 : vector<16xf32>
    %get3A_1291 = arith.constant 3 : i32
    %get3A_1292 = arith.index_cast %get3A_1291 : i32 to index
    %get3A_1293 = arith.constant 112 : index
    %get3A_1294 = tpu.vector_load %arg12[%get3A_1292, %get3A_1293] {strides = array<i32>} : memref<4x128xf32, #tpu.memory_space<vmem>>, vector<16xf32>,
    %mul3A_1295 = vector.broadcast %squeeze3A_1241 : f32 to vector<16xf32>
    %mul3A_1296 = arith.mulf %get3A_1294, %mul3A_1295 : vector<16xf32>
    %add3A_1297 = arith.addf %add3A_1239, %mul3A_1296 : vector<16xf32>
    %swap3A_1298 = arith.constant 0 : i32
    %swap3A_1299 = arith.index_cast %swap3A_1298 : i32 to index
    %swap3A_1300 = arith.constant 0 : index
    %swap3A_1301 = tpu.vector_load %arg16[%swap3A_1299, %swap3A_1300] {strides = array<i32>} : memref<1x128xf32, #tpu.memory_space<vmem>>, vector<16xf32>,
    tpu.vector_store %arg16[%swap3A_1299, %swap3A_1300], %add3A_1248 {strides = array<i32>} : memref<1x128xf32, #tpu.memory_space<vmem>>, vector<16xf32>,
    %swap3A_1302 = arith.constant 0 : i32
    %swap3A_1303 = arith.index_cast %swap3A_1302 : i32 to index
    %swap3A_1304 = arith.constant 16 : index
    %swap3A_1305 = tpu.vector_load %arg16[%swap3A_1303, %swap3A_1304] {strides = array<i32>} : memref<1x128xf32, #tpu.memory_space<vmem>>, vector<16xf32>,
    tpu.vector_store %arg16[%swap3A_1303, %swap3A_1304], %add3A_1255 {strides = array<i32>} : memref<1x128xf32, #tpu.memory_space<vmem>>, vector<16xf32>,
    %swap3A_1306 = arith.constant 0 : i32
    %swap3A_1307 = arith.index_cast %swap3A_1306 : i32 to index
    %swap3A_1308 = arith.constant 32 : index
    %swap3A_1309 = tpu.vector_load %arg16[%swap3A_1307, %swap3A_1308] {strides = array<i32>} : memref<1x128xf32, #tpu.memory_space<vmem>>, vector<16xf32>,
    tpu.vector_store %arg16[%swap3A_1307, %swap3A_1308], %add3A_1262 {strides = array<i32>} : memref<1x128xf32, #tpu.memory_space<vmem>>, vector<16xf32>,
    %swap3A_1310 = arith.constant 0 : i32
    %swap3A_1311 = arith.index_cast %swap3A_1310 : i32 to index
    %swap3A_1312 = arith.constant 48 : index
    %swap3A_1313 = tpu.vector_load %arg16[%swap3A_1311, %swap3A_1312] {strides = array<i32>} : memref<1x128xf32, #tpu.memory_space<vmem>>, vector<16xf32>,
    tpu.vector_store %arg16[%swap3A_1311, %swap3A_1312], %add3A_1269 {strides = array<i32>} : memref<1x128xf32, #tpu.memory_space<vmem>>, vector<16xf32>,
    %swap3A_1314 = arith.constant 0 : i32
    %swap3A_1315 = arith.index_cast %swap3A_1314 : i32 to index
    %swap3A_1316 = arith.constant 64 : index
    %swap3A_1317 = tpu.vector_load %arg16[%swap3A_1315, %swap3A_1316] {strides = array<i32>} : memref<1x128xf32, #tpu.memory_space<vmem>>, vector<16xf32>,
    tpu.vector_store %arg16[%swap3A_1315, %swap3A_1316], %add3A_1276 {strides = array<i32>} : memref<1x128xf32, #tpu.memory_space<vmem>>, vector<16xf32>,
    %swap3A_1318 = arith.constant 0 : i32
    %swap3A_1319 = arith.index_cast %swap3A_1318 : i32 to index
    %swap3A_1320 = arith.constant 80 : index
    %swap3A_1321 = tpu.vector_load %arg16[%swap3A_1319, %swap3A_1320] {strides = array<i32>} : memref<1x128xf32, #tpu.memory_space<vmem>>, vector<16xf32>,
    tpu.vector_store %arg16[%swap3A_1319, %swap3A_1320], %add3A_1283 {strides = array<i32>} : memref<1x128xf32, #tpu.memory_space<vmem>>, vector<16xf32>,
    %swap3A_1322 = arith.constant 0 : i32
    %swap3A_1323 = arith.index_cast %swap3A_1322 : i32 to index
    %swap3A_1324 = arith.constant 96 : index
    %swap3A_1325 = tpu.vector_load %arg16[%swap3A_1323, %swap3A_1324] {strides = array<i32>} : memref<1x128xf32, #tpu.memory_space<vmem>>, vector<16xf32>,
    tpu.vector_store %arg16[%swap3A_1323, %swap3A_1324], %add3A_1290 {strides = array<i32>} : memref<1x128xf32, #tpu.memory_space<vmem>>, vector<16xf32>,
    %swap3A_1326 = arith.constant 0 : i32
    %swap3A_1327 = arith.index_cast %swap3A_1326 : i32 to index
    %swap3A_1328 = arith.constant 112 : index
    %swap3A_1329 = tpu.vector_load %arg16[%swap3A_1327, %swap3A_1328] {strides = array<i32>} : memref<1x128xf32, #tpu.memory_space<vmem>>, vector<16xf32>,
    tpu.vector_store %arg16[%swap3A_1327, %swap3A_1328], %add3A_1297 {strides = array<i32>} : memref<1x128xf32, #tpu.memory_space<vmem>>, vector<16xf32>,
    "tpu.region"() ({
      %run_scoped3A = tpu.sem_alloc : memref<!tpu.dma_semaphore, #tpu.memory_space<semaphore_mem>>
      %dma_start3A_1336 = arith.constant 0 : i32
      %dma_start3A_1337 = tpu.memref_slice %arg20[%arg1, %dma_start3A_1336] : memref<16x128xf32, #tpu.memory_space<vmem_shared>> -> memref<1x128xf32, #tpu.memory_space<vmem_shared>>
      %dma_start3A_1338 = arith.constant 0 : i32
      %dma_start3A_1339 = tpu.memref_slice %arg20[%arg1, %dma_start3A_1338] : memref<16x128xf32, #tpu.memory_space<vmem_shared>> -> memref<1x128xf32, #tpu.memory_space<vmem_shared>>
      tpu.enqueue_dma source(%arg16 : memref<1x128xf32, #tpu.memory_space<vmem>>) target(%dma_start3A_1339 : memref<1x128xf32, #tpu.memory_space<vmem_shared>>) target_semaphore(%run_scoped3A : memref<!tpu.dma_semaphore, #tpu.memory_space<semaphore_mem>>)
      %dma_wait3A_1340 = arith.constant 0 : i32
      %dma_wait3A_1341 = tpu.memref_slice %arg20[%arg1, %dma_wait3A_1340] : memref<16x128xf32, #tpu.memory_space<vmem_shared>> -> memref<1x128xf32, #tpu.memory_space<vmem_shared>>
      %dma_wait3A_1342 = arith.constant 0 : i32
      %dma_wait3A_1343 = tpu.memref_slice %arg20[%arg1, %dma_wait3A_1342] : memref<16x128xf32, #tpu.memory_space<vmem_shared>> -> memref<1x128xf32, #tpu.memory_space<vmem_shared>>
      tpu.wait_dma2 semaphore(%run_scoped3A : memref<!tpu.dma_semaphore, #tpu.memory_space<semaphore_mem>>) src(%arg16 : memref<1x128xf32, #tpu.memory_space<vmem>>) dst(%dma_wait3A_1343 : memref<1x128xf32, #tpu.memory_space<vmem_shared>>)
      tpu.yield
    }) : () -> ()
    %barrier3A_1330 = arith.constant 0 : index
    tpu.barrier barrier_id(%barrier3A_1330)
    %eq3A_1331 = arith.constant 0 : i32
    %eq3A_1332 = arith.cmpi eq, %arg1, %eq3A_1331 : i32
    %convert_element_type3A_1333 = arith.extui %eq3A_1332 : i1 to i32
    %cond3A_1334 = arith.constant 0 : i32
    %cond3A_1335 = arith.cmpi ne, %convert_element_type3A_1333, %cond3A_1334 : i32
    scf.if %cond3A_1335 {
      "tpu.region"() ({
        %run_scoped3A = tpu.sem_alloc : memref<!tpu.dma_semaphore, #tpu.memory_space<semaphore_mem>>
        tpu.enqueue_dma source(%arg20 : memref<16x128xf32, #tpu.memory_space<vmem_shared>>) target(%arg17 : memref<16x128xf32, #tpu.memory_space<vmem>>) target_semaphore(%run_scoped3A : memref<!tpu.dma_semaphore, #tpu.memory_space<semaphore_mem>>)
        tpu.wait_dma2 semaphore(%run_scoped3A : memref<!tpu.dma_semaphore, #tpu.memory_space<semaphore_mem>>) src(%arg20 : memref<16x128xf32, #tpu.memory_space<vmem_shared>>) dst(%arg17 : memref<16x128xf32, #tpu.memory_space<vmem>>)
        tpu.yield
      }) : () -> ()
      %get3A_1336 = arith.constant 0 : i32
      %get3A_1337 = arith.index_cast %get3A_1336 : i32 to index
      %get3A_1338 = arith.constant 0 : index
      %get3A_1339 = tpu.vector_load %arg17[%get3A_1337, %get3A_1338] {strides = array<i32>} : memref<16x128xf32, #tpu.memory_space<vmem>>, vector<16xf32>,
      %get3A_1340 = arith.constant 1 : i32
      %get3A_1341 = arith.index_cast %get3A_1340 : i32 to index
      %get3A_1342 = arith.constant 0 : index
      %get3A_1343 = tpu.vector_load %arg17[%get3A_1341, %get3A_1342] {strides = array<i32>} : memref<16x128xf32, #tpu.memory_space<vmem>>, vector<16xf32>,
      %add3A_1344 = arith.addf %get3A_1339, %get3A_1343 : vector<16xf32>
      %get3A_1345 = arith.constant 2 : i32
      %get3A_1346 = arith.index_cast %get3A_1345 : i32 to index
      %get3A_1347 = arith.constant 0 : index
      %get3A_1348 = tpu.vector_load %arg17[%get3A_1346, %get3A_1347] {strides = array<i32>} : memref<16x128xf32, #tpu.memory_space<vmem>>, vector<16xf32>,
      %add3A_1349 = arith.addf %add3A_1344, %get3A_1348 : vector<16xf32>
      %get3A_1350 = arith.constant 3 : i32
      %get3A_1351 = arith.index_cast %get3A_1350 : i32 to index
      %get3A_1352 = arith.constant 0 : index
      %get3A_1353 = tpu.vector_load %arg17[%get3A_1351, %get3A_1352] {strides = array<i32>} : memref<16x128xf32, #tpu.memory_space<vmem>>, vector<16xf32>,
      %add3A_1354 = arith.addf %add3A_1349, %get3A_1353 : vector<16xf32>
      %get3A_1355 = arith.constant 4 : i32
      %get3A_1356 = arith.index_cast %get3A_1355 : i32 to index
      %get3A_1357 = arith.constant 0 : index
      %get3A_1358 = tpu.vector_load %arg17[%get3A_1356, %get3A_1357] {strides = array<i32>} : memref<16x128xf32, #tpu.memory_space<vmem>>, vector<16xf32>,
      %add3A_1359 = arith.addf %add3A_1354, %get3A_1358 : vector<16xf32>
      %get3A_1360 = arith.constant 5 : i32
      %get3A_1361 = arith.index_cast %get3A_1360 : i32 to index
      %get3A_1362 = arith.constant 0 : index
      %get3A_1363 = tpu.vector_load %arg17[%get3A_1361, %get3A_1362] {strides = array<i32>} : memref<16x128xf32, #tpu.memory_space<vmem>>, vector<16xf32>,
      %add3A_1364 = arith.addf %add3A_1359, %get3A_1363 : vector<16xf32>
      %get3A_1365 = arith.constant 6 : i32
      %get3A_1366 = arith.index_cast %get3A_1365 : i32 to index
      %get3A_1367 = arith.constant 0 : index
      %get3A_1368 = tpu.vector_load %arg17[%get3A_1366, %get3A_1367] {strides = array<i32>} : memref<16x128xf32, #tpu.memory_space<vmem>>, vector<16xf32>,
      %add3A_1369 = arith.addf %add3A_1364, %get3A_1368 : vector<16xf32>
      %get3A_1370 = arith.constant 7 : i32
      %get3A_1371 = arith.index_cast %get3A_1370 : i32 to index
      %get3A_1372 = arith.constant 0 : index
      %get3A_1373 = tpu.vector_load %arg17[%get3A_1371, %get3A_1372] {strides = array<i32>} : memref<16x128xf32, #tpu.memory_space<vmem>>, vector<16xf32>,
      %add3A_1374 = arith.addf %add3A_1369, %get3A_1373 : vector<16xf32>
      %get3A_1375 = arith.constant 8 : i32
      %get3A_1376 = arith.index_cast %get3A_1375 : i32 to index
      %get3A_1377 = arith.constant 0 : index
      %get3A_1378 = tpu.vector_load %arg17[%get3A_1376, %get3A_1377] {strides = array<i32>} : memref<16x128xf32, #tpu.memory_space<vmem>>, vector<16xf32>,
      %add3A_1379 = arith.addf %add3A_1374, %get3A_1378 : vector<16xf32>
      %get3A_1380 = arith.constant 9 : i32
      %get3A_1381 = arith.index_cast %get3A_1380 : i32 to index
      %get3A_1382 = arith.constant 0 : index
      %get3A_1383 = tpu.vector_load %arg17[%get3A_1381, %get3A_1382] {strides = array<i32>} : memref<16x128xf32, #tpu.memory_space<vmem>>, vector<16xf32>,
      %add3A_1384 = arith.addf %add3A_1379, %get3A_1383 : vector<16xf32>
      %get3A_1385 = arith.constant 10 : i32
      %get3A_1386 = arith.index_cast %get3A_1385 : i32 to index
      %get3A_1387 = arith.constant 0 : index
      %get3A_1388 = tpu.vector_load %arg17[%get3A_1386, %get3A_1387] {strides = array<i32>} : memref<16x128xf32, #tpu.memory_space<vmem>>, vector<16xf32>,
      %add3A_1389 = arith.addf %add3A_1384, %get3A_1388 : vector<16xf32>
      %get3A_1390 = arith.constant 11 : i32
      %get3A_1391 = arith.index_cast %get3A_1390 : i32 to index
      %get3A_1392 = arith.constant 0 : index
      %get3A_1393 = tpu.vector_load %arg17[%get3A_1391, %get3A_1392] {strides = array<i32>} : memref<16x128xf32, #tpu.memory_space<vmem>>, vector<16xf32>,
      %add3A_1394 = arith.addf %add3A_1389, %get3A_1393 : vector<16xf32>
      %get3A_1395 = arith.constant 12 : i32
      %get3A_1396 = arith.index_cast %get3A_1395 : i32 to index
      %get3A_1397 = arith.constant 0 : index
      %get3A_1398 = tpu.vector_load %arg17[%get3A_1396, %get3A_1397] {strides = array<i32>} : memref<16x128xf32, #tpu.memory_space<vmem>>, vector<16xf32>,
      %add3A_1399 = arith.addf %add3A_1394, %get3A_1398 : vector<16xf32>
      %get3A_1400 = arith.constant 13 : i32
      %get3A_1401 = arith.index_cast %get3A_1400 : i32 to index
      %get3A_1402 = arith.constant 0 : index
      %get3A_1403 = tpu.vector_load %arg17[%get3A_1401, %get3A_1402] {strides = array<i32>} : memref<16x128xf32, #tpu.memory_space<vmem>>, vector<16xf32>,
      %add3A_1404 = arith.addf %add3A_1399, %get3A_1403 : vector<16xf32>
      %get3A_1405 = arith.constant 14 : i32
      %get3A_1406 = arith.index_cast %get3A_1405 : i32 to index
      %get3A_1407 = arith.constant 0 : index
      %get3A_1408 = tpu.vector_load %arg17[%get3A_1406, %get3A_1407] {strides = array<i32>} : memref<16x128xf32, #tpu.memory_space<vmem>>, vector<16xf32>,
      %add3A_1409 = arith.addf %add3A_1404, %get3A_1408 : vector<16xf32>
      %get3A_1410 = arith.constant 15 : i32
      %get3A_1411 = arith.index_cast %get3A_1410 : i32 to index
      %get3A_1412 = arith.constant 0 : index
      %get3A_1413 = tpu.vector_load %arg17[%get3A_1411, %get3A_1412] {strides = array<i32>} : memref<16x128xf32, #tpu.memory_space<vmem>>, vector<16xf32>,
      %add3A_1414 = arith.addf %add3A_1409, %get3A_1413 : vector<16xf32>
      %mul3A_1415 = arith.constant 6.400000e+01 : f32
      %mul3A_1416 = vector.broadcast %mul3A_1415 : f32 to vector<16xf32>
      %mul3A_1417 = arith.mulf %mul3A_1416, %get3A_167 : vector<16xf32>
      %add3A_1418 = arith.addf %add3A_1414, %mul3A_1417 : vector<16xf32>
      %swap3A_1419 = arith.constant 0 : index
      %swap3A_1420 = tpu.vector_load %arg18[%swap3A_1419] {strides = array<i32>} : memref<128xf32, #tpu.memory_space<vmem>>, vector<16xf32>,
      tpu.vector_store %arg18[%swap3A_1419], %add3A_1418 {strides = array<i32>} : memref<128xf32, #tpu.memory_space<vmem>>, vector<16xf32>,
      %get3A_1421 = arith.constant 0 : i32
      %get3A_1422 = arith.index_cast %get3A_1421 : i32 to index
      %get3A_1423 = arith.constant 16 : index
      %get3A_1424 = tpu.vector_load %arg17[%get3A_1422, %get3A_1423] {strides = array<i32>} : memref<16x128xf32, #tpu.memory_space<vmem>>, vector<16xf32>,
      %get3A_1425 = arith.constant 1 : i32
      %get3A_1426 = arith.index_cast %get3A_1425 : i32 to index
      %get3A_1427 = arith.constant 16 : index
      %get3A_1428 = tpu.vector_load %arg17[%get3A_1426, %get3A_1427] {strides = array<i32>} : memref<16x128xf32, #tpu.memory_space<vmem>>, vector<16xf32>,
      %add3A_1429 = arith.addf %get3A_1424, %get3A_1428 : vector<16xf32>
      %get3A_1430 = arith.constant 2 : i32
      %get3A_1431 = arith.index_cast %get3A_1430 : i32 to index
      %get3A_1432 = arith.constant 16 : index
      %get3A_1433 = tpu.vector_load %arg17[%get3A_1431, %get3A_1432] {strides = array<i32>} : memref<16x128xf32, #tpu.memory_space<vmem>>, vector<16xf32>,
      %add3A_1434 = arith.addf %add3A_1429, %get3A_1433 : vector<16xf32>
      %get3A_1435 = arith.constant 3 : i32
      %get3A_1436 = arith.index_cast %get3A_1435 : i32 to index
      %get3A_1437 = arith.constant 16 : index
      %get3A_1438 = tpu.vector_load %arg17[%get3A_1436, %get3A_1437] {strides = array<i32>} : memref<16x128xf32, #tpu.memory_space<vmem>>, vector<16xf32>,
      %add3A_1439 = arith.addf %add3A_1434, %get3A_1438 : vector<16xf32>
      %get3A_1440 = arith.constant 4 : i32
      %get3A_1441 = arith.index_cast %get3A_1440 : i32 to index
      %get3A_1442 = arith.constant 16 : index
      %get3A_1443 = tpu.vector_load %arg17[%get3A_1441, %get3A_1442] {strides = array<i32>} : memref<16x128xf32, #tpu.memory_space<vmem>>, vector<16xf32>,
      %add3A_1444 = arith.addf %add3A_1439, %get3A_1443 : vector<16xf32>
      %get3A_1445 = arith.constant 5 : i32
      %get3A_1446 = arith.index_cast %get3A_1445 : i32 to index
      %get3A_1447 = arith.constant 16 : index
      %get3A_1448 = tpu.vector_load %arg17[%get3A_1446, %get3A_1447] {strides = array<i32>} : memref<16x128xf32, #tpu.memory_space<vmem>>, vector<16xf32>,
      %add3A_1449 = arith.addf %add3A_1444, %get3A_1448 : vector<16xf32>
      %get3A_1450 = arith.constant 6 : i32
      %get3A_1451 = arith.index_cast %get3A_1450 : i32 to index
      %get3A_1452 = arith.constant 16 : index
      %get3A_1453 = tpu.vector_load %arg17[%get3A_1451, %get3A_1452] {strides = array<i32>} : memref<16x128xf32, #tpu.memory_space<vmem>>, vector<16xf32>,
      %add3A_1454 = arith.addf %add3A_1449, %get3A_1453 : vector<16xf32>
      %get3A_1455 = arith.constant 7 : i32
      %get3A_1456 = arith.index_cast %get3A_1455 : i32 to index
      %get3A_1457 = arith.constant 16 : index
      %get3A_1458 = tpu.vector_load %arg17[%get3A_1456, %get3A_1457] {strides = array<i32>} : memref<16x128xf32, #tpu.memory_space<vmem>>, vector<16xf32>,
      %add3A_1459 = arith.addf %add3A_1454, %get3A_1458 : vector<16xf32>
      %get3A_1460 = arith.constant 8 : i32
      %get3A_1461 = arith.index_cast %get3A_1460 : i32 to index
      %get3A_1462 = arith.constant 16 : index
      %get3A_1463 = tpu.vector_load %arg17[%get3A_1461, %get3A_1462] {strides = array<i32>} : memref<16x128xf32, #tpu.memory_space<vmem>>, vector<16xf32>,
      %add3A_1464 = arith.addf %add3A_1459, %get3A_1463 : vector<16xf32>
      %get3A_1465 = arith.constant 9 : i32
      %get3A_1466 = arith.index_cast %get3A_1465 : i32 to index
      %get3A_1467 = arith.constant 16 : index
      %get3A_1468 = tpu.vector_load %arg17[%get3A_1466, %get3A_1467] {strides = array<i32>} : memref<16x128xf32, #tpu.memory_space<vmem>>, vector<16xf32>,
      %add3A_1469 = arith.addf %add3A_1464, %get3A_1468 : vector<16xf32>
      %get3A_1470 = arith.constant 10 : i32
      %get3A_1471 = arith.index_cast %get3A_1470 : i32 to index
      %get3A_1472 = arith.constant 16 : index
      %get3A_1473 = tpu.vector_load %arg17[%get3A_1471, %get3A_1472] {strides = array<i32>} : memref<16x128xf32, #tpu.memory_space<vmem>>, vector<16xf32>,
      %add3A_1474 = arith.addf %add3A_1469, %get3A_1473 : vector<16xf32>
      %get3A_1475 = arith.constant 11 : i32
      %get3A_1476 = arith.index_cast %get3A_1475 : i32 to index
      %get3A_1477 = arith.constant 16 : index
      %get3A_1478 = tpu.vector_load %arg17[%get3A_1476, %get3A_1477] {strides = array<i32>} : memref<16x128xf32, #tpu.memory_space<vmem>>, vector<16xf32>,
      %add3A_1479 = arith.addf %add3A_1474, %get3A_1478 : vector<16xf32>
      %get3A_1480 = arith.constant 12 : i32
      %get3A_1481 = arith.index_cast %get3A_1480 : i32 to index
      %get3A_1482 = arith.constant 16 : index
      %get3A_1483 = tpu.vector_load %arg17[%get3A_1481, %get3A_1482] {strides = array<i32>} : memref<16x128xf32, #tpu.memory_space<vmem>>, vector<16xf32>,
      %add3A_1484 = arith.addf %add3A_1479, %get3A_1483 : vector<16xf32>
      %get3A_1485 = arith.constant 13 : i32
      %get3A_1486 = arith.index_cast %get3A_1485 : i32 to index
      %get3A_1487 = arith.constant 16 : index
      %get3A_1488 = tpu.vector_load %arg17[%get3A_1486, %get3A_1487] {strides = array<i32>} : memref<16x128xf32, #tpu.memory_space<vmem>>, vector<16xf32>,
      %add3A_1489 = arith.addf %add3A_1484, %get3A_1488 : vector<16xf32>
      %get3A_1490 = arith.constant 14 : i32
      %get3A_1491 = arith.index_cast %get3A_1490 : i32 to index
      %get3A_1492 = arith.constant 16 : index
      %get3A_1493 = tpu.vector_load %arg17[%get3A_1491, %get3A_1492] {strides = array<i32>} : memref<16x128xf32, #tpu.memory_space<vmem>>, vector<16xf32>,
      %add3A_1494 = arith.addf %add3A_1489, %get3A_1493 : vector<16xf32>
      %get3A_1495 = arith.constant 15 : i32
      %get3A_1496 = arith.index_cast %get3A_1495 : i32 to index
      %get3A_1497 = arith.constant 16 : index
      %get3A_1498 = tpu.vector_load %arg17[%get3A_1496, %get3A_1497] {strides = array<i32>} : memref<16x128xf32, #tpu.memory_space<vmem>>, vector<16xf32>,
      %add3A_1499 = arith.addf %add3A_1494, %get3A_1498 : vector<16xf32>
      %mul3A_1500 = arith.constant 6.400000e+01 : f32
      %mul3A_1501 = vector.broadcast %mul3A_1500 : f32 to vector<16xf32>
      %mul3A_1502 = arith.mulf %mul3A_1501, %get3A_171 : vector<16xf32>
      %add3A_1503 = arith.addf %add3A_1499, %mul3A_1502 : vector<16xf32>
      %swap3A_1504 = arith.constant 16 : index
      %swap3A_1505 = tpu.vector_load %arg18[%swap3A_1504] {strides = array<i32>} : memref<128xf32, #tpu.memory_space<vmem>>, vector<16xf32>,
      tpu.vector_store %arg18[%swap3A_1504], %add3A_1503 {strides = array<i32>} : memref<128xf32, #tpu.memory_space<vmem>>, vector<16xf32>,
      %get3A_1506 = arith.constant 0 : i32
      %get3A_1507 = arith.index_cast %get3A_1506 : i32 to index
      %get3A_1508 = arith.constant 32 : index
      %get3A_1509 = tpu.vector_load %arg17[%get3A_1507, %get3A_1508] {strides = array<i32>} : memref<16x128xf32, #tpu.memory_space<vmem>>, vector<16xf32>,
      %get3A_1510 = arith.constant 1 : i32
      %get3A_1511 = arith.index_cast %get3A_1510 : i32 to index
      %get3A_1512 = arith.constant 32 : index
      %get3A_1513 = tpu.vector_load %arg17[%get3A_1511, %get3A_1512] {strides = array<i32>} : memref<16x128xf32, #tpu.memory_space<vmem>>, vector<16xf32>,
      %add3A_1514 = arith.addf %get3A_1509, %get3A_1513 : vector<16xf32>
      %get3A_1515 = arith.constant 2 : i32
      %get3A_1516 = arith.index_cast %get3A_1515 : i32 to index
      %get3A_1517 = arith.constant 32 : index
      %get3A_1518 = tpu.vector_load %arg17[%get3A_1516, %get3A_1517] {strides = array<i32>} : memref<16x128xf32, #tpu.memory_space<vmem>>, vector<16xf32>,
      %add3A_1519 = arith.addf %add3A_1514, %get3A_1518 : vector<16xf32>
      %get3A_1520 = arith.constant 3 : i32
      %get3A_1521 = arith.index_cast %get3A_1520 : i32 to index
      %get3A_1522 = arith.constant 32 : index
      %get3A_1523 = tpu.vector_load %arg17[%get3A_1521, %get3A_1522] {strides = array<i32>} : memref<16x128xf32, #tpu.memory_space<vmem>>, vector<16xf32>,
      %add3A_1524 = arith.addf %add3A_1519, %get3A_1523 : vector<16xf32>
      %get3A_1525 = arith.constant 4 : i32
      %get3A_1526 = arith.index_cast %get3A_1525 : i32 to index
      %get3A_1527 = arith.constant 32 : index
      %get3A_1528 = tpu.vector_load %arg17[%get3A_1526, %get3A_1527] {strides = array<i32>} : memref<16x128xf32, #tpu.memory_space<vmem>>, vector<16xf32>,
      %add3A_1529 = arith.addf %add3A_1524, %get3A_1528 : vector<16xf32>
      %get3A_1530 = arith.constant 5 : i32
      %get3A_1531 = arith.index_cast %get3A_1530 : i32 to index
      %get3A_1532 = arith.constant 32 : index
      %get3A_1533 = tpu.vector_load %arg17[%get3A_1531, %get3A_1532] {strides = array<i32>} : memref<16x128xf32, #tpu.memory_space<vmem>>, vector<16xf32>,
      %add3A_1534 = arith.addf %add3A_1529, %get3A_1533 : vector<16xf32>
      %get3A_1535 = arith.constant 6 : i32
      %get3A_1536 = arith.index_cast %get3A_1535 : i32 to index
      %get3A_1537 = arith.constant 32 : index
      %get3A_1538 = tpu.vector_load %arg17[%get3A_1536, %get3A_1537] {strides = array<i32>} : memref<16x128xf32, #tpu.memory_space<vmem>>, vector<16xf32>,
      %add3A_1539 = arith.addf %add3A_1534, %get3A_1538 : vector<16xf32>
      %get3A_1540 = arith.constant 7 : i32
      %get3A_1541 = arith.index_cast %get3A_1540 : i32 to index
      %get3A_1542 = arith.constant 32 : index
      %get3A_1543 = tpu.vector_load %arg17[%get3A_1541, %get3A_1542] {strides = array<i32>} : memref<16x128xf32, #tpu.memory_space<vmem>>, vector<16xf32>,
      %add3A_1544 = arith.addf %add3A_1539, %get3A_1543 : vector<16xf32>
      %get3A_1545 = arith.constant 8 : i32
      %get3A_1546 = arith.index_cast %get3A_1545 : i32 to index
      %get3A_1547 = arith.constant 32 : index
      %get3A_1548 = tpu.vector_load %arg17[%get3A_1546, %get3A_1547] {strides = array<i32>} : memref<16x128xf32, #tpu.memory_space<vmem>>, vector<16xf32>,
      %add3A_1549 = arith.addf %add3A_1544, %get3A_1548 : vector<16xf32>
      %get3A_1550 = arith.constant 9 : i32
      %get3A_1551 = arith.index_cast %get3A_1550 : i32 to index
      %get3A_1552 = arith.constant 32 : index
      %get3A_1553 = tpu.vector_load %arg17[%get3A_1551, %get3A_1552] {strides = array<i32>} : memref<16x128xf32, #tpu.memory_space<vmem>>, vector<16xf32>,
      %add3A_1554 = arith.addf %add3A_1549, %get3A_1553 : vector<16xf32>
      %get3A_1555 = arith.constant 10 : i32
      %get3A_1556 = arith.index_cast %get3A_1555 : i32 to index
      %get3A_1557 = arith.constant 32 : index
      %get3A_1558 = tpu.vector_load %arg17[%get3A_1556, %get3A_1557] {strides = array<i32>} : memref<16x128xf32, #tpu.memory_space<vmem>>, vector<16xf32>,
      %add3A_1559 = arith.addf %add3A_1554, %get3A_1558 : vector<16xf32>
      %get3A_1560 = arith.constant 11 : i32
      %get3A_1561 = arith.index_cast %get3A_1560 : i32 to index
      %get3A_1562 = arith.constant 32 : index
      %get3A_1563 = tpu.vector_load %arg17[%get3A_1561, %get3A_1562] {strides = array<i32>} : memref<16x128xf32, #tpu.memory_space<vmem>>, vector<16xf32>,
      %add3A_1564 = arith.addf %add3A_1559, %get3A_1563 : vector<16xf32>
      %get3A_1565 = arith.constant 12 : i32
      %get3A_1566 = arith.index_cast %get3A_1565 : i32 to index
      %get3A_1567 = arith.constant 32 : index
      %get3A_1568 = tpu.vector_load %arg17[%get3A_1566, %get3A_1567] {strides = array<i32>} : memref<16x128xf32, #tpu.memory_space<vmem>>, vector<16xf32>,
      %add3A_1569 = arith.addf %add3A_1564, %get3A_1568 : vector<16xf32>
      %get3A_1570 = arith.constant 13 : i32
      %get3A_1571 = arith.index_cast %get3A_1570 : i32 to index
      %get3A_1572 = arith.constant 32 : index
      %get3A_1573 = tpu.vector_load %arg17[%get3A_1571, %get3A_1572] {strides = array<i32>} : memref<16x128xf32, #tpu.memory_space<vmem>>, vector<16xf32>,
      %add3A_1574 = arith.addf %add3A_1569, %get3A_1573 : vector<16xf32>
      %get3A_1575 = arith.constant 14 : i32
      %get3A_1576 = arith.index_cast %get3A_1575 : i32 to index
      %get3A_1577 = arith.constant 32 : index
      %get3A_1578 = tpu.vector_load %arg17[%get3A_1576, %get3A_1577] {strides = array<i32>} : memref<16x128xf32, #tpu.memory_space<vmem>>, vector<16xf32>,
      %add3A_1579 = arith.addf %add3A_1574, %get3A_1578 : vector<16xf32>
      %get3A_1580 = arith.constant 15 : i32
      %get3A_1581 = arith.index_cast %get3A_1580 : i32 to index
      %get3A_1582 = arith.constant 32 : index
      %get3A_1583 = tpu.vector_load %arg17[%get3A_1581, %get3A_1582] {strides = array<i32>} : memref<16x128xf32, #tpu.memory_space<vmem>>, vector<16xf32>,
      %add3A_1584 = arith.addf %add3A_1579, %get3A_1583 : vector<16xf32>
      %mul3A_1585 = arith.constant 6.400000e+01 : f32
      %mul3A_1586 = vector.broadcast %mul3A_1585 : f32 to vector<16xf32>
      %mul3A_1587 = arith.mulf %mul3A_1586, %get3A_175 : vector<16xf32>
      %add3A_1588 = arith.addf %add3A_1584, %mul3A_1587 : vector<16xf32>
      %swap3A_1589 = arith.constant 32 : index
      %swap3A_1590 = tpu.vector_load %arg18[%swap3A_1589] {strides = array<i32>} : memref<128xf32, #tpu.memory_space<vmem>>, vector<16xf32>,
      tpu.vector_store %arg18[%swap3A_1589], %add3A_1588 {strides = array<i32>} : memref<128xf32, #tpu.memory_space<vmem>>, vector<16xf32>,
      %get3A_1591 = arith.constant 0 : i32
      %get3A_1592 = arith.index_cast %get3A_1591 : i32 to index
      %get3A_1593 = arith.constant 48 : index
      %get3A_1594 = tpu.vector_load %arg17[%get3A_1592, %get3A_1593] {strides = array<i32>} : memref<16x128xf32, #tpu.memory_space<vmem>>, vector<16xf32>,
      %get3A_1595 = arith.constant 1 : i32
      %get3A_1596 = arith.index_cast %get3A_1595 : i32 to index
      %get3A_1597 = arith.constant 48 : index
      %get3A_1598 = tpu.vector_load %arg17[%get3A_1596, %get3A_1597] {strides = array<i32>} : memref<16x128xf32, #tpu.memory_space<vmem>>, vector<16xf32>,
      %add3A_1599 = arith.addf %get3A_1594, %get3A_1598 : vector<16xf32>
      %get3A_1600 = arith.constant 2 : i32
      %get3A_1601 = arith.index_cast %get3A_1600 : i32 to index
      %get3A_1602 = arith.constant 48 : index
      %get3A_1603 = tpu.vector_load %arg17[%get3A_1601, %get3A_1602] {strides = array<i32>} : memref<16x128xf32, #tpu.memory_space<vmem>>, vector<16xf32>,
      %add3A_1604 = arith.addf %add3A_1599, %get3A_1603 : vector<16xf32>
      %get3A_1605 = arith.constant 3 : i32
      %get3A_1606 = arith.index_cast %get3A_1605 : i32 to index
      %get3A_1607 = arith.constant 48 : index
      %get3A_1608 = tpu.vector_load %arg17[%get3A_1606, %get3A_1607] {strides = array<i32>} : memref<16x128xf32, #tpu.memory_space<vmem>>, vector<16xf32>,
      %add3A_1609 = arith.addf %add3A_1604, %get3A_1608 : vector<16xf32>
      %get3A_1610 = arith.constant 4 : i32
      %get3A_1611 = arith.index_cast %get3A_1610 : i32 to index
      %get3A_1612 = arith.constant 48 : index
      %get3A_1613 = tpu.vector_load %arg17[%get3A_1611, %get3A_1612] {strides = array<i32>} : memref<16x128xf32, #tpu.memory_space<vmem>>, vector<16xf32>,
      %add3A_1614 = arith.addf %add3A_1609, %get3A_1613 : vector<16xf32>
      %get3A_1615 = arith.constant 5 : i32
      %get3A_1616 = arith.index_cast %get3A_1615 : i32 to index
      %get3A_1617 = arith.constant 48 : index
      %get3A_1618 = tpu.vector_load %arg17[%get3A_1616, %get3A_1617] {strides = array<i32>} : memref<16x128xf32, #tpu.memory_space<vmem>>, vector<16xf32>,
      %add3A_1619 = arith.addf %add3A_1614, %get3A_1618 : vector<16xf32>
      %get3A_1620 = arith.constant 6 : i32
      %get3A_1621 = arith.index_cast %get3A_1620 : i32 to index
      %get3A_1622 = arith.constant 48 : index
      %get3A_1623 = tpu.vector_load %arg17[%get3A_1621, %get3A_1622] {strides = array<i32>} : memref<16x128xf32, #tpu.memory_space<vmem>>, vector<16xf32>,
      %add3A_1624 = arith.addf %add3A_1619, %get3A_1623 : vector<16xf32>
      %get3A_1625 = arith.constant 7 : i32
      %get3A_1626 = arith.index_cast %get3A_1625 : i32 to index
      %get3A_1627 = arith.constant 48 : index
      %get3A_1628 = tpu.vector_load %arg17[%get3A_1626, %get3A_1627] {strides = array<i32>} : memref<16x128xf32, #tpu.memory_space<vmem>>, vector<16xf32>,
      %add3A_1629 = arith.addf %add3A_1624, %get3A_1628 : vector<16xf32>
      %get3A_1630 = arith.constant 8 : i32
      %get3A_1631 = arith.index_cast %get3A_1630 : i32 to index
      %get3A_1632 = arith.constant 48 : index
      %get3A_1633 = tpu.vector_load %arg17[%get3A_1631, %get3A_1632] {strides = array<i32>} : memref<16x128xf32, #tpu.memory_space<vmem>>, vector<16xf32>,
      %add3A_1634 = arith.addf %add3A_1629, %get3A_1633 : vector<16xf32>
      %get3A_1635 = arith.constant 9 : i32
      %get3A_1636 = arith.index_cast %get3A_1635 : i32 to index
      %get3A_1637 = arith.constant 48 : index
      %get3A_1638 = tpu.vector_load %arg17[%get3A_1636, %get3A_1637] {strides = array<i32>} : memref<16x128xf32, #tpu.memory_space<vmem>>, vector<16xf32>,
      %add3A_1639 = arith.addf %add3A_1634, %get3A_1638 : vector<16xf32>
      %get3A_1640 = arith.constant 10 : i32
      %get3A_1641 = arith.index_cast %get3A_1640 : i32 to index
      %get3A_1642 = arith.constant 48 : index
      %get3A_1643 = tpu.vector_load %arg17[%get3A_1641, %get3A_1642] {strides = array<i32>} : memref<16x128xf32, #tpu.memory_space<vmem>>, vector<16xf32>,
      %add3A_1644 = arith.addf %add3A_1639, %get3A_1643 : vector<16xf32>
      %get3A_1645 = arith.constant 11 : i32
      %get3A_1646 = arith.index_cast %get3A_1645 : i32 to index
      %get3A_1647 = arith.constant 48 : index
      %get3A_1648 = tpu.vector_load %arg17[%get3A_1646, %get3A_1647] {strides = array<i32>} : memref<16x128xf32, #tpu.memory_space<vmem>>, vector<16xf32>,
      %add3A_1649 = arith.addf %add3A_1644, %get3A_1648 : vector<16xf32>
      %get3A_1650 = arith.constant 12 : i32
      %get3A_1651 = arith.index_cast %get3A_1650 : i32 to index
      %get3A_1652 = arith.constant 48 : index
      %get3A_1653 = tpu.vector_load %arg17[%get3A_1651, %get3A_1652] {strides = array<i32>} : memref<16x128xf32, #tpu.memory_space<vmem>>, vector<16xf32>,
      %add3A_1654 = arith.addf %add3A_1649, %get3A_1653 : vector<16xf32>
      %get3A_1655 = arith.constant 13 : i32
      %get3A_1656 = arith.index_cast %get3A_1655 : i32 to index
      %get3A_1657 = arith.constant 48 : index
      %get3A_1658 = tpu.vector_load %arg17[%get3A_1656, %get3A_1657] {strides = array<i32>} : memref<16x128xf32, #tpu.memory_space<vmem>>, vector<16xf32>,
      %add3A_1659 = arith.addf %add3A_1654, %get3A_1658 : vector<16xf32>
      %get3A_1660 = arith.constant 14 : i32
      %get3A_1661 = arith.index_cast %get3A_1660 : i32 to index
      %get3A_1662 = arith.constant 48 : index
      %get3A_1663 = tpu.vector_load %arg17[%get3A_1661, %get3A_1662] {strides = array<i32>} : memref<16x128xf32, #tpu.memory_space<vmem>>, vector<16xf32>,
      %add3A_1664 = arith.addf %add3A_1659, %get3A_1663 : vector<16xf32>
      %get3A_1665 = arith.constant 15 : i32
      %get3A_1666 = arith.index_cast %get3A_1665 : i32 to index
      %get3A_1667 = arith.constant 48 : index
      %get3A_1668 = tpu.vector_load %arg17[%get3A_1666, %get3A_1667] {strides = array<i32>} : memref<16x128xf32, #tpu.memory_space<vmem>>, vector<16xf32>,
      %add3A_1669 = arith.addf %add3A_1664, %get3A_1668 : vector<16xf32>
      %mul3A_1670 = arith.constant 6.400000e+01 : f32
      %mul3A_1671 = vector.broadcast %mul3A_1670 : f32 to vector<16xf32>
      %mul3A_1672 = arith.mulf %mul3A_1671, %get3A_179 : vector<16xf32>
      %add3A_1673 = arith.addf %add3A_1669, %mul3A_1672 : vector<16xf32>
      %swap3A_1674 = arith.constant 48 : index
      %swap3A_1675 = tpu.vector_load %arg18[%swap3A_1674] {strides = array<i32>} : memref<128xf32, #tpu.memory_space<vmem>>, vector<16xf32>,
      tpu.vector_store %arg18[%swap3A_1674], %add3A_1673 {strides = array<i32>} : memref<128xf32, #tpu.memory_space<vmem>>, vector<16xf32>,
      %get3A_1676 = arith.constant 0 : i32
      %get3A_1677 = arith.index_cast %get3A_1676 : i32 to index
      %get3A_1678 = arith.constant 64 : index
      %get3A_1679 = tpu.vector_load %arg17[%get3A_1677, %get3A_1678] {strides = array<i32>} : memref<16x128xf32, #tpu.memory_space<vmem>>, vector<16xf32>,
      %get3A_1680 = arith.constant 1 : i32
      %get3A_1681 = arith.index_cast %get3A_1680 : i32 to index
      %get3A_1682 = arith.constant 64 : index
      %get3A_1683 = tpu.vector_load %arg17[%get3A_1681, %get3A_1682] {strides = array<i32>} : memref<16x128xf32, #tpu.memory_space<vmem>>, vector<16xf32>,
      %add3A_1684 = arith.addf %get3A_1679, %get3A_1683 : vector<16xf32>
      %get3A_1685 = arith.constant 2 : i32
      %get3A_1686 = arith.index_cast %get3A_1685 : i32 to index
      %get3A_1687 = arith.constant 64 : index
      %get3A_1688 = tpu.vector_load %arg17[%get3A_1686, %get3A_1687] {strides = array<i32>} : memref<16x128xf32, #tpu.memory_space<vmem>>, vector<16xf32>,
      %add3A_1689 = arith.addf %add3A_1684, %get3A_1688 : vector<16xf32>
      %get3A_1690 = arith.constant 3 : i32
      %get3A_1691 = arith.index_cast %get3A_1690 : i32 to index
      %get3A_1692 = arith.constant 64 : index
      %get3A_1693 = tpu.vector_load %arg17[%get3A_1691, %get3A_1692] {strides = array<i32>} : memref<16x128xf32, #tpu.memory_space<vmem>>, vector<16xf32>,
      %add3A_1694 = arith.addf %add3A_1689, %get3A_1693 : vector<16xf32>
      %get3A_1695 = arith.constant 4 : i32
      %get3A_1696 = arith.index_cast %get3A_1695 : i32 to index
      %get3A_1697 = arith.constant 64 : index
      %get3A_1698 = tpu.vector_load %arg17[%get3A_1696, %get3A_1697] {strides = array<i32>} : memref<16x128xf32, #tpu.memory_space<vmem>>, vector<16xf32>,
      %add3A_1699 = arith.addf %add3A_1694, %get3A_1698 : vector<16xf32>
      %get3A_1700 = arith.constant 5 : i32
      %get3A_1701 = arith.index_cast %get3A_1700 : i32 to index
      %get3A_1702 = arith.constant 64 : index
      %get3A_1703 = tpu.vector_load %arg17[%get3A_1701, %get3A_1702] {strides = array<i32>} : memref<16x128xf32, #tpu.memory_space<vmem>>, vector<16xf32>,
      %add3A_1704 = arith.addf %add3A_1699, %get3A_1703 : vector<16xf32>
      %get3A_1705 = arith.constant 6 : i32
      %get3A_1706 = arith.index_cast %get3A_1705 : i32 to index
      %get3A_1707 = arith.constant 64 : index
      %get3A_1708 = tpu.vector_load %arg17[%get3A_1706, %get3A_1707] {strides = array<i32>} : memref<16x128xf32, #tpu.memory_space<vmem>>, vector<16xf32>,
      %add3A_1709 = arith.addf %add3A_1704, %get3A_1708 : vector<16xf32>
      %get3A_1710 = arith.constant 7 : i32
      %get3A_1711 = arith.index_cast %get3A_1710 : i32 to index
      %get3A_1712 = arith.constant 64 : index
      %get3A_1713 = tpu.vector_load %arg17[%get3A_1711, %get3A_1712] {strides = array<i32>} : memref<16x128xf32, #tpu.memory_space<vmem>>, vector<16xf32>,
      %add3A_1714 = arith.addf %add3A_1709, %get3A_1713 : vector<16xf32>
      %get3A_1715 = arith.constant 8 : i32
      %get3A_1716 = arith.index_cast %get3A_1715 : i32 to index
      %get3A_1717 = arith.constant 64 : index
      %get3A_1718 = tpu.vector_load %arg17[%get3A_1716, %get3A_1717] {strides = array<i32>} : memref<16x128xf32, #tpu.memory_space<vmem>>, vector<16xf32>,
      %add3A_1719 = arith.addf %add3A_1714, %get3A_1718 : vector<16xf32>
      %get3A_1720 = arith.constant 9 : i32
      %get3A_1721 = arith.index_cast %get3A_1720 : i32 to index
      %get3A_1722 = arith.constant 64 : index
      %get3A_1723 = tpu.vector_load %arg17[%get3A_1721, %get3A_1722] {strides = array<i32>} : memref<16x128xf32, #tpu.memory_space<vmem>>, vector<16xf32>,
      %add3A_1724 = arith.addf %add3A_1719, %get3A_1723 : vector<16xf32>
      %get3A_1725 = arith.constant 10 : i32
      %get3A_1726 = arith.index_cast %get3A_1725 : i32 to index
      %get3A_1727 = arith.constant 64 : index
      %get3A_1728 = tpu.vector_load %arg17[%get3A_1726, %get3A_1727] {strides = array<i32>} : memref<16x128xf32, #tpu.memory_space<vmem>>, vector<16xf32>,
      %add3A_1729 = arith.addf %add3A_1724, %get3A_1728 : vector<16xf32>
      %get3A_1730 = arith.constant 11 : i32
      %get3A_1731 = arith.index_cast %get3A_1730 : i32 to index
      %get3A_1732 = arith.constant 64 : index
      %get3A_1733 = tpu.vector_load %arg17[%get3A_1731, %get3A_1732] {strides = array<i32>} : memref<16x128xf32, #tpu.memory_space<vmem>>, vector<16xf32>,
      %add3A_1734 = arith.addf %add3A_1729, %get3A_1733 : vector<16xf32>
      %get3A_1735 = arith.constant 12 : i32
      %get3A_1736 = arith.index_cast %get3A_1735 : i32 to index
      %get3A_1737 = arith.constant 64 : index
      %get3A_1738 = tpu.vector_load %arg17[%get3A_1736, %get3A_1737] {strides = array<i32>} : memref<16x128xf32, #tpu.memory_space<vmem>>, vector<16xf32>,
      %add3A_1739 = arith.addf %add3A_1734, %get3A_1738 : vector<16xf32>
      %get3A_1740 = arith.constant 13 : i32
      %get3A_1741 = arith.index_cast %get3A_1740 : i32 to index
      %get3A_1742 = arith.constant 64 : index
      %get3A_1743 = tpu.vector_load %arg17[%get3A_1741, %get3A_1742] {strides = array<i32>} : memref<16x128xf32, #tpu.memory_space<vmem>>, vector<16xf32>,
      %add3A_1744 = arith.addf %add3A_1739, %get3A_1743 : vector<16xf32>
      %get3A_1745 = arith.constant 14 : i32
      %get3A_1746 = arith.index_cast %get3A_1745 : i32 to index
      %get3A_1747 = arith.constant 64 : index
      %get3A_1748 = tpu.vector_load %arg17[%get3A_1746, %get3A_1747] {strides = array<i32>} : memref<16x128xf32, #tpu.memory_space<vmem>>, vector<16xf32>,
      %add3A_1749 = arith.addf %add3A_1744, %get3A_1748 : vector<16xf32>
      %get3A_1750 = arith.constant 15 : i32
      %get3A_1751 = arith.index_cast %get3A_1750 : i32 to index
      %get3A_1752 = arith.constant 64 : index
      %get3A_1753 = tpu.vector_load %arg17[%get3A_1751, %get3A_1752] {strides = array<i32>} : memref<16x128xf32, #tpu.memory_space<vmem>>, vector<16xf32>,
      %add3A_1754 = arith.addf %add3A_1749, %get3A_1753 : vector<16xf32>
      %mul3A_1755 = arith.constant 6.400000e+01 : f32
      %mul3A_1756 = vector.broadcast %mul3A_1755 : f32 to vector<16xf32>
      %mul3A_1757 = arith.mulf %mul3A_1756, %get3A_183 : vector<16xf32>
      %add3A_1758 = arith.addf %add3A_1754, %mul3A_1757 : vector<16xf32>
      %swap3A_1759 = arith.constant 64 : index
      %swap3A_1760 = tpu.vector_load %arg18[%swap3A_1759] {strides = array<i32>} : memref<128xf32, #tpu.memory_space<vmem>>, vector<16xf32>,
      tpu.vector_store %arg18[%swap3A_1759], %add3A_1758 {strides = array<i32>} : memref<128xf32, #tpu.memory_space<vmem>>, vector<16xf32>,
      %get3A_1761 = arith.constant 0 : i32
      %get3A_1762 = arith.index_cast %get3A_1761 : i32 to index
      %get3A_1763 = arith.constant 80 : index
      %get3A_1764 = tpu.vector_load %arg17[%get3A_1762, %get3A_1763] {strides = array<i32>} : memref<16x128xf32, #tpu.memory_space<vmem>>, vector<16xf32>,
      %get3A_1765 = arith.constant 1 : i32
      %get3A_1766 = arith.index_cast %get3A_1765 : i32 to index
      %get3A_1767 = arith.constant 80 : index
      %get3A_1768 = tpu.vector_load %arg17[%get3A_1766, %get3A_1767] {strides = array<i32>} : memref<16x128xf32, #tpu.memory_space<vmem>>, vector<16xf32>,
      %add3A_1769 = arith.addf %get3A_1764, %get3A_1768 : vector<16xf32>
      %get3A_1770 = arith.constant 2 : i32
      %get3A_1771 = arith.index_cast %get3A_1770 : i32 to index
      %get3A_1772 = arith.constant 80 : index
      %get3A_1773 = tpu.vector_load %arg17[%get3A_1771, %get3A_1772] {strides = array<i32>} : memref<16x128xf32, #tpu.memory_space<vmem>>, vector<16xf32>,
      %add3A_1774 = arith.addf %add3A_1769, %get3A_1773 : vector<16xf32>
      %get3A_1775 = arith.constant 3 : i32
      %get3A_1776 = arith.index_cast %get3A_1775 : i32 to index
      %get3A_1777 = arith.constant 80 : index
      %get3A_1778 = tpu.vector_load %arg17[%get3A_1776, %get3A_1777] {strides = array<i32>} : memref<16x128xf32, #tpu.memory_space<vmem>>, vector<16xf32>,
      %add3A_1779 = arith.addf %add3A_1774, %get3A_1778 : vector<16xf32>
      %get3A_1780 = arith.constant 4 : i32
      %get3A_1781 = arith.index_cast %get3A_1780 : i32 to index
      %get3A_1782 = arith.constant 80 : index
      %get3A_1783 = tpu.vector_load %arg17[%get3A_1781, %get3A_1782] {strides = array<i32>} : memref<16x128xf32, #tpu.memory_space<vmem>>, vector<16xf32>,
      %add3A_1784 = arith.addf %add3A_1779, %get3A_1783 : vector<16xf32>
      %get3A_1785 = arith.constant 5 : i32
      %get3A_1786 = arith.index_cast %get3A_1785 : i32 to index
      %get3A_1787 = arith.constant 80 : index
      %get3A_1788 = tpu.vector_load %arg17[%get3A_1786, %get3A_1787] {strides = array<i32>} : memref<16x128xf32, #tpu.memory_space<vmem>>, vector<16xf32>,
      %add3A_1789 = arith.addf %add3A_1784, %get3A_1788 : vector<16xf32>
      %get3A_1790 = arith.constant 6 : i32
      %get3A_1791 = arith.index_cast %get3A_1790 : i32 to index
      %get3A_1792 = arith.constant 80 : index
      %get3A_1793 = tpu.vector_load %arg17[%get3A_1791, %get3A_1792] {strides = array<i32>} : memref<16x128xf32, #tpu.memory_space<vmem>>, vector<16xf32>,
      %add3A_1794 = arith.addf %add3A_1789, %get3A_1793 : vector<16xf32>
      %get3A_1795 = arith.constant 7 : i32
      %get3A_1796 = arith.index_cast %get3A_1795 : i32 to index
      %get3A_1797 = arith.constant 80 : index
      %get3A_1798 = tpu.vector_load %arg17[%get3A_1796, %get3A_1797] {strides = array<i32>} : memref<16x128xf32, #tpu.memory_space<vmem>>, vector<16xf32>,
      %add3A_1799 = arith.addf %add3A_1794, %get3A_1798 : vector<16xf32>
      %get3A_1800 = arith.constant 8 : i32
      %get3A_1801 = arith.index_cast %get3A_1800 : i32 to index
      %get3A_1802 = arith.constant 80 : index
      %get3A_1803 = tpu.vector_load %arg17[%get3A_1801, %get3A_1802] {strides = array<i32>} : memref<16x128xf32, #tpu.memory_space<vmem>>, vector<16xf32>,
      %add3A_1804 = arith.addf %add3A_1799, %get3A_1803 : vector<16xf32>
      %get3A_1805 = arith.constant 9 : i32
      %get3A_1806 = arith.index_cast %get3A_1805 : i32 to index
      %get3A_1807 = arith.constant 80 : index
      %get3A_1808 = tpu.vector_load %arg17[%get3A_1806, %get3A_1807] {strides = array<i32>} : memref<16x128xf32, #tpu.memory_space<vmem>>, vector<16xf32>,
      %add3A_1809 = arith.addf %add3A_1804, %get3A_1808 : vector<16xf32>
      %get3A_1810 = arith.constant 10 : i32
      %get3A_1811 = arith.index_cast %get3A_1810 : i32 to index
      %get3A_1812 = arith.constant 80 : index
      %get3A_1813 = tpu.vector_load %arg17[%get3A_1811, %get3A_1812] {strides = array<i32>} : memref<16x128xf32, #tpu.memory_space<vmem>>, vector<16xf32>,
      %add3A_1814 = arith.addf %add3A_1809, %get3A_1813 : vector<16xf32>
      %get3A_1815 = arith.constant 11 : i32
      %get3A_1816 = arith.index_cast %get3A_1815 : i32 to index
      %get3A_1817 = arith.constant 80 : index
      %get3A_1818 = tpu.vector_load %arg17[%get3A_1816, %get3A_1817] {strides = array<i32>} : memref<16x128xf32, #tpu.memory_space<vmem>>, vector<16xf32>,
      %add3A_1819 = arith.addf %add3A_1814, %get3A_1818 : vector<16xf32>
      %get3A_1820 = arith.constant 12 : i32
      %get3A_1821 = arith.index_cast %get3A_1820 : i32 to index
      %get3A_1822 = arith.constant 80 : index
      %get3A_1823 = tpu.vector_load %arg17[%get3A_1821, %get3A_1822] {strides = array<i32>} : memref<16x128xf32, #tpu.memory_space<vmem>>, vector<16xf32>,
      %add3A_1824 = arith.addf %add3A_1819, %get3A_1823 : vector<16xf32>
      %get3A_1825 = arith.constant 13 : i32
      %get3A_1826 = arith.index_cast %get3A_1825 : i32 to index
      %get3A_1827 = arith.constant 80 : index
      %get3A_1828 = tpu.vector_load %arg17[%get3A_1826, %get3A_1827] {strides = array<i32>} : memref<16x128xf32, #tpu.memory_space<vmem>>, vector<16xf32>,
      %add3A_1829 = arith.addf %add3A_1824, %get3A_1828 : vector<16xf32>
      %get3A_1830 = arith.constant 14 : i32
      %get3A_1831 = arith.index_cast %get3A_1830 : i32 to index
      %get3A_1832 = arith.constant 80 : index
      %get3A_1833 = tpu.vector_load %arg17[%get3A_1831, %get3A_1832] {strides = array<i32>} : memref<16x128xf32, #tpu.memory_space<vmem>>, vector<16xf32>,
      %add3A_1834 = arith.addf %add3A_1829, %get3A_1833 : vector<16xf32>
      %get3A_1835 = arith.constant 15 : i32
      %get3A_1836 = arith.index_cast %get3A_1835 : i32 to index
      %get3A_1837 = arith.constant 80 : index
      %get3A_1838 = tpu.vector_load %arg17[%get3A_1836, %get3A_1837] {strides = array<i32>} : memref<16x128xf32, #tpu.memory_space<vmem>>, vector<16xf32>,
      %add3A_1839 = arith.addf %add3A_1834, %get3A_1838 : vector<16xf32>
      %mul3A_1840 = arith.constant 6.400000e+01 : f32
      %mul3A_1841 = vector.broadcast %mul3A_1840 : f32 to vector<16xf32>
      %mul3A_1842 = arith.mulf %mul3A_1841, %get3A_187 : vector<16xf32>
      %add3A_1843 = arith.addf %add3A_1839, %mul3A_1842 : vector<16xf32>
      %swap3A_1844 = arith.constant 80 : index
      %swap3A_1845 = tpu.vector_load %arg18[%swap3A_1844] {strides = array<i32>} : memref<128xf32, #tpu.memory_space<vmem>>, vector<16xf32>,
      tpu.vector_store %arg18[%swap3A_1844], %add3A_1843 {strides = array<i32>} : memref<128xf32, #tpu.memory_space<vmem>>, vector<16xf32>,
      %get3A_1846 = arith.constant 0 : i32
      %get3A_1847 = arith.index_cast %get3A_1846 : i32 to index
      %get3A_1848 = arith.constant 96 : index
      %get3A_1849 = tpu.vector_load %arg17[%get3A_1847, %get3A_1848] {strides = array<i32>} : memref<16x128xf32, #tpu.memory_space<vmem>>, vector<16xf32>,
      %get3A_1850 = arith.constant 1 : i32
      %get3A_1851 = arith.index_cast %get3A_1850 : i32 to index
      %get3A_1852 = arith.constant 96 : index
      %get3A_1853 = tpu.vector_load %arg17[%get3A_1851, %get3A_1852] {strides = array<i32>} : memref<16x128xf32, #tpu.memory_space<vmem>>, vector<16xf32>,
      %add3A_1854 = arith.addf %get3A_1849, %get3A_1853 : vector<16xf32>
      %get3A_1855 = arith.constant 2 : i32
      %get3A_1856 = arith.index_cast %get3A_1855 : i32 to index
      %get3A_1857 = arith.constant 96 : index
      %get3A_1858 = tpu.vector_load %arg17[%get3A_1856, %get3A_1857] {strides = array<i32>} : memref<16x128xf32, #tpu.memory_space<vmem>>, vector<16xf32>,
      %add3A_1859 = arith.addf %add3A_1854, %get3A_1858 : vector<16xf32>
      %get3A_1860 = arith.constant 3 : i32
      %get3A_1861 = arith.index_cast %get3A_1860 : i32 to index
      %get3A_1862 = arith.constant 96 : index
      %get3A_1863 = tpu.vector_load %arg17[%get3A_1861, %get3A_1862] {strides = array<i32>} : memref<16x128xf32, #tpu.memory_space<vmem>>, vector<16xf32>,
      %add3A_1864 = arith.addf %add3A_1859, %get3A_1863 : vector<16xf32>
      %get3A_1865 = arith.constant 4 : i32
      %get3A_1866 = arith.index_cast %get3A_1865 : i32 to index
      %get3A_1867 = arith.constant 96 : index
      %get3A_1868 = tpu.vector_load %arg17[%get3A_1866, %get3A_1867] {strides = array<i32>} : memref<16x128xf32, #tpu.memory_space<vmem>>, vector<16xf32>,
      %add3A_1869 = arith.addf %add3A_1864, %get3A_1868 : vector<16xf32>
      %get3A_1870 = arith.constant 5 : i32
      %get3A_1871 = arith.index_cast %get3A_1870 : i32 to index
      %get3A_1872 = arith.constant 96 : index
      %get3A_1873 = tpu.vector_load %arg17[%get3A_1871, %get3A_1872] {strides = array<i32>} : memref<16x128xf32, #tpu.memory_space<vmem>>, vector<16xf32>,
      %add3A_1874 = arith.addf %add3A_1869, %get3A_1873 : vector<16xf32>
      %get3A_1875 = arith.constant 6 : i32
      %get3A_1876 = arith.index_cast %get3A_1875 : i32 to index
      %get3A_1877 = arith.constant 96 : index
      %get3A_1878 = tpu.vector_load %arg17[%get3A_1876, %get3A_1877] {strides = array<i32>} : memref<16x128xf32, #tpu.memory_space<vmem>>, vector<16xf32>,
      %add3A_1879 = arith.addf %add3A_1874, %get3A_1878 : vector<16xf32>
      %get3A_1880 = arith.constant 7 : i32
      %get3A_1881 = arith.index_cast %get3A_1880 : i32 to index
      %get3A_1882 = arith.constant 96 : index
      %get3A_1883 = tpu.vector_load %arg17[%get3A_1881, %get3A_1882] {strides = array<i32>} : memref<16x128xf32, #tpu.memory_space<vmem>>, vector<16xf32>,
      %add3A_1884 = arith.addf %add3A_1879, %get3A_1883 : vector<16xf32>
      %get3A_1885 = arith.constant 8 : i32
      %get3A_1886 = arith.index_cast %get3A_1885 : i32 to index
      %get3A_1887 = arith.constant 96 : index
      %get3A_1888 = tpu.vector_load %arg17[%get3A_1886, %get3A_1887] {strides = array<i32>} : memref<16x128xf32, #tpu.memory_space<vmem>>, vector<16xf32>,
      %add3A_1889 = arith.addf %add3A_1884, %get3A_1888 : vector<16xf32>
      %get3A_1890 = arith.constant 9 : i32
      %get3A_1891 = arith.index_cast %get3A_1890 : i32 to index
      %get3A_1892 = arith.constant 96 : index
      %get3A_1893 = tpu.vector_load %arg17[%get3A_1891, %get3A_1892] {strides = array<i32>} : memref<16x128xf32, #tpu.memory_space<vmem>>, vector<16xf32>,
      %add3A_1894 = arith.addf %add3A_1889, %get3A_1893 : vector<16xf32>
      %get3A_1895 = arith.constant 10 : i32
      %get3A_1896 = arith.index_cast %get3A_1895 : i32 to index
      %get3A_1897 = arith.constant 96 : index
      %get3A_1898 = tpu.vector_load %arg17[%get3A_1896, %get3A_1897] {strides = array<i32>} : memref<16x128xf32, #tpu.memory_space<vmem>>, vector<16xf32>,
      %add3A_1899 = arith.addf %add3A_1894, %get3A_1898 : vector<16xf32>
      %get3A_1900 = arith.constant 11 : i32
      %get3A_1901 = arith.index_cast %get3A_1900 : i32 to index
      %get3A_1902 = arith.constant 96 : index
      %get3A_1903 = tpu.vector_load %arg17[%get3A_1901, %get3A_1902] {strides = array<i32>} : memref<16x128xf32, #tpu.memory_space<vmem>>, vector<16xf32>,
      %add3A_1904 = arith.addf %add3A_1899, %get3A_1903 : vector<16xf32>
      %get3A_1905 = arith.constant 12 : i32
      %get3A_1906 = arith.index_cast %get3A_1905 : i32 to index
      %get3A_1907 = arith.constant 96 : index
      %get3A_1908 = tpu.vector_load %arg17[%get3A_1906, %get3A_1907] {strides = array<i32>} : memref<16x128xf32, #tpu.memory_space<vmem>>, vector<16xf32>,
      %add3A_1909 = arith.addf %add3A_1904, %get3A_1908 : vector<16xf32>
      %get3A_1910 = arith.constant 13 : i32
      %get3A_1911 = arith.index_cast %get3A_1910 : i32 to index
      %get3A_1912 = arith.constant 96 : index
      %get3A_1913 = tpu.vector_load %arg17[%get3A_1911, %get3A_1912] {strides = array<i32>} : memref<16x128xf32, #tpu.memory_space<vmem>>, vector<16xf32>,
      %add3A_1914 = arith.addf %add3A_1909, %get3A_1913 : vector<16xf32>
      %get3A_1915 = arith.constant 14 : i32
      %get3A_1916 = arith.index_cast %get3A_1915 : i32 to index
      %get3A_1917 = arith.constant 96 : index
      %get3A_1918 = tpu.vector_load %arg17[%get3A_1916, %get3A_1917] {strides = array<i32>} : memref<16x128xf32, #tpu.memory_space<vmem>>, vector<16xf32>,
      %add3A_1919 = arith.addf %add3A_1914, %get3A_1918 : vector<16xf32>
      %get3A_1920 = arith.constant 15 : i32
      %get3A_1921 = arith.index_cast %get3A_1920 : i32 to index
      %get3A_1922 = arith.constant 96 : index
      %get3A_1923 = tpu.vector_load %arg17[%get3A_1921, %get3A_1922] {strides = array<i32>} : memref<16x128xf32, #tpu.memory_space<vmem>>, vector<16xf32>,
      %add3A_1924 = arith.addf %add3A_1919, %get3A_1923 : vector<16xf32>
      %mul3A_1925 = arith.constant 6.400000e+01 : f32
      %mul3A_1926 = vector.broadcast %mul3A_1925 : f32 to vector<16xf32>
      %mul3A_1927 = arith.mulf %mul3A_1926, %get3A_191 : vector<16xf32>
      %add3A_1928 = arith.addf %add3A_1924, %mul3A_1927 : vector<16xf32>
      %swap3A_1929 = arith.constant 96 : index
      %swap3A_1930 = tpu.vector_load %arg18[%swap3A_1929] {strides = array<i32>} : memref<128xf32, #tpu.memory_space<vmem>>, vector<16xf32>,
      tpu.vector_store %arg18[%swap3A_1929], %add3A_1928 {strides = array<i32>} : memref<128xf32, #tpu.memory_space<vmem>>, vector<16xf32>,
      %get3A_1931 = arith.constant 0 : i32
      %get3A_1932 = arith.index_cast %get3A_1931 : i32 to index
      %get3A_1933 = arith.constant 112 : index
      %get3A_1934 = tpu.vector_load %arg17[%get3A_1932, %get3A_1933] {strides = array<i32>} : memref<16x128xf32, #tpu.memory_space<vmem>>, vector<16xf32>,
      %get3A_1935 = arith.constant 1 : i32
      %get3A_1936 = arith.index_cast %get3A_1935 : i32 to index
      %get3A_1937 = arith.constant 112 : index
      %get3A_1938 = tpu.vector_load %arg17[%get3A_1936, %get3A_1937] {strides = array<i32>} : memref<16x128xf32, #tpu.memory_space<vmem>>, vector<16xf32>,
      %add3A_1939 = arith.addf %get3A_1934, %get3A_1938 : vector<16xf32>
      %get3A_1940 = arith.constant 2 : i32
      %get3A_1941 = arith.index_cast %get3A_1940 : i32 to index
      %get3A_1942 = arith.constant 112 : index
      %get3A_1943 = tpu.vector_load %arg17[%get3A_1941, %get3A_1942] {strides = array<i32>} : memref<16x128xf32, #tpu.memory_space<vmem>>, vector<16xf32>,
      %add3A_1944 = arith.addf %add3A_1939, %get3A_1943 : vector<16xf32>
      %get3A_1945 = arith.constant 3 : i32
      %get3A_1946 = arith.index_cast %get3A_1945 : i32 to index
      %get3A_1947 = arith.constant 112 : index
      %get3A_1948 = tpu.vector_load %arg17[%get3A_1946, %get3A_1947] {strides = array<i32>} : memref<16x128xf32, #tpu.memory_space<vmem>>, vector<16xf32>,
      %add3A_1949 = arith.addf %add3A_1944, %get3A_1948 : vector<16xf32>
      %get3A_1950 = arith.constant 4 : i32
      %get3A_1951 = arith.index_cast %get3A_1950 : i32 to index
      %get3A_1952 = arith.constant 112 : index
      %get3A_1953 = tpu.vector_load %arg17[%get3A_1951, %get3A_1952] {strides = array<i32>} : memref<16x128xf32, #tpu.memory_space<vmem>>, vector<16xf32>,
      %add3A_1954 = arith.addf %add3A_1949, %get3A_1953 : vector<16xf32>
      %get3A_1955 = arith.constant 5 : i32
      %get3A_1956 = arith.index_cast %get3A_1955 : i32 to index
      %get3A_1957 = arith.constant 112 : index
      %get3A_1958 = tpu.vector_load %arg17[%get3A_1956, %get3A_1957] {strides = array<i32>} : memref<16x128xf32, #tpu.memory_space<vmem>>, vector<16xf32>,
      %add3A_1959 = arith.addf %add3A_1954, %get3A_1958 : vector<16xf32>
      %get3A_1960 = arith.constant 6 : i32
      %get3A_1961 = arith.index_cast %get3A_1960 : i32 to index
      %get3A_1962 = arith.constant 112 : index
      %get3A_1963 = tpu.vector_load %arg17[%get3A_1961, %get3A_1962] {strides = array<i32>} : memref<16x128xf32, #tpu.memory_space<vmem>>, vector<16xf32>,
      %add3A_1964 = arith.addf %add3A_1959, %get3A_1963 : vector<16xf32>
      %get3A_1965 = arith.constant 7 : i32
      %get3A_1966 = arith.index_cast %get3A_1965 : i32 to index
      %get3A_1967 = arith.constant 112 : index
      %get3A_1968 = tpu.vector_load %arg17[%get3A_1966, %get3A_1967] {strides = array<i32>} : memref<16x128xf32, #tpu.memory_space<vmem>>, vector<16xf32>,
      %add3A_1969 = arith.addf %add3A_1964, %get3A_1968 : vector<16xf32>
      %get3A_1970 = arith.constant 8 : i32
      %get3A_1971 = arith.index_cast %get3A_1970 : i32 to index
      %get3A_1972 = arith.constant 112 : index
      %get3A_1973 = tpu.vector_load %arg17[%get3A_1971, %get3A_1972] {strides = array<i32>} : memref<16x128xf32, #tpu.memory_space<vmem>>, vector<16xf32>,
      %add3A_1974 = arith.addf %add3A_1969, %get3A_1973 : vector<16xf32>
      %get3A_1975 = arith.constant 9 : i32
      %get3A_1976 = arith.index_cast %get3A_1975 : i32 to index
      %get3A_1977 = arith.constant 112 : index
      %get3A_1978 = tpu.vector_load %arg17[%get3A_1976, %get3A_1977] {strides = array<i32>} : memref<16x128xf32, #tpu.memory_space<vmem>>, vector<16xf32>,
      %add3A_1979 = arith.addf %add3A_1974, %get3A_1978 : vector<16xf32>
      %get3A_1980 = arith.constant 10 : i32
      %get3A_1981 = arith.index_cast %get3A_1980 : i32 to index
      %get3A_1982 = arith.constant 112 : index
      %get3A_1983 = tpu.vector_load %arg17[%get3A_1981, %get3A_1982] {strides = array<i32>} : memref<16x128xf32, #tpu.memory_space<vmem>>, vector<16xf32>,
      %add3A_1984 = arith.addf %add3A_1979, %get3A_1983 : vector<16xf32>
      %get3A_1985 = arith.constant 11 : i32
      %get3A_1986 = arith.index_cast %get3A_1985 : i32 to index
      %get3A_1987 = arith.constant 112 : index
      %get3A_1988 = tpu.vector_load %arg17[%get3A_1986, %get3A_1987] {strides = array<i32>} : memref<16x128xf32, #tpu.memory_space<vmem>>, vector<16xf32>,
      %add3A_1989 = arith.addf %add3A_1984, %get3A_1988 : vector<16xf32>
      %get3A_1990 = arith.constant 12 : i32
      %get3A_1991 = arith.index_cast %get3A_1990 : i32 to index
      %get3A_1992 = arith.constant 112 : index
      %get3A_1993 = tpu.vector_load %arg17[%get3A_1991, %get3A_1992] {strides = array<i32>} : memref<16x128xf32, #tpu.memory_space<vmem>>, vector<16xf32>,
      %add3A_1994 = arith.addf %add3A_1989, %get3A_1993 : vector<16xf32>
      %get3A_1995 = arith.constant 13 : i32
      %get3A_1996 = arith.index_cast %get3A_1995 : i32 to index
      %get3A_1997 = arith.constant 112 : index
      %get3A_1998 = tpu.vector_load %arg17[%get3A_1996, %get3A_1997] {strides = array<i32>} : memref<16x128xf32, #tpu.memory_space<vmem>>, vector<16xf32>,
      %add3A_1999 = arith.addf %add3A_1994, %get3A_1998 : vector<16xf32>
      %get3A_2000 = arith.constant 14 : i32
      %get3A_2001 = arith.index_cast %get3A_2000 : i32 to index
      %get3A_2002 = arith.constant 112 : index
      %get3A_2003 = tpu.vector_load %arg17[%get3A_2001, %get3A_2002] {strides = array<i32>} : memref<16x128xf32, #tpu.memory_space<vmem>>, vector<16xf32>,
      %add3A_2004 = arith.addf %add3A_1999, %get3A_2003 : vector<16xf32>
      %get3A_2005 = arith.constant 15 : i32
      %get3A_2006 = arith.index_cast %get3A_2005 : i32 to index
      %get3A_2007 = arith.constant 112 : index
      %get3A_2008 = tpu.vector_load %arg17[%get3A_2006, %get3A_2007] {strides = array<i32>} : memref<16x128xf32, #tpu.memory_space<vmem>>, vector<16xf32>,
      %add3A_2009 = arith.addf %add3A_2004, %get3A_2008 : vector<16xf32>
      %mul3A_2010 = arith.constant 6.400000e+01 : f32
      %mul3A_2011 = vector.broadcast %mul3A_2010 : f32 to vector<16xf32>
      %mul3A_2012 = arith.mulf %mul3A_2011, %get3A_195 : vector<16xf32>
      %add3A_2013 = arith.addf %add3A_2009, %mul3A_2012 : vector<16xf32>
      %swap3A_2014 = arith.constant 112 : index
      %swap3A_2015 = tpu.vector_load %arg18[%swap3A_2014] {strides = array<i32>} : memref<128xf32, #tpu.memory_space<vmem>>, vector<16xf32>,
      tpu.vector_store %arg18[%swap3A_2014], %add3A_2013 {strides = array<i32>} : memref<128xf32, #tpu.memory_space<vmem>>, vector<16xf32>,
      "tpu.region"() ({
        %run_scoped3A = tpu.sem_alloc : memref<!tpu.dma_semaphore, #tpu.memory_space<semaphore_mem>>
        tpu.enqueue_dma source(%arg18 : memref<128xf32, #tpu.memory_space<vmem>>) target(%arg7 : memref<128xf32, #tpu.memory_space<hbm>>) target_semaphore(%run_scoped3A : memref<!tpu.dma_semaphore, #tpu.memory_space<semaphore_mem>>)
        tpu.wait_dma2 semaphore(%run_scoped3A : memref<!tpu.dma_semaphore, #tpu.memory_space<semaphore_mem>>) src(%arg18 : memref<128xf32, #tpu.memory_space<vmem>>) dst(%arg7 : memref<128xf32, #tpu.memory_space<hbm>>)
        tpu.yield
      }) : () -> ()
    } else {
    }
    return
  }
}

</mosaic_0001>

<sc_bundles>
// kernel: kernel.3.cloned.1.call-start
scs
__scs_entry_jumppad:
0x0: {  	(pc) =	sbr.rel $0x88, $3  }
0x1: {  	(tag) =	ssettag $0x0;
	lr =	simm.s32 $0x1  }
0x2: {  	[smem:$0x3F9C] =	sst lr;
	_ =	strace $0xD0000000  }
0x3: {  	_ = 	snop  }
0x4: {  	_ = 	snop  }
0x5: {  	_ = 	snop  }
0x6: {  	_ = 	snop  }
0x7: {  	_ = 	snop  }
__scs_overlays_trampoline_lowered:
0x8: {  	[smem:$0x3FAB] =	sst s0  }
0x9: {  	[smem:$0x3FAC] =	sst s1  }
0xa: {  	[smem:$0x3FAD] =	sst s2  }
0xb: {  	[smem:$0x3FAE] =	sst s3  }
0xc: {  	[smem:$0x3FAF] =	sst s4  }
0xd: {  	[smem:$0x3FB0] =	sst s5  }
0xe: {  	[smem:$0x3FB1] =	sst s6  }
0xf: {  	[smem:$0x3FB2] =	sst s7  }
0x10: {  	[smem:$0x3FB3] =	sst s8  }
0x11: {  	[smem:$0x3FB4] =	sst s9;
	s0 =	simm.s32 @!p0 $0x0  }
0x12: {  	s1 =	sld [smem:$0x3F9A];
	s0 =	simm.s32 @p0 $0x1  }
0x13: {  	[smem:$0x3FB5] =	sst s0;
	s0 =	simm.s32 @!p1 $0x0  }
0x14: {  	s2 =	sld [smem:$0x3F99];
	s0 =	simm.s32 @p1 $0x1  }
0x15: {  	[smem:$0x3FB6] =	sst s0;
	s0 =	simm.s32 @!p2 $0x0  }
0x16: {  	s3 =	sld [smem:$0x3FDB];
	s0 =	simm.s32 @p2 $0x1  }
0x17: {  	s4 =	simm.s32 $0x1BF5;
	[smem:$0x3FB8] =	sst s0  }
0x18: {  	s0 =	sld [smem:$0x3F9B];
	_ =	swait.ge [sflag:s4], $0x0  }
0x19: {  	s7 =	sld [smem:$0x3F9C]  }
0x1a: {  	s8 =	sadd.s32 $0xFFFFE003, lr  }
0x1b: {  	s9 =	sadd.s32 $0xFFFFFEF7, lr;
	s5 =	simm.s32 $0xFFFFFFFF;
	p2 =	slt.u32 s8, $0xFFFFF086  }
0x1c: {  	p1 =	slt.u32 s9, $0xF7A;
	s5 =	simm.s32 @!p2 $0x0  }
0x1d: {  	s5 =	simm.s32 @p1 $0x1;
	p0 =	seq.s32 s7, s2  }
0x1e: {  	s7 =	smul.u32 @!p0 $0xF7A, s2;
	p2 =	seq.s32 @!p0 s5, $0x0  }
0x1f: {  	s9 =	smul.u32 $0xF7A, s1;
	s8 =	simm.s32 @!p0 $0x1BF5;
	p2 =	por !p2, p0  }
0x20: {  	[sflag:s8] =	ssyncset.s32 @!p0 $0xFFFFF086;
	s6 =	sadd.s32 @!p0 s3, s7;
	s7 =	simm.s32 @!p0 $0x108  }
0x21: {  	s3 =	sadd.s32 s3, s9;
	s6 =	sadd.s32 @!p0 $0x88, s6;
	s7 =	simm.s32 @p2 $0x1082  }
0x22: {  	[simem:s7], [sflag:s8] =	dma.local @!p0 [hbm:s6], $0xF7A  }
0x23: {  	s9 =	sor.u32 $0xD0000000, s2;
	s6 =	simm.s32 $0x108;
	_ =	swait.ge @!p0 [sflag:s8], $0x0  }
0x24: {  	s3 =	sadd.s32 $0x88, s3;
	s6 =	simm.s32 @!p1 $0x1082;
	[sflag:s4] =	ssyncset.s32 $0xFFFFF086  }
0x25: {  	[simem:s6], [sflag:s4] =	dma.local [hbm:s3], $0xF7A  }
0x26: {  	[smem:$0x3F9C] =	sst s1;
	(tag) =	ssettag s2;
	_ =	strace s9  }
0x27: {  	s1 =	sld [smem:$0x3FAC]  }
0x28: {  	s2 =	sld [smem:$0x3FAD]  }
0x29: {  	s4 =	sld [smem:$0x3FAF]  }
0x2a: {  	p0 =	seq.s32 s5, $0x0;
	s5 =	sld [smem:$0x3FB0]  }
0x2b: {  	s6 =	sld [smem:$0x3FB1]  }
0x2c: {  	s7 =	sld [smem:$0x3FB2]  }
0x2d: {  	s3 =	simm.s32 $0x108;
	s8 =	sld [smem:$0x3FB3]  }
0x2e: {  	s3 =	simm.s32 @!p0 $0x1082;
	s9 =	sld [smem:$0x3FB4]  }
0x2f: {  	lr =	sadd.s32 s0, s3;
	s0 =	sld [smem:$0x3FAB]  }
0x30: {  	s3 =	sld [smem:$0x3FAE]  }
0x31: {  	[smem:$0x3FB7] =	sst s10  }
0x32: {  	s10 =	sld [smem:$0x3FB5];
	_ =	sdelay $0x3  }
0x33: {  	p0 =	seq.s32 s10, $0x1;
	s10 =	sld [smem:$0x3FB7];
	_ =	sdelay $0x3  }
0x34: {  	[smem:$0x3FB7] =	sst s10  }
0x35: {  	s10 =	sld [smem:$0x3FB6];
	_ =	sdelay $0x3  }
0x36: {  	p1 =	seq.s32 s10, $0x1;
	s10 =	sld [smem:$0x3FB7];
	_ =	sdelay $0x3  }
0x37: {  	[smem:$0x3FB7] =	sst s10  }
0x38: {  	s10 =	sld [smem:$0x3FB8]  }
0x39: {  	_ = 	snop;
	(pc) =	sbr.ind lr, $3  }
0x3a: {  	_ = 	snop  }
0x3b: {  	_ = 	snop  }
0x3c: {  	p2 =	seq.s32 s10, $0x1;
	s10 =	sld [smem:$0x3FB7]  }
0x3d: {  	_ =	shalt  }
0x3e: {  	_ =	shalt  }
0x3f: {  	_ =	shalt  }
0x40: {  	_ =	shalt  }
0x41: {  	_ =	shalt  }
0x42: {  	_ =	shalt  }
0x43: {  	_ =	shalt  }
0x44: {  	_ =	shalt  }
0x45: {  	_ =	shalt  }
0x46: {  	_ =	shalt  }
0x47: {  	_ =	shalt  }
0x48: {  	_ =	shalt  }
0x49: {  	_ =	shalt  }
0x4a: {  	_ =	shalt  }
0x4b: {  	_ =	shalt  }
0x4c: {  	_ =	shalt  }
0x4d: {  	_ =	shalt  }
0x4e: {  	_ =	shalt  }
0x4f: {  	_ =	shalt  }
0x50: {  	_ =	shalt  }
0x51: {  	_ =	shalt  }
0x52: {  	_ =	shalt  }
0x53: {  	_ =	shalt  }
0x54: {  	_ =	shalt  }
0x55: {  	_ =	shalt  }
0x56: {  	_ =	shalt  }
0x57: {  	_ =	shalt  }
0x58: {  	_ =	shalt  }
0x59: {  	_ =	shalt  }
0x5a: {  	_ =	shalt  }
0x5b: {  	_ =	shalt  }
0x5c: {  	_ =	shalt  }
0x5d: {  	_ =	shalt  }
0x5e: {  	_ =	shalt  }
0x5f: {  	_ =	shalt  }
0x60: {  	_ =	shalt  }
0x61: {  	_ =	shalt  }
0x62: {  	_ =	shalt  }
0x63: {  	_ =	shalt  }
0x64: {  	_ =	shalt  }
0x65: {  	_ =	shalt  }
0x66: {  	_ =	shalt  }
0x67: {  	_ =	shalt  }
0x68: {  	_ =	shalt  }
0x69: {  	_ =	shalt  }
0x6a: {  	_ =	shalt  }
0x6b: {  	_ =	shalt  }
0x6c: {  	_ =	shalt  }
0x6d: {  	_ =	shalt  }
0x6e: {  	_ =	shalt  }
0x6f: {  	_ =	shalt  }
0x70: {  	_ =	shalt  }
0x71: {  	_ =	shalt  }
0x72: {  	_ =	shalt  }
0x73: {  	_ =	shalt  }
0x74: {  	_ =	shalt  }
0x75: {  	_ =	shalt  }
0x76: {  	_ =	shalt  }
0x77: {  	_ =	shalt  }
0x78: {  	_ =	shalt  }
0x79: {  	_ =	shalt  }
0x7a: {  	_ =	shalt  }
0x7b: {  	_ =	shalt  }
0x7c: {  	_ =	shalt  }
0x7d: {  	_ =	shalt  }
0x7e: {  	_ =	shalt  }
0x7f: {  	_ =	shalt  }
0x80: {  	_ =	shalt  }
0x81: {  	_ =	shalt  }
0x82: {  	_ =	shalt  }
0x83: {  	_ =	shalt  }
0x84: {  	_ =	shalt  }
0x85: {  	_ =	shalt  }
0x86: {  	_ =	shalt  }
0x87: {  	_ =	shalt  }
.Lfunc_end0:
.L_simem_size_0:
called_computation_lowered:
.L_overlay_start_0:
0x88: {  	s0 =	sld [smem:$0x3FD9]  }
0x89: {  	s1 =	sld [smem:$0x3FFE];
	_ =	sdelay $0x3  }
0x8a: {  	s0 =	sadd.s32 s1, s0  }
0x8b: {  	[smem:$0x3FC3] =	sst s0  }
0x8c: {  	_ = 	snop  }
0x8d: {  	s0 =	sld [smem:$0x3FC9]  }
0x8e: {  	s16 =	sld [smem:$0x3FC8]  }
0x8f: {  	s2 =	sld [smem:$0x3FC7]  }
0x90: {  	s3 =	sld [smem:$0x3FC5]  }
0x91: {  	s4 =	sld [smem:$0x3FD0];
	(tm) =	ssettm $0x1  }
0x92: {  	s5 =	sld [smem:$0x3FFB];
	_ =	sdelay $0x3  }
0x93: {  	_ =	strace s5  }
0x94: {  	s5 =	sld [smem:$0x3FFC];
	_ =	sdelay $0x3  }
0x95: {  	_ =	strace s5  }
0x96: {  	s5 =	sld [smem:$0x3FFD];
	_ =	sdelay $0x3  }
0x97: {  	_ =	strace s5  }
0x98: {  	_ =	strace $0x8FFFFFFF  }
0x99: {  	s17 =	sld [smem:$0x3FDB];
	_ =	sdelay $0x1  }
0x9a: {  	s6 =	simm.s32 $_scs_section_size  }
0x9b: {  	s7 =	simm.s32 $_size__tile_overlayer_lowered;
	s8 =	simm.s32 $_tile_overlayer_lowered  }
0x9c: {  	s20 =	simm.s32 $0x1BFF;
	s19 =	sshll.u32 s8, $0x1;
	s5 =	sadd.s32 s6, s17  }
0x9d: {  	s9 =	simm.s32 $0x0;
	s18 =	sshll.u32 s7, $0x1;
	s7 =	sadd.s32 s19, s5  }
0x9e: {  	[timem:s9], [sflag:s20] =	dma.local [hbm:s7], s18  }
0x9f: {  	_ =	swait.ge [sflag:s20], s18  }
0xa0: {  	s6 =	ssub.s32 $0x0, s18;
	[sflag:s20] =	ssyncset.done $0x0  }
0xa1: {  	[sflag:s20] =	ssyncadd.s32 s6;
	_ =	sdelay $0x1  }
0xa2: {  	s21 =	simm.s32 $0x1B8B  }
0xa3: {  	_ =	swait.ge [sflag:s21], $0x1  }
0xa4: {  	[sflag:s21] =	ssyncset.done $0x0  }
0xa5: {  	s23 =	simm.s32 $0x1B8E;
	s22 =	sld [smem:$0x3FFE];
	[sflag:s21] =	ssyncadd.s32 $0xFFFFFFFF  }
0xa6: {  	s24 =	simm.s32 $execute0_lowered;
	[smem:$0x3FD2] =	sst s23  }
0xa7: {  	s7 =	sshll.u32 s24, $0x1;
	_ =	strace $0x80000046;
	[dreg:$0x1] =	wrdreg $0xFFFFFFFF  }
0xa8: {  	s25 =	simm.s32 $_size_execute0_lowered;
	s5 =	sadd.s32 s5, s7;
	[dreg:$0x0] =	wrdreg $0x0  }
0xa9: {  	s7 =	sshll.u32 s25, $0x1;
	[dreg:$0x2] =	wrdreg s5  }
0xaa: {  	[dreg:$0x3] =	wrdreg s7  }
0xab: {  	[dreg:$0x4] =	wrdreg $0xC0  }
0xac: {  	_ =	task [dreg:s9], $0x5FFFF  }
0xad: {  	[dreg:$0x1] =	wrdreg $0xFFFFFFFF  }
0xae: {  	[dreg:$0x0] =	wrdreg $0x60  }
0xaf: {  	[dreg:$0x2] =	wrdreg s0  }
0xb0: {  	[dreg:$0x3] =	wrdreg s16  }
0xb1: {  	[dreg:$0x4] =	wrdreg s2  }
0xb2: {  	[dreg:$0x5] =	wrdreg s22  }
0xb3: {  	[dreg:$0x6] =	wrdreg s3  }
0xb4: {  	[dreg:$0x7] =	wrdreg s4  }
0xb5: {  	[dreg:$0x8] =	wrdreg $0xD500  }
0xb6: {  	[dreg:$0x9] =	wrdreg $0xD600  }
0xb7: {  	[dreg:$0xa] =	wrdreg $0x9  }
0xb8: {  	_ =	task.clear_ibuf [dreg:s9], $0xBFFFF;
	_ =	strace $0x90000046  }
0xb9: {  	s26 =	simm.s32 $0x9;
	_ =	strace $0x80000048  }
0xba: {  	_ =	swait.ge [sflag:s26], $0x1  }
0xbb: {  	[sflag:s26] =	ssyncadd.s32 $0xFFFFFFFF  }
0xbc: {  	_ =	strace $0x90000048  }
0xbd: {  	_ =	sfence  }
0xbe: {  	s28 =	sld [smem:$0x0];
	_ =	sdelay $0x1  }
0xbf: {  	s29 =	srdreg.scid  }
0xc0: {  	s30 =	sshll.u32 s29, $0xD;
	s31 =	sshrl.u32 s29, $0x2  }
0xc1: {  	s1 =	sand.u32 $0x1, s29;
	s2 =	sand.u32 $0x4000, s30;
	s0 =	sadd.s32 s31, s28  }
0xc2: {  	s1 =	sor.u32 s2, s1;
	s0 =	sshll.u32 s0, $0x11  }
0xc3: {  	s0 =	sor.u32 s0, s1  }
0xc4: {  	s0 =	sadd.s32 $0x8F2B, s0  }
0xc5: {  	[sflag:s0] =	ssyncadd.remote.s32 $0x1  }
0xc6: {  	_ =	sfence.sel $0xFFFF  }
0xc7: {  	[dreg:$0x0] =	wrdreg $0xFFFFFFFF;
	(pc) =	sbr.abs _section_cstart, $3  }
0xc8: {  	[dreg:$0x1] =	wrdreg $0xFFFFFFFF  }
0xc9: {  	_ =	task.clear_ibuf [dreg:s9], $0x2FFFF;
	_ =	strace $0x9FFFFFFF  }
0xca: {  	(tm) =	ssettm $0x7FFFFFFF  }
0xcb: {  	_ =	shalt  }
tec
execute0_lowered:
.L_overlay_start_1:
0x0: {  	(tag) =	ssettag $0x1  }
0x1: {  	s2 =	rddreg [dreg:$0x0]  }
0x2: {  	s0 =	rddreg [dreg:$0x1]  }
0x3: {  	s1 =	rddreg [dreg:$0x2]  }
0x4: {  	s3 =	rddreg [dreg:$0x3]  }
0x5: {  	s4 =	rddreg [dreg:$0x4]  }
0x6: {  	s5 =	rddreg [dreg:$0x6];
	s6 =	simm.s32 $0x0  }
0x7: {  	[smem:$0x7FF] =	sst s6  }
0x8: {  	s9 =	rddreg [dreg:$0x7];
	_ =	strace $0x80000047  }
0x9: {  	[tilespmem:s6], [sflag:$0x1] =	stream.linear.gather [hbm4b:s4+s6], $0x1, $0x38;
	[tilespmem:$0xDE0] =	vst v63  }
0xa: {  	s19 =	simm.s32 $0x10  }
0xb: {  	[tilespmem:s19], [sflag:$0x2] =	stream.linear.gather [hbm4b:s1+s6], $0x1, $0x38;
	[tilespmem:$0xDE0] =	vst v63  }
0xc: {  	s20 =	simm.s32 $0x2C0;
	s21 =	simm.s32 $0x1  }
0xd: {  	[tilespmem:s20], [sflag:$0x2] =	stream.linear.gather [hbm4b:s0+s6], $0x100, $0x38;
	[tilespmem:$0xDE0] =	vst v63  }
0xe: {  	_ =	swait.ge [sflag:s21], $0x1  }
0xf: {  	[sflag:s21] =	ssyncset.done $0x0  }
0x10: {  	[sflag:s21] =	ssyncadd.s32 $0xFFFFFFFF  }
0x11: {  	v0 =	vld [tilespmem:$0x0];
	_ =	sdelay $0x4  }
0x12: {  	(v2sf) =	vpush v0, $0x0;
	_ =	sdelay $0xb  }
0x13: {  	s10 =	stileid.u32  }
0x14: {  	s22 =	sshrl.u32 s10, $0x3  }
0x15: {  	s23 =	smul.u32 $0x2710, s22  }
0x16: {  	s25 =	simm.s32 $0x40;
	s28 =	simm.s32 $0x20;
	s7 =	spop (v2sf)  }
0x17: {  	s8 =	sand.u32 $0x7, s10;
	s26 =	sshll.u32 s10, $0x4;
	s4 =	sadd.s32 s23, s7  }
0x18: {  	s29 =	sadd.s32 s26, s5;
	s7 =	sshll.u32 s7, $0x4;
	s4 =	sshll.u32 s4, $0x2  }
0x19: {  	p0 =	sgt.s32 s8, $0x3;
	s24 =	sand.u32 $0x1FFFFFF0, s7;
	s4 =	sand.u32 $0x1FFFFFFC, s4  }
0x1a: {  	s1 =	sshll.u32 s22, $0x7;
	s3 =	sadd.s32 s4, s3;
	s4 =	sadd.s32 s2, s24  }
0x1b: {  	[tilespmem:s25], [sflag:$0x2] =	stream.linear.gather [hbm4b:s4+s6], $0x80, $0x38;
	[tilespmem:$0xDE0] =	vst v63  }
.Ltmp0:
0x1c: {  	[dreg:$0xb] =	wrdreg s29;
	s3 =	sadd.s32 $0x400, s3;
	(pc) =	sbr.rel @p0 .LBB2_2-.Ltmp0, $4  }
0x1d: {  	[tilespmem:s28], [sflag:$0x1] =	stream.linear.gather [hbm4b:s3+s6], $0x20, $0x38;
	[tilespmem:$0xDE0] =	vst v63  }
0x1e: {  	s30 =	sshll.u32 s10, $0x7;
	s1 =	sadd.s32 s1, s5;
	_ =	swait.ge [sflag:s21], $0x20  }
0x1f: {  	s31 =	sadd.s32 s30, s9;
	[dreg:$0xa] =	wrdreg s1;
	[sflag:s21] =	ssyncset.done $0x0  }
0x20: {  	[dreg:$0x9] =	wrdreg s31;
	[sflag:s21] =	ssyncadd.s32 $0xFFFFFFE0  }
0x21: {  	p0 =	sgt.s32 s8, $0x1  }
0x22: {  	p2 =	seq.s32 @p0 s8, $0x2  }
0x23: {  	p1 =	por !p2, !p0  }
0x24: {  	v0 =	vld @!p1 [tilespmem:$0x20];
	_ =	sdelay $0x4  }
0x25: {  	v1 =	vshll.u32 @!p1 v0, $0x4  }
0x26: {  	(v2sf) =	vpush @!p1 v1, $0x8;
	_ =	sdelay $0x3  }
0x27: {  	(v2sf) =	vpush @!p1 v1, $0x9;
	_ =	sdelay $0x3  }
0x28: {  	(v2sf) =	vpush @!p1 v1, $0xA;
	_ =	sdelay $0x6  }
0x29: {  	s0 =	spop @!p1 (v2sf)  }
0x2a: {  	s0 =	sand.u32 @!p1 $0x1FFFFFF0, s0  }
0x2b: {  	s1 =	simm.s32 @!p1 $0x0;
	s3 =	simm.s32 @!p1 $0xC0;
	s0 =	sadd.s32 @!p1 s2, s0  }
0x2c: {  	[tilespmem:s3], [sflag:$0x1] =	stream.linear.gather @!p1 [hbm4b:s0+s1], $0x80, $0x38;
	[tilespmem:$0xDE0] =	vst v63  }
0x2d: {  	s0 =	spop @!p1 (v2sf)  }
0x2e: {  	s0 =	sand.u32 @!p1 $0x1FFFFFF0, s0  }
0x2f: {  	s3 =	simm.s32 @!p1 $0x140;
	s0 =	sadd.s32 @!p1 s2, s0  }
0x30: {  	[tilespmem:s3], [sflag:$0x1] =	stream.linear.gather @!p1 [hbm4b:s0+s1], $0x80, $0x38;
	[tilespmem:$0xDE0] =	vst v63  }
0x31: {  	s0 =	spop @!p1 (v2sf)  }
0x32: {  	s0 =	sand.u32 @!p1 $0x1FFFFFF0, s0  }
0x33: {  	p3 =	por p2, !p0;
	s3 =	simm.s32 @!p1 $0x1C0;
	s0 =	sadd.s32 @!p1 s2, s0  }
0x34: {  	[tilespmem:s3], [sflag:$0x1] =	stream.linear.gather @!p1 [hbm4b:s0+s1], $0x80, $0x38;
	[tilespmem:$0xDE0] =	vst v63  }
0x35: {  	v1 =	vld @!p3 [tilespmem:$0x20];
	_ =	sdelay $0x4  }
0x36: {  	(v2sf) =	vpush @!p1 v0, $0xB;
	v0 =	vshll.u32 @!p3 v1, $0x4  }
0x37: {  	(v2sf) =	vpush @!p3 v0, $0xC;
	_ =	sdelay $0x3  }
0x38: {  	(v2sf) =	vpush @!p3 v0, $0xD;
	_ =	sdelay $0x3  }
0x39: {  	(v2sf) =	vpush @!p3 v0, $0xE;
	_ =	sdelay $0x5  }
0x3a: {  	s0 =	spop @!p1 (v2sf)  }
0x3b: {  	s1 =	spop @!p3 (v2sf)  }
0x3c: {  	s1 =	sand.u32 @!p3 $0x1FFFFFF0, s1  }
0x3d: {  	s4 =	simm.s32 @!p3 $0xC0;
	s3 =	simm.s32 @!p3 $0x0;
	s1 =	sadd.s32 @!p3 s2, s1  }
0x3e: {  	[tilespmem:s4], [sflag:$0x1] =	stream.linear.gather @!p3 [hbm4b:s1+s3], $0x80, $0x38;
	[tilespmem:$0xDE0] =	vst v63  }
0x3f: {  	s1 =	spop @!p3 (v2sf)  }
0x40: {  	s1 =	sand.u32 @!p3 $0x1FFFFFF0, s1  }
0x41: {  	s4 =	simm.s32 @!p3 $0x140;
	s1 =	sadd.s32 @!p3 s2, s1  }
0x42: {  	[tilespmem:s4], [sflag:$0x1] =	stream.linear.gather @!p3 [hbm4b:s1+s3], $0x80, $0x38;
	[tilespmem:$0xDE0] =	vst v63  }
0x43: {  	s1 =	spop @!p3 (v2sf)  }
0x44: {  	p4 =	seq.s32 @!p0 s8, $0x0;
	s1 =	sand.u32 @!p3 $0x1FFFFFF0, s1  }
0x45: {  	p2 =	por !p4, p0;
	s4 =	simm.s32 @!p3 $0x1C0;
	s1 =	sadd.s32 @!p3 s2, s1  }
0x46: {  	[tilespmem:s4], [sflag:$0x1] =	stream.linear.gather @!p3 [hbm4b:s1+s3], $0x80, $0x38;
	[tilespmem:$0xDE0] =	vst v63  }
0x47: {  	v0 =	vld @!p2 [tilespmem:$0x20];
	_ =	sdelay $0x4  }
0x48: {  	(v2sf) =	vpush @!p3 v1, $0xF;
	v1 =	vshll.u32 @!p2 v0, $0x4  }
0x49: {  	(v2sf) =	vpush @!p2 v1, $0x0;
	_ =	sdelay $0x3  }
0x4a: {  	(v2sf) =	vpush @!p2 v1, $0x1;
	_ =	sdelay $0x3  }
0x4b: {  	(v2sf) =	vpush @!p2 v1, $0x2;
	_ =	sdelay $0x5  }
0x4c: {  	s3 =	spop @!p3 (v2sf)  }
0x4d: {  	s1 =	spop @!p2 (v2sf)  }
0x4e: {  	s1 =	sand.u32 @!p2 $0x1FFFFFF0, s1  }
0x4f: {  	s5 =	simm.s32 @!p2 $0xC0;
	s4 =	simm.s32 @!p2 $0x0;
	s1 =	sadd.s32 @!p2 s2, s1  }
0x50: {  	[tilespmem:s5], [sflag:$0x1] =	stream.linear.gather @!p2 [hbm4b:s1+s4], $0x80, $0x38;
	[tilespmem:$0xDE0] =	vst v63  }
0x51: {  	s1 =	spop @!p2 (v2sf)  }
0x52: {  	s1 =	sand.u32 @!p2 $0x1FFFFFF0, s1  }
0x53: {  	s5 =	simm.s32 @!p2 $0x140;
	s1 =	sadd.s32 @!p2 s2, s1  }
0x54: {  	[tilespmem:s5], [sflag:$0x1] =	stream.linear.gather @!p2 [hbm4b:s1+s4], $0x80, $0x38;
	[tilespmem:$0xDE0] =	vst v63  }
0x55: {  	s1 =	spop @!p2 (v2sf)  }
0x56: {  	s1 =	sand.u32 @!p2 $0x1FFFFFF0, s1  }
0x57: {  	p3 =	por p4, p0;
	s5 =	simm.s32 @!p2 $0x1C0;
	s1 =	sadd.s32 @!p2 s2, s1  }
0x58: {  	[tilespmem:s5], [sflag:$0x1] =	stream.linear.gather @!p2 [hbm4b:s1+s4], $0x80, $0x38;
	[tilespmem:$0xDE0] =	vst v63  }
0x59: {  	v1 =	vld @!p3 [tilespmem:$0x20];
	_ =	sdelay $0x4  }
0x5a: {  	(v2sf) =	vpush @!p2 v0, $0x3;
	v0 =	vshll.u32 @!p3 v1, $0x4  }
0x5b: {  	(v2sf) =	vpush @!p3 v0, $0x4;
	_ =	sdelay $0x3  }
0x5c: {  	(v2sf) =	vpush @!p3 v0, $0x5;
	_ =	sdelay $0x3  }
0x5d: {  	(v2sf) =	vpush @!p3 v0, $0x6;
	_ =	sdelay $0x3  }
0x5e: {  	(v2sf) =	vpush @!p3 v1, $0x7;
	_ =	sdelay $0x1  }
0x5f: {  	s1 =	spop @!p2 (v2sf)  }
0x60: {  	s4 =	spop @!p3 (v2sf)  }
0x61: {  	s4 =	sand.u32 @!p3 $0x1FFFFFF0, s4  }
0x62: {  	s6 =	simm.s32 @!p3 $0xC0;
	s5 =	simm.s32 @!p3 $0x0;
	s4 =	sadd.s32 @!p3 s2, s4  }
0x63: {  	[tilespmem:s6], [sflag:$0x1] =	stream.linear.gather @!p3 [hbm4b:s4+s5], $0x80, $0x38;
	[tilespmem:$0xDE0] =	vst v63  }
0x64: {  	s4 =	spop @!p3 (v2sf)  }
0x65: {  	s4 =	sand.u32 @!p3 $0x1FFFFFF0, s4  }
0x66: {  	s6 =	simm.s32 @!p3 $0x140;
	s4 =	sadd.s32 @!p3 s2, s4  }
0x67: {  	[tilespmem:s6], [sflag:$0x1] =	stream.linear.gather @!p3 [hbm4b:s4+s5], $0x80, $0x38;
	[tilespmem:$0xDE0] =	vst v63  }
0x68: {  	s4 =	spop @!p3 (v2sf)  }
0x69: {  	s4 =	sand.u32 @!p3 $0x1FFFFFF0, s4  }
.Ltmp1:
0x6a: {  	s6 =	simm.s32 @!p3 $0x1C0;
	s4 =	sadd.s32 @!p3 s2, s4;
	(pc) =	sbr.rel .LBB2_3-.Ltmp1, $4  }
0x6b: {  	[tilespmem:s6], [sflag:$0x1] =	stream.linear.gather @!p3 [hbm4b:s4+s5], $0x80, $0x38;
	[tilespmem:$0xDE0] =	vst v63  }
0x6c: {  	s4 =	spop @!p3 (v2sf)  }
0x6d: {  	s0 =	smov.u32 @p1 s3;
	s1 =	smov.u32 @p2 s4  }
0x6e: {  	s1 =	smov.u32 @p0 s0  }
.LBB2_2:
0x6f: {  	p0 =	sgt.s32 s8, $0x5  }
0x70: {  	p2 =	seq.s32 @p0 s8, $0x6  }
0x71: {  	p1 =	por !p2, !p0  }
0x72: {  	v0 =	vld @!p1 [tilespmem:$0x30];
	_ =	sdelay $0x4  }
0x73: {  	v1 =	vshll.u32 @!p1 v0, $0x4  }
0x74: {  	(v2sf) =	vpush @!p1 v1, $0x8;
	_ =	sdelay $0x3  }
0x75: {  	(v2sf) =	vpush @!p1 v1, $0x9;
	_ =	sdelay $0x3  }
0x76: {  	(v2sf) =	vpush @!p1 v1, $0xA;
	_ =	sdelay $0x6  }
0x77: {  	s0 =	spop @!p1 (v2sf)  }
0x78: {  	s0 =	sand.u32 @!p1 $0x1FFFFFF0, s0  }
0x79: {  	s1 =	simm.s32 @!p1 $0x0;
	s3 =	simm.s32 @!p1 $0xC0;
	s0 =	sadd.s32 @!p1 s2, s0  }
0x7a: {  	[tilespmem:s3], [sflag:$0x1] =	stream.linear.gather @!p1 [hbm4b:s0+s1], $0x80, $0x38;
	[tilespmem:$0xDE0] =	vst v63  }
0x7b: {  	s0 =	spop @!p1 (v2sf)  }
0x7c: {  	s0 =	sand.u32 @!p1 $0x1FFFFFF0, s0  }
0x7d: {  	s3 =	simm.s32 @!p1 $0x140;
	s0 =	sadd.s32 @!p1 s2, s0  }
0x7e: {  	[tilespmem:s3], [sflag:$0x1] =	stream.linear.gather @!p1 [hbm4b:s0+s1], $0x80, $0x38;
	[tilespmem:$0xDE0] =	vst v63  }
0x7f: {  	s0 =	spop @!p1 (v2sf)  }
0x80: {  	s0 =	sand.u32 @!p1 $0x1FFFFFF0, s0  }
0x81: {  	p3 =	por p2, !p0;
	s3 =	simm.s32 @!p1 $0x1C0;
	s0 =	sadd.s32 @!p1 s2, s0  }
0x82: {  	[tilespmem:s3], [sflag:$0x1] =	stream.linear.gather @!p1 [hbm4b:s0+s1], $0x80, $0x38;
	[tilespmem:$0xDE0] =	vst v63  }
0x83: {  	v1 =	vld @!p3 [tilespmem:$0x30];
	_ =	sdelay $0x4  }
0x84: {  	(v2sf) =	vpush @!p1 v0, $0xB;
	v0 =	vshll.u32 @!p3 v1, $0x4  }
0x85: {  	(v2sf) =	vpush @!p3 v0, $0xC;
	_ =	sdelay $0x3  }
0x86: {  	(v2sf) =	vpush @!p3 v0, $0xD;
	_ =	sdelay $0x3  }
0x87: {  	(v2sf) =	vpush @!p3 v0, $0xE;
	_ =	sdelay $0x5  }
0x88: {  	s0 =	spop @!p1 (v2sf)  }
0x89: {  	s1 =	spop @!p3 (v2sf)  }
0x8a: {  	s1 =	sand.u32 @!p3 $0x1FFFFFF0, s1  }
0x8b: {  	s4 =	simm.s32 @!p3 $0xC0;
	s3 =	simm.s32 @!p3 $0x0;
	s1 =	sadd.s32 @!p3 s2, s1  }
0x8c: {  	[tilespmem:s4], [sflag:$0x1] =	stream.linear.gather @!p3 [hbm4b:s1+s3], $0x80, $0x38;
	[tilespmem:$0xDE0] =	vst v63  }
0x8d: {  	s1 =	spop @!p3 (v2sf)  }
0x8e: {  	s1 =	sand.u32 @!p3 $0x1FFFFFF0, s1  }
0x8f: {  	s4 =	simm.s32 @!p3 $0x140;
	s1 =	sadd.s32 @!p3 s2, s1  }
0x90: {  	[tilespmem:s4], [sflag:$0x1] =	stream.linear.gather @!p3 [hbm4b:s1+s3], $0x80, $0x38;
	[tilespmem:$0xDE0] =	vst v63  }
0x91: {  	s1 =	spop @!p3 (v2sf)  }
0x92: {  	p4 =	seq.s32 @!p0 s8, $0x4;
	s1 =	sand.u32 @!p3 $0x1FFFFFF0, s1  }
0x93: {  	p2 =	por !p4, p0;
	s4 =	simm.s32 @!p3 $0x1C0;
	s1 =	sadd.s32 @!p3 s2, s1  }
0x94: {  	[tilespmem:s4], [sflag:$0x1] =	stream.linear.gather @!p3 [hbm4b:s1+s3], $0x80, $0x38;
	[tilespmem:$0xDE0] =	vst v63  }
0x95: {  	v0 =	vld @!p2 [tilespmem:$0x30];
	_ =	sdelay $0x4  }
0x96: {  	(v2sf) =	vpush @!p3 v1, $0xF;
	v1 =	vshll.u32 @!p2 v0, $0x4  }
0x97: {  	(v2sf) =	vpush @!p2 v1, $0x0;
	_ =	sdelay $0x3  }
0x98: {  	(v2sf) =	vpush @!p2 v1, $0x1;
	_ =	sdelay $0x3  }
0x99: {  	(v2sf) =	vpush @!p2 v1, $0x2;
	_ =	sdelay $0x5  }
0x9a: {  	s3 =	spop @!p3 (v2sf)  }
0x9b: {  	s1 =	spop @!p2 (v2sf)  }
0x9c: {  	s1 =	sand.u32 @!p2 $0x1FFFFFF0, s1  }
0x9d: {  	s5 =	simm.s32 @!p2 $0xC0;
	s4 =	simm.s32 @!p2 $0x0;
	s1 =	sadd.s32 @!p2 s2, s1  }
0x9e: {  	[tilespmem:s5], [sflag:$0x1] =	stream.linear.gather @!p2 [hbm4b:s1+s4], $0x80, $0x38;
	[tilespmem:$0xDE0] =	vst v63  }
0x9f: {  	s1 =	spop @!p2 (v2sf)  }
0xa0: {  	s1 =	sand.u32 @!p2 $0x1FFFFFF0, s1  }
0xa1: {  	s5 =	simm.s32 @!p2 $0x140;
	s1 =	sadd.s32 @!p2 s2, s1  }
0xa2: {  	[tilespmem:s5], [sflag:$0x1] =	stream.linear.gather @!p2 [hbm4b:s1+s4], $0x80, $0x38;
	[tilespmem:$0xDE0] =	vst v63  }
0xa3: {  	s1 =	spop @!p2 (v2sf)  }
0xa4: {  	s1 =	sand.u32 @!p2 $0x1FFFFFF0, s1  }
0xa5: {  	p3 =	por p4, p0;
	s5 =	simm.s32 @!p2 $0x1C0;
	s1 =	sadd.s32 @!p2 s2, s1  }
0xa6: {  	[tilespmem:s5], [sflag:$0x1] =	stream.linear.gather @!p2 [hbm4b:s1+s4], $0x80, $0x38;
	[tilespmem:$0xDE0] =	vst v63  }
0xa7: {  	v1 =	vld @!p3 [tilespmem:$0x30];
	_ =	sdelay $0x4  }
0xa8: {  	(v2sf) =	vpush @!p2 v0, $0x3;
	v0 =	vshll.u32 @!p3 v1, $0x4  }
0xa9: {  	(v2sf) =	vpush @!p3 v0, $0x4;
	_ =	sdelay $0x3  }
0xaa: {  	(v2sf) =	vpush @!p3 v0, $0x5;
	_ =	sdelay $0x3  }
0xab: {  	(v2sf) =	vpush @!p3 v0, $0x6;
	_ =	sdelay $0x3  }
0xac: {  	(v2sf) =	vpush @!p3 v1, $0x7;
	_ =	sdelay $0x1  }
0xad: {  	s1 =	spop @!p2 (v2sf)  }
0xae: {  	s4 =	spop @!p3 (v2sf)  }
0xaf: {  	s4 =	sand.u32 @!p3 $0x1FFFFFF0, s4  }
0xb0: {  	s6 =	simm.s32 @!p3 $0xC0;
	s5 =	simm.s32 @!p3 $0x0;
	s4 =	sadd.s32 @!p3 s2, s4  }
0xb1: {  	[tilespmem:s6], [sflag:$0x1] =	stream.linear.gather @!p3 [hbm4b:s4+s5], $0x80, $0x38;
	[tilespmem:$0xDE0] =	vst v63  }
0xb2: {  	s4 =	spop @!p3 (v2sf)  }
0xb3: {  	s4 =	sand.u32 @!p3 $0x1FFFFFF0, s4  }
0xb4: {  	s6 =	simm.s32 @!p3 $0x140;
	s4 =	sadd.s32 @!p3 s2, s4  }
0xb5: {  	[tilespmem:s6], [sflag:$0x1] =	stream.linear.gather @!p3 [hbm4b:s4+s5], $0x80, $0x38;
	[tilespmem:$0xDE0] =	vst v63  }
0xb6: {  	s4 =	spop @!p3 (v2sf)  }
0xb7: {  	s4 =	sand.u32 @!p3 $0x1FFFFFF0, s4  }
0xb8: {  	s6 =	simm.s32 @!p3 $0x1C0;
	s4 =	sadd.s32 @!p3 s2, s4  }
0xb9: {  	[tilespmem:s6], [sflag:$0x1] =	stream.linear.gather @!p3 [hbm4b:s4+s5], $0x80, $0x38;
	[tilespmem:$0xDE0] =	vst v63  }
0xba: {  	s4 =	spop @!p3 (v2sf)  }
0xbb: {  	s0 =	smov.u32 @p1 s3;
	s1 =	smov.u32 @p2 s4  }
0xbc: {  	s1 =	smov.u32 @p0 s0  }
.LBB2_3:
0xbd: {  	s0 =	sshll.u32 s1, $0x4  }
0xbe: {  	s1 =	simm.s32 $0x0;
	s0 =	sand.u32 $0x1FFFFFF0, s0  }
0xbf: {  	s3 =	simm.s32 $0x240;
	s4 =	simm.s32 $0x1;
	s0 =	sadd.s32 s2, s0  }
0xc0: {  	[tilespmem:s3], [sflag:$0x1] =	stream.linear.gather [hbm4b:s0+s1], $0x80, $0x38;
	[tilespmem:$0xDE0] =	vst v63  }
0xc1: {  	_ =	swait.ge [sflag:s4], $0x80  }
0xc2: {  	[sflag:s4] =	ssyncset.done $0x0  }
0xc3: {  	[sflag:s4] =	ssyncadd.s32 $0xFFFFFF80  }
0xc4: {  	_ =	swait.ge [sflag:s4], $0x80  }
0xc5: {  	[sflag:s4] =	ssyncset.done $0x0  }
0xc6: {  	[sflag:s4] =	ssyncadd.s32 $0xFFFFFF80  }
0xc7: {  	_ =	swait.ge [sflag:s4], $0x80  }
0xc8: {  	[sflag:s4] =	ssyncset.done $0x0  }
0xc9: {  	[sflag:s4] =	ssyncadd.s32 $0xFFFFFF80  }
0xca: {  	_ =	swait.ge [sflag:s4], $0x80  }
0xcb: {  	[sflag:s4] =	ssyncset.done $0x0  }
0xcc: {  	s5 =	simm.s32 $0x2;
	[sflag:s4] =	ssyncadd.s32 $0xFFFFFF80  }
0xcd: {  	_ =	swait.ge [sflag:s5], $0x100  }
0xce: {  	[sflag:s5] =	ssyncset.done $0x0  }
0xcf: {  	[sflag:s5] =	ssyncadd.s32 $0xFFFFFF00  }
0xd0: {  	_ =	swait.ge [sflag:s5], $0x1  }
0xd1: {  	[sflag:s5] =	ssyncset.done $0x0  }
0xd2: {  	[sflag:s5] =	ssyncadd.s32 $0xFFFFFFFF  }
0xd3: {  	_ =	swait.ge [sflag:s5], $0x80  }
0xd4: {  	[sflag:s5] =	ssyncset.done $0x0  }
0xd5: {  	[sflag:s5] =	ssyncadd.s32 $0xFFFFFF80  }
0xd6: {  	v0 =	vld [tilespmem:$0x340]  }
0xd7: {  	v1 =	vld [tilespmem:$0x350]  }
0xd8: {  	v7 =	vld [tilespmem:$0x40]  }
0xd9: {  	v6 =	vld [tilespmem:$0x50]  }
0xda: {  	v2 =	vld [tilespmem:$0x360]  }
0xdb: {  	v5 =	vld [tilespmem:$0x60]  }
0xdc: {  	v3 =	vld [tilespmem:$0x370]  }
0xdd: {  	v54 =	vld [tilespmem:$0x70]  }
0xde: {  	v8 =	vld [tilespmem:$0x380];
	v9 =	vmul.f32 v7, v0;
	v1 =	vmul.f32 v6, v1  }
0xdf: {  	v0 =	vld [tilespmem:$0x80]  }
0xe0: {  	v10 =	vld [tilespmem:$0x390];
	v2 =	vmul.f32 v5, v2;
	v9 =	vadd.f32 v1, v9  }
0xe1: {  	v1 =	vld [tilespmem:$0x90]  }
0xe2: {  	v11 =	vld [tilespmem:$0x3A0];
	v3 =	vmul.f32 v54, v3;
	v9 =	vadd.f32 v2, v9  }
0xe3: {  	v2 =	vld [tilespmem:$0xA0]  }
0xe4: {  	v12 =	vld [tilespmem:$0x3B0];
	v8 =	vmul.f32 v0, v8;
	v9 =	vadd.f32 v3, v9  }
0xe5: {  	v3 =	vld [tilespmem:$0xB0]  }
0xe6: {  	v49 =	vmul.f32 v1, v10;
	v8 =	vadd.f32 v8, v9  }
0xe7: {  	v14 =	vld [tilespmem:$0x2C0]  }
0xe8: {  	v15 =	vld [tilespmem:$0x2D0];
	v50 =	vmul.f32 v2, v11;
	v8 =	vadd.f32 v49, v8  }
0xe9: {  	v51 =	vld [tilespmem:$0xC0]  }
0xea: {  	v16 =	vld [tilespmem:$0xD0];
	v52 =	vmul.f32 v3, v12;
	v8 =	vadd.f32 v50, v8  }
0xeb: {  	v13 =	vld [tilespmem:$0x2E0]  }
0xec: {  	v17 =	vadd.f32 v52, v8;
	v8 =	vld [tilespmem:$0xE0]  }
0xed: {  	v18 =	vld [tilespmem:$0xF0]  }
0xee: {  	v12 =	vld [tilespmem:$0x2F0];
	(v2sf) =	vpush v17, $0x0  }
0xef: {  	v19 =	vld [tilespmem:$0x100];
	v53 =	vmul.f32 v51, v14;
	v16 =	vmul.f32 v16, v15;
	(v2sf) =	vpush v17, $0x1  }
0xf0: {  	v11 =	vld [tilespmem:$0x300];
	(v2sf) =	vpush v17, $0x2  }
0xf1: {  	v20 =	vld [tilespmem:$0x110];
	v16 =	vadd.f32 v16, v53;
	(v2sf) =	vpush v17, $0x3;
	v8 =	vmul.f32 v8, v13  }
0xf2: {  	v10 =	vld [tilespmem:$0x310];
	(v2sf) =	vpush v17, $0x4  }
0xf3: {  	v21 =	vld [tilespmem:$0x120];
	v18 =	vmul.f32 v18, v12;
	(v2sf) =	vpush v17, $0x5;
	v16 =	vadd.f32 v8, v16  }
0xf4: {  	v9 =	vld [tilespmem:$0x320];
	(v2sf) =	vpush v17, $0x6  }
0xf5: {  	v56 =	vld [tilespmem:$0x130];
	v55 =	vmul.f32 v19, v11;
	(v2sf) =	vpush v17, $0x7;
	v16 =	vadd.f32 v18, v16  }
0xf6: {  	v8 =	vld [tilespmem:$0x330];
	(v2sf) =	vpush v17, $0x8  }
0xf7: {  	v57 =	vmul.f32 v20, v10;
	(v2sf) =	vpush v17, $0x9;
	v16 =	vadd.f32 v55, v16  }
0xf8: {  	v58 =	vld [tilespmem:$0x10];
	(v2sf) =	vpush v17, $0xA  }
0xf9: {  	v60 =	vld [tilespmem:$0x140];
	v59 =	vmul.f32 v21, v9;
	(v2sf) =	vpush v17, $0xB;
	v16 =	vadd.f32 v57, v16  }
0xfa: {  	v22 =	vld [tilespmem:$0x150];
	(v2sf) =	vpush v17, $0xC  }
0xfb: {  	v61 =	vmul.f32 v56, v8;
	(v2sf) =	vpush v17, $0xD;
	v16 =	vadd.f32 v59, v16  }
0xfc: {  	v62 =	vld [tilespmem:$0x160];
	(v2sf) =	vpush v17, $0xE  }
0xfd: {  	s6 =	spop (v2sf);
	(v2sf) =	vpush v17, $0xF;
	v16 =	vadd.f32 v61, v16  }
0xfe: {  	v63 =	vld [tilespmem:$0x170];
	s18 =	spop (v2sf);
	(v2sf) =	vpush v58, $0x0  }
0xff: {  	v24 =	vmul.f32 v60, v14;
	v25 =	vmul.f32 v22, v15;
	s14 =	spop (v2sf);
	(v2sf) =	vpush v16, $0x0  }
0x100: {  	v26 =	vld [tilespmem:$0x180];
	s15 =	spop (v2sf);
	(v2sf) =	vpush v16, $0x1  }
0x101: {  	v19 =	vmul.f32 v62, v13;
	v18 =	vadd.f32 v25, v24;
	s16 =	spop (v2sf);
	(v2sf) =	vpush v16, $0x2  }
0x102: {  	v27 =	vld [tilespmem:$0x190];
	s19 =	spop (v2sf);
	(v2sf) =	vpush v16, $0x3  }
0x103: {  	v18 =	vadd.f32 v19, v18;
	v17 =	vmul.f32 v63, v12;
	s17 =	spop (v2sf);
	(v2sf) =	vpush v16, $0x4  }
0x104: {  	v28 =	vld [tilespmem:$0x1A0];
	s20 =	spop (v2sf);
	(v2sf) =	vpush v16, $0x5  }
0x105: {  	v29 =	vmul.f32 v26, v11;
	v17 =	vadd.f32 v17, v18;
	s21 =	spop (v2sf);
	(v2sf) =	vpush v16, $0x6  }
0x106: {  	v30 =	vld [tilespmem:$0x1B0];
	s22 =	spop (v2sf);
	(v2sf) =	vpush v16, $0x7  }
0x107: {  	v31 =	vmul.f32 v27, v10;
	v17 =	vadd.f32 v29, v17;
	s23 =	spop (v2sf);
	(v2sf) =	vpush v16, $0x8  }
0x108: {  	s24 =	spop (v2sf);
	(v2sf) =	vpush v16, $0x9  }
0x109: {  	v33 =	vld [tilespmem:$0x1C0];
	v32 =	vmul.f32 v28, v9;
	v17 =	vadd.f32 v31, v17;
	s13 =	spop (v2sf);
	(v2sf) =	vpush v16, $0xA  }
0x10a: {  	v34 =	vld [tilespmem:$0x1D0];
	s7 =	spop (v2sf);
	(v2sf) =	vpush v16, $0xB  }
0x10b: {  	v35 =	vmul.f32 v30, v8;
	v17 =	vadd.f32 v32, v17;
	s8 =	spop (v2sf);
	(v2sf) =	vpush v16, $0xC  }
0x10c: {  	v36 =	vld [tilespmem:$0x1E0];
	s9 =	spop (v2sf);
	(v2sf) =	vpush v16, $0xD  }
0x10d: {  	v17 =	vadd.f32 v35, v17;
	s10 =	spop (v2sf);
	(v2sf) =	vpush v16, $0xE  }
0x10e: {  	v37 =	vld [tilespmem:$0x1F0];
	s4 =	spop (v2sf);
	(v2sf) =	vpush v16, $0xF  }
0x10f: {  	v38 =	vmul.f32 v33, v14;
	v39 =	vmul.f32 v34, v15;
	s3 =	spop (v2sf);
	(v2sf) =	vpush v17, $0x0  }
0x110: {  	v40 =	vld [tilespmem:$0x200];
	[dreg:$0xf] =	wrdreg s7;
	s7 =	spop (v2sf);
	(v2sf) =	vpush v17, $0x1  }
0x111: {  	v41 =	vmul.f32 v36, v13;
	[dreg:$0x10] =	wrdreg s6;
	v18 =	vadd.f32 v39, v38;
	s6 =	spop (v2sf);
	(v2sf) =	vpush v17, $0x2  }
0x112: {  	v42 =	vld [tilespmem:$0x210];
	(v2sf) =	vpush v17, $0x3;
	s5 =	spop (v2sf)  }
0x113: {  	v18 =	vadd.f32 v41, v18;
	[dreg:$0xe] =	wrdreg s8;
	v16 =	vmul.f32 v37, v12;
	(v2sf) =	vpush v17, $0x4;
	s8 =	spop (v2sf)  }
0x114: {  	v43 =	vld [tilespmem:$0x220];
	[dreg:$0xd] =	wrdreg s9;
	(v2sf) =	vpush v17, $0x5;
	s9 =	spop (v2sf)  }
0x115: {  	v44 =	vmul.f32 v40, v11;
	[dreg:$0xc] =	wrdreg s10;
	v16 =	vadd.f32 v16, v18;
	(v2sf) =	vpush v17, $0x6;
	s10 =	spop (v2sf)  }
0x116: {  	v45 =	vld [tilespmem:$0x230];
	(v2sf) =	vpush v17, $0x7;
	s11 =	spop (v2sf)  }
0x117: {  	v46 =	vmul.f32 v42, v10;
	v16 =	vadd.f32 v44, v16;
	(v2sf) =	vpush v17, $0x8;
	s12 =	spop (v2sf)  }
0x118: {  	(v2sf) =	vpush v17, $0x9;
	s30 =	spop (v2sf)  }
0x119: {  	v48 =	vld [tilespmem:$0x240];
	v47 =	vmul.f32 v43, v9;
	v16 =	vadd.f32 v46, v16;
	(v2sf) =	vpush v17, $0xA;
	s31 =	spop (v2sf)  }
0x11a: {  	v49 =	vld [tilespmem:$0x250];
	(v2sf) =	vpush v17, $0xB;
	s29 =	spop (v2sf)  }
0x11b: {  	v50 =	vmul.f32 v45, v8;
	v16 =	vadd.f32 v47, v16;
	(v2sf) =	vpush v17, $0xC;
	s28 =	spop (v2sf)  }
0x11c: {  	v51 =	vld [tilespmem:$0x260];
	(v2sf) =	vpush v17, $0xD;
	s26 =	spop (v2sf)  }
0x11d: {  	s3 =	sadd.f32 s3, s4;
	v16 =	vadd.f32 v50, v16;
	(v2sf) =	vpush v17, $0xE;
	s25 =	spop (v2sf)  }
0x11e: {  	v52 =	vld [tilespmem:$0x270];
	(v2sf) =	vpush v17, $0xF;
	s1 =	spop (v2sf)  }
0x11f: {  	v14 =	vmul.f32 v48, v14;
	v15 =	vmul.f32 v49, v15;
	s3 =	sadd.f32 s3, s7;
	(v2sf) =	vpush v16, $0x0;
	s0 =	spop (v2sf)  }
0x120: {  	v53 =	vld [tilespmem:$0x280];
	(v2sf) =	vpush v16, $0x1;
	s2 =	spop (v2sf)  }
0x121: {  	v14 =	vadd.f32 v15, v14;
	v13 =	vmul.f32 v51, v13;
	s3 =	sadd.f32 s3, s6;
	(v2sf) =	vpush v16, $0x2;
	s4 =	spop (v2sf)  }
0x122: {  	v55 =	vld [tilespmem:$0x290];
	s0 =	sadd.f32 s0, s1;
	(v2sf) =	vpush v16, $0x3;
	s1 =	spop (v2sf)  }
0x123: {  	v13 =	vadd.f32 v13, v14;
	v12 =	vmul.f32 v52, v12;
	s3 =	sadd.f32 s3, s5;
	(v2sf) =	vpush v16, $0x4;
	s7 =	spop (v2sf)  }
0x124: {  	v56 =	vld [tilespmem:$0x2A0];
	s0 =	sadd.f32 s0, s2;
	(v2sf) =	vpush v16, $0x5;
	s2 =	spop (v2sf)  }
0x125: {  	v11 =	vmul.f32 v53, v11;
	v12 =	vadd.f32 v12, v13;
	s3 =	sadd.f32 s3, s8;
	(v2sf) =	vpush v16, $0x6;
	s6 =	spop (v2sf)  }
0x126: {  	v57 =	vld [tilespmem:$0x2B0];
	s0 =	sadd.f32 s0, s4;
	(v2sf) =	vpush v16, $0x7;
	s4 =	spop (v2sf)  }
0x127: {  	v10 =	vmul.f32 v55, v10;
	v11 =	vadd.f32 v11, v12;
	s3 =	sadd.f32 s3, s9;
	(v2sf) =	vpush v16, $0x8;
	s5 =	spop (v2sf)  }
0x128: {  	s0 =	sadd.f32 s0, s1;
	(v2sf) =	vpush v16, $0x9;
	s1 =	spop (v2sf)  }
0x129: {  	v9 =	vmul.f32 v56, v9;
	v10 =	vadd.f32 v10, v11;
	s3 =	sadd.f32 s3, s10;
	(v2sf) =	vpush v16, $0xA;
	s8 =	spop (v2sf)  }
0x12a: {  	s0 =	sadd.f32 s0, s7;
	(v2sf) =	vpush v16, $0xB;
	s7 =	spop (v2sf)  }
0x12b: {  	v8 =	vmul.f32 v57, v8;
	v9 =	vadd.f32 v9, v10;
	s3 =	sadd.f32 s3, s11;
	(v2sf) =	vpush v16, $0xC;
	s9 =	spop (v2sf)  }
0x12c: {  	s0 =	sadd.f32 s0, s2;
	(v2sf) =	vpush v16, $0xD;
	s2 =	spop (v2sf)  }
0x12d: {  	v8 =	vadd.f32 v8, v9;
	s3 =	sadd.f32 s3, s12;
	(v2sf) =	vpush v16, $0xE;
	s10 =	spop (v2sf)  }
0x12e: {  	s0 =	sadd.f32 s0, s6;
	(v2sf) =	vpush v16, $0xF;
	s6 =	spop (v2sf)  }
0x12f: {  	s3 =	sadd.f32 s3, s30;
	(v2sf) =	vpush v8, $0x0;
	s11 =	spop (v2sf)  }
0x130: {  	s0 =	sadd.f32 s0, s4;
	(v2sf) =	vpush v8, $0x1;
	s4 =	spop (v2sf)  }
0x131: {  	s3 =	sadd.f32 s3, s31;
	s12 =	spop (v2sf)  }
0x132: {  	s0 =	sadd.f32 s0, s5;
	(v2sf) =	vpush v8, $0x2;
	s5 =	spop (v2sf)  }
0x133: {  	s3 =	sadd.f32 s3, s29;
	s30 =	spop (v2sf)  }
0x134: {  	s0 =	sadd.f32 s0, s1;
	(v2sf) =	vpush v8, $0x3;
	s1 =	spop (v2sf)  }
0x135: {  	s3 =	sadd.f32 s3, s28;
	s31 =	spop (v2sf)  }
0x136: {  	s0 =	sadd.f32 s0, s8;
	(v2sf) =	vpush v8, $0x4;
	s8 =	spop (v2sf)  }
0x137: {  	s3 =	sadd.f32 s3, s26;
	s29 =	spop (v2sf)  }
0x138: {  	(v2sf) =	vpush v8, $0x5;
	s0 =	sadd.f32 s0, s7;
	s7 =	spop (v2sf)  }
0x139: {  	s3 =	sadd.f32 s3, s25;
	s28 =	spop (v2sf)  }
0x13a: {  	s0 =	sadd.f32 s0, s9;
	(v2sf) =	vpush v8, $0x6;
	s9 =	spop (v2sf)  }
0x13b: {  	s6 =	sadd.f32 s11, s6;
	s26 =	spop (v2sf)  }
0x13c: {  	s0 =	sadd.f32 s0, s2;
	(v2sf) =	vpush v8, $0x7;
	s2 =	spop (v2sf)  }
0x13d: {  	s4 =	sadd.f32 s6, s4;
	s25 =	spop (v2sf)  }
0x13e: {  	s0 =	sadd.f32 s0, s10;
	(v2sf) =	vpush v8, $0x8;
	s10 =	spop (v2sf)  }
0x13f: {  	s4 =	sadd.f32 s4, s12;
	s11 =	spop (v2sf)  }
0x140: {  	(v2sf) =	vpush v8, $0x9;
	s10 =	sadd.f32 s11, s10  }
0x141: {  	s4 =	sadd.f32 s4, s5;
	s11 =	spop (v2sf)  }
0x142: {  	(v2sf) =	vpush v8, $0xA;
	s6 =	sadd.f32 s10, s11  }
0x143: {  	s4 =	sadd.f32 s4, s30;
	s11 =	spop (v2sf)  }
0x144: {  	(v2sf) =	vpush v8, $0xB;
	s6 =	sadd.f32 s6, s11  }
0x145: {  	s1 =	sadd.f32 s4, s1;
	s12 =	spop (v2sf)  }
0x146: {  	(v2sf) =	vpush v8, $0xC;
	s5 =	sadd.f32 s6, s12  }
0x147: {  	s1 =	sadd.f32 s1, s31;
	s10 =	spop (v2sf)  }
0x148: {  	(v2sf) =	vpush v8, $0xD;
	s5 =	sadd.f32 s5, s10  }
0x149: {  	s1 =	sadd.f32 s1, s8;
	s11 =	spop (v2sf)  }
0x14a: {  	(v2sf) =	vpush v8, $0xE;
	s4 =	sadd.f32 s5, s11  }
0x14b: {  	s1 =	sadd.f32 s1, s29;
	s12 =	spop (v2sf)  }
0x14c: {  	(v2sf) =	vpush v8, $0xF;
	s4 =	sadd.f32 s4, s12  }
0x14d: {  	s1 =	sadd.f32 s1, s7;
	s30 =	spop (v2sf)  }
0x14e: {  	s4 =	sadd.f32 s4, s30  }
0x14f: {  	s1 =	sadd.f32 s1, s28;
	s31 =	spop (v2sf)  }
0x150: {  	s4 =	sadd.f32 s4, s31  }
0x151: {  	s1 =	sadd.f32 s1, s9;
	s6 =	spop (v2sf)  }
0x152: {  	s4 =	sadd.f32 s4, s6  }
0x153: {  	s1 =	sadd.f32 s1, s26;
	s7 =	spop (v2sf)  }
0x154: {  	s4 =	sadd.f32 s4, s7  }
0x155: {  	s1 =	sadd.f32 s1, s2;
	s8 =	spop (v2sf)  }
0x156: {  	s4 =	sadd.f32 s4, s8  }
0x157: {  	s1 =	sadd.f32 s1, s25;
	s9 =	spop (v2sf)  }
0x158: {  	s4 =	sadd.f32 s4, s9  }
0x159: {  	vm0 =	vcmask $0x300;
	v8 =	vmov s3;
	s12 =	rddreg [dreg:$0x10];
	s10 =	spop (v2sf)  }
0x15a: {  	vm11 =	vcmask $0x704;
	v8 =	vnsel vm0, $0x0, v8;
	s2 =	sadd.f32 s4, s10  }
0x15b: {  	v8 =	vsel vm11, s0, v8;
	s0 =	sadd.f32 s18, s12;
	s11 =	spop (v2sf)  }
0x15c: {  	vm12 =	vcmask $0xB08;
	s2 =	sadd.f32 s2, s11  }
0x15d: {  	vm13 =	vcmask $0xF0C;
	v8 =	vsel vm12, s1, v8;
	s0 =	sadd.f32 s0, s14  }
0x15e: {  	s18 =	rddreg [dreg:$0xb];
	v8 =	vsel vm13, s2, v8  }
0x15f: {  	s14 =	simm.s32 $0x3C0;
	s0 =	sadd.f32 s0, s15;
	s7 =	simm.s32 $0x3;
	[tilespmem:$0x3C0] =	vst v8  }
0x160: {  	[spmem:s18] =	stream.linear.scatter [tilespmem:s14], [sflag:$0x3], $0x10, $0x38;
	[tilespmem:$0xDE0] =	vst v63  }
0x161: {  	_ =	swait.ge [sflag:s7], $0x10  }
0x162: {  	s0 =	sadd.f32 s0, s16;
	[sflag:s7] =	ssyncset.done $0x0  }
0x163: {  	[sflag:s7] =	ssyncadd.s32 $0xFFFFFFF0  }
0x164: {  	s0 =	sadd.f32 s0, s19;
	[bflag:$0x0] =	sbarrier.arrive $0xFFFF  }
0x165: {  	s25 =	simm.s32 $0x3D0;
	s26 =	rddreg [dreg:$0xa]  }
0x166: {  	[tilespmem:s25], [sflag:$0x3] =	stream.linear.gather [spmem:s26], $0x80, $0x38;
	[tilespmem:$0xDE0] =	vst v63  }
0x167: {  	s0 =	sadd.f32 s0, s17;
	_ =	swait.ge [sflag:s7], $0x80  }
0x168: {  	[sflag:s7] =	ssyncset.done $0x0  }
0x169: {  	s0 =	sadd.f32 s0, s20;
	[sflag:s7] =	ssyncadd.s32 $0xFFFFFF80  }
0x16a: {  	v58 =	vld [tilespmem:$0x3E0]  }
0x16b: {  	s0 =	sadd.f32 s0, s21  }
0x16c: {  	v59 =	vld [tilespmem:$0x3D0]  }
0x16d: {  	s0 =	sadd.f32 s0, s22  }
0x16e: {  	v60 =	vld [tilespmem:$0x3F0]  }
0x16f: {  	s0 =	sadd.f32 s0, s23;
	v61 =	vbroadcast v58, $0x0  }
0x170: {  	vm0 =	vcmask $0x1310;
	v62 =	vbroadcast v58, $0x1  }
0x171: {  	vm2 =	vmmov $0x1f;
	s0 =	sadd.f32 s0, s24;
	v63 =	vbroadcast v58, $0x2;
	v10 =	vsel vm0, v61, v59  }
0x172: {  	vm1 =	vmmov $0x3f;
	v16 =	vld [tilespmem:$0x400];
	v9 =	vbroadcast v58, $0x3;
	v10 =	vsel vm2, v10, v62  }
0x173: {  	vm3 =	vmmov $0x7f;
	s0 =	sadd.f32 s0, s13;
	v17 =	vbroadcast v60, $0x0;
	v10 =	vsel vm1, v10, v63  }
0x174: {  	vm4 =	vmmov $0xff;
	s28 =	rddreg [dreg:$0xf];
	v18 =	vbroadcast v60, $0x1;
	v9 =	vsel vm3, v10, v9  }
0x175: {  	vm5 =	vmmov $0x1ff;
	s0 =	sadd.f32 s0, s28;
	v19 =	vbroadcast v60, $0x2;
	v9 =	vsel vm4, v9, v17  }
0x176: {  	vm6 =	vmmov $0x3ff;
	s29 =	rddreg [dreg:$0xe];
	v20 =	vbroadcast v60, $0x3;
	v9 =	vsel vm5, v9, v18  }
0x177: {  	vm7 =	vmmov $0x7ff;
	s0 =	sadd.f32 s0, s29;
	v21 =	vbroadcast v16, $0x0;
	v9 =	vsel vm6, v9, v19  }
0x178: {  	vm8 =	vmmov $0xfff;
	s30 =	rddreg [dreg:$0xd];
	v22 =	vbroadcast v16, $0x1;
	v9 =	vsel vm7, v9, v20  }
0x179: {  	vm9 =	vmmov $0x1fff;
	s0 =	sadd.f32 s0, s30;
	v23 =	vbroadcast v16, $0x2;
	v9 =	vsel vm8, v9, v21  }
0x17a: {  	vm10 =	vmmov $0x3fff;
	s31 =	rddreg [dreg:$0xc];
	v24 =	vld [tilespmem:$0x420];
	v25 =	vbroadcast v16, $0x3;
	v9 =	vsel vm9, v9, v22  }
0x17b: {  	vm11 =	vmmov $0x7fff;
	s6 =	sadd.f32 s0, s31;
	v9 =	vsel vm10, v9, v23  }
0x17c: {  	v26 =	vld [tilespmem:$0x410];
	v9 =	vsel vm11, v9, v25  }
0x17d: {  	v9 =	vadd.f32 s6, v9  }
0x17e: {  	v27 =	vld [tilespmem:$0x430]  }
0x17f: {  	v28 =	vbroadcast v24, $0x0;
	v29 =	vmul.f32 $2.000000030e-01, v9  }
0x180: {  	v30 =	vbroadcast v24, $0x1;
	vm12 =	vge.f32 v9, $0.0e+00  }
0x181: {  	v31 =	vbroadcast v24, $0x2;
	v11 =	vsel vm0, v28, v26;
	v9 =	vsel vm12, v9, v29  }
0x182: {  	v32 =	vld [tilespmem:$0x440];
	v12 =	vbroadcast v24, $0x3;
	v11 =	vsel vm2, v11, v30;
	v9 =	vmul.f32 $1.442695020e+00, v9  }
0x183: {  	v33 =	vbroadcast v27, $0x0;
	v11 =	vsel vm1, v11, v31  }
0x184: {  	v34 =	vbroadcast v27, $0x1;
	v11 =	vsel vm3, v11, v12;
	(erf) = vpow2.f32 v9  }
0x185: {  	v36 =	vbroadcast v27, $0x2;
	v35 =	vsel vm4, v11, v33  }
0x186: {  	v10 =	vbroadcast v27, $0x3;
	v9 =	vsel vm5, v35, v34  }
0x187: {  	v37 =	vbroadcast v32, $0x0;
	v9 =	vsel vm6, v9, v36  }
0x188: {  	v38 =	vbroadcast v32, $0x1;
	v9 =	vsel vm7, v9, v10  }
0x189: {  	v39 =	vbroadcast v32, $0x2;
	v9 =	vsel vm8, v9, v37  }
0x18a: {  	v40 =	vbroadcast v32, $0x3;
	v9 =	vsel vm9, v9, v38  }
0x18b: {  	v9 =	vsel vm10, v9, v39  }
0x18c: {  	v9 =	vsel vm11, v9, v40  }
0x18d: {  	v9 =	vadd.f32 s6, v9;
	v41 =	vpop (erf)  }
0x18e: {  	(v2sf) =	vpush v41, $0x0  }
0x18f: {  	v42 =	vmul.f32 $2.000000030e-01, v9;
	(v2sf) =	vpush v41, $0x1  }
0x190: {  	vm14 =	vge.f32 v9, $0.0e+00;
	(v2sf) =	vpush v41, $0x2  }
0x191: {  	v9 =	vsel vm14, v9, v42;
	(v2sf) =	vpush v41, $0x3  }
0x192: {  	v9 =	vmul.f32 $1.442695020e+00, v9;
	(v2sf) =	vpush v41, $0x4  }
0x193: {  	(v2sf) =	vpush v41, $0x5  }
0x194: {  	(erf) = vpow2.f32 v9;
	(v2sf) =	vpush v41, $0x6  }
0x195: {  	(v2sf) =	vpush v41, $0x7  }
0x196: {  	(v2sf) =	vpush v41, $0x8  }
0x197: {  	(v2sf) =	vpush v41, $0x9  }
0x198: {  	(v2sf) =	vpush v41, $0xA  }
0x199: {  	(v2sf) =	vpush v41, $0xB  }
0x19a: {  	(v2sf) =	vpush v41, $0xC  }
0x19b: {  	(v2sf) =	vpush v41, $0xD  }
0x19c: {  	(v2sf) =	vpush v41, $0xE  }
0x19d: {  	v9 =	vpop (erf);
	s1 =	spop (v2sf);
	(v2sf) =	vpush v41, $0xF  }
0x19e: {  	s2 =	spop (v2sf);
	(v2sf) =	vpush v9, $0x0  }
0x19f: {  	s3 =	spop (v2sf);
	(v2sf) =	vpush v9, $0x1  }
0x1a0: {  	s4 =	spop (v2sf)  }
0x1a1: {  	(v2sf) =	vpush v9, $0x2;
	s5 =	spop (v2sf)  }
0x1a2: {  	s8 =	spop (v2sf)  }
0x1a3: {  	(v2sf) =	vpush v9, $0x3;
	s9 =	spop (v2sf)  }
0x1a4: {  	s10 =	spop (v2sf)  }
0x1a5: {  	(v2sf) =	vpush v9, $0x4;
	s11 =	spop (v2sf)  }
0x1a6: {  	s12 =	spop (v2sf)  }
0x1a7: {  	(v2sf) =	vpush v9, $0x5;
	s13 =	spop (v2sf)  }
0x1a8: {  	s14 =	spop (v2sf)  }
0x1a9: {  	(v2sf) =	vpush v9, $0x6;
	s15 =	spop (v2sf)  }
0x1aa: {  	s16 =	spop (v2sf)  }
0x1ab: {  	(v2sf) =	vpush v9, $0x7;
	s17 =	spop (v2sf)  }
0x1ac: {  	s28 =	spop (v2sf)  }
0x1ad: {  	(v2sf) =	vpush v9, $0x8;
	s29 =	spop (v2sf)  }
0x1ae: {  	s0 =	sadd.f32 s2, s1;
	s30 =	spop (v2sf)  }
0x1af: {  	(v2sf) =	vpush v9, $0x9;
	s1 =	sadd.f32 s30, s29  }
0x1b0: {  	s0 =	sadd.f32 s0, s3;
	s31 =	spop (v2sf)  }
0x1b1: {  	(v2sf) =	vpush v9, $0xA;
	s1 =	sadd.f32 s1, s31  }
0x1b2: {  	s0 =	sadd.f32 s0, s4;
	s3 =	spop (v2sf)  }
0x1b3: {  	(v2sf) =	vpush v9, $0xB;
	s1 =	sadd.f32 s1, s3  }
0x1b4: {  	s0 =	sadd.f32 s0, s5;
	s4 =	spop (v2sf)  }
0x1b5: {  	(v2sf) =	vpush v9, $0xC;
	s1 =	sadd.f32 s1, s4  }
0x1b6: {  	s0 =	sadd.f32 s0, s8;
	s5 =	spop (v2sf)  }
0x1b7: {  	(v2sf) =	vpush v9, $0xD;
	s1 =	sadd.f32 s1, s5  }
0x1b8: {  	s0 =	sadd.f32 s0, s9;
	s18 =	spop (v2sf)  }
0x1b9: {  	(v2sf) =	vpush v9, $0xE;
	s1 =	sadd.f32 s1, s18  }
0x1ba: {  	s0 =	sadd.f32 s0, s10;
	s19 =	spop (v2sf)  }
0x1bb: {  	(v2sf) =	vpush v9, $0xF;
	s1 =	sadd.f32 s1, s19  }
0x1bc: {  	s0 =	sadd.f32 s0, s11;
	s20 =	spop (v2sf)  }
0x1bd: {  	s1 =	sadd.f32 s1, s20  }
0x1be: {  	s0 =	sadd.f32 s0, s12;
	s21 =	spop (v2sf)  }
0x1bf: {  	s1 =	sadd.f32 s1, s21  }
0x1c0: {  	s0 =	sadd.f32 s0, s13;
	s22 =	spop (v2sf)  }
0x1c1: {  	s1 =	sadd.f32 s1, s22  }
0x1c2: {  	s0 =	sadd.f32 s0, s14;
	s23 =	spop (v2sf)  }
0x1c3: {  	s1 =	sadd.f32 s1, s23  }
0x1c4: {  	s0 =	sadd.f32 s0, s15;
	s24 =	spop (v2sf)  }
0x1c5: {  	s1 =	sadd.f32 s1, s24  }
0x1c6: {  	s0 =	sadd.f32 s0, s16;
	s25 =	spop (v2sf)  }
0x1c7: {  	s1 =	sadd.f32 s1, s25  }
0x1c8: {  	v8 =	vadd.f32 s6, v8;
	s0 =	sadd.f32 s0, s17;
	s26 =	spop (v2sf)  }
0x1c9: {  	s1 =	sadd.f32 s1, s26  }
0x1ca: {  	v43 =	vmul.f32 $2.000000030e-01, v8;
	s0 =	sadd.f32 s0, s28;
	s28 =	spop (v2sf)  }
0x1cb: {  	vm15 =	vge.f32 v8, $0.0e+00;
	s1 =	sadd.f32 s1, s28  }
0x1cc: {  	v8 =	vsel vm15, v8, v43  }
0x1cd: {  	v8 =	vmul.f32 $1.442695020e+00, v8;
	s0 =	sadd.f32 s1, s0;
	_ =	sdelay $0x1  }
0x1ce: {  	(erf) = vpow2.f32 v8;
	v8 =	vmov s0  }
0x1cf: {  	(erf) = vrcp.f32 v8  }
0x1d0: {  	v44 =	vld [tilespmem:$0xD0]  }
0x1d1: {  	v45 =	vld [tilespmem:$0xE0]  }
0x1d2: {  	v46 =	vld [tilespmem:$0xF0]  }
0x1d3: {  	v47 =	vld [tilespmem:$0x100]  }
0x1d4: {  	v48 =	vld [tilespmem:$0x110]  }
0x1d5: {  	v49 =	vld [tilespmem:$0x120]  }
0x1d6: {  	v50 =	vld [tilespmem:$0x130]  }
0x1d7: {  	v52 =	vld [tilespmem:$0x140];
	v51 =	vpop (erf)  }
0x1d8: {  	v8 =	vld [tilespmem:$0xC0];
	v53 =	vpop (erf)  }
0x1d9: {  	v55 =	vld [tilespmem:$0x150];
	v16 =	vmul.f32 v53, v51  }
0x1da: {  	v56 =	vld [tilespmem:$0x160]  }
0x1db: {  	v57 =	vld [tilespmem:$0x170];
	v58 =	vbroadcast v16, $0x0  }
0x1dc: {  	v24 =	vld [tilespmem:$0x1A0];
	v27 =	vbroadcast v16, $0x1;
	v36 =	vbroadcast v16, $0x2  }
0x1dd: {  	v59 =	vld [tilespmem:$0x180];
	v16 =	vbroadcast v16, $0x3;
	v8 =	vmul.f32 v58, v8  }
0x1de: {  	v26 =	vld [tilespmem:$0x1C0];
	v9 =	vmul.f32 v58, v44;
	v10 =	vmul.f32 v58, v45  }
0x1df: {  	v23 =	vld [tilespmem:$0x190];
	v11 =	vmul.f32 v58, v46;
	v12 =	vmul.f32 v58, v47  }
0x1e0: {  	v25 =	vld [tilespmem:$0x1B0];
	v13 =	vmul.f32 v58, v48;
	v14 =	vmul.f32 v58, v49  }
0x1e1: {  	v28 =	vld [tilespmem:$0x1D0];
	v17 =	vmul.f32 v27, v52;
	v15 =	vmul.f32 v58, v50  }
0x1e2: {  	v29 =	vld [tilespmem:$0x1E0];
	v19 =	vmul.f32 v27, v55;
	v61 =	vmul.f32 v27, v56  }
0x1e3: {  	v30 =	vld [tilespmem:$0x1F0];
	v62 =	vmul.f32 v27, v57;
	v31 =	vmul.f32 v27, v59  }
0x1e4: {  	v60 =	vld [tilespmem:$0x200];
	v33 =	vmul.f32 v27, v23;
	v35 =	vmul.f32 v27, v24  }
0x1e5: {  	v37 =	vld [tilespmem:$0x240];
	v38 =	vmul.f32 v27, v25;
	v40 =	vmul.f32 v36, v26  }
0x1e6: {  	v63 =	vld [tilespmem:$0x210];
	v41 =	vmul.f32 v36, v28;
	v8 =	vadd.f32 $0.0e+00, v8;
	v9 =	vadd.f32 $0.0e+00, v9  }
0x1e7: {  	v39 =	vld [tilespmem:$0x250];
	v43 =	vmul.f32 v36, v29;
	v10 =	vadd.f32 $0.0e+00, v10;
	v11 =	vadd.f32 $0.0e+00, v11  }
0x1e8: {  	v42 =	vld [tilespmem:$0x260];
	v45 =	vmul.f32 v36, v30;
	v12 =	vadd.f32 $0.0e+00, v12;
	v13 =	vadd.f32 $0.0e+00, v13  }
0x1e9: {  	v34 =	vld [tilespmem:$0x230];
	v47 =	vmul.f32 v36, v60;
	v14 =	vadd.f32 $0.0e+00, v14;
	v15 =	vadd.f32 $0.0e+00, v15  }
0x1ea: {  	v44 =	vld [tilespmem:$0x270];
	v48 =	vmul.f32 v16, v37;
	v8 =	vadd.f32 v8, v17;
	v9 =	vadd.f32 v9, v19  }
0x1eb: {  	v46 =	vld [tilespmem:$0x280];
	v50 =	vmul.f32 v36, v63;
	v10 =	vadd.f32 v10, v61;
	v11 =	vadd.f32 v11, v62  }
0x1ec: {  	v49 =	vld [tilespmem:$0x290];
	v51 =	vmul.f32 v16, v39;
	v12 =	vadd.f32 v12, v31;
	v13 =	vadd.f32 v13, v33  }
0x1ed: {  	v32 =	vld [tilespmem:$0x220];
	v53 =	vmul.f32 v16, v42;
	v14 =	vadd.f32 v14, v35;
	v8 =	vadd.f32 v8, v40  }
0x1ee: {  	v55 =	vld [tilespmem:$0x2B0];
	v18 =	vmul.f32 v36, v34;
	v15 =	vadd.f32 v15, v38;
	v9 =	vadd.f32 v9, v41  }
0x1ef: {  	v52 =	vld [tilespmem:$0x2A0];
	v56 =	vmul.f32 v16, v44;
	v10 =	vadd.f32 v10, v43;
	v8 =	vadd.f32 v8, v48  }
0x1f0: {  	v57 =	vmul.f32 v16, v46;
	v11 =	vadd.f32 v11, v45;
	v9 =	vadd.f32 v9, v51  }
0x1f1: {  	v58 =	vmul.f32 v16, v49;
	v12 =	vadd.f32 v12, v47;
	v10 =	vadd.f32 v10, v53;
	[tilespmem:$0x450] =	vst v8  }
0x1f2: {  	v13 =	vadd.f32 v13, v50;
	v11 =	vadd.f32 v11, v56;
	v8 =	vmul.f32 v36, v32;
	[tilespmem:$0x460] =	vst v9  }
0x1f3: {  	v62 =	vmul.f32 v16, v55;
	v61 =	vadd.f32 v15, v18;
	v59 =	vadd.f32 v12, v57;
	[tilespmem:$0x470] =	vst v10  }
0x1f4: {  	v60 =	vmul.f32 v16, v52;
	v13 =	vadd.f32 v13, v58;
	[tilespmem:$0x480] =	vst v11;
	v8 =	vadd.f32 v14, v8  }
0x1f5: {  	v63 =	vadd.f32 v61, v62;
	[tilespmem:$0x490] =	vst v59  }
0x1f6: {  	[tilespmem:$0x4A0] =	vst v13;
	v8 =	vadd.f32 v8, v60  }
0x1f7: {  	[tilespmem:$0x4C0] =	vst v63  }
0x1f8: {  	s29 =	simm.s32 $0x450;
	s30 =	rddreg [dreg:$0x9];
	[tilespmem:$0x4B0] =	vst v8  }
0x1f9: {  	[spmem:s30] =	stream.linear.scatter [tilespmem:s29], [sflag:$0x3], $0x80, $0x38;
	[tilespmem:$0xDE0] =	vst v63  }
0x1fa: {  	_ =	swait.ge [sflag:s7], $0x80  }
0x1fb: {  	[sflag:s7] =	ssyncset.done $0x0  }
0x1fc: {  	s31 =	stileid.u32;
	[sflag:s7] =	ssyncadd.s32 $0xFFFFFF80  }
0x1fd: {  	p0 =	sne.s32 s31, $0x0;
	[bflag:$0x0] =	sbarrier.arrive $0xFFFF  }
0x1fe: {  	_ =	sfence.sel @p0 $0x180000  }
0x1ff: {  	[bflag:$0x0] =	sbarrier.arrive @p0 $0xFFFF  }
0x200: {  	_ =	strace @p0 $0x90000047  }
0x201: {  	[bflag:$0x2] =	sbarrier.arrive @p0 $0xFFFF  }
0x202: {  	_ =	shalt @p0  }
.LBB2_4:
0x203: {  	s0 =	simm.s32 $0x4D0;
	s1 =	rddreg [dreg:$0x7]  }
0x204: {  	[tilespmem:s0], [sflag:$0x3] =	stream.linear.gather [spmem:s1], $0x800, $0x38;
	[tilespmem:$0xDE0] =	vst v63  }
0x205: {  	_ =	swait.ge [sflag:s7], $0x800  }
0x206: {  	[sflag:s7] =	ssyncset.done $0x0  }
0x207: {  	[sflag:s7] =	ssyncadd.s32 $0xFFFFF800  }
0x208: {  	v8 =	vld [tilespmem:$0x4D0]  }
0x209: {  	v9 =	vld [tilespmem:$0x550]  }
0x20a: {  	v10 =	vld [tilespmem:$0x5D0]  }
0x20b: {  	v11 =	vld [tilespmem:$0x650]  }
0x20c: {  	v12 =	vld [tilespmem:$0x6D0]  }
0x20d: {  	v18 =	vld [tilespmem:$0x750]  }
0x20e: {  	v19 =	vld [tilespmem:$0x7D0]  }
0x20f: {  	v20 =	vld [tilespmem:$0x850]  }
0x210: {  	v21 =	vld [tilespmem:$0x8D0]  }
0x211: {  	v22 =	vld [tilespmem:$0x950]  }
0x212: {  	v24 =	vld [tilespmem:$0x9D0]  }
0x213: {  	v13 =	vld [tilespmem:$0xA50]  }
0x214: {  	v63 =	vld [tilespmem:$0xAD0]  }
0x215: {  	v4 =	vld [tilespmem:$0xB50]  }
0x216: {  	v16 =	vld [tilespmem:$0xBD0]  }
0x217: {  	v17 =	vld [tilespmem:$0xC50]  }
0x218: {  	v15 =	vld [tilespmem:$0x560]  }
0x219: {  	v27 =	vld [tilespmem:$0x660]  }
0x21a: {  	v28 =	vld [tilespmem:$0x6E0]  }
0x21b: {  	v29 =	vld [tilespmem:$0x760]  }
0x21c: {  	v30 =	vld [tilespmem:$0x7E0]  }
0x21d: {  	v31 =	vld [tilespmem:$0x860]  }
0x21e: {  	v32 =	vld [tilespmem:$0x8E0]  }
0x21f: {  	v33 =	vld [tilespmem:$0x960]  }
0x220: {  	v34 =	vld [tilespmem:$0x9E0]  }
0x221: {  	v35 =	vld [tilespmem:$0xA60]  }
0x222: {  	v36 =	vld [tilespmem:$0xAE0]  }
0x223: {  	v39 =	vld [tilespmem:$0xB60]  }
0x224: {  	v14 =	vld [tilespmem:$0xBE0]  }
0x225: {  	v23 =	vld [tilespmem:$0xC60]  }
0x226: {  	v40 =	vld [tilespmem:$0x4F0]  }
0x227: {  	v41 =	vld [tilespmem:$0x570]  }
0x228: {  	v42 =	vld [tilespmem:$0x5F0]  }
0x229: {  	v43 =	vld [tilespmem:$0x670]  }
0x22a: {  	v44 =	vld [tilespmem:$0x6F0]  }
0x22b: {  	v45 =	vld [tilespmem:$0x770]  }
0x22c: {  	v46 =	vld [tilespmem:$0x7F0]  }
0x22d: {  	v47 =	vld [tilespmem:$0x870]  }
0x22e: {  	v48 =	vld [tilespmem:$0x8F0]  }
0x22f: {  	v49 =	vld [tilespmem:$0x970]  }
0x230: {  	v50 =	vld [tilespmem:$0x9F0]  }
0x231: {  	v51 =	vld [tilespmem:$0xA70]  }
0x232: {  	v52 =	vld [tilespmem:$0xAF0]  }
0x233: {  	v53 =	vld [tilespmem:$0xB70]  }
0x234: {  	v37 =	vld [tilespmem:$0xBF0]  }
0x235: {  	v25 =	vld [tilespmem:$0xC70]  }
0x236: {  	v56 =	vld [tilespmem:$0x500]  }
0x237: {  	v57 =	vld [tilespmem:$0x580]  }
0x238: {  	v58 =	vld [tilespmem:$0x600]  }
0x239: {  	v59 =	vld [tilespmem:$0x680]  }
0x23a: {  	v60 =	vld [tilespmem:$0x700]  }
0x23b: {  	v61 =	vld [tilespmem:$0x780]  }
0x23c: {  	v62 =	vld [tilespmem:$0x800]  }
0x23d: {  	[tilespmem:$0x1FFC0] =	vst v0;
	v0 =	vld [tilespmem:$0x900]  }
0x23e: {  	[tilespmem:$0x1FFD0] =	vst v1;
	v1 =	vld [tilespmem:$0x980]  }
0x23f: {  	[tilespmem:$0x1FFE0] =	vst v2;
	v2 =	vld [tilespmem:$0xA00]  }
0x240: {  	[tilespmem:$0x1FFF0] =	vst v3;
	v3 =	vld [tilespmem:$0xA80]  }
0x241: {  	v38 =	vld [tilespmem:$0x510]  }
0x242: {  	v55 =	vld [tilespmem:$0x610]  }
0x243: {  	v26 =	vld [tilespmem:$0x690]  }
0x244: {  	[tilespmem:$0x1FF20] =	vst v13;
	v13 =	vld [tilespmem:$0x4E0]  }
0x245: {  	[tilespmem:$0x1FF70] =	vst v17;
	v17 =	vld [tilespmem:$0x5E0]  }
0x246: {  	[tilespmem:$0x1FF30] =	vst v63;
	v63 =	vld [tilespmem:$0x880]  }
0x247: {  	[tilespmem:$0x1FF40] =	vst v4;
	v4 =	vld [tilespmem:$0xB00]  }
0x248: {  	[tilespmem:$0x1FF50] =	vst v16;
	v16 =	vmov v5;
	v5 =	vld [tilespmem:$0xB80]  }
0x249: {  	[tilespmem:$0x1FF60] =	vst v14;
	v14 =	vld [tilespmem:$0xC00]  }
0x24a: {  	[tilespmem:$0x1FF80] =	vst v23;
	v23 =	vld [tilespmem:$0xC80]  }
0x24b: {  	[tilespmem:$0x1FF90] =	vst v25;
	v25 =	vld [tilespmem:$0x590];
	v8 =	vadd.f32 v9, v8  }
0x24c: {  	[tilespmem:$0x1FFA0] =	vst v26;
	v26 =	vld [tilespmem:$0x710];
	v56 =	vadd.f32 v57, v56  }
0x24d: {  	v9 =	vld [tilespmem:$0x790];
	v8 =	vadd.f32 v10, v8  }
0x24e: {  	v58 =	vadd.f32 v58, v56;
	v56 =	vld [tilespmem:$0x1FF30]  }
0x24f: {  	v8 =	vadd.f32 v11, v8;
	v11 =	vld [tilespmem:$0xB10]  }
0x250: {  	v13 =	vadd.f32 v15, v13;
	v15 =	vld [tilespmem:$0x810]  }
0x251: {  	[tilespmem:$0x1FFB0] =	vst v26;
	v26 =	vadd.f32 v41, v40;
	v41 =	vld [tilespmem:$0x890]  }
0x252: {  	v40 =	vld [tilespmem:$0x990]  }
0x253: {  	v8 =	vadd.f32 v12, v8;
	v12 =	vld [tilespmem:$0xA90]  }
0x254: {  	v13 =	vadd.f32 v17, v13;
	v17 =	vld [tilespmem:$0x910]  }
0x255: {  	v10 =	vadd.f32 v42, v26;
	v26 =	vld [tilespmem:$0x9A0]  }
0x256: {  	v42 =	vld [tilespmem:$0x9C0]  }
0x257: {  	v8 =	vadd.f32 v18, v8;
	v18 =	vld [tilespmem:$0xC10]  }
0x258: {  	v57 =	vadd.f32 v27, v13;
	v13 =	vld [tilespmem:$0xA10]  }
0x259: {  	v27 =	vadd.f32 v59, v58;
	v58 =	vld [tilespmem:$0x1FF50]  }
0x25a: {  	v10 =	vadd.f32 v43, v10;
	v43 =	vld [tilespmem:$0xA30]  }
0x25b: {  	v19 =	vadd.f32 v19, v8;
	v8 =	vld [tilespmem:$0xC90]  }
0x25c: {  	v59 =	vadd.f32 v44, v10;
	v10 =	vld [tilespmem:$0xB90]  }
0x25d: {  	v28 =	vadd.f32 v28, v57;
	v57 =	vld [tilespmem:$0x1FF40]  }
0x25e: {  	v27 =	vadd.f32 v60, v27;
	v60 =	vld [tilespmem:$0x530]  }
0x25f: {  	v44 =	vld [tilespmem:$0xA40]  }
0x260: {  	v28 =	vadd.f32 v29, v28;
	v29 =	vld [tilespmem:$0x5A0]  }
0x261: {  	v19 =	vadd.f32 v20, v19;
	v45 =	vadd.f32 v45, v59;
	v59 =	vld [tilespmem:$0x1FF60]  }
0x262: {  	v27 =	vadd.f32 v61, v27;
	v61 =	vld [tilespmem:$0x1FF70]  }
0x263: {  	v19 =	vadd.f32 v21, v19;
	v21 =	vld [tilespmem:$0x6A0]  }
0x264: {  	v28 =	vadd.f32 v30, v28;
	v30 =	vld [tilespmem:$0x520]  }
0x265: {  	v46 =	vadd.f32 v46, v45;
	v45 =	vld [tilespmem:$0x1FF80]  }
0x266: {  	v27 =	vadd.f32 v62, v27;
	v19 =	vadd.f32 v22, v19;
	v22 =	vld [tilespmem:$0x7A0]  }
0x267: {  	v28 =	vadd.f32 v31, v28;
	v31 =	vld [tilespmem:$0x620]  }
0x268: {  	v20 =	vadd.f32 v47, v46;
	v27 =	vadd.f32 v63, v27;
	v63 =	vld [tilespmem:$0x5B0]  }
0x269: {  	v47 =	vld [tilespmem:$0x540];
	v19 =	vadd.f32 v24, v19;
	v28 =	vadd.f32 v32, v28  }
0x26a: {  	v24 =	vld [tilespmem:$0x8A0];
	v20 =	vadd.f32 v48, v20;
	v0 =	vadd.f32 v0, v27  }
0x26b: {  	v32 =	vld [tilespmem:$0x720];
	v28 =	vadd.f32 v33, v28  }
0x26c: {  	v20 =	vadd.f32 v49, v20;
	v0 =	vadd.f32 v1, v0;
	v49 =	vld [tilespmem:$0x1FF20]  }
0x26d: {  	v27 =	vld [tilespmem:$0x820];
	v28 =	vadd.f32 v34, v28  }
0x26e: {  	v48 =	vld [tilespmem:$0x1FF90];
	v20 =	vadd.f32 v50, v20;
	v0 =	vadd.f32 v2, v0  }
0x26f: {  	v50 =	vld [tilespmem:$0x5C0];
	v28 =	vadd.f32 v35, v28  }
0x270: {  	v1 =	vld [tilespmem:$0x920];
	v20 =	vadd.f32 v51, v20;
	v0 =	vadd.f32 v3, v0  }
0x271: {  	v33 =	vld [tilespmem:$0xAA0];
	v19 =	vadd.f32 v49, v19;
	v28 =	vadd.f32 v36, v28  }
0x272: {  	v2 =	vld [tilespmem:$0xA20];
	v20 =	vadd.f32 v52, v20;
	v0 =	vadd.f32 v4, v0  }
0x273: {  	v51 =	vmul.f32 $6.400000000e+01, v54;
	v54 =	vld [tilespmem:$0x640];
	v19 =	vadd.f32 v56, v19;
	v56 =	vadd.f32 v29, v30  }
0x274: {  	v46 =	vmul.f32 $6.400000000e+01, v6;
	v34 =	vld [tilespmem:$0xBA0];
	v6 =	vadd.f32 v50, v47;
	v28 =	vadd.f32 v39, v28  }
0x275: {  	v3 =	vld [tilespmem:$0xB20];
	v20 =	vadd.f32 v53, v20;
	v0 =	vadd.f32 v5, v0  }
0x276: {  	v52 =	vld [tilespmem:$0x630];
	v53 =	vadd.f32 v25, v38;
	v5 =	vadd.f32 v63, v60  }
0x277: {  	v62 =	vmul.f32 $6.400000000e+01, v7;
	v35 =	vld [tilespmem:$0xCA0];
	v19 =	vadd.f32 v57, v19;
	v7 =	vadd.f32 v31, v56  }
0x278: {  	v4 =	vld [tilespmem:$0xC20];
	v6 =	vadd.f32 v54, v6;
	v28 =	vadd.f32 v59, v28  }
0x279: {  	v60 =	vld [tilespmem:$0x1FFA0];
	v20 =	vadd.f32 v37, v20;
	v0 =	vadd.f32 v14, v0  }
0x27a: {  	v36 =	vld [tilespmem:$0x8B0];
	v14 =	vadd.f32 v55, v53;
	v19 =	vadd.f32 v58, v19  }
0x27b: {  	v63 =	vld [tilespmem:$0x1FFB0];
	v5 =	vadd.f32 v52, v5;
	v7 =	vadd.f32 v21, v7  }
0x27c: {  	v57 =	vld [tilespmem:$0x6B0];
	v28 =	vadd.f32 v45, v28;
	v20 =	vadd.f32 v48, v20  }
0x27d: {  	v49 =	vmul.f32 $6.400000000e+01, v16;
	v58 =	vld [tilespmem:$0x6C0];
	v0 =	vadd.f32 v23, v0;
	v19 =	vadd.f32 v61, v19  }
0x27e: {  	v59 =	vld [tilespmem:$0x730];
	v14 =	vadd.f32 v60, v14;
	v7 =	vadd.f32 v32, v7  }
0x27f: {  	v61 =	vld [tilespmem:$0x740];
	v28 =	vadd.f32 v28, v46;
	v20 =	vadd.f32 v20, v49  }
0x280: {  	v0 =	vadd.f32 v0, v51;
	v19 =	vadd.f32 v19, v62;
	v62 =	vld [tilespmem:$0x7B0]  }
0x281: {  	v29 =	vld [tilespmem:$0x7C0];
	v5 =	vadd.f32 v57, v5;
	v14 =	vadd.f32 v63, v14  }
0x282: {  	v31 =	vld [tilespmem:$0x830];
	v7 =	vadd.f32 v22, v7;
	v6 =	vadd.f32 v58, v6  }
0x283: {  	v32 =	vld [tilespmem:$0x840];
	v5 =	vadd.f32 v59, v5;
	v9 =	vadd.f32 v9, v14  }
0x284: {  	v50 =	vld [tilespmem:$0xBB0];
	v7 =	vadd.f32 v27, v7;
	v6 =	vadd.f32 v61, v6  }
0x285: {  	v37 =	vld [tilespmem:$0x8C0];
	v9 =	vadd.f32 v15, v9;
	v5 =	vadd.f32 v62, v5  }
0x286: {  	v38 =	vld [tilespmem:$0x930];
	v7 =	vadd.f32 v24, v7;
	v6 =	vadd.f32 v29, v6  }
0x287: {  	v39 =	vld [tilespmem:$0x940];
	v9 =	vadd.f32 v41, v9;
	v5 =	vadd.f32 v31, v5  }
0x288: {  	v41 =	vld [tilespmem:$0x9B0];
	v1 =	vadd.f32 v1, v7;
	v6 =	vadd.f32 v32, v6  }
0x289: {  	v54 =	vld [tilespmem:$0xCB0];
	v9 =	vadd.f32 v17, v9;
	v5 =	vadd.f32 v36, v5  }
0x28a: {  	v53 =	vld [tilespmem:$0xC40];
	v1 =	vadd.f32 v26, v1;
	v6 =	vadd.f32 v37, v6  }
0x28b: {  	v52 =	vld [tilespmem:$0xC30];
	v9 =	vadd.f32 v40, v9;
	v5 =	vadd.f32 v38, v5  }
0x28c: {  	v45 =	vld [tilespmem:$0xAB0];
	v1 =	vadd.f32 v2, v1;
	v6 =	vadd.f32 v39, v6  }
0x28d: {  	v46 =	vld [tilespmem:$0xAC0];
	v9 =	vadd.f32 v13, v9;
	v5 =	vadd.f32 v41, v5  }
0x28e: {  	v48 =	vld [tilespmem:$0xB30];
	v1 =	vadd.f32 v33, v1;
	v47 =	vadd.f32 v42, v6  }
0x28f: {  	v49 =	vld [tilespmem:$0xB40];
	v9 =	vadd.f32 v12, v9;
	v5 =	vadd.f32 v43, v5  }
0x290: {  	v51 =	vld [tilespmem:$0xBC0];
	v1 =	vadd.f32 v3, v1;
	v2 =	vadd.f32 v44, v47  }
0x291: {  	v58 =	vld [tilespmem:$0x1FFD0];
	v9 =	vadd.f32 v11, v9;
	v5 =	vadd.f32 v45, v5  }
0x292: {  	v57 =	vld [tilespmem:$0x1FFC0];
	v1 =	vadd.f32 v34, v1;
	v2 =	vadd.f32 v46, v2  }
0x293: {  	v55 =	vld [tilespmem:$0xCC0];
	v9 =	vadd.f32 v10, v9;
	v5 =	vadd.f32 v48, v5  }
0x294: {  	v59 =	vld [tilespmem:$0x1FFE0];
	v1 =	vadd.f32 v4, v1;
	v2 =	vadd.f32 v49, v2  }
0x295: {  	v62 =	vld [tilespmem:$0x1FFF0];
	v9 =	vadd.f32 v18, v9;
	v5 =	vadd.f32 v50, v5  }
0x296: {  	v6 =	vmul.f32 $6.400000000e+01, v58;
	v1 =	vadd.f32 v35, v1;
	v2 =	vadd.f32 v51, v2  }
0x297: {  	[tilespmem:$0xCE0] =	vst v28;
	v56 =	vadd.f32 v8, v9;
	v3 =	vadd.f32 v52, v5;
	v5 =	vmul.f32 $6.400000000e+01, v57  }
0x298: {  	[tilespmem:$0xCF0] =	vst v20;
	v60 =	vadd.f32 v1, v6;
	v2 =	vadd.f32 v53, v2  }
0x299: {  	[tilespmem:$0xD00] =	vst v0;
	v4 =	vadd.f32 v56, v5;
	v3 =	vadd.f32 v54, v3;
	v5 =	vmul.f32 $6.400000000e+01, v59  }
0x29a: {  	[tilespmem:$0xCD0] =	vst v19;
	v61 =	vadd.f32 v55, v2;
	v2 =	vmul.f32 $6.400000000e+01, v62  }
0x29b: {  	[tilespmem:$0xD20] =	vst v60;
	v3 =	vadd.f32 v3, v5  }
0x29c: {  	[tilespmem:$0xD10] =	vst v4;
	v63 =	vadd.f32 v61, v2  }
0x29d: {  	[tilespmem:$0xD30] =	vst v3  }
0x29e: {  	s29 =	simm.s32 $0xCD0;
	s2 =	simm.s32 $0x0;
	s30 =	rddreg [dreg:$0x5];
	[tilespmem:$0xD40] =	vst v63  }
0x29f: {  	[hbm4b:s30+s2] =	stream.linear.scatter [tilespmem:s29], [sflag:$0x3], $0x80, $0x38;
	[tilespmem:$0xDE0] =	vst v63  }
0x2a0: {  	_ =	swait.ge [sflag:s7], $0x80  }
0x2a1: {  	[sflag:s7] =	ssyncset.done $0x0  }
0x2a2: {  	[sflag:s7] =	ssyncadd.s32 $0xFFFFFF80  }
0x2a3: {  	_ =	sfence.sel $0x180000  }
0x2a4: {  	[bflag:$0x0] =	sbarrier.arrive $0xFFFF  }
0x2a5: {  	_ =	strace $0x90000047  }
0x2a6: {  	[bflag:$0x2] =	sbarrier.arrive $0xFFFF  }
0x2a7: {  	s31 =	rddreg [dreg:$0x8]  }
0x2a8: {  	s0 =	sadd.s32 $0x100000, s31  }
0x2a9: {  	[sflag:s0] =	ssyncadd.tile.s32 $0x1;
	_ =	shalt  }
.Lfunc_end2:
_tile_overlayer_lowered:
.L_overlay_start_2:
0x2aa: {  	(tag) =	ssettag $0x2  }
0x2ab: {  	s0 =	rddreg [dreg:$0x0];
	s2 =	stileid.u32  }
0x2ac: {  	s1 =	rddreg [dreg:$0x1];
	p0 =	sne.s32 s2, $0x0  }
0x2ad: {  	s3 =	rddreg [dreg:$0x2];
	[bflag:$0x3] =	sbarrier.arrive $0xFFFF;
	s2 =	simm.s32 @!p0 $0x1C03  }
0x2ae: {  	[timem:s3], [sflag:s2] =	dma.local @!p0 [hbm:s0], s1  }
0x2af: {  	s0 =	simm.s32 @!p0 $0x3  }
0x2b0: {  	_ =	swait.ge @!p0 [sflag:s0], s1  }
0x2b1: {  	s1 =	ssub.s32 @!p0 $0x0, s1;
	[sflag:s0] =	ssyncset.done @!p0 $0x0  }
0x2b2: {  	[sflag:s0] =	ssyncadd.s32 @!p0 s1  }
0x2b3: {  	[bflag:$0x3] =	sbarrier.arrive $0xFFFF  }
0x2b4: {  	_ =	shalt  }

</sc_bundles>
